<compile_context>
chip_gen: v7x
topology: tpu7x:2x2x1
jax: 0.10.2.dev20260603
libtpu: 0.0.44.dev20260713+nightly
codegen_flags: <defaults>
</compile_context>

<pallas_src>
import functools

import jax
import jax.numpy as jnp
from jax import lax
from jax.experimental import pallas as pl
from jax.experimental.pallas import tpu as pltpu
from jax.experimental.pallas import tpu_sc as plsc

N = 10000
E = 640000
F_IN = 128
H = 32
C = 7
CPAD = 16

NC = 2
NS = 16
NW = NC * NS
L = 16

CH = 128
NROWS = E // CH
RW = 156
RX = NROWS - NW * RW
RMAX = RW + RX
NB = 4
RPAIR = RW // (2 * NB)
RPT = N // NS
NACC = N

_mesh = plsc.VectorSubcoreMesh(core_axis_name="c", subcore_axis_name="s")



@functools.partial(
    pl.kernel,
    out_type=jax.ShapeDtypeStruct((NW, N), jnp.float32),
    mesh=_mesh,
    compiler_params=pltpu.CompilerParams(needs_layout_passes=False, use_tc_tiling_on_sc=False),
    scratch_types=[
        pltpu.VMEM((RMAX, CH), jnp.int32),
        pltpu.VMEM((N,), jnp.float32),
    ],
)
def _deg_kernel(e3_hbm, out_hbm, dst_v, hist_v):
    wid = lax.axis_index("c") * NS + lax.axis_index("s")
    last = wid == NW - 1
    rbase = wid * RW
    pltpu.sync_copy(e3_hbm.at[1, pl.ds(rbase, RW)], dst_v.at[pl.ds(0, RW)])

    @pl.when(last)
    def _():
        pltpu.sync_copy(e3_hbm.at[1, pl.ds(rbase + RW, RX)],
                        dst_v.at[pl.ds(RW, RX)])

    zeros = jnp.zeros((L,), jnp.float32)

    def zbody(i, _):
        hist_v[pl.ds(i * L, L)] = zeros
        return 0

    lax.fori_loop(0, N // L, zbody, 0)

    ones = jnp.ones((L,), jnp.float32)
    nrows = jnp.where(last, RMAX, RW)

    def body(i, _):
        for k in range(CH // L):
            plsc.addupdate_scatter(hist_v, [dst_v[i, pl.ds(k * L, L)]], ones)
        return 0

    lax.fori_loop(0, nrows, body, 0)
    pltpu.sync_copy(hist_v, out_hbm.at[wid])



def _make_msg_kernel(feat):
    @functools.partial(
        pl.kernel,
        out_type=jax.ShapeDtypeStruct((NC, N, feat), jnp.float32),
        mesh=_mesh,
        compiler_params=pltpu.CompilerParams(needs_layout_passes=False, use_tc_tiling_on_sc=False),
        scratch_types=[
            pltpu.VMEM((RMAX, CH), jnp.int32),
            pltpu.VMEM((RMAX, CH), jnp.int32),
            pltpu.VMEM((2 * NB, CH, feat), jnp.float32),
            pltpu.VMEM((RPT // 5, feat), jnp.float32),
            pltpu.VMEM_SHARED((NACC, feat), jnp.float32),
            pltpu.VMEM_SHARED((N, feat), jnp.float32),
            pltpu.SemaphoreType.DMA,
            pltpu.SemaphoreType.DMA,
            pltpu.SemaphoreType.DMA,
            pltpu.SemaphoreType.DMA,
        ],
    )
    def _msg_kernel(g_hbm, e3_hbm, out_hbm,
                    src_v, dst_v, rows_v, zbuf_v, acc_sh, gsrc_sh,
                    gsa, gsb, ssa, ssb):
        c = lax.axis_index("c")
        s = lax.axis_index("s")
        wid = c * NS + s
        last = wid == NW - 1
        rbase = wid * RW

        pltpu.sync_copy(e3_hbm.at[0, pl.ds(rbase, RW)],
                        src_v.at[pl.ds(0, RW)])
        pltpu.sync_copy(e3_hbm.at[1, pl.ds(rbase, RW)],
                        dst_v.at[pl.ds(0, RW)])

        @pl.when(last)
        def _():
            pltpu.sync_copy(e3_hbm.at[0, pl.ds(rbase + RW, RX)],
                            src_v.at[pl.ds(RW, RX)])
            pltpu.sync_copy(e3_hbm.at[1, pl.ds(rbase + RW, RX)],
                            dst_v.at[pl.ds(RW, RX)])

        zeros = jnp.zeros((L,), jnp.float32)

        def zbody(i, _):
            r = i // (feat // L)
            k = i % (feat // L)
            zbuf_v[r, pl.ds(k * L, L)] = zeros
            return 0

        lax.fori_loop(0, (RPT // 5) * feat // L, zbody, 0)
        for p in range(5):
            pltpu.sync_copy(zbuf_v,
                            acc_sh.at[pl.ds(s * RPT + p * (RPT // 5), RPT // 5)])
        pltpu.sync_copy(g_hbm.at[pl.ds(s * RPT, RPT)],
                        gsrc_sh.at[pl.ds(s * RPT, RPT)])
        plsc.subcore_barrier()

        def issue_g(g, half, sem):
            for b in range(NB):
                pltpu.async_copy(gsrc_sh.at[src_v.at[g * NB + b]],
                                 rows_v.at[half * NB + b], sem)

        def drain_g(half, sem):
            for b in range(NB):
                pltpu.make_async_copy(gsrc_sh.at[src_v.at[0]],
                                      rows_v.at[half * NB + b], sem).wait()

        def issue_s(g, half, sem):
            for b in range(NB):
                pltpu.async_copy(rows_v.at[half * NB + b],
                                 acc_sh.at[dst_v.at[g * NB + b]], sem,
                                 add=True)

        def drain_s(half, sem):
            for b in range(NB):
                pltpu.make_async_copy(rows_v.at[half * NB + b],
                                      acc_sh.at[dst_v.at[0]], sem).wait()

        npair = jnp.where(last, RPAIR + 1, RPAIR)
        issue_g(0, 0, gsa)

        def body(k, _):
            g0 = 2 * k
            g1 = g0 + 1
            issue_g(g1, 1, gsb)
            drain_g(0, gsa)
            issue_s(g0, 0, ssa)

            @pl.when(k > 0)
            def _():
                drain_s(1, ssb)

            drain_g(1, gsb)
            issue_s(g1, 1, ssb)
            drain_s(0, ssa)

            @pl.when(k < npair - 1)
            def _():
                issue_g(g0 + 2, 0, gsa)

            return 0

        lax.fori_loop(0, npair, body, 0)
        drain_s(1, ssb)

        tb = npair * 2 * NB
        for b in range(NB):
            pltpu.async_copy(gsrc_sh.at[src_v.at[tb + b]], rows_v.at[b], gsa)
        drain_g(0, gsa)
        for b in range(NB):
            pltpu.sync_copy(rows_v.at[b], acc_sh.at[dst_v.at[tb + b]],
                            add=True)
        plsc.subcore_barrier()

        pltpu.sync_copy(acc_sh.at[pl.ds(s * RPT, RPT)],
                        out_hbm.at[c, pl.ds(s * RPT, RPT)])

    return _msg_kernel


_msg32 = _make_msg_kernel(H)
_msg16 = _make_msg_kernel(CPAD)



def _lin1_body(hist_ref, x_ref, w1_ref, g1_ref, dinv_ref):
    deg = jnp.sum(hist_ref[...], axis=0) + 1.0
    dinv = lax.rsqrt(deg)
    g1 = jnp.dot(x_ref[...], w1_ref[...],
                 preferred_element_type=jnp.float32) * dinv[:, None]
    g1_ref[...] = g1
    dinv_ref[...] = jnp.broadcast_to(dinv[:, None], (N, CPAD))


def _lin1(hist, x, W1):
    return pl.pallas_call(
        _lin1_body,
        out_shape=[
            jax.ShapeDtypeStruct((N, H), jnp.float32),
            jax.ShapeDtypeStruct((N, CPAD), jnp.float32),
        ],
    )(hist, x, W1)



def _lin2_body(acc_ref, g1_ref, dinv_ref, b1_ref, w2_ref, g2_ref):
    dinv = dinv_ref[:, :1]
    a = acc_ref[0] + acc_ref[1] + g1_ref[...]
    h = jnp.maximum(a * dinv + b1_ref[...], 0.0)
    g2_ref[...] = jnp.dot(h, w2_ref[...],
                          preferred_element_type=jnp.float32) * dinv


def _lin2(acc, g1, dinv, b1_2d, W2p):
    return pl.pallas_call(
        _lin2_body,
        out_shape=jax.ShapeDtypeStruct((N, CPAD), jnp.float32),
    )(acc, g1, dinv, b1_2d, W2p)



NR = N * CPAD // CH


def _out_body(acc_ref, g2_ref, dinv_ref, b2_ref, gs_ref, out_ref):
    t = (acc_ref[0] + acc_ref[1] + g2_ref[...]) * dinv_ref[...] + b2_ref[...]
    lane = lax.broadcasted_iota(jnp.int32, (NR, CH), 1)
    mask = (lane % CPAD) < C
    neg = jnp.float32(-1e30)
    m = jnp.max(jnp.where(mask, t, neg), axis=1, keepdims=True)
    e = jnp.where(mask, jnp.exp(t - m), 0.0)
    s = jnp.dot(e, gs_ref[...], preferred_element_type=jnp.float32)
    out_ref[...] = t - m - jnp.log(s)


def _outstage(acc, g2, dinv, b2t, gsum):
    return pl.pallas_call(
        _out_body,
        out_shape=jax.ShapeDtypeStruct((NR, CH), jnp.float32),
    )(acc, g2, dinv, b2t, gsum)



@jax.jit
def kernel(x, edge_index, W1, b1, W2, b2):
    e3 = edge_index.reshape(2, NROWS, CH)

    b1_2d = b1.reshape(1, H)
    W2p = jnp.zeros((H, CPAD), jnp.float32).at[:, :C].set(W2)
    b2p = jnp.zeros((1, CPAD), jnp.float32).at[:, :C].set(b2)
    b2t = jnp.tile(b2p, (1, CH // CPAD))
    gid = jnp.arange(CH, dtype=jnp.int32) // CPAD
    gsum = (gid[:, None] == gid[None, :]).astype(jnp.float32)

    hist = _deg_kernel(e3)
    g1, dinv = _lin1(hist, x, W1)
    acc1 = _msg32(g1, e3)
    g2 = _lin2(acc1, g1, dinv, b1_2d, W2p)
    acc2 = _msg16(g2, e3)
    out128 = _outstage(acc2.reshape(NC, NR, CH), g2.reshape(NR, CH),
                       dinv.reshape(NR, CH), b2t, gsum)
    return out128.reshape(N, CPAD)[:, :C]

# --- scband reference (transcript-rebuilt; emitter-appended) ---
"""Pipeline reference for scband-gcn-22926535426197 (READ-ONLY COPY).

The authoritative reference and input builder live on the scoring server;
editing this copy changes nothing except your own understanding.
"""

import jax, jax.numpy as jnp
import numpy as np

N = 10000
E = 640000
F_IN = 128
H = 32
C = 7


def setup_inputs(seed: int = 0) -> dict:
    key = jax.random.key(seed)
    ks = jax.random.split(key, 6)
    x = jax.random.normal(ks[0], (N, F_IN), dtype=jnp.float32)
    edge_index = jax.random.randint(ks[1], (2, E), 0, N, dtype=jnp.int32)
    # Glorot-ish init for linear weights (stored as [in, out] for x @ W)
    W1 = jax.random.uniform(ks[2], (F_IN, H), dtype=jnp.float32, minval=-1.0, maxval=1.0) / jnp.sqrt(F_IN)
    b1 = jnp.zeros((H,), dtype=jnp.float32)
    W2 = jax.random.uniform(ks[3], (H, C), dtype=jnp.float32, minval=-1.0, maxval=1.0) / jnp.sqrt(H)
    b2 = jnp.zeros((C,), dtype=jnp.float32)
    return {"x": x, "edge_index": edge_index, "W1": W1, "b1": b1, "W2": W2, "b2": b2}


def gcn_conv(x, W, b, src, dst):
    # Linear transform
    h = x @ W
    # Add self-loops (PyG gcn_norm default add_self_loops=True)
    loop = jnp.arange(N, dtype=src.dtype)
    s = jnp.concatenate([src, loop])
    d = jnp.concatenate([dst, loop])
    # Symmetric normalization: deg computed over dst (col) with unit edge weights
    ones = jnp.ones(s.shape[0], dtype=h.dtype)
    deg = jax.ops.segment_sum(ones, d, num_segments=N)
    dinv = jnp.where(deg > 0, 1.0 / jnp.sqrt(deg), 0.0)
    norm = dinv[s] * dinv[d]
    # Message passing: gather from src, scale, scatter-add to dst
    msg = h[s] * norm[:, None]
    out = jax.ops.segment_sum(msg, d, num_segments=N)
    return out + b


def reference(x, edge_index, W1, b1, W2, b2):
    src, dst = edge_index[0], edge_index[1]
    # Layer 1 (128 -> 32), relu, dropout is identity in eval mode
    h = gcn_conv(x, W1, b1, src, dst)
    h = jax.nn.relu(h)
    # Layer 2 (32 -> 7), log_softmax
    out = gcn_conv(h, W2, b2, src, dst)
    return jax.nn.log_softmax(out, axis=1)

if __name__ == "__main__":
    import jax
    _d = setup_inputs()
    print(jax.jit(kernel)(*tuple(_d.values())))

</pallas_src>

<mosaic_0001>
#map = affine_map<(d0, d1) -> (0, 0, 0)>
#map1 = affine_map<(d0, d1) -> (0, 0)>
module attributes {stable_mosaic.version = 14 : i64} {
  func.func @_deg_kernel(%arg0: i32, %arg1: i32, %arg2: memref<2x5000x128xi32, #tpu.memory_space<hbm>>, %arg3: memref<32x10000xf32, #tpu.memory_space<hbm>>, %arg4: memref<164x128xi32, #tpu.memory_space<vmem>>, %arg5: memref<10000xf32, #tpu.memory_space<vmem>>) attributes {dimension_semantics = [#tpu.dimension_semantics<core_parallel>, #tpu.dimension_semantics<subcore_parallel>], iteration_bounds = array<i64: 2, 16>, scalar_prefetch = 0 : i64, scratch_operands = 2 : i64, tpu.core_type = #tpu.core_type<sc_vector_subcore>, window_params = [{transform_indices = #map}, {transform_indices = #map1}]} {
    %mul3A = arith.constant 16 : i32
    %mul3A_0 = arith.muli %arg0, %mul3A : i32
    %add3A = arith.addi %mul3A_0, %arg1 : i32
    %eq3A = arith.constant 31 : i32
    %eq3A_1 = arith.cmpi eq, %add3A, %eq3A : i32
    %mul3A_2 = arith.constant 156 : i32
    %mul3A_3 = arith.muli %add3A, %mul3A_2 : i32
    %run_scoped3A = arith.constant 1 : i32
    "tpu.region"() ({
      %run_scoped3A_26 = tpu.sem_alloc : memref<!tpu.dma_semaphore, #tpu.memory_space<semaphore_mem>>
      %dma_start3A = arith.constant 0 : i32
      %dma_start3A_27 = arith.constant 0 : i32
      %dma_start3A_28 = tpu.memref_slice %arg4[%dma_start3A, %dma_start3A_27] : memref<164x128xi32, #tpu.memory_space<vmem>> -> memref<156x128xi32, #tpu.memory_space<vmem>>
      %dma_start3A_29 = arith.constant 0 : i32
      %dma_start3A_30 = tpu.memref_slice %arg2[%run_scoped3A, %mul3A_3, %dma_start3A_29] : memref<2x5000x128xi32, #tpu.memory_space<hbm>> -> memref<1x156x128xi32, #tpu.memory_space<hbm>>
      %dma_start3A_31 = tpu.memref_squeeze %dma_start3A_30 : memref<1x156x128xi32, #tpu.memory_space<hbm>> -> memref<156x128xi32, #tpu.memory_space<hbm>>
      %dma_start3A_32 = arith.constant 0 : i32
      %dma_start3A_33 = arith.constant 0 : i32
      %dma_start3A_34 = tpu.memref_slice %arg4[%dma_start3A_32, %dma_start3A_33] : memref<164x128xi32, #tpu.memory_space<vmem>> -> memref<156x128xi32, #tpu.memory_space<vmem>>
      %dma_start3A_35 = arith.constant 0 : i32
      %dma_start3A_36 = tpu.memref_slice %arg2[%run_scoped3A, %mul3A_3, %dma_start3A_35] : memref<2x5000x128xi32, #tpu.memory_space<hbm>> -> memref<1x156x128xi32, #tpu.memory_space<hbm>>
      %dma_start3A_37 = tpu.memref_squeeze %dma_start3A_36 : memref<1x156x128xi32, #tpu.memory_space<hbm>> -> memref<156x128xi32, #tpu.memory_space<hbm>>
      tpu.enqueue_dma source(%dma_start3A_37 : memref<156x128xi32, #tpu.memory_space<hbm>>) target(%dma_start3A_34 : memref<156x128xi32, #tpu.memory_space<vmem>>) target_semaphore(%run_scoped3A_26 : memref<!tpu.dma_semaphore, #tpu.memory_space<semaphore_mem>>)
      %dma_wait3A = arith.constant 0 : i32
      %dma_wait3A_38 = arith.constant 0 : i32
      %dma_wait3A_39 = tpu.memref_slice %arg4[%dma_wait3A, %dma_wait3A_38] : memref<164x128xi32, #tpu.memory_space<vmem>> -> memref<156x128xi32, #tpu.memory_space<vmem>>
      %dma_wait3A_40 = arith.constant 0 : i32
      %dma_wait3A_41 = tpu.memref_slice %arg2[%run_scoped3A, %mul3A_3, %dma_wait3A_40] : memref<2x5000x128xi32, #tpu.memory_space<hbm>> -> memref<1x156x128xi32, #tpu.memory_space<hbm>>
      %dma_wait3A_42 = tpu.memref_squeeze %dma_wait3A_41 : memref<1x156x128xi32, #tpu.memory_space<hbm>> -> memref<156x128xi32, #tpu.memory_space<hbm>>
      %dma_wait3A_43 = arith.constant 0 : i32
      %dma_wait3A_44 = arith.constant 0 : i32
      %dma_wait3A_45 = tpu.memref_slice %arg4[%dma_wait3A_43, %dma_wait3A_44] : memref<164x128xi32, #tpu.memory_space<vmem>> -> memref<156x128xi32, #tpu.memory_space<vmem>>
      %dma_wait3A_46 = arith.constant 0 : i32
      %dma_wait3A_47 = tpu.memref_slice %arg2[%run_scoped3A, %mul3A_3, %dma_wait3A_46] : memref<2x5000x128xi32, #tpu.memory_space<hbm>> -> memref<1x156x128xi32, #tpu.memory_space<hbm>>
      %dma_wait3A_48 = tpu.memref_squeeze %dma_wait3A_47 : memref<1x156x128xi32, #tpu.memory_space<hbm>> -> memref<156x128xi32, #tpu.memory_space<hbm>>
      tpu.wait_dma2 semaphore(%run_scoped3A_26 : memref<!tpu.dma_semaphore, #tpu.memory_space<semaphore_mem>>) src(%dma_wait3A_48 : memref<156x128xi32, #tpu.memory_space<hbm>>) dst(%dma_wait3A_45 : memref<156x128xi32, #tpu.memory_space<vmem>>)
      tpu.yield
    }) : () -> ()
    %convert_element_type3A = arith.extui %eq3A_1 : i1 to i32
    %cond3A = arith.constant 0 : i32
    %cond3A_4 = arith.cmpi ne, %convert_element_type3A, %cond3A : i32
    scf.if %cond3A_4 {
      %add3A_26 = arith.constant 156 : i32
      %add3A_27 = arith.addi %mul3A_3, %add3A_26 : i32
      %run_scoped3A_28 = arith.constant 1 : i32
      "tpu.region"() ({
        %run_scoped3A_29 = tpu.sem_alloc : memref<!tpu.dma_semaphore, #tpu.memory_space<semaphore_mem>>
        %dma_start3A = arith.constant 156 : i32
        %dma_start3A_30 = arith.constant 0 : i32
        %dma_start3A_31 = tpu.memref_slice %arg4[%dma_start3A, %dma_start3A_30] : memref<164x128xi32, #tpu.memory_space<vmem>> -> memref<8x128xi32, #tpu.memory_space<vmem>>
        %dma_start3A_32 = arith.constant 0 : i32
        %dma_start3A_33 = tpu.memref_slice %arg2[%run_scoped3A_28, %add3A_27, %dma_start3A_32] : memref<2x5000x128xi32, #tpu.memory_space<hbm>> -> memref<1x8x128xi32, #tpu.memory_space<hbm>>
        %dma_start3A_34 = tpu.memref_squeeze %dma_start3A_33 : memref<1x8x128xi32, #tpu.memory_space<hbm>> -> memref<8x128xi32, #tpu.memory_space<hbm>>
        %dma_start3A_35 = arith.constant 156 : i32
        %dma_start3A_36 = arith.constant 0 : i32
        %dma_start3A_37 = tpu.memref_slice %arg4[%dma_start3A_35, %dma_start3A_36] : memref<164x128xi32, #tpu.memory_space<vmem>> -> memref<8x128xi32, #tpu.memory_space<vmem>>
        %dma_start3A_38 = arith.constant 0 : i32
        %dma_start3A_39 = tpu.memref_slice %arg2[%run_scoped3A_28, %add3A_27, %dma_start3A_38] : memref<2x5000x128xi32, #tpu.memory_space<hbm>> -> memref<1x8x128xi32, #tpu.memory_space<hbm>>
        %dma_start3A_40 = tpu.memref_squeeze %dma_start3A_39 : memref<1x8x128xi32, #tpu.memory_space<hbm>> -> memref<8x128xi32, #tpu.memory_space<hbm>>
        tpu.enqueue_dma source(%dma_start3A_40 : memref<8x128xi32, #tpu.memory_space<hbm>>) target(%dma_start3A_37 : memref<8x128xi32, #tpu.memory_space<vmem>>) target_semaphore(%run_scoped3A_29 : memref<!tpu.dma_semaphore, #tpu.memory_space<semaphore_mem>>)
        %dma_wait3A = arith.constant 156 : i32
        %dma_wait3A_41 = arith.constant 0 : i32
        %dma_wait3A_42 = tpu.memref_slice %arg4[%dma_wait3A, %dma_wait3A_41] : memref<164x128xi32, #tpu.memory_space<vmem>> -> memref<8x128xi32, #tpu.memory_space<vmem>>
        %dma_wait3A_43 = arith.constant 0 : i32
        %dma_wait3A_44 = tpu.memref_slice %arg2[%run_scoped3A_28, %add3A_27, %dma_wait3A_43] : memref<2x5000x128xi32, #tpu.memory_space<hbm>> -> memref<1x8x128xi32, #tpu.memory_space<hbm>>
        %dma_wait3A_45 = tpu.memref_squeeze %dma_wait3A_44 : memref<1x8x128xi32, #tpu.memory_space<hbm>> -> memref<8x128xi32, #tpu.memory_space<hbm>>
        %dma_wait3A_46 = arith.constant 156 : i32
        %dma_wait3A_47 = arith.constant 0 : i32
        %dma_wait3A_48 = tpu.memref_slice %arg4[%dma_wait3A_46, %dma_wait3A_47] : memref<164x128xi32, #tpu.memory_space<vmem>> -> memref<8x128xi32, #tpu.memory_space<vmem>>
        %dma_wait3A_49 = arith.constant 0 : i32
        %dma_wait3A_50 = tpu.memref_slice %arg2[%run_scoped3A_28, %add3A_27, %dma_wait3A_49] : memref<2x5000x128xi32, #tpu.memory_space<hbm>> -> memref<1x8x128xi32, #tpu.memory_space<hbm>>
        %dma_wait3A_51 = tpu.memref_squeeze %dma_wait3A_50 : memref<1x8x128xi32, #tpu.memory_space<hbm>> -> memref<8x128xi32, #tpu.memory_space<hbm>>
        tpu.wait_dma2 semaphore(%run_scoped3A_29 : memref<!tpu.dma_semaphore, #tpu.memory_space<semaphore_mem>>) src(%dma_wait3A_51 : memref<8x128xi32, #tpu.memory_space<hbm>>) dst(%dma_wait3A_48 : memref<8x128xi32, #tpu.memory_space<vmem>>)
        tpu.yield
      }) : () -> ()
    } else {
    }
    %broadcast_in_dim3A = arith.constant 0.000000e+00 : f32
    %broadcast_in_dim3A_5 = vector.broadcast %broadcast_in_dim3A : f32 to vector<16xf32>
    %scan3A = arith.constant 0 : i32
    %scan3A_6 = arith.constant 0 : i32
    %scan3A_7 = arith.constant 625 : i32
    %scan3A_8 = arith.addi %scan3A_6, %scan3A_7 : i32
    %scan3A_9 = arith.constant 1 : i32
    %scan3A_10 = scf.for %scan3A_26 = %scan3A_6 to %scan3A_8 step %scan3A_9 iter_args(%scan3A_27 = %scan3A) -> (i32)  : i32 {
      %mul3A_28 = arith.constant 16 : i32
      %mul3A_29 = arith.muli %scan3A_26, %mul3A_28 : i32
      %swap3A = arith.index_cast %mul3A_29 : i32 to index
      %swap3A_30 = tpu.vector_load %arg5[%swap3A] {strides = array<i32>} : memref<10000xf32, #tpu.memory_space<vmem>>, vector<16xf32>,
      tpu.vector_store %arg5[%swap3A], %broadcast_in_dim3A_5 {strides = array<i32>} : memref<10000xf32, #tpu.memory_space<vmem>>, vector<16xf32>,
      %scan3A_31 = arith.constant 0 : i32
      scf.yield %scan3A_31 : i32
    }
    %scan3A_11 = arith.constant 625 : i32
    %broadcast_in_dim3A_12 = arith.constant 1.000000e+00 : f32
    %broadcast_in_dim3A_13 = vector.broadcast %broadcast_in_dim3A_12 : f32 to vector<16xf32>
    %jit3A = arith.constant 164 : i32
    %jit3A_14 = arith.constant 156 : i32
    %select_n3A = arith.select %eq3A_1, %jit3A, %jit3A_14 : i32
    %while3A = arith.constant 0 : i32
    %while3A_15 = arith.constant 0 : i32
    %while3A_16 = arith.subi %select_n3A, %while3A : i32
    %while3A_17 = arith.addi %while3A, %while3A_16 : i32
    %while3A_18 = arith.constant 1 : i32
    %while3A_19 = arith.divsi %while3A_16, %while3A_18 : i32
    %while3A_20 = arith.muli %while3A_19, %while3A_18 : i32
    %while3A_21 = arith.addi %while3A, %while3A_20 : i32
    %while3A_22 = arith.constant 1 : i32
    %while3A_23 = scf.for %while3A_26 = %while3A to %while3A_21 step %while3A_22 iter_args(%while3A_27 = %while3A_15) -> (i32)  : i32 {
      %get3A = arith.index_cast %while3A_26 : i32 to index
      %get3A_28 = arith.constant 0 : index
      %get3A_29 = tpu.vector_load %arg4[%get3A, %get3A_28] {strides = array<i32>} : memref<164x128xi32, #tpu.memory_space<vmem>>, vector<16xi32>,
      tpu.vector_store_idx %arg5[%get3A_29], %broadcast_in_dim3A_13 {add = true} : memref<10000xf32, #tpu.memory_space<vmem>>[vector<16xi32>], vector<16xf32>,
      %get3A_30 = arith.index_cast %while3A_26 : i32 to index
      %get3A_31 = arith.constant 16 : index
      %get3A_32 = tpu.vector_load %arg4[%get3A_30, %get3A_31] {strides = array<i32>} : memref<164x128xi32, #tpu.memory_space<vmem>>, vector<16xi32>,
      tpu.vector_store_idx %arg5[%get3A_32], %broadcast_in_dim3A_13 {add = true} : memref<10000xf32, #tpu.memory_space<vmem>>[vector<16xi32>], vector<16xf32>,
      %get3A_33 = arith.index_cast %while3A_26 : i32 to index
      %get3A_34 = arith.constant 32 : index
      %get3A_35 = tpu.vector_load %arg4[%get3A_33, %get3A_34] {strides = array<i32>} : memref<164x128xi32, #tpu.memory_space<vmem>>, vector<16xi32>,
      tpu.vector_store_idx %arg5[%get3A_35], %broadcast_in_dim3A_13 {add = true} : memref<10000xf32, #tpu.memory_space<vmem>>[vector<16xi32>], vector<16xf32>,
      %get3A_36 = arith.index_cast %while3A_26 : i32 to index
      %get3A_37 = arith.constant 48 : index
      %get3A_38 = tpu.vector_load %arg4[%get3A_36, %get3A_37] {strides = array<i32>} : memref<164x128xi32, #tpu.memory_space<vmem>>, vector<16xi32>,
      tpu.vector_store_idx %arg5[%get3A_38], %broadcast_in_dim3A_13 {add = true} : memref<10000xf32, #tpu.memory_space<vmem>>[vector<16xi32>], vector<16xf32>,
      %get3A_39 = arith.index_cast %while3A_26 : i32 to index
      %get3A_40 = arith.constant 64 : index
      %get3A_41 = tpu.vector_load %arg4[%get3A_39, %get3A_40] {strides = array<i32>} : memref<164x128xi32, #tpu.memory_space<vmem>>, vector<16xi32>,
      tpu.vector_store_idx %arg5[%get3A_41], %broadcast_in_dim3A_13 {add = true} : memref<10000xf32, #tpu.memory_space<vmem>>[vector<16xi32>], vector<16xf32>,
      %get3A_42 = arith.index_cast %while3A_26 : i32 to index
      %get3A_43 = arith.constant 80 : index
      %get3A_44 = tpu.vector_load %arg4[%get3A_42, %get3A_43] {strides = array<i32>} : memref<164x128xi32, #tpu.memory_space<vmem>>, vector<16xi32>,
      tpu.vector_store_idx %arg5[%get3A_44], %broadcast_in_dim3A_13 {add = true} : memref<10000xf32, #tpu.memory_space<vmem>>[vector<16xi32>], vector<16xf32>,
      %get3A_45 = arith.index_cast %while3A_26 : i32 to index
      %get3A_46 = arith.constant 96 : index
      %get3A_47 = tpu.vector_load %arg4[%get3A_45, %get3A_46] {strides = array<i32>} : memref<164x128xi32, #tpu.memory_space<vmem>>, vector<16xi32>,
      tpu.vector_store_idx %arg5[%get3A_47], %broadcast_in_dim3A_13 {add = true} : memref<10000xf32, #tpu.memory_space<vmem>>[vector<16xi32>], vector<16xf32>,
      %get3A_48 = arith.index_cast %while3A_26 : i32 to index
      %get3A_49 = arith.constant 112 : index
      %get3A_50 = tpu.vector_load %arg4[%get3A_48, %get3A_49] {strides = array<i32>} : memref<164x128xi32, #tpu.memory_space<vmem>>, vector<16xi32>,
      tpu.vector_store_idx %arg5[%get3A_50], %broadcast_in_dim3A_13 {add = true} : memref<10000xf32, #tpu.memory_space<vmem>>[vector<16xi32>], vector<16xf32>,
      %while3A_51 = arith.constant 0 : i32
      scf.yield %while3A_51 : i32
    }
    %while3A_24 = arith.constant 1 : i32
    %while3A_25 = scf.for %while3A_26 = %while3A_21 to %while3A_17 step %while3A_24 iter_args(%while3A_27 = %while3A_23) -> (i32)  : i32 {
      %get3A = arith.index_cast %while3A_26 : i32 to index
      %get3A_28 = arith.constant 0 : index
      %get3A_29 = tpu.vector_load %arg4[%get3A, %get3A_28] {strides = array<i32>} : memref<164x128xi32, #tpu.memory_space<vmem>>, vector<16xi32>,
      tpu.vector_store_idx %arg5[%get3A_29], %broadcast_in_dim3A_13 {add = true} : memref<10000xf32, #tpu.memory_space<vmem>>[vector<16xi32>], vector<16xf32>,
      %get3A_30 = arith.index_cast %while3A_26 : i32 to index
      %get3A_31 = arith.constant 16 : index
      %get3A_32 = tpu.vector_load %arg4[%get3A_30, %get3A_31] {strides = array<i32>} : memref<164x128xi32, #tpu.memory_space<vmem>>, vector<16xi32>,
      tpu.vector_store_idx %arg5[%get3A_32], %broadcast_in_dim3A_13 {add = true} : memref<10000xf32, #tpu.memory_space<vmem>>[vector<16xi32>], vector<16xf32>,
      %get3A_33 = arith.index_cast %while3A_26 : i32 to index
      %get3A_34 = arith.constant 32 : index
      %get3A_35 = tpu.vector_load %arg4[%get3A_33, %get3A_34] {strides = array<i32>} : memref<164x128xi32, #tpu.memory_space<vmem>>, vector<16xi32>,
      tpu.vector_store_idx %arg5[%get3A_35], %broadcast_in_dim3A_13 {add = true} : memref<10000xf32, #tpu.memory_space<vmem>>[vector<16xi32>], vector<16xf32>,
      %get3A_36 = arith.index_cast %while3A_26 : i32 to index
      %get3A_37 = arith.constant 48 : index
      %get3A_38 = tpu.vector_load %arg4[%get3A_36, %get3A_37] {strides = array<i32>} : memref<164x128xi32, #tpu.memory_space<vmem>>, vector<16xi32>,
      tpu.vector_store_idx %arg5[%get3A_38], %broadcast_in_dim3A_13 {add = true} : memref<10000xf32, #tpu.memory_space<vmem>>[vector<16xi32>], vector<16xf32>,
      %get3A_39 = arith.index_cast %while3A_26 : i32 to index
      %get3A_40 = arith.constant 64 : index
      %get3A_41 = tpu.vector_load %arg4[%get3A_39, %get3A_40] {strides = array<i32>} : memref<164x128xi32, #tpu.memory_space<vmem>>, vector<16xi32>,
      tpu.vector_store_idx %arg5[%get3A_41], %broadcast_in_dim3A_13 {add = true} : memref<10000xf32, #tpu.memory_space<vmem>>[vector<16xi32>], vector<16xf32>,
      %get3A_42 = arith.index_cast %while3A_26 : i32 to index
      %get3A_43 = arith.constant 80 : index
      %get3A_44 = tpu.vector_load %arg4[%get3A_42, %get3A_43] {strides = array<i32>} : memref<164x128xi32, #tpu.memory_space<vmem>>, vector<16xi32>,
      tpu.vector_store_idx %arg5[%get3A_44], %broadcast_in_dim3A_13 {add = true} : memref<10000xf32, #tpu.memory_space<vmem>>[vector<16xi32>], vector<16xf32>,
      %get3A_45 = arith.index_cast %while3A_26 : i32 to index
      %get3A_46 = arith.constant 96 : index
      %get3A_47 = tpu.vector_load %arg4[%get3A_45, %get3A_46] {strides = array<i32>} : memref<164x128xi32, #tpu.memory_space<vmem>>, vector<16xi32>,
      tpu.vector_store_idx %arg5[%get3A_47], %broadcast_in_dim3A_13 {add = true} : memref<10000xf32, #tpu.memory_space<vmem>>[vector<16xi32>], vector<16xf32>,
      %get3A_48 = arith.index_cast %while3A_26 : i32 to index
      %get3A_49 = arith.constant 112 : index
      %get3A_50 = tpu.vector_load %arg4[%get3A_48, %get3A_49] {strides = array<i32>} : memref<164x128xi32, #tpu.memory_space<vmem>>, vector<16xi32>,
      tpu.vector_store_idx %arg5[%get3A_50], %broadcast_in_dim3A_13 {add = true} : memref<10000xf32, #tpu.memory_space<vmem>>[vector<16xi32>], vector<16xf32>,
      %while3A_51 = arith.constant 0 : i32
      scf.yield %while3A_51 : i32
    }
    "tpu.region"() ({
      %run_scoped3A_26 = tpu.sem_alloc : memref<!tpu.dma_semaphore, #tpu.memory_space<semaphore_mem>>
      %dma_start3A = arith.constant 0 : i32
      %dma_start3A_27 = tpu.memref_slice %arg3[%add3A, %dma_start3A] : memref<32x10000xf32, #tpu.memory_space<hbm>> -> memref<1x10000xf32, #tpu.memory_space<hbm>>
      %dma_start3A_28 = tpu.memref_squeeze %dma_start3A_27 : memref<1x10000xf32, #tpu.memory_space<hbm>> -> memref<10000xf32, #tpu.memory_space<hbm>>
      %dma_start3A_29 = arith.constant 0 : i32
      %dma_start3A_30 = tpu.memref_slice %arg3[%add3A, %dma_start3A_29] : memref<32x10000xf32, #tpu.memory_space<hbm>> -> memref<1x10000xf32, #tpu.memory_space<hbm>>
      %dma_start3A_31 = tpu.memref_squeeze %dma_start3A_30 : memref<1x10000xf32, #tpu.memory_space<hbm>> -> memref<10000xf32, #tpu.memory_space<hbm>>
      tpu.enqueue_dma source(%arg5 : memref<10000xf32, #tpu.memory_space<vmem>>) target(%dma_start3A_31 : memref<10000xf32, #tpu.memory_space<hbm>>) target_semaphore(%run_scoped3A_26 : memref<!tpu.dma_semaphore, #tpu.memory_space<semaphore_mem>>)
      %dma_wait3A = arith.constant 0 : i32
      %dma_wait3A_32 = tpu.memref_slice %arg3[%add3A, %dma_wait3A] : memref<32x10000xf32, #tpu.memory_space<hbm>> -> memref<1x10000xf32, #tpu.memory_space<hbm>>
      %dma_wait3A_33 = tpu.memref_squeeze %dma_wait3A_32 : memref<1x10000xf32, #tpu.memory_space<hbm>> -> memref<10000xf32, #tpu.memory_space<hbm>>
      %dma_wait3A_34 = arith.constant 0 : i32
      %dma_wait3A_35 = tpu.memref_slice %arg3[%add3A, %dma_wait3A_34] : memref<32x10000xf32, #tpu.memory_space<hbm>> -> memref<1x10000xf32, #tpu.memory_space<hbm>>
      %dma_wait3A_36 = tpu.memref_squeeze %dma_wait3A_35 : memref<1x10000xf32, #tpu.memory_space<hbm>> -> memref<10000xf32, #tpu.memory_space<hbm>>
      tpu.wait_dma2 semaphore(%run_scoped3A_26 : memref<!tpu.dma_semaphore, #tpu.memory_space<semaphore_mem>>) src(%arg5 : memref<10000xf32, #tpu.memory_space<vmem>>) dst(%dma_wait3A_36 : memref<10000xf32, #tpu.memory_space<hbm>>)
      tpu.yield
    }) : () -> ()
    return
  }
}

#map = affine_map<(d0, d1) -> (0, 0)>
#map1 = affine_map<(d0, d1) -> (0, 0, 0)>
module attributes {stable_mosaic.version = 14 : i64} {
  func.func @_msg_kernel(%arg0: i32, %arg1: i32, %arg2: memref<10000x16xf32, #tpu.memory_space<hbm>>, %arg3: memref<2x5000x128xi32, #tpu.memory_space<hbm>>, %arg4: memref<2x10000x16xf32, #tpu.memory_space<hbm>>, %arg5: memref<164x128xi32, #tpu.memory_space<vmem>>, %arg6: memref<164x128xi32, #tpu.memory_space<vmem>>, %arg7: memref<8x128x16xf32, #tpu.memory_space<vmem>>, %arg8: memref<125x16xf32, #tpu.memory_space<vmem>>, %arg9: memref<10000x16xf32, #tpu.memory_space<vmem_shared>>, %arg10: memref<10000x16xf32, #tpu.memory_space<vmem_shared>>, %arg11: memref<!tpu.dma_semaphore, #tpu.memory_space<semaphore_mem>>, %arg12: memref<!tpu.dma_semaphore, #tpu.memory_space<semaphore_mem>>, %arg13: memref<!tpu.dma_semaphore, #tpu.memory_space<semaphore_mem>>, %arg14: memref<!tpu.dma_semaphore, #tpu.memory_space<semaphore_mem>>) attributes {dimension_semantics = [#tpu.dimension_semantics<core_parallel>, #tpu.dimension_semantics<subcore_parallel>], iteration_bounds = array<i64: 2, 16>, scalar_prefetch = 0 : i64, scratch_operands = 10 : i64, tpu.core_type = #tpu.core_type<sc_vector_subcore>, window_params = [{transform_indices = #map}, {transform_indices = #map1}, {transform_indices = #map1}]} {
    %mul3A = arith.constant 16 : i32
    %mul3A_0 = arith.muli %arg0, %mul3A : i32
    %add3A = arith.addi %mul3A_0, %arg1 : i32
    %eq3A = arith.constant 31 : i32
    %eq3A_1 = arith.cmpi eq, %add3A, %eq3A : i32
    %mul3A_2 = arith.constant 156 : i32
    %mul3A_3 = arith.muli %add3A, %mul3A_2 : i32
    %run_scoped3A = arith.constant 0 : i32
    "tpu.region"() ({
      %run_scoped3A_264 = tpu.sem_alloc : memref<!tpu.dma_semaphore, #tpu.memory_space<semaphore_mem>>
      %dma_start3A_265 = arith.constant 0 : i32
      %dma_start3A_266 = arith.constant 0 : i32
      %dma_start3A_267 = tpu.memref_slice %arg5[%dma_start3A_265, %dma_start3A_266] : memref<164x128xi32, #tpu.memory_space<vmem>> -> memref<156x128xi32, #tpu.memory_space<vmem>>
      %dma_start3A_268 = arith.constant 0 : i32
      %dma_start3A_269 = tpu.memref_slice %arg3[%run_scoped3A, %mul3A_3, %dma_start3A_268] : memref<2x5000x128xi32, #tpu.memory_space<hbm>> -> memref<1x156x128xi32, #tpu.memory_space<hbm>>
      %dma_start3A_270 = tpu.memref_squeeze %dma_start3A_269 : memref<1x156x128xi32, #tpu.memory_space<hbm>> -> memref<156x128xi32, #tpu.memory_space<hbm>>
      %dma_start3A_271 = arith.constant 0 : i32
      %dma_start3A_272 = arith.constant 0 : i32
      %dma_start3A_273 = tpu.memref_slice %arg5[%dma_start3A_271, %dma_start3A_272] : memref<164x128xi32, #tpu.memory_space<vmem>> -> memref<156x128xi32, #tpu.memory_space<vmem>>
      %dma_start3A_274 = arith.constant 0 : i32
      %dma_start3A_275 = tpu.memref_slice %arg3[%run_scoped3A, %mul3A_3, %dma_start3A_274] : memref<2x5000x128xi32, #tpu.memory_space<hbm>> -> memref<1x156x128xi32, #tpu.memory_space<hbm>>
      %dma_start3A_276 = tpu.memref_squeeze %dma_start3A_275 : memref<1x156x128xi32, #tpu.memory_space<hbm>> -> memref<156x128xi32, #tpu.memory_space<hbm>>
      tpu.enqueue_dma source(%dma_start3A_276 : memref<156x128xi32, #tpu.memory_space<hbm>>) target(%dma_start3A_273 : memref<156x128xi32, #tpu.memory_space<vmem>>) target_semaphore(%run_scoped3A_264 : memref<!tpu.dma_semaphore, #tpu.memory_space<semaphore_mem>>)
      %dma_wait3A_277 = arith.constant 0 : i32
      %dma_wait3A_278 = arith.constant 0 : i32
      %dma_wait3A_279 = tpu.memref_slice %arg5[%dma_wait3A_277, %dma_wait3A_278] : memref<164x128xi32, #tpu.memory_space<vmem>> -> memref<156x128xi32, #tpu.memory_space<vmem>>
      %dma_wait3A_280 = arith.constant 0 : i32
      %dma_wait3A_281 = tpu.memref_slice %arg3[%run_scoped3A, %mul3A_3, %dma_wait3A_280] : memref<2x5000x128xi32, #tpu.memory_space<hbm>> -> memref<1x156x128xi32, #tpu.memory_space<hbm>>
      %dma_wait3A_282 = tpu.memref_squeeze %dma_wait3A_281 : memref<1x156x128xi32, #tpu.memory_space<hbm>> -> memref<156x128xi32, #tpu.memory_space<hbm>>
      %dma_wait3A_283 = arith.constant 0 : i32
      %dma_wait3A_284 = arith.constant 0 : i32
      %dma_wait3A_285 = tpu.memref_slice %arg5[%dma_wait3A_283, %dma_wait3A_284] : memref<164x128xi32, #tpu.memory_space<vmem>> -> memref<156x128xi32, #tpu.memory_space<vmem>>
      %dma_wait3A_286 = arith.constant 0 : i32
      %dma_wait3A_287 = tpu.memref_slice %arg3[%run_scoped3A, %mul3A_3, %dma_wait3A_286] : memref<2x5000x128xi32, #tpu.memory_space<hbm>> -> memref<1x156x128xi32, #tpu.memory_space<hbm>>
      %dma_wait3A_288 = tpu.memref_squeeze %dma_wait3A_287 : memref<1x156x128xi32, #tpu.memory_space<hbm>> -> memref<156x128xi32, #tpu.memory_space<hbm>>
      tpu.wait_dma2 semaphore(%run_scoped3A_264 : memref<!tpu.dma_semaphore, #tpu.memory_space<semaphore_mem>>) src(%dma_wait3A_288 : memref<156x128xi32, #tpu.memory_space<hbm>>) dst(%dma_wait3A_285 : memref<156x128xi32, #tpu.memory_space<vmem>>)
      tpu.yield
    }) : () -> ()
    %run_scoped3A_4 = arith.constant 1 : i32
    "tpu.region"() ({
      %run_scoped3A_264 = tpu.sem_alloc : memref<!tpu.dma_semaphore, #tpu.memory_space<semaphore_mem>>
      %dma_start3A_265 = arith.constant 0 : i32
      %dma_start3A_266 = arith.constant 0 : i32
      %dma_start3A_267 = tpu.memref_slice %arg6[%dma_start3A_265, %dma_start3A_266] : memref<164x128xi32, #tpu.memory_space<vmem>> -> memref<156x128xi32, #tpu.memory_space<vmem>>
      %dma_start3A_268 = arith.constant 0 : i32
      %dma_start3A_269 = tpu.memref_slice %arg3[%run_scoped3A_4, %mul3A_3, %dma_start3A_268] : memref<2x5000x128xi32, #tpu.memory_space<hbm>> -> memref<1x156x128xi32, #tpu.memory_space<hbm>>
      %dma_start3A_270 = tpu.memref_squeeze %dma_start3A_269 : memref<1x156x128xi32, #tpu.memory_space<hbm>> -> memref<156x128xi32, #tpu.memory_space<hbm>>
      %dma_start3A_271 = arith.constant 0 : i32
      %dma_start3A_272 = arith.constant 0 : i32
      %dma_start3A_273 = tpu.memref_slice %arg6[%dma_start3A_271, %dma_start3A_272] : memref<164x128xi32, #tpu.memory_space<vmem>> -> memref<156x128xi32, #tpu.memory_space<vmem>>
      %dma_start3A_274 = arith.constant 0 : i32
      %dma_start3A_275 = tpu.memref_slice %arg3[%run_scoped3A_4, %mul3A_3, %dma_start3A_274] : memref<2x5000x128xi32, #tpu.memory_space<hbm>> -> memref<1x156x128xi32, #tpu.memory_space<hbm>>
      %dma_start3A_276 = tpu.memref_squeeze %dma_start3A_275 : memref<1x156x128xi32, #tpu.memory_space<hbm>> -> memref<156x128xi32, #tpu.memory_space<hbm>>
      tpu.enqueue_dma source(%dma_start3A_276 : memref<156x128xi32, #tpu.memory_space<hbm>>) target(%dma_start3A_273 : memref<156x128xi32, #tpu.memory_space<vmem>>) target_semaphore(%run_scoped3A_264 : memref<!tpu.dma_semaphore, #tpu.memory_space<semaphore_mem>>)
      %dma_wait3A_277 = arith.constant 0 : i32
      %dma_wait3A_278 = arith.constant 0 : i32
      %dma_wait3A_279 = tpu.memref_slice %arg6[%dma_wait3A_277, %dma_wait3A_278] : memref<164x128xi32, #tpu.memory_space<vmem>> -> memref<156x128xi32, #tpu.memory_space<vmem>>
      %dma_wait3A_280 = arith.constant 0 : i32
      %dma_wait3A_281 = tpu.memref_slice %arg3[%run_scoped3A_4, %mul3A_3, %dma_wait3A_280] : memref<2x5000x128xi32, #tpu.memory_space<hbm>> -> memref<1x156x128xi32, #tpu.memory_space<hbm>>
      %dma_wait3A_282 = tpu.memref_squeeze %dma_wait3A_281 : memref<1x156x128xi32, #tpu.memory_space<hbm>> -> memref<156x128xi32, #tpu.memory_space<hbm>>
      %dma_wait3A_283 = arith.constant 0 : i32
      %dma_wait3A_284 = arith.constant 0 : i32
      %dma_wait3A_285 = tpu.memref_slice %arg6[%dma_wait3A_283, %dma_wait3A_284] : memref<164x128xi32, #tpu.memory_space<vmem>> -> memref<156x128xi32, #tpu.memory_space<vmem>>
      %dma_wait3A_286 = arith.constant 0 : i32
      %dma_wait3A_287 = tpu.memref_slice %arg3[%run_scoped3A_4, %mul3A_3, %dma_wait3A_286] : memref<2x5000x128xi32, #tpu.memory_space<hbm>> -> memref<1x156x128xi32, #tpu.memory_space<hbm>>
      %dma_wait3A_288 = tpu.memref_squeeze %dma_wait3A_287 : memref<1x156x128xi32, #tpu.memory_space<hbm>> -> memref<156x128xi32, #tpu.memory_space<hbm>>
      tpu.wait_dma2 semaphore(%run_scoped3A_264 : memref<!tpu.dma_semaphore, #tpu.memory_space<semaphore_mem>>) src(%dma_wait3A_288 : memref<156x128xi32, #tpu.memory_space<hbm>>) dst(%dma_wait3A_285 : memref<156x128xi32, #tpu.memory_space<vmem>>)
      tpu.yield
    }) : () -> ()
    %convert_element_type3A = arith.extui %eq3A_1 : i1 to i32
    %cond3A = arith.constant 0 : i32
    %cond3A_5 = arith.cmpi ne, %convert_element_type3A, %cond3A : i32
    scf.if %cond3A_5 {
      %add3A_264 = arith.constant 156 : i32
      %add3A_265 = arith.addi %mul3A_3, %add3A_264 : i32
      %run_scoped3A_266 = arith.constant 0 : i32
      "tpu.region"() ({
        %run_scoped3A_270 = tpu.sem_alloc : memref<!tpu.dma_semaphore, #tpu.memory_space<semaphore_mem>>
        %dma_start3A_271 = arith.constant 156 : i32
        %dma_start3A_272 = arith.constant 0 : i32
        %dma_start3A_273 = tpu.memref_slice %arg5[%dma_start3A_271, %dma_start3A_272] : memref<164x128xi32, #tpu.memory_space<vmem>> -> memref<8x128xi32, #tpu.memory_space<vmem>>
        %dma_start3A_274 = arith.constant 0 : i32
        %dma_start3A_275 = tpu.memref_slice %arg3[%run_scoped3A_266, %add3A_265, %dma_start3A_274] : memref<2x5000x128xi32, #tpu.memory_space<hbm>> -> memref<1x8x128xi32, #tpu.memory_space<hbm>>
        %dma_start3A_276 = tpu.memref_squeeze %dma_start3A_275 : memref<1x8x128xi32, #tpu.memory_space<hbm>> -> memref<8x128xi32, #tpu.memory_space<hbm>>
        %dma_start3A_277 = arith.constant 156 : i32
        %dma_start3A_278 = arith.constant 0 : i32
        %dma_start3A_279 = tpu.memref_slice %arg5[%dma_start3A_277, %dma_start3A_278] : memref<164x128xi32, #tpu.memory_space<vmem>> -> memref<8x128xi32, #tpu.memory_space<vmem>>
        %dma_start3A_280 = arith.constant 0 : i32
        %dma_start3A_281 = tpu.memref_slice %arg3[%run_scoped3A_266, %add3A_265, %dma_start3A_280] : memref<2x5000x128xi32, #tpu.memory_space<hbm>> -> memref<1x8x128xi32, #tpu.memory_space<hbm>>
        %dma_start3A_282 = tpu.memref_squeeze %dma_start3A_281 : memref<1x8x128xi32, #tpu.memory_space<hbm>> -> memref<8x128xi32, #tpu.memory_space<hbm>>
        tpu.enqueue_dma source(%dma_start3A_282 : memref<8x128xi32, #tpu.memory_space<hbm>>) target(%dma_start3A_279 : memref<8x128xi32, #tpu.memory_space<vmem>>) target_semaphore(%run_scoped3A_270 : memref<!tpu.dma_semaphore, #tpu.memory_space<semaphore_mem>>)
        %dma_wait3A_283 = arith.constant 156 : i32
        %dma_wait3A_284 = arith.constant 0 : i32
        %dma_wait3A_285 = tpu.memref_slice %arg5[%dma_wait3A_283, %dma_wait3A_284] : memref<164x128xi32, #tpu.memory_space<vmem>> -> memref<8x128xi32, #tpu.memory_space<vmem>>
        %dma_wait3A_286 = arith.constant 0 : i32
        %dma_wait3A_287 = tpu.memref_slice %arg3[%run_scoped3A_266, %add3A_265, %dma_wait3A_286] : memref<2x5000x128xi32, #tpu.memory_space<hbm>> -> memref<1x8x128xi32, #tpu.memory_space<hbm>>
        %dma_wait3A_288 = tpu.memref_squeeze %dma_wait3A_287 : memref<1x8x128xi32, #tpu.memory_space<hbm>> -> memref<8x128xi32, #tpu.memory_space<hbm>>
        %dma_wait3A_289 = arith.constant 156 : i32
        %dma_wait3A_290 = arith.constant 0 : i32
        %dma_wait3A_291 = tpu.memref_slice %arg5[%dma_wait3A_289, %dma_wait3A_290] : memref<164x128xi32, #tpu.memory_space<vmem>> -> memref<8x128xi32, #tpu.memory_space<vmem>>
        %dma_wait3A_292 = arith.constant 0 : i32
        %dma_wait3A_293 = tpu.memref_slice %arg3[%run_scoped3A_266, %add3A_265, %dma_wait3A_292] : memref<2x5000x128xi32, #tpu.memory_space<hbm>> -> memref<1x8x128xi32, #tpu.memory_space<hbm>>
        %dma_wait3A_294 = tpu.memref_squeeze %dma_wait3A_293 : memref<1x8x128xi32, #tpu.memory_space<hbm>> -> memref<8x128xi32, #tpu.memory_space<hbm>>
        tpu.wait_dma2 semaphore(%run_scoped3A_270 : memref<!tpu.dma_semaphore, #tpu.memory_space<semaphore_mem>>) src(%dma_wait3A_294 : memref<8x128xi32, #tpu.memory_space<hbm>>) dst(%dma_wait3A_291 : memref<8x128xi32, #tpu.memory_space<vmem>>)
        tpu.yield
      }) : () -> ()
      %add3A_267 = arith.constant 156 : i32
      %add3A_268 = arith.addi %mul3A_3, %add3A_267 : i32
      %run_scoped3A_269 = arith.constant 1 : i32
      "tpu.region"() ({
        %run_scoped3A_270 = tpu.sem_alloc : memref<!tpu.dma_semaphore, #tpu.memory_space<semaphore_mem>>
        %dma_start3A_271 = arith.constant 156 : i32
        %dma_start3A_272 = arith.constant 0 : i32
        %dma_start3A_273 = tpu.memref_slice %arg6[%dma_start3A_271, %dma_start3A_272] : memref<164x128xi32, #tpu.memory_space<vmem>> -> memref<8x128xi32, #tpu.memory_space<vmem>>
        %dma_start3A_274 = arith.constant 0 : i32
        %dma_start3A_275 = tpu.memref_slice %arg3[%run_scoped3A_269, %add3A_268, %dma_start3A_274] : memref<2x5000x128xi32, #tpu.memory_space<hbm>> -> memref<1x8x128xi32, #tpu.memory_space<hbm>>
        %dma_start3A_276 = tpu.memref_squeeze %dma_start3A_275 : memref<1x8x128xi32, #tpu.memory_space<hbm>> -> memref<8x128xi32, #tpu.memory_space<hbm>>
        %dma_start3A_277 = arith.constant 156 : i32
        %dma_start3A_278 = arith.constant 0 : i32
        %dma_start3A_279 = tpu.memref_slice %arg6[%dma_start3A_277, %dma_start3A_278] : memref<164x128xi32, #tpu.memory_space<vmem>> -> memref<8x128xi32, #tpu.memory_space<vmem>>
        %dma_start3A_280 = arith.constant 0 : i32
        %dma_start3A_281 = tpu.memref_slice %arg3[%run_scoped3A_269, %add3A_268, %dma_start3A_280] : memref<2x5000x128xi32, #tpu.memory_space<hbm>> -> memref<1x8x128xi32, #tpu.memory_space<hbm>>
        %dma_start3A_282 = tpu.memref_squeeze %dma_start3A_281 : memref<1x8x128xi32, #tpu.memory_space<hbm>> -> memref<8x128xi32, #tpu.memory_space<hbm>>
        tpu.enqueue_dma source(%dma_start3A_282 : memref<8x128xi32, #tpu.memory_space<hbm>>) target(%dma_start3A_279 : memref<8x128xi32, #tpu.memory_space<vmem>>) target_semaphore(%run_scoped3A_270 : memref<!tpu.dma_semaphore, #tpu.memory_space<semaphore_mem>>)
        %dma_wait3A_283 = arith.constant 156 : i32
        %dma_wait3A_284 = arith.constant 0 : i32
        %dma_wait3A_285 = tpu.memref_slice %arg6[%dma_wait3A_283, %dma_wait3A_284] : memref<164x128xi32, #tpu.memory_space<vmem>> -> memref<8x128xi32, #tpu.memory_space<vmem>>
        %dma_wait3A_286 = arith.constant 0 : i32
        %dma_wait3A_287 = tpu.memref_slice %arg3[%run_scoped3A_269, %add3A_268, %dma_wait3A_286] : memref<2x5000x128xi32, #tpu.memory_space<hbm>> -> memref<1x8x128xi32, #tpu.memory_space<hbm>>
        %dma_wait3A_288 = tpu.memref_squeeze %dma_wait3A_287 : memref<1x8x128xi32, #tpu.memory_space<hbm>> -> memref<8x128xi32, #tpu.memory_space<hbm>>
        %dma_wait3A_289 = arith.constant 156 : i32
        %dma_wait3A_290 = arith.constant 0 : i32
        %dma_wait3A_291 = tpu.memref_slice %arg6[%dma_wait3A_289, %dma_wait3A_290] : memref<164x128xi32, #tpu.memory_space<vmem>> -> memref<8x128xi32, #tpu.memory_space<vmem>>
        %dma_wait3A_292 = arith.constant 0 : i32
        %dma_wait3A_293 = tpu.memref_slice %arg3[%run_scoped3A_269, %add3A_268, %dma_wait3A_292] : memref<2x5000x128xi32, #tpu.memory_space<hbm>> -> memref<1x8x128xi32, #tpu.memory_space<hbm>>
        %dma_wait3A_294 = tpu.memref_squeeze %dma_wait3A_293 : memref<1x8x128xi32, #tpu.memory_space<hbm>> -> memref<8x128xi32, #tpu.memory_space<hbm>>
        tpu.wait_dma2 semaphore(%run_scoped3A_270 : memref<!tpu.dma_semaphore, #tpu.memory_space<semaphore_mem>>) src(%dma_wait3A_294 : memref<8x128xi32, #tpu.memory_space<hbm>>) dst(%dma_wait3A_291 : memref<8x128xi32, #tpu.memory_space<vmem>>)
        tpu.yield
      }) : () -> ()
    } else {
    }
    %broadcast_in_dim3A = arith.constant 0.000000e+00 : f32
    %broadcast_in_dim3A_6 = vector.broadcast %broadcast_in_dim3A : f32 to vector<16xf32>
    %scan3A = arith.constant 0 : i32
    %scan3A_7 = arith.constant 0 : i32
    %scan3A_8 = arith.constant 125 : i32
    %scan3A_9 = arith.addi %scan3A_7, %scan3A_8 : i32
    %scan3A_10 = arith.constant 1 : i32
    %scan3A_11 = scf.for %scan3A_264 = %scan3A_7 to %scan3A_9 step %scan3A_10 iter_args(%scan3A_265 = %scan3A) -> (i32)  : i32 {
      %jit3A_266 = arith.constant 1 : i32
      %div3A = arith.divsi %scan3A_264, %jit3A_266 : i32
      %sign3A = arith.constant 0 : i32
      %sign3A_267 = arith.cmpi sgt, %scan3A_264, %sign3A : i32
      %sign3A_268 = arith.extui %sign3A_267 : i1 to i32
      %sign3A_269 = arith.constant 0 : i32
      %sign3A_270 = arith.cmpi slt, %scan3A_264, %sign3A_269 : i32
      %sign3A_271 = arith.extui %sign3A_270 : i1 to i32
      %sign3A_272 = arith.subi %sign3A_268, %sign3A_271 : i32
      %sign3A_273 = arith.constant 0 : i32
      %sign3A_274 = arith.cmpi sgt, %jit3A_266, %sign3A_273 : i32
      %sign3A_275 = arith.extui %sign3A_274 : i1 to i32
      %sign3A_276 = arith.constant 0 : i32
      %sign3A_277 = arith.cmpi slt, %jit3A_266, %sign3A_276 : i32
      %sign3A_278 = arith.extui %sign3A_277 : i1 to i32
      %sign3A_279 = arith.subi %sign3A_275, %sign3A_278 : i32
      %ne3A = arith.cmpi ne, %sign3A_272, %sign3A_279 : i32
      %rem3A = arith.remsi %scan3A_264, %jit3A_266 : i32
      %ne3A_280 = arith.constant 0 : i32
      %ne3A_281 = arith.cmpi ne, %rem3A, %ne3A_280 : i32
      %and3A = arith.andi %ne3A, %ne3A_281 : i1
      %sub3A = arith.constant 1 : i32
      %sub3A_282 = arith.subi %div3A, %sub3A : i32
      %select_n3A_283 = arith.select %and3A, %sub3A_282, %div3A : i32
      %jit3A_284 = arith.constant 1 : i32
      %eq3A_285 = arith.constant 0 : i32
      %eq3A_286 = arith.cmpi eq, %jit3A_284, %eq3A_285 : i32
      %jit3A_287 = arith.constant 1 : i32
      %select_n3A_288 = arith.select %eq3A_286, %jit3A_287, %jit3A_284 : i32
      %rem3A_289 = arith.remsi %scan3A_264, %select_n3A_288 : i32
      %ne3A_290 = arith.constant 0 : i32
      %ne3A_291 = arith.cmpi ne, %rem3A_289, %ne3A_290 : i32
      %lt3A = arith.constant 0 : i32
      %lt3A_292 = arith.cmpi slt, %rem3A_289, %lt3A : i32
      %lt3A_293 = arith.constant 0 : i32
      %lt3A_294 = arith.cmpi slt, %select_n3A_288, %lt3A_293 : i32
      %ne3A_295 = arith.xori %lt3A_292, %lt3A_294 : i1
      %and3A_296 = arith.andi %ne3A_295, %ne3A_291 : i1
      %add3A_297 = arith.addi %rem3A_289, %select_n3A_288 : i32
      %select_n3A_298 = arith.select %and3A_296, %add3A_297, %rem3A_289 : i32
      %mul3A_299 = arith.constant 16 : i32
      %mul3A_300 = arith.muli %select_n3A_298, %mul3A_299 : i32
      %swap3A = arith.index_cast %select_n3A_283 : i32 to index
      %swap3A_301 = arith.index_cast %mul3A_300 : i32 to index
      %swap3A_302 = tpu.vector_load %arg8[%swap3A, %swap3A_301] {strides = array<i32>} : memref<125x16xf32, #tpu.memory_space<vmem>>, vector<16xf32>,
      tpu.vector_store %arg8[%swap3A, %swap3A_301], %broadcast_in_dim3A_6 {strides = array<i32>} : memref<125x16xf32, #tpu.memory_space<vmem>>, vector<16xf32>,
      %scan3A_303 = arith.constant 0 : i32
      scf.yield %scan3A_303 : i32
    }
    %scan3A_12 = arith.constant 125 : i32
    %mul3A_13 = arith.constant 625 : i32
    %mul3A_14 = arith.muli %arg1, %mul3A_13 : i32
    %add3A_15 = arith.constant 0 : i32
    %add3A_16 = arith.addi %mul3A_14, %add3A_15 : i32
    "tpu.region"() ({
      %run_scoped3A_264 = tpu.sem_alloc : memref<!tpu.dma_semaphore, #tpu.memory_space<semaphore_mem>>
      %dma_start3A_265 = arith.constant 0 : i32
      %dma_start3A_266 = tpu.memref_slice %arg9[%add3A_16, %dma_start3A_265] : memref<10000x16xf32, #tpu.memory_space<vmem_shared>> -> memref<125x16xf32, #tpu.memory_space<vmem_shared>>
      %dma_start3A_267 = arith.constant 0 : i32
      %dma_start3A_268 = tpu.memref_slice %arg9[%add3A_16, %dma_start3A_267] : memref<10000x16xf32, #tpu.memory_space<vmem_shared>> -> memref<125x16xf32, #tpu.memory_space<vmem_shared>>
      tpu.enqueue_dma source(%arg8 : memref<125x16xf32, #tpu.memory_space<vmem>>) target(%dma_start3A_268 : memref<125x16xf32, #tpu.memory_space<vmem_shared>>) target_semaphore(%run_scoped3A_264 : memref<!tpu.dma_semaphore, #tpu.memory_space<semaphore_mem>>)
      %dma_wait3A_269 = arith.constant 0 : i32
      %dma_wait3A_270 = tpu.memref_slice %arg9[%add3A_16, %dma_wait3A_269] : memref<10000x16xf32, #tpu.memory_space<vmem_shared>> -> memref<125x16xf32, #tpu.memory_space<vmem_shared>>
      %dma_wait3A_271 = arith.constant 0 : i32
      %dma_wait3A_272 = tpu.memref_slice %arg9[%add3A_16, %dma_wait3A_271] : memref<10000x16xf32, #tpu.memory_space<vmem_shared>> -> memref<125x16xf32, #tpu.memory_space<vmem_shared>>
      tpu.wait_dma2 semaphore(%run_scoped3A_264 : memref<!tpu.dma_semaphore, #tpu.memory_space<semaphore_mem>>) src(%arg8 : memref<125x16xf32, #tpu.memory_space<vmem>>) dst(%dma_wait3A_272 : memref<125x16xf32, #tpu.memory_space<vmem_shared>>)
      tpu.yield
    }) : () -> ()
    %mul3A_17 = arith.constant 625 : i32
    %mul3A_18 = arith.muli %arg1, %mul3A_17 : i32
    %add3A_19 = arith.constant 125 : i32
    %add3A_20 = arith.addi %mul3A_18, %add3A_19 : i32
    "tpu.region"() ({
      %run_scoped3A_264 = tpu.sem_alloc : memref<!tpu.dma_semaphore, #tpu.memory_space<semaphore_mem>>
      %dma_start3A_265 = arith.constant 0 : i32
      %dma_start3A_266 = tpu.memref_slice %arg9[%add3A_20, %dma_start3A_265] : memref<10000x16xf32, #tpu.memory_space<vmem_shared>> -> memref<125x16xf32, #tpu.memory_space<vmem_shared>>
      %dma_start3A_267 = arith.constant 0 : i32
      %dma_start3A_268 = tpu.memref_slice %arg9[%add3A_20, %dma_start3A_267] : memref<10000x16xf32, #tpu.memory_space<vmem_shared>> -> memref<125x16xf32, #tpu.memory_space<vmem_shared>>
      tpu.enqueue_dma source(%arg8 : memref<125x16xf32, #tpu.memory_space<vmem>>) target(%dma_start3A_268 : memref<125x16xf32, #tpu.memory_space<vmem_shared>>) target_semaphore(%run_scoped3A_264 : memref<!tpu.dma_semaphore, #tpu.memory_space<semaphore_mem>>)
      %dma_wait3A_269 = arith.constant 0 : i32
      %dma_wait3A_270 = tpu.memref_slice %arg9[%add3A_20, %dma_wait3A_269] : memref<10000x16xf32, #tpu.memory_space<vmem_shared>> -> memref<125x16xf32, #tpu.memory_space<vmem_shared>>
      %dma_wait3A_271 = arith.constant 0 : i32
      %dma_wait3A_272 = tpu.memref_slice %arg9[%add3A_20, %dma_wait3A_271] : memref<10000x16xf32, #tpu.memory_space<vmem_shared>> -> memref<125x16xf32, #tpu.memory_space<vmem_shared>>
      tpu.wait_dma2 semaphore(%run_scoped3A_264 : memref<!tpu.dma_semaphore, #tpu.memory_space<semaphore_mem>>) src(%arg8 : memref<125x16xf32, #tpu.memory_space<vmem>>) dst(%dma_wait3A_272 : memref<125x16xf32, #tpu.memory_space<vmem_shared>>)
      tpu.yield
    }) : () -> ()
    %mul3A_21 = arith.constant 625 : i32
    %mul3A_22 = arith.muli %arg1, %mul3A_21 : i32
    %add3A_23 = arith.constant 250 : i32
    %add3A_24 = arith.addi %mul3A_22, %add3A_23 : i32
    "tpu.region"() ({
      %run_scoped3A_264 = tpu.sem_alloc : memref<!tpu.dma_semaphore, #tpu.memory_space<semaphore_mem>>
      %dma_start3A_265 = arith.constant 0 : i32
      %dma_start3A_266 = tpu.memref_slice %arg9[%add3A_24, %dma_start3A_265] : memref<10000x16xf32, #tpu.memory_space<vmem_shared>> -> memref<125x16xf32, #tpu.memory_space<vmem_shared>>
      %dma_start3A_267 = arith.constant 0 : i32
      %dma_start3A_268 = tpu.memref_slice %arg9[%add3A_24, %dma_start3A_267] : memref<10000x16xf32, #tpu.memory_space<vmem_shared>> -> memref<125x16xf32, #tpu.memory_space<vmem_shared>>
      tpu.enqueue_dma source(%arg8 : memref<125x16xf32, #tpu.memory_space<vmem>>) target(%dma_start3A_268 : memref<125x16xf32, #tpu.memory_space<vmem_shared>>) target_semaphore(%run_scoped3A_264 : memref<!tpu.dma_semaphore, #tpu.memory_space<semaphore_mem>>)
      %dma_wait3A_269 = arith.constant 0 : i32
      %dma_wait3A_270 = tpu.memref_slice %arg9[%add3A_24, %dma_wait3A_269] : memref<10000x16xf32, #tpu.memory_space<vmem_shared>> -> memref<125x16xf32, #tpu.memory_space<vmem_shared>>
      %dma_wait3A_271 = arith.constant 0 : i32
      %dma_wait3A_272 = tpu.memref_slice %arg9[%add3A_24, %dma_wait3A_271] : memref<10000x16xf32, #tpu.memory_space<vmem_shared>> -> memref<125x16xf32, #tpu.memory_space<vmem_shared>>
      tpu.wait_dma2 semaphore(%run_scoped3A_264 : memref<!tpu.dma_semaphore, #tpu.memory_space<semaphore_mem>>) src(%arg8 : memref<125x16xf32, #tpu.memory_space<vmem>>) dst(%dma_wait3A_272 : memref<125x16xf32, #tpu.memory_space<vmem_shared>>)
      tpu.yield
    }) : () -> ()
    %mul3A_25 = arith.constant 625 : i32
    %mul3A_26 = arith.muli %arg1, %mul3A_25 : i32
    %add3A_27 = arith.constant 375 : i32
    %add3A_28 = arith.addi %mul3A_26, %add3A_27 : i32
    "tpu.region"() ({
      %run_scoped3A_264 = tpu.sem_alloc : memref<!tpu.dma_semaphore, #tpu.memory_space<semaphore_mem>>
      %dma_start3A_265 = arith.constant 0 : i32
      %dma_start3A_266 = tpu.memref_slice %arg9[%add3A_28, %dma_start3A_265] : memref<10000x16xf32, #tpu.memory_space<vmem_shared>> -> memref<125x16xf32, #tpu.memory_space<vmem_shared>>
      %dma_start3A_267 = arith.constant 0 : i32
      %dma_start3A_268 = tpu.memref_slice %arg9[%add3A_28, %dma_start3A_267] : memref<10000x16xf32, #tpu.memory_space<vmem_shared>> -> memref<125x16xf32, #tpu.memory_space<vmem_shared>>
      tpu.enqueue_dma source(%arg8 : memref<125x16xf32, #tpu.memory_space<vmem>>) target(%dma_start3A_268 : memref<125x16xf32, #tpu.memory_space<vmem_shared>>) target_semaphore(%run_scoped3A_264 : memref<!tpu.dma_semaphore, #tpu.memory_space<semaphore_mem>>)
      %dma_wait3A_269 = arith.constant 0 : i32
      %dma_wait3A_270 = tpu.memref_slice %arg9[%add3A_28, %dma_wait3A_269] : memref<10000x16xf32, #tpu.memory_space<vmem_shared>> -> memref<125x16xf32, #tpu.memory_space<vmem_shared>>
      %dma_wait3A_271 = arith.constant 0 : i32
      %dma_wait3A_272 = tpu.memref_slice %arg9[%add3A_28, %dma_wait3A_271] : memref<10000x16xf32, #tpu.memory_space<vmem_shared>> -> memref<125x16xf32, #tpu.memory_space<vmem_shared>>
      tpu.wait_dma2 semaphore(%run_scoped3A_264 : memref<!tpu.dma_semaphore, #tpu.memory_space<semaphore_mem>>) src(%arg8 : memref<125x16xf32, #tpu.memory_space<vmem>>) dst(%dma_wait3A_272 : memref<125x16xf32, #tpu.memory_space<vmem_shared>>)
      tpu.yield
    }) : () -> ()
    %mul3A_29 = arith.constant 625 : i32
    %mul3A_30 = arith.muli %arg1, %mul3A_29 : i32
    %add3A_31 = arith.constant 500 : i32
    %add3A_32 = arith.addi %mul3A_30, %add3A_31 : i32
    "tpu.region"() ({
      %run_scoped3A_264 = tpu.sem_alloc : memref<!tpu.dma_semaphore, #tpu.memory_space<semaphore_mem>>
      %dma_start3A_265 = arith.constant 0 : i32
      %dma_start3A_266 = tpu.memref_slice %arg9[%add3A_32, %dma_start3A_265] : memref<10000x16xf32, #tpu.memory_space<vmem_shared>> -> memref<125x16xf32, #tpu.memory_space<vmem_shared>>
      %dma_start3A_267 = arith.constant 0 : i32
      %dma_start3A_268 = tpu.memref_slice %arg9[%add3A_32, %dma_start3A_267] : memref<10000x16xf32, #tpu.memory_space<vmem_shared>> -> memref<125x16xf32, #tpu.memory_space<vmem_shared>>
      tpu.enqueue_dma source(%arg8 : memref<125x16xf32, #tpu.memory_space<vmem>>) target(%dma_start3A_268 : memref<125x16xf32, #tpu.memory_space<vmem_shared>>) target_semaphore(%run_scoped3A_264 : memref<!tpu.dma_semaphore, #tpu.memory_space<semaphore_mem>>)
      %dma_wait3A_269 = arith.constant 0 : i32
      %dma_wait3A_270 = tpu.memref_slice %arg9[%add3A_32, %dma_wait3A_269] : memref<10000x16xf32, #tpu.memory_space<vmem_shared>> -> memref<125x16xf32, #tpu.memory_space<vmem_shared>>
      %dma_wait3A_271 = arith.constant 0 : i32
      %dma_wait3A_272 = tpu.memref_slice %arg9[%add3A_32, %dma_wait3A_271] : memref<10000x16xf32, #tpu.memory_space<vmem_shared>> -> memref<125x16xf32, #tpu.memory_space<vmem_shared>>
      tpu.wait_dma2 semaphore(%run_scoped3A_264 : memref<!tpu.dma_semaphore, #tpu.memory_space<semaphore_mem>>) src(%arg8 : memref<125x16xf32, #tpu.memory_space<vmem>>) dst(%dma_wait3A_272 : memref<125x16xf32, #tpu.memory_space<vmem_shared>>)
      tpu.yield
    }) : () -> ()
    %mul3A_33 = arith.constant 625 : i32
    %mul3A_34 = arith.muli %arg1, %mul3A_33 : i32
    %mul3A_35 = arith.constant 625 : i32
    %mul3A_36 = arith.muli %arg1, %mul3A_35 : i32
    "tpu.region"() ({
      %run_scoped3A_264 = tpu.sem_alloc : memref<!tpu.dma_semaphore, #tpu.memory_space<semaphore_mem>>
      %dma_start3A_265 = arith.constant 0 : i32
      %dma_start3A_266 = tpu.memref_slice %arg10[%mul3A_36, %dma_start3A_265] : memref<10000x16xf32, #tpu.memory_space<vmem_shared>> -> memref<625x16xf32, #tpu.memory_space<vmem_shared>>
      %dma_start3A_267 = arith.constant 0 : i32
      %dma_start3A_268 = tpu.memref_slice %arg2[%mul3A_34, %dma_start3A_267] : memref<10000x16xf32, #tpu.memory_space<hbm>> -> memref<625x16xf32, #tpu.memory_space<hbm>>
      tpu.enqueue_dma source(%dma_start3A_268 : memref<625x16xf32, #tpu.memory_space<hbm>>) target(%dma_start3A_266 : memref<625x16xf32, #tpu.memory_space<vmem_shared>>) target_semaphore(%run_scoped3A_264 : memref<!tpu.dma_semaphore, #tpu.memory_space<semaphore_mem>>)
      %dma_wait3A_269 = arith.constant 0 : i32
      %dma_wait3A_270 = tpu.memref_slice %arg10[%mul3A_36, %dma_wait3A_269] : memref<10000x16xf32, #tpu.memory_space<vmem_shared>> -> memref<625x16xf32, #tpu.memory_space<vmem_shared>>
      %dma_wait3A_271 = arith.constant 0 : i32
      %dma_wait3A_272 = tpu.memref_slice %arg2[%mul3A_34, %dma_wait3A_271] : memref<10000x16xf32, #tpu.memory_space<hbm>> -> memref<625x16xf32, #tpu.memory_space<hbm>>
      tpu.wait_dma2 semaphore(%run_scoped3A_264 : memref<!tpu.dma_semaphore, #tpu.memory_space<semaphore_mem>>) src(%dma_wait3A_272 : memref<625x16xf32, #tpu.memory_space<hbm>>) dst(%dma_wait3A_270 : memref<625x16xf32, #tpu.memory_space<vmem_shared>>)
      tpu.yield
    }) : () -> ()
    %barrier3A = arith.constant 0 : index
    tpu.barrier barrier_id(%barrier3A)
    %jit3A = arith.constant 20 : i32
    %jit3A_37 = arith.constant 19 : i32
    %select_n3A = arith.select %eq3A_1, %jit3A, %jit3A_37 : i32
    %dma_start3A = arith.constant 0 : i32
    %dma_start3A_38 = arith.constant 0 : i32
    %dma_start3A_39 = arith.constant 0 : i32
    %dma_start3A_40 = arith.constant 0 : i32
    %dma_start3A_41 = tpu.memref_slice %arg7[%dma_start3A_38, %dma_start3A_39, %dma_start3A_40] : memref<8x128x16xf32, #tpu.memory_space<vmem>> -> memref<1x128x16xf32, #tpu.memory_space<vmem>>
    %dma_start3A_42 = tpu.memref_squeeze %dma_start3A_41 : memref<1x128x16xf32, #tpu.memory_space<vmem>> -> memref<128x16xf32, #tpu.memory_space<vmem>>
    %dma_start3A_43 = arith.constant 0 : i32
    %dma_start3A_44 = tpu.memref_slice %arg5[%dma_start3A, %dma_start3A_43] : memref<164x128xi32, #tpu.memory_space<vmem>> -> memref<1x128xi32, #tpu.memory_space<vmem>>
    %dma_start3A_45 = tpu.memref_squeeze %dma_start3A_44 : memref<1x128xi32, #tpu.memory_space<vmem>> -> memref<128xi32, #tpu.memory_space<vmem>>
    %dma_start3A_46 = arith.constant 0 : i32
    %dma_start3A_47 = arith.constant 0 : i32
    %dma_start3A_48 = tpu.memref_slice %arg10[%dma_start3A_46, %dma_start3A_47] : memref<10000x16xf32, #tpu.memory_space<vmem_shared>> -> memref<10000x16xf32, #tpu.memory_space<vmem_shared>>
    tpu.enqueue_indirect_dma source(%dma_start3A_48 : memref<10000x16xf32, #tpu.memory_space<vmem_shared>>) target(%dma_start3A_42 : memref<128x16xf32, #tpu.memory_space<vmem>>) offsets(%dma_start3A_45 : memref<128xi32, #tpu.memory_space<vmem>>) semaphore(%arg11 : memref<!tpu.dma_semaphore, #tpu.memory_space<semaphore_mem>>)
    %dma_start3A_49 = arith.constant 1 : i32
    %dma_start3A_50 = arith.constant 1 : i32
    %dma_start3A_51 = arith.constant 0 : i32
    %dma_start3A_52 = arith.constant 0 : i32
    %dma_start3A_53 = tpu.memref_slice %arg7[%dma_start3A_50, %dma_start3A_51, %dma_start3A_52] : memref<8x128x16xf32, #tpu.memory_space<vmem>> -> memref<1x128x16xf32, #tpu.memory_space<vmem>>
    %dma_start3A_54 = tpu.memref_squeeze %dma_start3A_53 : memref<1x128x16xf32, #tpu.memory_space<vmem>> -> memref<128x16xf32, #tpu.memory_space<vmem>>
    %dma_start3A_55 = arith.constant 0 : i32
    %dma_start3A_56 = tpu.memref_slice %arg5[%dma_start3A_49, %dma_start3A_55] : memref<164x128xi32, #tpu.memory_space<vmem>> -> memref<1x128xi32, #tpu.memory_space<vmem>>
    %dma_start3A_57 = tpu.memref_squeeze %dma_start3A_56 : memref<1x128xi32, #tpu.memory_space<vmem>> -> memref<128xi32, #tpu.memory_space<vmem>>
    %dma_start3A_58 = arith.constant 0 : i32
    %dma_start3A_59 = arith.constant 0 : i32
    %dma_start3A_60 = tpu.memref_slice %arg10[%dma_start3A_58, %dma_start3A_59] : memref<10000x16xf32, #tpu.memory_space<vmem_shared>> -> memref<10000x16xf32, #tpu.memory_space<vmem_shared>>
    tpu.enqueue_indirect_dma source(%dma_start3A_60 : memref<10000x16xf32, #tpu.memory_space<vmem_shared>>) target(%dma_start3A_54 : memref<128x16xf32, #tpu.memory_space<vmem>>) offsets(%dma_start3A_57 : memref<128xi32, #tpu.memory_space<vmem>>) semaphore(%arg11 : memref<!tpu.dma_semaphore, #tpu.memory_space<semaphore_mem>>)
    %dma_start3A_61 = arith.constant 2 : i32
    %dma_start3A_62 = arith.constant 2 : i32
    %dma_start3A_63 = arith.constant 0 : i32
    %dma_start3A_64 = arith.constant 0 : i32
    %dma_start3A_65 = tpu.memref_slice %arg7[%dma_start3A_62, %dma_start3A_63, %dma_start3A_64] : memref<8x128x16xf32, #tpu.memory_space<vmem>> -> memref<1x128x16xf32, #tpu.memory_space<vmem>>
    %dma_start3A_66 = tpu.memref_squeeze %dma_start3A_65 : memref<1x128x16xf32, #tpu.memory_space<vmem>> -> memref<128x16xf32, #tpu.memory_space<vmem>>
    %dma_start3A_67 = arith.constant 0 : i32
    %dma_start3A_68 = tpu.memref_slice %arg5[%dma_start3A_61, %dma_start3A_67] : memref<164x128xi32, #tpu.memory_space<vmem>> -> memref<1x128xi32, #tpu.memory_space<vmem>>
    %dma_start3A_69 = tpu.memref_squeeze %dma_start3A_68 : memref<1x128xi32, #tpu.memory_space<vmem>> -> memref<128xi32, #tpu.memory_space<vmem>>
    %dma_start3A_70 = arith.constant 0 : i32
    %dma_start3A_71 = arith.constant 0 : i32
    %dma_start3A_72 = tpu.memref_slice %arg10[%dma_start3A_70, %dma_start3A_71] : memref<10000x16xf32, #tpu.memory_space<vmem_shared>> -> memref<10000x16xf32, #tpu.memory_space<vmem_shared>>
    tpu.enqueue_indirect_dma source(%dma_start3A_72 : memref<10000x16xf32, #tpu.memory_space<vmem_shared>>) target(%dma_start3A_66 : memref<128x16xf32, #tpu.memory_space<vmem>>) offsets(%dma_start3A_69 : memref<128xi32, #tpu.memory_space<vmem>>) semaphore(%arg11 : memref<!tpu.dma_semaphore, #tpu.memory_space<semaphore_mem>>)
    %dma_start3A_73 = arith.constant 3 : i32
    %dma_start3A_74 = arith.constant 3 : i32
    %dma_start3A_75 = arith.constant 0 : i32
    %dma_start3A_76 = arith.constant 0 : i32
    %dma_start3A_77 = tpu.memref_slice %arg7[%dma_start3A_74, %dma_start3A_75, %dma_start3A_76] : memref<8x128x16xf32, #tpu.memory_space<vmem>> -> memref<1x128x16xf32, #tpu.memory_space<vmem>>
    %dma_start3A_78 = tpu.memref_squeeze %dma_start3A_77 : memref<1x128x16xf32, #tpu.memory_space<vmem>> -> memref<128x16xf32, #tpu.memory_space<vmem>>
    %dma_start3A_79 = arith.constant 0 : i32
    %dma_start3A_80 = tpu.memref_slice %arg5[%dma_start3A_73, %dma_start3A_79] : memref<164x128xi32, #tpu.memory_space<vmem>> -> memref<1x128xi32, #tpu.memory_space<vmem>>
    %dma_start3A_81 = tpu.memref_squeeze %dma_start3A_80 : memref<1x128xi32, #tpu.memory_space<vmem>> -> memref<128xi32, #tpu.memory_space<vmem>>
    %dma_start3A_82 = arith.constant 0 : i32
    %dma_start3A_83 = arith.constant 0 : i32
    %dma_start3A_84 = tpu.memref_slice %arg10[%dma_start3A_82, %dma_start3A_83] : memref<10000x16xf32, #tpu.memory_space<vmem_shared>> -> memref<10000x16xf32, #tpu.memory_space<vmem_shared>>
    tpu.enqueue_indirect_dma source(%dma_start3A_84 : memref<10000x16xf32, #tpu.memory_space<vmem_shared>>) target(%dma_start3A_78 : memref<128x16xf32, #tpu.memory_space<vmem>>) offsets(%dma_start3A_81 : memref<128xi32, #tpu.memory_space<vmem>>) semaphore(%arg11 : memref<!tpu.dma_semaphore, #tpu.memory_space<semaphore_mem>>)
    %while3A = arith.constant 0 : i32
    %while3A_85 = arith.constant 0 : i32
    %while3A_86 = arith.subi %select_n3A, %while3A : i32
    %while3A_87 = arith.addi %while3A, %while3A_86 : i32
    %while3A_88 = arith.constant 1 : i32
    %while3A_89 = arith.divsi %while3A_86, %while3A_88 : i32
    %while3A_90 = arith.muli %while3A_89, %while3A_88 : i32
    %while3A_91 = arith.addi %while3A, %while3A_90 : i32
    %while3A_92 = arith.constant 1 : i32
    %while3A_93 = scf.for %while3A_264 = %while3A to %while3A_91 step %while3A_92 iter_args(%while3A_265 = %while3A_85) -> (i32)  : i32 {
      %mul3A_266 = arith.constant 2 : i32
      %mul3A_267 = arith.muli %mul3A_266, %while3A_264 : i32
      %add3A_268 = arith.constant 1 : i32
      %add3A_269 = arith.addi %mul3A_267, %add3A_268 : i32
      %mul3A_270 = arith.constant 4 : i32
      %mul3A_271 = arith.muli %add3A_269, %mul3A_270 : i32
      %add3A_272 = arith.constant 0 : i32
      %add3A_273 = arith.addi %mul3A_271, %add3A_272 : i32
      %dma_start3A_274 = arith.constant 4 : i32
      %dma_start3A_275 = arith.constant 0 : i32
      %dma_start3A_276 = arith.constant 0 : i32
      %dma_start3A_277 = tpu.memref_slice %arg7[%dma_start3A_274, %dma_start3A_275, %dma_start3A_276] : memref<8x128x16xf32, #tpu.memory_space<vmem>> -> memref<1x128x16xf32, #tpu.memory_space<vmem>>
      %dma_start3A_278 = tpu.memref_squeeze %dma_start3A_277 : memref<1x128x16xf32, #tpu.memory_space<vmem>> -> memref<128x16xf32, #tpu.memory_space<vmem>>
      %dma_start3A_279 = arith.constant 0 : i32
      %dma_start3A_280 = tpu.memref_slice %arg5[%add3A_273, %dma_start3A_279] : memref<164x128xi32, #tpu.memory_space<vmem>> -> memref<1x128xi32, #tpu.memory_space<vmem>>
      %dma_start3A_281 = tpu.memref_squeeze %dma_start3A_280 : memref<1x128xi32, #tpu.memory_space<vmem>> -> memref<128xi32, #tpu.memory_space<vmem>>
      %dma_start3A_282 = arith.constant 0 : i32
      %dma_start3A_283 = arith.constant 0 : i32
      %dma_start3A_284 = tpu.memref_slice %arg10[%dma_start3A_282, %dma_start3A_283] : memref<10000x16xf32, #tpu.memory_space<vmem_shared>> -> memref<10000x16xf32, #tpu.memory_space<vmem_shared>>
      tpu.enqueue_indirect_dma source(%dma_start3A_284 : memref<10000x16xf32, #tpu.memory_space<vmem_shared>>) target(%dma_start3A_278 : memref<128x16xf32, #tpu.memory_space<vmem>>) offsets(%dma_start3A_281 : memref<128xi32, #tpu.memory_space<vmem>>) semaphore(%arg12 : memref<!tpu.dma_semaphore, #tpu.memory_space<semaphore_mem>>)
      %mul3A_285 = arith.constant 4 : i32
      %mul3A_286 = arith.muli %add3A_269, %mul3A_285 : i32
      %add3A_287 = arith.constant 1 : i32
      %add3A_288 = arith.addi %mul3A_286, %add3A_287 : i32
      %dma_start3A_289 = arith.constant 5 : i32
      %dma_start3A_290 = arith.constant 0 : i32
      %dma_start3A_291 = arith.constant 0 : i32
      %dma_start3A_292 = tpu.memref_slice %arg7[%dma_start3A_289, %dma_start3A_290, %dma_start3A_291] : memref<8x128x16xf32, #tpu.memory_space<vmem>> -> memref<1x128x16xf32, #tpu.memory_space<vmem>>
      %dma_start3A_293 = tpu.memref_squeeze %dma_start3A_292 : memref<1x128x16xf32, #tpu.memory_space<vmem>> -> memref<128x16xf32, #tpu.memory_space<vmem>>
      %dma_start3A_294 = arith.constant 0 : i32
      %dma_start3A_295 = tpu.memref_slice %arg5[%add3A_288, %dma_start3A_294] : memref<164x128xi32, #tpu.memory_space<vmem>> -> memref<1x128xi32, #tpu.memory_space<vmem>>
      %dma_start3A_296 = tpu.memref_squeeze %dma_start3A_295 : memref<1x128xi32, #tpu.memory_space<vmem>> -> memref<128xi32, #tpu.memory_space<vmem>>
      %dma_start3A_297 = arith.constant 0 : i32
      %dma_start3A_298 = arith.constant 0 : i32
      %dma_start3A_299 = tpu.memref_slice %arg10[%dma_start3A_297, %dma_start3A_298] : memref<10000x16xf32, #tpu.memory_space<vmem_shared>> -> memref<10000x16xf32, #tpu.memory_space<vmem_shared>>
      tpu.enqueue_indirect_dma source(%dma_start3A_299 : memref<10000x16xf32, #tpu.memory_space<vmem_shared>>) target(%dma_start3A_293 : memref<128x16xf32, #tpu.memory_space<vmem>>) offsets(%dma_start3A_296 : memref<128xi32, #tpu.memory_space<vmem>>) semaphore(%arg12 : memref<!tpu.dma_semaphore, #tpu.memory_space<semaphore_mem>>)
      %mul3A_300 = arith.constant 4 : i32
      %mul3A_301 = arith.muli %add3A_269, %mul3A_300 : i32
      %add3A_302 = arith.constant 2 : i32
      %add3A_303 = arith.addi %mul3A_301, %add3A_302 : i32
      %dma_start3A_304 = arith.constant 6 : i32
      %dma_start3A_305 = arith.constant 0 : i32
      %dma_start3A_306 = arith.constant 0 : i32
      %dma_start3A_307 = tpu.memref_slice %arg7[%dma_start3A_304, %dma_start3A_305, %dma_start3A_306] : memref<8x128x16xf32, #tpu.memory_space<vmem>> -> memref<1x128x16xf32, #tpu.memory_space<vmem>>
      %dma_start3A_308 = tpu.memref_squeeze %dma_start3A_307 : memref<1x128x16xf32, #tpu.memory_space<vmem>> -> memref<128x16xf32, #tpu.memory_space<vmem>>
      %dma_start3A_309 = arith.constant 0 : i32
      %dma_start3A_310 = tpu.memref_slice %arg5[%add3A_303, %dma_start3A_309] : memref<164x128xi32, #tpu.memory_space<vmem>> -> memref<1x128xi32, #tpu.memory_space<vmem>>
      %dma_start3A_311 = tpu.memref_squeeze %dma_start3A_310 : memref<1x128xi32, #tpu.memory_space<vmem>> -> memref<128xi32, #tpu.memory_space<vmem>>
      %dma_start3A_312 = arith.constant 0 : i32
      %dma_start3A_313 = arith.constant 0 : i32
      %dma_start3A_314 = tpu.memref_slice %arg10[%dma_start3A_312, %dma_start3A_313] : memref<10000x16xf32, #tpu.memory_space<vmem_shared>> -> memref<10000x16xf32, #tpu.memory_space<vmem_shared>>
      tpu.enqueue_indirect_dma source(%dma_start3A_314 : memref<10000x16xf32, #tpu.memory_space<vmem_shared>>) target(%dma_start3A_308 : memref<128x16xf32, #tpu.memory_space<vmem>>) offsets(%dma_start3A_311 : memref<128xi32, #tpu.memory_space<vmem>>) semaphore(%arg12 : memref<!tpu.dma_semaphore, #tpu.memory_space<semaphore_mem>>)
      %mul3A_315 = arith.constant 4 : i32
      %mul3A_316 = arith.muli %add3A_269, %mul3A_315 : i32
      %add3A_317 = arith.constant 3 : i32
      %add3A_318 = arith.addi %mul3A_316, %add3A_317 : i32
      %dma_start3A_319 = arith.constant 7 : i32
      %dma_start3A_320 = arith.constant 0 : i32
      %dma_start3A_321 = arith.constant 0 : i32
      %dma_start3A_322 = tpu.memref_slice %arg7[%dma_start3A_319, %dma_start3A_320, %dma_start3A_321] : memref<8x128x16xf32, #tpu.memory_space<vmem>> -> memref<1x128x16xf32, #tpu.memory_space<vmem>>
      %dma_start3A_323 = tpu.memref_squeeze %dma_start3A_322 : memref<1x128x16xf32, #tpu.memory_space<vmem>> -> memref<128x16xf32, #tpu.memory_space<vmem>>
      %dma_start3A_324 = arith.constant 0 : i32
      %dma_start3A_325 = tpu.memref_slice %arg5[%add3A_318, %dma_start3A_324] : memref<164x128xi32, #tpu.memory_space<vmem>> -> memref<1x128xi32, #tpu.memory_space<vmem>>
      %dma_start3A_326 = tpu.memref_squeeze %dma_start3A_325 : memref<1x128xi32, #tpu.memory_space<vmem>> -> memref<128xi32, #tpu.memory_space<vmem>>
      %dma_start3A_327 = arith.constant 0 : i32
      %dma_start3A_328 = arith.constant 0 : i32
      %dma_start3A_329 = tpu.memref_slice %arg10[%dma_start3A_327, %dma_start3A_328] : memref<10000x16xf32, #tpu.memory_space<vmem_shared>> -> memref<10000x16xf32, #tpu.memory_space<vmem_shared>>
      tpu.enqueue_indirect_dma source(%dma_start3A_329 : memref<10000x16xf32, #tpu.memory_space<vmem_shared>>) target(%dma_start3A_323 : memref<128x16xf32, #tpu.memory_space<vmem>>) offsets(%dma_start3A_326 : memref<128xi32, #tpu.memory_space<vmem>>) semaphore(%arg12 : memref<!tpu.dma_semaphore, #tpu.memory_space<semaphore_mem>>)
      %dma_wait3A_330 = arith.constant 0 : i32
      %dma_wait3A_331 = arith.constant 0 : i32
      %dma_wait3A_332 = arith.constant 0 : i32
      %dma_wait3A_333 = arith.constant 0 : i32
      %dma_wait3A_334 = tpu.memref_slice %arg7[%dma_wait3A_331, %dma_wait3A_332, %dma_wait3A_333] : memref<8x128x16xf32, #tpu.memory_space<vmem>> -> memref<1x128x16xf32, #tpu.memory_space<vmem>>
      %dma_wait3A_335 = tpu.memref_squeeze %dma_wait3A_334 : memref<1x128x16xf32, #tpu.memory_space<vmem>> -> memref<128x16xf32, #tpu.memory_space<vmem>>
      %dma_wait3A_336 = arith.constant 0 : i32
      %dma_wait3A_337 = tpu.memref_slice %arg5[%dma_wait3A_330, %dma_wait3A_336] : memref<164x128xi32, #tpu.memory_space<vmem>> -> memref<1x128xi32, #tpu.memory_space<vmem>>
      %dma_wait3A_338 = tpu.memref_squeeze %dma_wait3A_337 : memref<1x128xi32, #tpu.memory_space<vmem>> -> memref<128xi32, #tpu.memory_space<vmem>>
      %dma_wait3A_339 = arith.constant 0 : i32
      %dma_wait3A_340 = arith.constant 0 : i32
      %dma_wait3A_341 = tpu.memref_slice %arg10[%dma_wait3A_339, %dma_wait3A_340] : memref<10000x16xf32, #tpu.memory_space<vmem_shared>> -> memref<10000x16xf32, #tpu.memory_space<vmem_shared>>
      tpu.wait_indirect_dma semaphore(%arg11 : memref<!tpu.dma_semaphore, #tpu.memory_space<semaphore_mem>>) src(%dma_wait3A_341 : memref<10000x16xf32, #tpu.memory_space<vmem_shared>>) dst(%dma_wait3A_335 : memref<128x16xf32, #tpu.memory_space<vmem>>)
      %dma_wait3A_342 = arith.constant 0 : i32
      %dma_wait3A_343 = arith.constant 1 : i32
      %dma_wait3A_344 = arith.constant 0 : i32
      %dma_wait3A_345 = arith.constant 0 : i32
      %dma_wait3A_346 = tpu.memref_slice %arg7[%dma_wait3A_343, %dma_wait3A_344, %dma_wait3A_345] : memref<8x128x16xf32, #tpu.memory_space<vmem>> -> memref<1x128x16xf32, #tpu.memory_space<vmem>>
      %dma_wait3A_347 = tpu.memref_squeeze %dma_wait3A_346 : memref<1x128x16xf32, #tpu.memory_space<vmem>> -> memref<128x16xf32, #tpu.memory_space<vmem>>
      %dma_wait3A_348 = arith.constant 0 : i32
      %dma_wait3A_349 = tpu.memref_slice %arg5[%dma_wait3A_342, %dma_wait3A_348] : memref<164x128xi32, #tpu.memory_space<vmem>> -> memref<1x128xi32, #tpu.memory_space<vmem>>
      %dma_wait3A_350 = tpu.memref_squeeze %dma_wait3A_349 : memref<1x128xi32, #tpu.memory_space<vmem>> -> memref<128xi32, #tpu.memory_space<vmem>>
      %dma_wait3A_351 = arith.constant 0 : i32
      %dma_wait3A_352 = arith.constant 0 : i32
      %dma_wait3A_353 = tpu.memref_slice %arg10[%dma_wait3A_351, %dma_wait3A_352] : memref<10000x16xf32, #tpu.memory_space<vmem_shared>> -> memref<10000x16xf32, #tpu.memory_space<vmem_shared>>
      tpu.wait_indirect_dma semaphore(%arg11 : memref<!tpu.dma_semaphore, #tpu.memory_space<semaphore_mem>>) src(%dma_wait3A_353 : memref<10000x16xf32, #tpu.memory_space<vmem_shared>>) dst(%dma_wait3A_347 : memref<128x16xf32, #tpu.memory_space<vmem>>)
      %dma_wait3A_354 = arith.constant 0 : i32
      %dma_wait3A_355 = arith.constant 2 : i32
      %dma_wait3A_356 = arith.constant 0 : i32
      %dma_wait3A_357 = arith.constant 0 : i32
      %dma_wait3A_358 = tpu.memref_slice %arg7[%dma_wait3A_355, %dma_wait3A_356, %dma_wait3A_357] : memref<8x128x16xf32, #tpu.memory_space<vmem>> -> memref<1x128x16xf32, #tpu.memory_space<vmem>>
      %dma_wait3A_359 = tpu.memref_squeeze %dma_wait3A_358 : memref<1x128x16xf32, #tpu.memory_space<vmem>> -> memref<128x16xf32, #tpu.memory_space<vmem>>
      %dma_wait3A_360 = arith.constant 0 : i32
      %dma_wait3A_361 = tpu.memref_slice %arg5[%dma_wait3A_354, %dma_wait3A_360] : memref<164x128xi32, #tpu.memory_space<vmem>> -> memref<1x128xi32, #tpu.memory_space<vmem>>
      %dma_wait3A_362 = tpu.memref_squeeze %dma_wait3A_361 : memref<1x128xi32, #tpu.memory_space<vmem>> -> memref<128xi32, #tpu.memory_space<vmem>>
      %dma_wait3A_363 = arith.constant 0 : i32
      %dma_wait3A_364 = arith.constant 0 : i32
      %dma_wait3A_365 = tpu.memref_slice %arg10[%dma_wait3A_363, %dma_wait3A_364] : memref<10000x16xf32, #tpu.memory_space<vmem_shared>> -> memref<10000x16xf32, #tpu.memory_space<vmem_shared>>
      tpu.wait_indirect_dma semaphore(%arg11 : memref<!tpu.dma_semaphore, #tpu.memory_space<semaphore_mem>>) src(%dma_wait3A_365 : memref<10000x16xf32, #tpu.memory_space<vmem_shared>>) dst(%dma_wait3A_359 : memref<128x16xf32, #tpu.memory_space<vmem>>)
      %dma_wait3A_366 = arith.constant 0 : i32
      %dma_wait3A_367 = arith.constant 3 : i32
      %dma_wait3A_368 = arith.constant 0 : i32
      %dma_wait3A_369 = arith.constant 0 : i32
      %dma_wait3A_370 = tpu.memref_slice %arg7[%dma_wait3A_367, %dma_wait3A_368, %dma_wait3A_369] : memref<8x128x16xf32, #tpu.memory_space<vmem>> -> memref<1x128x16xf32, #tpu.memory_space<vmem>>
      %dma_wait3A_371 = tpu.memref_squeeze %dma_wait3A_370 : memref<1x128x16xf32, #tpu.memory_space<vmem>> -> memref<128x16xf32, #tpu.memory_space<vmem>>
      %dma_wait3A_372 = arith.constant 0 : i32
      %dma_wait3A_373 = tpu.memref_slice %arg5[%dma_wait3A_366, %dma_wait3A_372] : memref<164x128xi32, #tpu.memory_space<vmem>> -> memref<1x128xi32, #tpu.memory_space<vmem>>
      %dma_wait3A_374 = tpu.memref_squeeze %dma_wait3A_373 : memref<1x128xi32, #tpu.memory_space<vmem>> -> memref<128xi32, #tpu.memory_space<vmem>>
      %dma_wait3A_375 = arith.constant 0 : i32
      %dma_wait3A_376 = arith.constant 0 : i32
      %dma_wait3A_377 = tpu.memref_slice %arg10[%dma_wait3A_375, %dma_wait3A_376] : memref<10000x16xf32, #tpu.memory_space<vmem_shared>> -> memref<10000x16xf32, #tpu.memory_space<vmem_shared>>
      tpu.wait_indirect_dma semaphore(%arg11 : memref<!tpu.dma_semaphore, #tpu.memory_space<semaphore_mem>>) src(%dma_wait3A_377 : memref<10000x16xf32, #tpu.memory_space<vmem_shared>>) dst(%dma_wait3A_371 : memref<128x16xf32, #tpu.memory_space<vmem>>)
      %mul3A_378 = arith.constant 4 : i32
      %mul3A_379 = arith.muli %mul3A_267, %mul3A_378 : i32
      %add3A_380 = arith.constant 0 : i32
      %add3A_381 = arith.addi %mul3A_379, %add3A_380 : i32
      %dma_start3A_382 = arith.constant 0 : i32
      %dma_start3A_383 = arith.constant 0 : i32
      %dma_start3A_384 = arith.constant 0 : i32
      %dma_start3A_385 = tpu.memref_slice %arg7[%dma_start3A_382, %dma_start3A_383, %dma_start3A_384] : memref<8x128x16xf32, #tpu.memory_space<vmem>> -> memref<1x128x16xf32, #tpu.memory_space<vmem>>
      %dma_start3A_386 = tpu.memref_squeeze %dma_start3A_385 : memref<1x128x16xf32, #tpu.memory_space<vmem>> -> memref<128x16xf32, #tpu.memory_space<vmem>>
      %dma_start3A_387 = arith.constant 0 : i32
      %dma_start3A_388 = tpu.memref_slice %arg6[%add3A_381, %dma_start3A_387] : memref<164x128xi32, #tpu.memory_space<vmem>> -> memref<1x128xi32, #tpu.memory_space<vmem>>
      %dma_start3A_389 = tpu.memref_squeeze %dma_start3A_388 : memref<1x128xi32, #tpu.memory_space<vmem>> -> memref<128xi32, #tpu.memory_space<vmem>>
      %dma_start3A_390 = arith.constant 0 : i32
      %dma_start3A_391 = arith.constant 0 : i32
      %dma_start3A_392 = tpu.memref_slice %arg9[%dma_start3A_390, %dma_start3A_391] : memref<10000x16xf32, #tpu.memory_space<vmem_shared>> -> memref<10000x16xf32, #tpu.memory_space<vmem_shared>>
      tpu.enqueue_indirect_dma source(%dma_start3A_386 : memref<128x16xf32, #tpu.memory_space<vmem>>) target(%dma_start3A_392 : memref<10000x16xf32, #tpu.memory_space<vmem_shared>>) offsets(%dma_start3A_389 : memref<128xi32, #tpu.memory_space<vmem>>) semaphore(%arg13 : memref<!tpu.dma_semaphore, #tpu.memory_space<semaphore_mem>>) {add = true}
      %mul3A_393 = arith.constant 4 : i32
      %mul3A_394 = arith.muli %mul3A_267, %mul3A_393 : i32
      %add3A_395 = arith.constant 1 : i32
      %add3A_396 = arith.addi %mul3A_394, %add3A_395 : i32
      %dma_start3A_397 = arith.constant 1 : i32
      %dma_start3A_398 = arith.constant 0 : i32
      %dma_start3A_399 = arith.constant 0 : i32
      %dma_start3A_400 = tpu.memref_slice %arg7[%dma_start3A_397, %dma_start3A_398, %dma_start3A_399] : memref<8x128x16xf32, #tpu.memory_space<vmem>> -> memref<1x128x16xf32, #tpu.memory_space<vmem>>
      %dma_start3A_401 = tpu.memref_squeeze %dma_start3A_400 : memref<1x128x16xf32, #tpu.memory_space<vmem>> -> memref<128x16xf32, #tpu.memory_space<vmem>>
      %dma_start3A_402 = arith.constant 0 : i32
      %dma_start3A_403 = tpu.memref_slice %arg6[%add3A_396, %dma_start3A_402] : memref<164x128xi32, #tpu.memory_space<vmem>> -> memref<1x128xi32, #tpu.memory_space<vmem>>
      %dma_start3A_404 = tpu.memref_squeeze %dma_start3A_403 : memref<1x128xi32, #tpu.memory_space<vmem>> -> memref<128xi32, #tpu.memory_space<vmem>>
      %dma_start3A_405 = arith.constant 0 : i32
      %dma_start3A_406 = arith.constant 0 : i32
      %dma_start3A_407 = tpu.memref_slice %arg9[%dma_start3A_405, %dma_start3A_406] : memref<10000x16xf32, #tpu.memory_space<vmem_shared>> -> memref<10000x16xf32, #tpu.memory_space<vmem_shared>>
      tpu.enqueue_indirect_dma source(%dma_start3A_401 : memref<128x16xf32, #tpu.memory_space<vmem>>) target(%dma_start3A_407 : memref<10000x16xf32, #tpu.memory_space<vmem_shared>>) offsets(%dma_start3A_404 : memref<128xi32, #tpu.memory_space<vmem>>) semaphore(%arg13 : memref<!tpu.dma_semaphore, #tpu.memory_space<semaphore_mem>>) {add = true}
      %mul3A_408 = arith.constant 4 : i32
      %mul3A_409 = arith.muli %mul3A_267, %mul3A_408 : i32
      %add3A_410 = arith.constant 2 : i32
      %add3A_411 = arith.addi %mul3A_409, %add3A_410 : i32
      %dma_start3A_412 = arith.constant 2 : i32
      %dma_start3A_413 = arith.constant 0 : i32
      %dma_start3A_414 = arith.constant 0 : i32
      %dma_start3A_415 = tpu.memref_slice %arg7[%dma_start3A_412, %dma_start3A_413, %dma_start3A_414] : memref<8x128x16xf32, #tpu.memory_space<vmem>> -> memref<1x128x16xf32, #tpu.memory_space<vmem>>
      %dma_start3A_416 = tpu.memref_squeeze %dma_start3A_415 : memref<1x128x16xf32, #tpu.memory_space<vmem>> -> memref<128x16xf32, #tpu.memory_space<vmem>>
      %dma_start3A_417 = arith.constant 0 : i32
      %dma_start3A_418 = tpu.memref_slice %arg6[%add3A_411, %dma_start3A_417] : memref<164x128xi32, #tpu.memory_space<vmem>> -> memref<1x128xi32, #tpu.memory_space<vmem>>
      %dma_start3A_419 = tpu.memref_squeeze %dma_start3A_418 : memref<1x128xi32, #tpu.memory_space<vmem>> -> memref<128xi32, #tpu.memory_space<vmem>>
      %dma_start3A_420 = arith.constant 0 : i32
      %dma_start3A_421 = arith.constant 0 : i32
      %dma_start3A_422 = tpu.memref_slice %arg9[%dma_start3A_420, %dma_start3A_421] : memref<10000x16xf32, #tpu.memory_space<vmem_shared>> -> memref<10000x16xf32, #tpu.memory_space<vmem_shared>>
      tpu.enqueue_indirect_dma source(%dma_start3A_416 : memref<128x16xf32, #tpu.memory_space<vmem>>) target(%dma_start3A_422 : memref<10000x16xf32, #tpu.memory_space<vmem_shared>>) offsets(%dma_start3A_419 : memref<128xi32, #tpu.memory_space<vmem>>) semaphore(%arg13 : memref<!tpu.dma_semaphore, #tpu.memory_space<semaphore_mem>>) {add = true}
      %mul3A_423 = arith.constant 4 : i32
      %mul3A_424 = arith.muli %mul3A_267, %mul3A_423 : i32
      %add3A_425 = arith.constant 3 : i32
      %add3A_426 = arith.addi %mul3A_424, %add3A_425 : i32
      %dma_start3A_427 = arith.constant 3 : i32
      %dma_start3A_428 = arith.constant 0 : i32
      %dma_start3A_429 = arith.constant 0 : i32
      %dma_start3A_430 = tpu.memref_slice %arg7[%dma_start3A_427, %dma_start3A_428, %dma_start3A_429] : memref<8x128x16xf32, #tpu.memory_space<vmem>> -> memref<1x128x16xf32, #tpu.memory_space<vmem>>
      %dma_start3A_431 = tpu.memref_squeeze %dma_start3A_430 : memref<1x128x16xf32, #tpu.memory_space<vmem>> -> memref<128x16xf32, #tpu.memory_space<vmem>>
      %dma_start3A_432 = arith.constant 0 : i32
      %dma_start3A_433 = tpu.memref_slice %arg6[%add3A_426, %dma_start3A_432] : memref<164x128xi32, #tpu.memory_space<vmem>> -> memref<1x128xi32, #tpu.memory_space<vmem>>
      %dma_start3A_434 = tpu.memref_squeeze %dma_start3A_433 : memref<1x128xi32, #tpu.memory_space<vmem>> -> memref<128xi32, #tpu.memory_space<vmem>>
      %dma_start3A_435 = arith.constant 0 : i32
      %dma_start3A_436 = arith.constant 0 : i32
      %dma_start3A_437 = tpu.memref_slice %arg9[%dma_start3A_435, %dma_start3A_436] : memref<10000x16xf32, #tpu.memory_space<vmem_shared>> -> memref<10000x16xf32, #tpu.memory_space<vmem_shared>>
      tpu.enqueue_indirect_dma source(%dma_start3A_431 : memref<128x16xf32, #tpu.memory_space<vmem>>) target(%dma_start3A_437 : memref<10000x16xf32, #tpu.memory_space<vmem_shared>>) offsets(%dma_start3A_434 : memref<128xi32, #tpu.memory_space<vmem>>) semaphore(%arg13 : memref<!tpu.dma_semaphore, #tpu.memory_space<semaphore_mem>>) {add = true}
      %gt3A = arith.constant 0 : i32
      %gt3A_438 = arith.cmpi sgt, %while3A_264, %gt3A : i32
      %convert_element_type3A_439 = arith.extui %gt3A_438 : i1 to i32
      %cond3A_440 = arith.constant 0 : i32
      %cond3A_441 = arith.cmpi ne, %convert_element_type3A_439, %cond3A_440 : i32
      scf.if %cond3A_441 {
        %dma_wait3A_603 = arith.constant 4 : i32
        %dma_wait3A_604 = arith.constant 0 : i32
        %dma_wait3A_605 = arith.constant 0 : i32
        %dma_wait3A_606 = arith.constant 0 : i32
        %dma_wait3A_607 = tpu.memref_slice %arg7[%dma_wait3A_603, %dma_wait3A_605, %dma_wait3A_606] : memref<8x128x16xf32, #tpu.memory_space<vmem>> -> memref<1x128x16xf32, #tpu.memory_space<vmem>>
        %dma_wait3A_608 = tpu.memref_squeeze %dma_wait3A_607 : memref<1x128x16xf32, #tpu.memory_space<vmem>> -> memref<128x16xf32, #tpu.memory_space<vmem>>
        %dma_wait3A_609 = arith.constant 0 : i32
        %dma_wait3A_610 = tpu.memref_slice %arg6[%dma_wait3A_604, %dma_wait3A_609] : memref<164x128xi32, #tpu.memory_space<vmem>> -> memref<1x128xi32, #tpu.memory_space<vmem>>
        %dma_wait3A_611 = tpu.memref_squeeze %dma_wait3A_610 : memref<1x128xi32, #tpu.memory_space<vmem>> -> memref<128xi32, #tpu.memory_space<vmem>>
        %dma_wait3A_612 = arith.constant 0 : i32
        %dma_wait3A_613 = arith.constant 0 : i32
        %dma_wait3A_614 = tpu.memref_slice %arg9[%dma_wait3A_612, %dma_wait3A_613] : memref<10000x16xf32, #tpu.memory_space<vmem_shared>> -> memref<10000x16xf32, #tpu.memory_space<vmem_shared>>
        tpu.wait_indirect_dma semaphore(%arg14 : memref<!tpu.dma_semaphore, #tpu.memory_space<semaphore_mem>>) src(%dma_wait3A_608 : memref<128x16xf32, #tpu.memory_space<vmem>>) dst(%dma_wait3A_614 : memref<10000x16xf32, #tpu.memory_space<vmem_shared>>)
        %dma_wait3A_615 = arith.constant 5 : i32
        %dma_wait3A_616 = arith.constant 0 : i32
        %dma_wait3A_617 = arith.constant 0 : i32
        %dma_wait3A_618 = arith.constant 0 : i32
        %dma_wait3A_619 = tpu.memref_slice %arg7[%dma_wait3A_615, %dma_wait3A_617, %dma_wait3A_618] : memref<8x128x16xf32, #tpu.memory_space<vmem>> -> memref<1x128x16xf32, #tpu.memory_space<vmem>>
        %dma_wait3A_620 = tpu.memref_squeeze %dma_wait3A_619 : memref<1x128x16xf32, #tpu.memory_space<vmem>> -> memref<128x16xf32, #tpu.memory_space<vmem>>
        %dma_wait3A_621 = arith.constant 0 : i32
        %dma_wait3A_622 = tpu.memref_slice %arg6[%dma_wait3A_616, %dma_wait3A_621] : memref<164x128xi32, #tpu.memory_space<vmem>> -> memref<1x128xi32, #tpu.memory_space<vmem>>
        %dma_wait3A_623 = tpu.memref_squeeze %dma_wait3A_622 : memref<1x128xi32, #tpu.memory_space<vmem>> -> memref<128xi32, #tpu.memory_space<vmem>>
        %dma_wait3A_624 = arith.constant 0 : i32
        %dma_wait3A_625 = arith.constant 0 : i32
        %dma_wait3A_626 = tpu.memref_slice %arg9[%dma_wait3A_624, %dma_wait3A_625] : memref<10000x16xf32, #tpu.memory_space<vmem_shared>> -> memref<10000x16xf32, #tpu.memory_space<vmem_shared>>
        tpu.wait_indirect_dma semaphore(%arg14 : memref<!tpu.dma_semaphore, #tpu.memory_space<semaphore_mem>>) src(%dma_wait3A_620 : memref<128x16xf32, #tpu.memory_space<vmem>>) dst(%dma_wait3A_626 : memref<10000x16xf32, #tpu.memory_space<vmem_shared>>)
        %dma_wait3A_627 = arith.constant 6 : i32
        %dma_wait3A_628 = arith.constant 0 : i32
        %dma_wait3A_629 = arith.constant 0 : i32
        %dma_wait3A_630 = arith.constant 0 : i32
        %dma_wait3A_631 = tpu.memref_slice %arg7[%dma_wait3A_627, %dma_wait3A_629, %dma_wait3A_630] : memref<8x128x16xf32, #tpu.memory_space<vmem>> -> memref<1x128x16xf32, #tpu.memory_space<vmem>>
        %dma_wait3A_632 = tpu.memref_squeeze %dma_wait3A_631 : memref<1x128x16xf32, #tpu.memory_space<vmem>> -> memref<128x16xf32, #tpu.memory_space<vmem>>
        %dma_wait3A_633 = arith.constant 0 : i32
        %dma_wait3A_634 = tpu.memref_slice %arg6[%dma_wait3A_628, %dma_wait3A_633] : memref<164x128xi32, #tpu.memory_space<vmem>> -> memref<1x128xi32, #tpu.memory_space<vmem>>
        %dma_wait3A_635 = tpu.memref_squeeze %dma_wait3A_634 : memref<1x128xi32, #tpu.memory_space<vmem>> -> memref<128xi32, #tpu.memory_space<vmem>>
        %dma_wait3A_636 = arith.constant 0 : i32
        %dma_wait3A_637 = arith.constant 0 : i32
        %dma_wait3A_638 = tpu.memref_slice %arg9[%dma_wait3A_636, %dma_wait3A_637] : memref<10000x16xf32, #tpu.memory_space<vmem_shared>> -> memref<10000x16xf32, #tpu.memory_space<vmem_shared>>
        tpu.wait_indirect_dma semaphore(%arg14 : memref<!tpu.dma_semaphore, #tpu.memory_space<semaphore_mem>>) src(%dma_wait3A_632 : memref<128x16xf32, #tpu.memory_space<vmem>>) dst(%dma_wait3A_638 : memref<10000x16xf32, #tpu.memory_space<vmem_shared>>)
        %dma_wait3A_639 = arith.constant 7 : i32
        %dma_wait3A_640 = arith.constant 0 : i32
        %dma_wait3A_641 = arith.constant 0 : i32
        %dma_wait3A_642 = arith.constant 0 : i32
        %dma_wait3A_643 = tpu.memref_slice %arg7[%dma_wait3A_639, %dma_wait3A_641, %dma_wait3A_642] : memref<8x128x16xf32, #tpu.memory_space<vmem>> -> memref<1x128x16xf32, #tpu.memory_space<vmem>>
        %dma_wait3A_644 = tpu.memref_squeeze %dma_wait3A_643 : memref<1x128x16xf32, #tpu.memory_space<vmem>> -> memref<128x16xf32, #tpu.memory_space<vmem>>
        %dma_wait3A_645 = arith.constant 0 : i32
        %dma_wait3A_646 = tpu.memref_slice %arg6[%dma_wait3A_640, %dma_wait3A_645] : memref<164x128xi32, #tpu.memory_space<vmem>> -> memref<1x128xi32, #tpu.memory_space<vmem>>
        %dma_wait3A_647 = tpu.memref_squeeze %dma_wait3A_646 : memref<1x128xi32, #tpu.memory_space<vmem>> -> memref<128xi32, #tpu.memory_space<vmem>>
        %dma_wait3A_648 = arith.constant 0 : i32
        %dma_wait3A_649 = arith.constant 0 : i32
        %dma_wait3A_650 = tpu.memref_slice %arg9[%dma_wait3A_648, %dma_wait3A_649] : memref<10000x16xf32, #tpu.memory_space<vmem_shared>> -> memref<10000x16xf32, #tpu.memory_space<vmem_shared>>
        tpu.wait_indirect_dma semaphore(%arg14 : memref<!tpu.dma_semaphore, #tpu.memory_space<semaphore_mem>>) src(%dma_wait3A_644 : memref<128x16xf32, #tpu.memory_space<vmem>>) dst(%dma_wait3A_650 : memref<10000x16xf32, #tpu.memory_space<vmem_shared>>)
      } else {
      }
      %dma_wait3A_442 = arith.constant 0 : i32
      %dma_wait3A_443 = arith.constant 4 : i32
      %dma_wait3A_444 = arith.constant 0 : i32
      %dma_wait3A_445 = arith.constant 0 : i32
      %dma_wait3A_446 = tpu.memref_slice %arg7[%dma_wait3A_443, %dma_wait3A_444, %dma_wait3A_445] : memref<8x128x16xf32, #tpu.memory_space<vmem>> -> memref<1x128x16xf32, #tpu.memory_space<vmem>>
      %dma_wait3A_447 = tpu.memref_squeeze %dma_wait3A_446 : memref<1x128x16xf32, #tpu.memory_space<vmem>> -> memref<128x16xf32, #tpu.memory_space<vmem>>
      %dma_wait3A_448 = arith.constant 0 : i32
      %dma_wait3A_449 = tpu.memref_slice %arg5[%dma_wait3A_442, %dma_wait3A_448] : memref<164x128xi32, #tpu.memory_space<vmem>> -> memref<1x128xi32, #tpu.memory_space<vmem>>
      %dma_wait3A_450 = tpu.memref_squeeze %dma_wait3A_449 : memref<1x128xi32, #tpu.memory_space<vmem>> -> memref<128xi32, #tpu.memory_space<vmem>>
      %dma_wait3A_451 = arith.constant 0 : i32
      %dma_wait3A_452 = arith.constant 0 : i32
      %dma_wait3A_453 = tpu.memref_slice %arg10[%dma_wait3A_451, %dma_wait3A_452] : memref<10000x16xf32, #tpu.memory_space<vmem_shared>> -> memref<10000x16xf32, #tpu.memory_space<vmem_shared>>
      tpu.wait_indirect_dma semaphore(%arg12 : memref<!tpu.dma_semaphore, #tpu.memory_space<semaphore_mem>>) src(%dma_wait3A_453 : memref<10000x16xf32, #tpu.memory_space<vmem_shared>>) dst(%dma_wait3A_447 : memref<128x16xf32, #tpu.memory_space<vmem>>)
      %dma_wait3A_454 = arith.constant 0 : i32
      %dma_wait3A_455 = arith.constant 5 : i32
      %dma_wait3A_456 = arith.constant 0 : i32
      %dma_wait3A_457 = arith.constant 0 : i32
      %dma_wait3A_458 = tpu.memref_slice %arg7[%dma_wait3A_455, %dma_wait3A_456, %dma_wait3A_457] : memref<8x128x16xf32, #tpu.memory_space<vmem>> -> memref<1x128x16xf32, #tpu.memory_space<vmem>>
      %dma_wait3A_459 = tpu.memref_squeeze %dma_wait3A_458 : memref<1x128x16xf32, #tpu.memory_space<vmem>> -> memref<128x16xf32, #tpu.memory_space<vmem>>
      %dma_wait3A_460 = arith.constant 0 : i32
      %dma_wait3A_461 = tpu.memref_slice %arg5[%dma_wait3A_454, %dma_wait3A_460] : memref<164x128xi32, #tpu.memory_space<vmem>> -> memref<1x128xi32, #tpu.memory_space<vmem>>
      %dma_wait3A_462 = tpu.memref_squeeze %dma_wait3A_461 : memref<1x128xi32, #tpu.memory_space<vmem>> -> memref<128xi32, #tpu.memory_space<vmem>>
      %dma_wait3A_463 = arith.constant 0 : i32
      %dma_wait3A_464 = arith.constant 0 : i32
      %dma_wait3A_465 = tpu.memref_slice %arg10[%dma_wait3A_463, %dma_wait3A_464] : memref<10000x16xf32, #tpu.memory_space<vmem_shared>> -> memref<10000x16xf32, #tpu.memory_space<vmem_shared>>
      tpu.wait_indirect_dma semaphore(%arg12 : memref<!tpu.dma_semaphore, #tpu.memory_space<semaphore_mem>>) src(%dma_wait3A_465 : memref<10000x16xf32, #tpu.memory_space<vmem_shared>>) dst(%dma_wait3A_459 : memref<128x16xf32, #tpu.memory_space<vmem>>)
      %dma_wait3A_466 = arith.constant 0 : i32
      %dma_wait3A_467 = arith.constant 6 : i32
      %dma_wait3A_468 = arith.constant 0 : i32
      %dma_wait3A_469 = arith.constant 0 : i32
      %dma_wait3A_470 = tpu.memref_slice %arg7[%dma_wait3A_467, %dma_wait3A_468, %dma_wait3A_469] : memref<8x128x16xf32, #tpu.memory_space<vmem>> -> memref<1x128x16xf32, #tpu.memory_space<vmem>>
      %dma_wait3A_471 = tpu.memref_squeeze %dma_wait3A_470 : memref<1x128x16xf32, #tpu.memory_space<vmem>> -> memref<128x16xf32, #tpu.memory_space<vmem>>
      %dma_wait3A_472 = arith.constant 0 : i32
      %dma_wait3A_473 = tpu.memref_slice %arg5[%dma_wait3A_466, %dma_wait3A_472] : memref<164x128xi32, #tpu.memory_space<vmem>> -> memref<1x128xi32, #tpu.memory_space<vmem>>
      %dma_wait3A_474 = tpu.memref_squeeze %dma_wait3A_473 : memref<1x128xi32, #tpu.memory_space<vmem>> -> memref<128xi32, #tpu.memory_space<vmem>>
      %dma_wait3A_475 = arith.constant 0 : i32
      %dma_wait3A_476 = arith.constant 0 : i32
      %dma_wait3A_477 = tpu.memref_slice %arg10[%dma_wait3A_475, %dma_wait3A_476] : memref<10000x16xf32, #tpu.memory_space<vmem_shared>> -> memref<10000x16xf32, #tpu.memory_space<vmem_shared>>
      tpu.wait_indirect_dma semaphore(%arg12 : memref<!tpu.dma_semaphore, #tpu.memory_space<semaphore_mem>>) src(%dma_wait3A_477 : memref<10000x16xf32, #tpu.memory_space<vmem_shared>>) dst(%dma_wait3A_471 : memref<128x16xf32, #tpu.memory_space<vmem>>)
      %dma_wait3A_478 = arith.constant 0 : i32
      %dma_wait3A_479 = arith.constant 7 : i32
      %dma_wait3A_480 = arith.constant 0 : i32
      %dma_wait3A_481 = arith.constant 0 : i32
      %dma_wait3A_482 = tpu.memref_slice %arg7[%dma_wait3A_479, %dma_wait3A_480, %dma_wait3A_481] : memref<8x128x16xf32, #tpu.memory_space<vmem>> -> memref<1x128x16xf32, #tpu.memory_space<vmem>>
      %dma_wait3A_483 = tpu.memref_squeeze %dma_wait3A_482 : memref<1x128x16xf32, #tpu.memory_space<vmem>> -> memref<128x16xf32, #tpu.memory_space<vmem>>
      %dma_wait3A_484 = arith.constant 0 : i32
      %dma_wait3A_485 = tpu.memref_slice %arg5[%dma_wait3A_478, %dma_wait3A_484] : memref<164x128xi32, #tpu.memory_space<vmem>> -> memref<1x128xi32, #tpu.memory_space<vmem>>
      %dma_wait3A_486 = tpu.memref_squeeze %dma_wait3A_485 : memref<1x128xi32, #tpu.memory_space<vmem>> -> memref<128xi32, #tpu.memory_space<vmem>>
      %dma_wait3A_487 = arith.constant 0 : i32
      %dma_wait3A_488 = arith.constant 0 : i32
      %dma_wait3A_489 = tpu.memref_slice %arg10[%dma_wait3A_487, %dma_wait3A_488] : memref<10000x16xf32, #tpu.memory_space<vmem_shared>> -> memref<10000x16xf32, #tpu.memory_space<vmem_shared>>
      tpu.wait_indirect_dma semaphore(%arg12 : memref<!tpu.dma_semaphore, #tpu.memory_space<semaphore_mem>>) src(%dma_wait3A_489 : memref<10000x16xf32, #tpu.memory_space<vmem_shared>>) dst(%dma_wait3A_483 : memref<128x16xf32, #tpu.memory_space<vmem>>)
      %mul3A_490 = arith.constant 4 : i32
      %mul3A_491 = arith.muli %add3A_269, %mul3A_490 : i32
      %add3A_492 = arith.constant 0 : i32
      %add3A_493 = arith.addi %mul3A_491, %add3A_492 : i32
      %dma_start3A_494 = arith.constant 4 : i32
      %dma_start3A_495 = arith.constant 0 : i32
      %dma_start3A_496 = arith.constant 0 : i32
      %dma_start3A_497 = tpu.memref_slice %arg7[%dma_start3A_494, %dma_start3A_495, %dma_start3A_496] : memref<8x128x16xf32, #tpu.memory_space<vmem>> -> memref<1x128x16xf32, #tpu.memory_space<vmem>>
      %dma_start3A_498 = tpu.memref_squeeze %dma_start3A_497 : memref<1x128x16xf32, #tpu.memory_space<vmem>> -> memref<128x16xf32, #tpu.memory_space<vmem>>
      %dma_start3A_499 = arith.constant 0 : i32
      %dma_start3A_500 = tpu.memref_slice %arg6[%add3A_493, %dma_start3A_499] : memref<164x128xi32, #tpu.memory_space<vmem>> -> memref<1x128xi32, #tpu.memory_space<vmem>>
      %dma_start3A_501 = tpu.memref_squeeze %dma_start3A_500 : memref<1x128xi32, #tpu.memory_space<vmem>> -> memref<128xi32, #tpu.memory_space<vmem>>
      %dma_start3A_502 = arith.constant 0 : i32
      %dma_start3A_503 = arith.constant 0 : i32
      %dma_start3A_504 = tpu.memref_slice %arg9[%dma_start3A_502, %dma_start3A_503] : memref<10000x16xf32, #tpu.memory_space<vmem_shared>> -> memref<10000x16xf32, #tpu.memory_space<vmem_shared>>
      tpu.enqueue_indirect_dma source(%dma_start3A_498 : memref<128x16xf32, #tpu.memory_space<vmem>>) target(%dma_start3A_504 : memref<10000x16xf32, #tpu.memory_space<vmem_shared>>) offsets(%dma_start3A_501 : memref<128xi32, #tpu.memory_space<vmem>>) semaphore(%arg14 : memref<!tpu.dma_semaphore, #tpu.memory_space<semaphore_mem>>) {add = true}
      %mul3A_505 = arith.constant 4 : i32
      %mul3A_506 = arith.muli %add3A_269, %mul3A_505 : i32
      %add3A_507 = arith.constant 1 : i32
      %add3A_508 = arith.addi %mul3A_506, %add3A_507 : i32
      %dma_start3A_509 = arith.constant 5 : i32
      %dma_start3A_510 = arith.constant 0 : i32
      %dma_start3A_511 = arith.constant 0 : i32
      %dma_start3A_512 = tpu.memref_slice %arg7[%dma_start3A_509, %dma_start3A_510, %dma_start3A_511] : memref<8x128x16xf32, #tpu.memory_space<vmem>> -> memref<1x128x16xf32, #tpu.memory_space<vmem>>
      %dma_start3A_513 = tpu.memref_squeeze %dma_start3A_512 : memref<1x128x16xf32, #tpu.memory_space<vmem>> -> memref<128x16xf32, #tpu.memory_space<vmem>>
      %dma_start3A_514 = arith.constant 0 : i32
      %dma_start3A_515 = tpu.memref_slice %arg6[%add3A_508, %dma_start3A_514] : memref<164x128xi32, #tpu.memory_space<vmem>> -> memref<1x128xi32, #tpu.memory_space<vmem>>
      %dma_start3A_516 = tpu.memref_squeeze %dma_start3A_515 : memref<1x128xi32, #tpu.memory_space<vmem>> -> memref<128xi32, #tpu.memory_space<vmem>>
      %dma_start3A_517 = arith.constant 0 : i32
      %dma_start3A_518 = arith.constant 0 : i32
      %dma_start3A_519 = tpu.memref_slice %arg9[%dma_start3A_517, %dma_start3A_518] : memref<10000x16xf32, #tpu.memory_space<vmem_shared>> -> memref<10000x16xf32, #tpu.memory_space<vmem_shared>>
      tpu.enqueue_indirect_dma source(%dma_start3A_513 : memref<128x16xf32, #tpu.memory_space<vmem>>) target(%dma_start3A_519 : memref<10000x16xf32, #tpu.memory_space<vmem_shared>>) offsets(%dma_start3A_516 : memref<128xi32, #tpu.memory_space<vmem>>) semaphore(%arg14 : memref<!tpu.dma_semaphore, #tpu.memory_space<semaphore_mem>>) {add = true}
      %mul3A_520 = arith.constant 4 : i32
      %mul3A_521 = arith.muli %add3A_269, %mul3A_520 : i32
      %add3A_522 = arith.constant 2 : i32
      %add3A_523 = arith.addi %mul3A_521, %add3A_522 : i32
      %dma_start3A_524 = arith.constant 6 : i32
      %dma_start3A_525 = arith.constant 0 : i32
      %dma_start3A_526 = arith.constant 0 : i32
      %dma_start3A_527 = tpu.memref_slice %arg7[%dma_start3A_524, %dma_start3A_525, %dma_start3A_526] : memref<8x128x16xf32, #tpu.memory_space<vmem>> -> memref<1x128x16xf32, #tpu.memory_space<vmem>>
      %dma_start3A_528 = tpu.memref_squeeze %dma_start3A_527 : memref<1x128x16xf32, #tpu.memory_space<vmem>> -> memref<128x16xf32, #tpu.memory_space<vmem>>
      %dma_start3A_529 = arith.constant 0 : i32
      %dma_start3A_530 = tpu.memref_slice %arg6[%add3A_523, %dma_start3A_529] : memref<164x128xi32, #tpu.memory_space<vmem>> -> memref<1x128xi32, #tpu.memory_space<vmem>>
      %dma_start3A_531 = tpu.memref_squeeze %dma_start3A_530 : memref<1x128xi32, #tpu.memory_space<vmem>> -> memref<128xi32, #tpu.memory_space<vmem>>
      %dma_start3A_532 = arith.constant 0 : i32
      %dma_start3A_533 = arith.constant 0 : i32
      %dma_start3A_534 = tpu.memref_slice %arg9[%dma_start3A_532, %dma_start3A_533] : memref<10000x16xf32, #tpu.memory_space<vmem_shared>> -> memref<10000x16xf32, #tpu.memory_space<vmem_shared>>
      tpu.enqueue_indirect_dma source(%dma_start3A_528 : memref<128x16xf32, #tpu.memory_space<vmem>>) target(%dma_start3A_534 : memref<10000x16xf32, #tpu.memory_space<vmem_shared>>) offsets(%dma_start3A_531 : memref<128xi32, #tpu.memory_space<vmem>>) semaphore(%arg14 : memref<!tpu.dma_semaphore, #tpu.memory_space<semaphore_mem>>) {add = true}
      %mul3A_535 = arith.constant 4 : i32
      %mul3A_536 = arith.muli %add3A_269, %mul3A_535 : i32
      %add3A_537 = arith.constant 3 : i32
      %add3A_538 = arith.addi %mul3A_536, %add3A_537 : i32
      %dma_start3A_539 = arith.constant 7 : i32
      %dma_start3A_540 = arith.constant 0 : i32
      %dma_start3A_541 = arith.constant 0 : i32
      %dma_start3A_542 = tpu.memref_slice %arg7[%dma_start3A_539, %dma_start3A_540, %dma_start3A_541] : memref<8x128x16xf32, #tpu.memory_space<vmem>> -> memref<1x128x16xf32, #tpu.memory_space<vmem>>
      %dma_start3A_543 = tpu.memref_squeeze %dma_start3A_542 : memref<1x128x16xf32, #tpu.memory_space<vmem>> -> memref<128x16xf32, #tpu.memory_space<vmem>>
      %dma_start3A_544 = arith.constant 0 : i32
      %dma_start3A_545 = tpu.memref_slice %arg6[%add3A_538, %dma_start3A_544] : memref<164x128xi32, #tpu.memory_space<vmem>> -> memref<1x128xi32, #tpu.memory_space<vmem>>
      %dma_start3A_546 = tpu.memref_squeeze %dma_start3A_545 : memref<1x128xi32, #tpu.memory_space<vmem>> -> memref<128xi32, #tpu.memory_space<vmem>>
      %dma_start3A_547 = arith.constant 0 : i32
      %dma_start3A_548 = arith.constant 0 : i32
      %dma_start3A_549 = tpu.memref_slice %arg9[%dma_start3A_547, %dma_start3A_548] : memref<10000x16xf32, #tpu.memory_space<vmem_shared>> -> memref<10000x16xf32, #tpu.memory_space<vmem_shared>>
      tpu.enqueue_indirect_dma source(%dma_start3A_543 : memref<128x16xf32, #tpu.memory_space<vmem>>) target(%dma_start3A_549 : memref<10000x16xf32, #tpu.memory_space<vmem_shared>>) offsets(%dma_start3A_546 : memref<128xi32, #tpu.memory_space<vmem>>) semaphore(%arg14 : memref<!tpu.dma_semaphore, #tpu.memory_space<semaphore_mem>>) {add = true}
      %dma_wait3A_550 = arith.constant 0 : i32
      %dma_wait3A_551 = arith.constant 0 : i32
      %dma_wait3A_552 = arith.constant 0 : i32
      %dma_wait3A_553 = arith.constant 0 : i32
      %dma_wait3A_554 = tpu.memref_slice %arg7[%dma_wait3A_550, %dma_wait3A_552, %dma_wait3A_553] : memref<8x128x16xf32, #tpu.memory_space<vmem>> -> memref<1x128x16xf32, #tpu.memory_space<vmem>>
      %dma_wait3A_555 = tpu.memref_squeeze %dma_wait3A_554 : memref<1x128x16xf32, #tpu.memory_space<vmem>> -> memref<128x16xf32, #tpu.memory_space<vmem>>
      %dma_wait3A_556 = arith.constant 0 : i32
      %dma_wait3A_557 = tpu.memref_slice %arg6[%dma_wait3A_551, %dma_wait3A_556] : memref<164x128xi32, #tpu.memory_space<vmem>> -> memref<1x128xi32, #tpu.memory_space<vmem>>
      %dma_wait3A_558 = tpu.memref_squeeze %dma_wait3A_557 : memref<1x128xi32, #tpu.memory_space<vmem>> -> memref<128xi32, #tpu.memory_space<vmem>>
      %dma_wait3A_559 = arith.constant 0 : i32
      %dma_wait3A_560 = arith.constant 0 : i32
      %dma_wait3A_561 = tpu.memref_slice %arg9[%dma_wait3A_559, %dma_wait3A_560] : memref<10000x16xf32, #tpu.memory_space<vmem_shared>> -> memref<10000x16xf32, #tpu.memory_space<vmem_shared>>
      tpu.wait_indirect_dma semaphore(%arg13 : memref<!tpu.dma_semaphore, #tpu.memory_space<semaphore_mem>>) src(%dma_wait3A_555 : memref<128x16xf32, #tpu.memory_space<vmem>>) dst(%dma_wait3A_561 : memref<10000x16xf32, #tpu.memory_space<vmem_shared>>)
      %dma_wait3A_562 = arith.constant 1 : i32
      %dma_wait3A_563 = arith.constant 0 : i32
      %dma_wait3A_564 = arith.constant 0 : i32
      %dma_wait3A_565 = arith.constant 0 : i32
      %dma_wait3A_566 = tpu.memref_slice %arg7[%dma_wait3A_562, %dma_wait3A_564, %dma_wait3A_565] : memref<8x128x16xf32, #tpu.memory_space<vmem>> -> memref<1x128x16xf32, #tpu.memory_space<vmem>>
      %dma_wait3A_567 = tpu.memref_squeeze %dma_wait3A_566 : memref<1x128x16xf32, #tpu.memory_space<vmem>> -> memref<128x16xf32, #tpu.memory_space<vmem>>
      %dma_wait3A_568 = arith.constant 0 : i32
      %dma_wait3A_569 = tpu.memref_slice %arg6[%dma_wait3A_563, %dma_wait3A_568] : memref<164x128xi32, #tpu.memory_space<vmem>> -> memref<1x128xi32, #tpu.memory_space<vmem>>
      %dma_wait3A_570 = tpu.memref_squeeze %dma_wait3A_569 : memref<1x128xi32, #tpu.memory_space<vmem>> -> memref<128xi32, #tpu.memory_space<vmem>>
      %dma_wait3A_571 = arith.constant 0 : i32
      %dma_wait3A_572 = arith.constant 0 : i32
      %dma_wait3A_573 = tpu.memref_slice %arg9[%dma_wait3A_571, %dma_wait3A_572] : memref<10000x16xf32, #tpu.memory_space<vmem_shared>> -> memref<10000x16xf32, #tpu.memory_space<vmem_shared>>
      tpu.wait_indirect_dma semaphore(%arg13 : memref<!tpu.dma_semaphore, #tpu.memory_space<semaphore_mem>>) src(%dma_wait3A_567 : memref<128x16xf32, #tpu.memory_space<vmem>>) dst(%dma_wait3A_573 : memref<10000x16xf32, #tpu.memory_space<vmem_shared>>)
      %dma_wait3A_574 = arith.constant 2 : i32
      %dma_wait3A_575 = arith.constant 0 : i32
      %dma_wait3A_576 = arith.constant 0 : i32
      %dma_wait3A_577 = arith.constant 0 : i32
      %dma_wait3A_578 = tpu.memref_slice %arg7[%dma_wait3A_574, %dma_wait3A_576, %dma_wait3A_577] : memref<8x128x16xf32, #tpu.memory_space<vmem>> -> memref<1x128x16xf32, #tpu.memory_space<vmem>>
      %dma_wait3A_579 = tpu.memref_squeeze %dma_wait3A_578 : memref<1x128x16xf32, #tpu.memory_space<vmem>> -> memref<128x16xf32, #tpu.memory_space<vmem>>
      %dma_wait3A_580 = arith.constant 0 : i32
      %dma_wait3A_581 = tpu.memref_slice %arg6[%dma_wait3A_575, %dma_wait3A_580] : memref<164x128xi32, #tpu.memory_space<vmem>> -> memref<1x128xi32, #tpu.memory_space<vmem>>
      %dma_wait3A_582 = tpu.memref_squeeze %dma_wait3A_581 : memref<1x128xi32, #tpu.memory_space<vmem>> -> memref<128xi32, #tpu.memory_space<vmem>>
      %dma_wait3A_583 = arith.constant 0 : i32
      %dma_wait3A_584 = arith.constant 0 : i32
      %dma_wait3A_585 = tpu.memref_slice %arg9[%dma_wait3A_583, %dma_wait3A_584] : memref<10000x16xf32, #tpu.memory_space<vmem_shared>> -> memref<10000x16xf32, #tpu.memory_space<vmem_shared>>
      tpu.wait_indirect_dma semaphore(%arg13 : memref<!tpu.dma_semaphore, #tpu.memory_space<semaphore_mem>>) src(%dma_wait3A_579 : memref<128x16xf32, #tpu.memory_space<vmem>>) dst(%dma_wait3A_585 : memref<10000x16xf32, #tpu.memory_space<vmem_shared>>)
      %dma_wait3A_586 = arith.constant 3 : i32
      %dma_wait3A_587 = arith.constant 0 : i32
      %dma_wait3A_588 = arith.constant 0 : i32
      %dma_wait3A_589 = arith.constant 0 : i32
      %dma_wait3A_590 = tpu.memref_slice %arg7[%dma_wait3A_586, %dma_wait3A_588, %dma_wait3A_589] : memref<8x128x16xf32, #tpu.memory_space<vmem>> -> memref<1x128x16xf32, #tpu.memory_space<vmem>>
      %dma_wait3A_591 = tpu.memref_squeeze %dma_wait3A_590 : memref<1x128x16xf32, #tpu.memory_space<vmem>> -> memref<128x16xf32, #tpu.memory_space<vmem>>
      %dma_wait3A_592 = arith.constant 0 : i32
      %dma_wait3A_593 = tpu.memref_slice %arg6[%dma_wait3A_587, %dma_wait3A_592] : memref<164x128xi32, #tpu.memory_space<vmem>> -> memref<1x128xi32, #tpu.memory_space<vmem>>
      %dma_wait3A_594 = tpu.memref_squeeze %dma_wait3A_593 : memref<1x128xi32, #tpu.memory_space<vmem>> -> memref<128xi32, #tpu.memory_space<vmem>>
      %dma_wait3A_595 = arith.constant 0 : i32
      %dma_wait3A_596 = arith.constant 0 : i32
      %dma_wait3A_597 = tpu.memref_slice %arg9[%dma_wait3A_595, %dma_wait3A_596] : memref<10000x16xf32, #tpu.memory_space<vmem_shared>> -> memref<10000x16xf32, #tpu.memory_space<vmem_shared>>
      tpu.wait_indirect_dma semaphore(%arg13 : memref<!tpu.dma_semaphore, #tpu.memory_space<semaphore_mem>>) src(%dma_wait3A_591 : memref<128x16xf32, #tpu.memory_space<vmem>>) dst(%dma_wait3A_597 : memref<10000x16xf32, #tpu.memory_space<vmem_shared>>)
      %sub3A = arith.constant 1 : i32
      %sub3A_598 = arith.subi %select_n3A, %sub3A : i32
      %lt3A = arith.cmpi slt, %while3A_264, %sub3A_598 : i32
      %convert_element_type3A_599 = arith.extui %lt3A : i1 to i32
      %cond3A_600 = arith.constant 0 : i32
      %cond3A_601 = arith.cmpi ne, %convert_element_type3A_599, %cond3A_600 : i32
      scf.if %cond3A_601 {
        %add3A_603 = arith.constant 2 : i32
        %add3A_604 = arith.addi %mul3A_267, %add3A_603 : i32
        %mul3A_605 = arith.constant 4 : i32
        %mul3A_606 = arith.muli %add3A_604, %mul3A_605 : i32
        %add3A_607 = arith.constant 0 : i32
        %add3A_608 = arith.addi %mul3A_606, %add3A_607 : i32
        %dma_start3A_609 = arith.constant 0 : i32
        %dma_start3A_610 = arith.constant 0 : i32
        %dma_start3A_611 = arith.constant 0 : i32
        %dma_start3A_612 = tpu.memref_slice %arg7[%dma_start3A_609, %dma_start3A_610, %dma_start3A_611] : memref<8x128x16xf32, #tpu.memory_space<vmem>> -> memref<1x128x16xf32, #tpu.memory_space<vmem>>
        %dma_start3A_613 = tpu.memref_squeeze %dma_start3A_612 : memref<1x128x16xf32, #tpu.memory_space<vmem>> -> memref<128x16xf32, #tpu.memory_space<vmem>>
        %dma_start3A_614 = arith.constant 0 : i32
        %dma_start3A_615 = tpu.memref_slice %arg5[%add3A_608, %dma_start3A_614] : memref<164x128xi32, #tpu.memory_space<vmem>> -> memref<1x128xi32, #tpu.memory_space<vmem>>
        %dma_start3A_616 = tpu.memref_squeeze %dma_start3A_615 : memref<1x128xi32, #tpu.memory_space<vmem>> -> memref<128xi32, #tpu.memory_space<vmem>>
        %dma_start3A_617 = arith.constant 0 : i32
        %dma_start3A_618 = arith.constant 0 : i32
        %dma_start3A_619 = tpu.memref_slice %arg10[%dma_start3A_617, %dma_start3A_618] : memref<10000x16xf32, #tpu.memory_space<vmem_shared>> -> memref<10000x16xf32, #tpu.memory_space<vmem_shared>>
        tpu.enqueue_indirect_dma source(%dma_start3A_619 : memref<10000x16xf32, #tpu.memory_space<vmem_shared>>) target(%dma_start3A_613 : memref<128x16xf32, #tpu.memory_space<vmem>>) offsets(%dma_start3A_616 : memref<128xi32, #tpu.memory_space<vmem>>) semaphore(%arg11 : memref<!tpu.dma_semaphore, #tpu.memory_space<semaphore_mem>>)
        %mul3A_620 = arith.constant 4 : i32
        %mul3A_621 = arith.muli %add3A_604, %mul3A_620 : i32
        %add3A_622 = arith.constant 1 : i32
        %add3A_623 = arith.addi %mul3A_621, %add3A_622 : i32
        %dma_start3A_624 = arith.constant 1 : i32
        %dma_start3A_625 = arith.constant 0 : i32
        %dma_start3A_626 = arith.constant 0 : i32
        %dma_start3A_627 = tpu.memref_slice %arg7[%dma_start3A_624, %dma_start3A_625, %dma_start3A_626] : memref<8x128x16xf32, #tpu.memory_space<vmem>> -> memref<1x128x16xf32, #tpu.memory_space<vmem>>
        %dma_start3A_628 = tpu.memref_squeeze %dma_start3A_627 : memref<1x128x16xf32, #tpu.memory_space<vmem>> -> memref<128x16xf32, #tpu.memory_space<vmem>>
        %dma_start3A_629 = arith.constant 0 : i32
        %dma_start3A_630 = tpu.memref_slice %arg5[%add3A_623, %dma_start3A_629] : memref<164x128xi32, #tpu.memory_space<vmem>> -> memref<1x128xi32, #tpu.memory_space<vmem>>
        %dma_start3A_631 = tpu.memref_squeeze %dma_start3A_630 : memref<1x128xi32, #tpu.memory_space<vmem>> -> memref<128xi32, #tpu.memory_space<vmem>>
        %dma_start3A_632 = arith.constant 0 : i32
        %dma_start3A_633 = arith.constant 0 : i32
        %dma_start3A_634 = tpu.memref_slice %arg10[%dma_start3A_632, %dma_start3A_633] : memref<10000x16xf32, #tpu.memory_space<vmem_shared>> -> memref<10000x16xf32, #tpu.memory_space<vmem_shared>>
        tpu.enqueue_indirect_dma source(%dma_start3A_634 : memref<10000x16xf32, #tpu.memory_space<vmem_shared>>) target(%dma_start3A_628 : memref<128x16xf32, #tpu.memory_space<vmem>>) offsets(%dma_start3A_631 : memref<128xi32, #tpu.memory_space<vmem>>) semaphore(%arg11 : memref<!tpu.dma_semaphore, #tpu.memory_space<semaphore_mem>>)
        %mul3A_635 = arith.constant 4 : i32
        %mul3A_636 = arith.muli %add3A_604, %mul3A_635 : i32
        %add3A_637 = arith.constant 2 : i32
        %add3A_638 = arith.addi %mul3A_636, %add3A_637 : i32
        %dma_start3A_639 = arith.constant 2 : i32
        %dma_start3A_640 = arith.constant 0 : i32
        %dma_start3A_641 = arith.constant 0 : i32
        %dma_start3A_642 = tpu.memref_slice %arg7[%dma_start3A_639, %dma_start3A_640, %dma_start3A_641] : memref<8x128x16xf32, #tpu.memory_space<vmem>> -> memref<1x128x16xf32, #tpu.memory_space<vmem>>
        %dma_start3A_643 = tpu.memref_squeeze %dma_start3A_642 : memref<1x128x16xf32, #tpu.memory_space<vmem>> -> memref<128x16xf32, #tpu.memory_space<vmem>>
        %dma_start3A_644 = arith.constant 0 : i32
        %dma_start3A_645 = tpu.memref_slice %arg5[%add3A_638, %dma_start3A_644] : memref<164x128xi32, #tpu.memory_space<vmem>> -> memref<1x128xi32, #tpu.memory_space<vmem>>
        %dma_start3A_646 = tpu.memref_squeeze %dma_start3A_645 : memref<1x128xi32, #tpu.memory_space<vmem>> -> memref<128xi32, #tpu.memory_space<vmem>>
        %dma_start3A_647 = arith.constant 0 : i32
        %dma_start3A_648 = arith.constant 0 : i32
        %dma_start3A_649 = tpu.memref_slice %arg10[%dma_start3A_647, %dma_start3A_648] : memref<10000x16xf32, #tpu.memory_space<vmem_shared>> -> memref<10000x16xf32, #tpu.memory_space<vmem_shared>>
        tpu.enqueue_indirect_dma source(%dma_start3A_649 : memref<10000x16xf32, #tpu.memory_space<vmem_shared>>) target(%dma_start3A_643 : memref<128x16xf32, #tpu.memory_space<vmem>>) offsets(%dma_start3A_646 : memref<128xi32, #tpu.memory_space<vmem>>) semaphore(%arg11 : memref<!tpu.dma_semaphore, #tpu.memory_space<semaphore_mem>>)
        %mul3A_650 = arith.constant 4 : i32
        %mul3A_651 = arith.muli %add3A_604, %mul3A_650 : i32
        %add3A_652 = arith.constant 3 : i32
        %add3A_653 = arith.addi %mul3A_651, %add3A_652 : i32
        %dma_start3A_654 = arith.constant 3 : i32
        %dma_start3A_655 = arith.constant 0 : i32
        %dma_start3A_656 = arith.constant 0 : i32
        %dma_start3A_657 = tpu.memref_slice %arg7[%dma_start3A_654, %dma_start3A_655, %dma_start3A_656] : memref<8x128x16xf32, #tpu.memory_space<vmem>> -> memref<1x128x16xf32, #tpu.memory_space<vmem>>
        %dma_start3A_658 = tpu.memref_squeeze %dma_start3A_657 : memref<1x128x16xf32, #tpu.memory_space<vmem>> -> memref<128x16xf32, #tpu.memory_space<vmem>>
        %dma_start3A_659 = arith.constant 0 : i32
        %dma_start3A_660 = tpu.memref_slice %arg5[%add3A_653, %dma_start3A_659] : memref<164x128xi32, #tpu.memory_space<vmem>> -> memref<1x128xi32, #tpu.memory_space<vmem>>
        %dma_start3A_661 = tpu.memref_squeeze %dma_start3A_660 : memref<1x128xi32, #tpu.memory_space<vmem>> -> memref<128xi32, #tpu.memory_space<vmem>>
        %dma_start3A_662 = arith.constant 0 : i32
        %dma_start3A_663 = arith.constant 0 : i32
        %dma_start3A_664 = tpu.memref_slice %arg10[%dma_start3A_662, %dma_start3A_663] : memref<10000x16xf32, #tpu.memory_space<vmem_shared>> -> memref<10000x16xf32, #tpu.memory_space<vmem_shared>>
        tpu.enqueue_indirect_dma source(%dma_start3A_664 : memref<10000x16xf32, #tpu.memory_space<vmem_shared>>) target(%dma_start3A_658 : memref<128x16xf32, #tpu.memory_space<vmem>>) offsets(%dma_start3A_661 : memref<128xi32, #tpu.memory_space<vmem>>) semaphore(%arg11 : memref<!tpu.dma_semaphore, #tpu.memory_space<semaphore_mem>>)
      } else {
      }
      %while3A_602 = arith.constant 0 : i32
      scf.yield %while3A_602 : i32
    }
    %while3A_94 = arith.constant 1 : i32
    %while3A_95 = scf.for %while3A_264 = %while3A_91 to %while3A_87 step %while3A_94 iter_args(%while3A_265 = %while3A_93) -> (i32)  : i32 {
      %mul3A_266 = arith.constant 2 : i32
      %mul3A_267 = arith.muli %mul3A_266, %while3A_264 : i32
      %add3A_268 = arith.constant 1 : i32
      %add3A_269 = arith.addi %mul3A_267, %add3A_268 : i32
      %mul3A_270 = arith.constant 4 : i32
      %mul3A_271 = arith.muli %add3A_269, %mul3A_270 : i32
      %add3A_272 = arith.constant 0 : i32
      %add3A_273 = arith.addi %mul3A_271, %add3A_272 : i32
      %dma_start3A_274 = arith.constant 4 : i32
      %dma_start3A_275 = arith.constant 0 : i32
      %dma_start3A_276 = arith.constant 0 : i32
      %dma_start3A_277 = tpu.memref_slice %arg7[%dma_start3A_274, %dma_start3A_275, %dma_start3A_276] : memref<8x128x16xf32, #tpu.memory_space<vmem>> -> memref<1x128x16xf32, #tpu.memory_space<vmem>>
      %dma_start3A_278 = tpu.memref_squeeze %dma_start3A_277 : memref<1x128x16xf32, #tpu.memory_space<vmem>> -> memref<128x16xf32, #tpu.memory_space<vmem>>
      %dma_start3A_279 = arith.constant 0 : i32
      %dma_start3A_280 = tpu.memref_slice %arg5[%add3A_273, %dma_start3A_279] : memref<164x128xi32, #tpu.memory_space<vmem>> -> memref<1x128xi32, #tpu.memory_space<vmem>>
      %dma_start3A_281 = tpu.memref_squeeze %dma_start3A_280 : memref<1x128xi32, #tpu.memory_space<vmem>> -> memref<128xi32, #tpu.memory_space<vmem>>
      %dma_start3A_282 = arith.constant 0 : i32
      %dma_start3A_283 = arith.constant 0 : i32
      %dma_start3A_284 = tpu.memref_slice %arg10[%dma_start3A_282, %dma_start3A_283] : memref<10000x16xf32, #tpu.memory_space<vmem_shared>> -> memref<10000x16xf32, #tpu.memory_space<vmem_shared>>
      tpu.enqueue_indirect_dma source(%dma_start3A_284 : memref<10000x16xf32, #tpu.memory_space<vmem_shared>>) target(%dma_start3A_278 : memref<128x16xf32, #tpu.memory_space<vmem>>) offsets(%dma_start3A_281 : memref<128xi32, #tpu.memory_space<vmem>>) semaphore(%arg12 : memref<!tpu.dma_semaphore, #tpu.memory_space<semaphore_mem>>)
      %mul3A_285 = arith.constant 4 : i32
      %mul3A_286 = arith.muli %add3A_269, %mul3A_285 : i32
      %add3A_287 = arith.constant 1 : i32
      %add3A_288 = arith.addi %mul3A_286, %add3A_287 : i32
      %dma_start3A_289 = arith.constant 5 : i32
      %dma_start3A_290 = arith.constant 0 : i32
      %dma_start3A_291 = arith.constant 0 : i32
      %dma_start3A_292 = tpu.memref_slice %arg7[%dma_start3A_289, %dma_start3A_290, %dma_start3A_291] : memref<8x128x16xf32, #tpu.memory_space<vmem>> -> memref<1x128x16xf32, #tpu.memory_space<vmem>>
      %dma_start3A_293 = tpu.memref_squeeze %dma_start3A_292 : memref<1x128x16xf32, #tpu.memory_space<vmem>> -> memref<128x16xf32, #tpu.memory_space<vmem>>
      %dma_start3A_294 = arith.constant 0 : i32
      %dma_start3A_295 = tpu.memref_slice %arg5[%add3A_288, %dma_start3A_294] : memref<164x128xi32, #tpu.memory_space<vmem>> -> memref<1x128xi32, #tpu.memory_space<vmem>>
      %dma_start3A_296 = tpu.memref_squeeze %dma_start3A_295 : memref<1x128xi32, #tpu.memory_space<vmem>> -> memref<128xi32, #tpu.memory_space<vmem>>
      %dma_start3A_297 = arith.constant 0 : i32
      %dma_start3A_298 = arith.constant 0 : i32
      %dma_start3A_299 = tpu.memref_slice %arg10[%dma_start3A_297, %dma_start3A_298] : memref<10000x16xf32, #tpu.memory_space<vmem_shared>> -> memref<10000x16xf32, #tpu.memory_space<vmem_shared>>
      tpu.enqueue_indirect_dma source(%dma_start3A_299 : memref<10000x16xf32, #tpu.memory_space<vmem_shared>>) target(%dma_start3A_293 : memref<128x16xf32, #tpu.memory_space<vmem>>) offsets(%dma_start3A_296 : memref<128xi32, #tpu.memory_space<vmem>>) semaphore(%arg12 : memref<!tpu.dma_semaphore, #tpu.memory_space<semaphore_mem>>)
      %mul3A_300 = arith.constant 4 : i32
      %mul3A_301 = arith.muli %add3A_269, %mul3A_300 : i32
      %add3A_302 = arith.constant 2 : i32
      %add3A_303 = arith.addi %mul3A_301, %add3A_302 : i32
      %dma_start3A_304 = arith.constant 6 : i32
      %dma_start3A_305 = arith.constant 0 : i32
      %dma_start3A_306 = arith.constant 0 : i32
      %dma_start3A_307 = tpu.memref_slice %arg7[%dma_start3A_304, %dma_start3A_305, %dma_start3A_306] : memref<8x128x16xf32, #tpu.memory_space<vmem>> -> memref<1x128x16xf32, #tpu.memory_space<vmem>>
      %dma_start3A_308 = tpu.memref_squeeze %dma_start3A_307 : memref<1x128x16xf32, #tpu.memory_space<vmem>> -> memref<128x16xf32, #tpu.memory_space<vmem>>
      %dma_start3A_309 = arith.constant 0 : i32
      %dma_start3A_310 = tpu.memref_slice %arg5[%add3A_303, %dma_start3A_309] : memref<164x128xi32, #tpu.memory_space<vmem>> -> memref<1x128xi32, #tpu.memory_space<vmem>>
      %dma_start3A_311 = tpu.memref_squeeze %dma_start3A_310 : memref<1x128xi32, #tpu.memory_space<vmem>> -> memref<128xi32, #tpu.memory_space<vmem>>
      %dma_start3A_312 = arith.constant 0 : i32
      %dma_start3A_313 = arith.constant 0 : i32
      %dma_start3A_314 = tpu.memref_slice %arg10[%dma_start3A_312, %dma_start3A_313] : memref<10000x16xf32, #tpu.memory_space<vmem_shared>> -> memref<10000x16xf32, #tpu.memory_space<vmem_shared>>
      tpu.enqueue_indirect_dma source(%dma_start3A_314 : memref<10000x16xf32, #tpu.memory_space<vmem_shared>>) target(%dma_start3A_308 : memref<128x16xf32, #tpu.memory_space<vmem>>) offsets(%dma_start3A_311 : memref<128xi32, #tpu.memory_space<vmem>>) semaphore(%arg12 : memref<!tpu.dma_semaphore, #tpu.memory_space<semaphore_mem>>)
      %mul3A_315 = arith.constant 4 : i32
      %mul3A_316 = arith.muli %add3A_269, %mul3A_315 : i32
      %add3A_317 = arith.constant 3 : i32
      %add3A_318 = arith.addi %mul3A_316, %add3A_317 : i32
      %dma_start3A_319 = arith.constant 7 : i32
      %dma_start3A_320 = arith.constant 0 : i32
      %dma_start3A_321 = arith.constant 0 : i32
      %dma_start3A_322 = tpu.memref_slice %arg7[%dma_start3A_319, %dma_start3A_320, %dma_start3A_321] : memref<8x128x16xf32, #tpu.memory_space<vmem>> -> memref<1x128x16xf32, #tpu.memory_space<vmem>>
      %dma_start3A_323 = tpu.memref_squeeze %dma_start3A_322 : memref<1x128x16xf32, #tpu.memory_space<vmem>> -> memref<128x16xf32, #tpu.memory_space<vmem>>
      %dma_start3A_324 = arith.constant 0 : i32
      %dma_start3A_325 = tpu.memref_slice %arg5[%add3A_318, %dma_start3A_324] : memref<164x128xi32, #tpu.memory_space<vmem>> -> memref<1x128xi32, #tpu.memory_space<vmem>>
      %dma_start3A_326 = tpu.memref_squeeze %dma_start3A_325 : memref<1x128xi32, #tpu.memory_space<vmem>> -> memref<128xi32, #tpu.memory_space<vmem>>
      %dma_start3A_327 = arith.constant 0 : i32
      %dma_start3A_328 = arith.constant 0 : i32
      %dma_start3A_329 = tpu.memref_slice %arg10[%dma_start3A_327, %dma_start3A_328] : memref<10000x16xf32, #tpu.memory_space<vmem_shared>> -> memref<10000x16xf32, #tpu.memory_space<vmem_shared>>
      tpu.enqueue_indirect_dma source(%dma_start3A_329 : memref<10000x16xf32, #tpu.memory_space<vmem_shared>>) target(%dma_start3A_323 : memref<128x16xf32, #tpu.memory_space<vmem>>) offsets(%dma_start3A_326 : memref<128xi32, #tpu.memory_space<vmem>>) semaphore(%arg12 : memref<!tpu.dma_semaphore, #tpu.memory_space<semaphore_mem>>)
      %dma_wait3A_330 = arith.constant 0 : i32
      %dma_wait3A_331 = arith.constant 0 : i32
      %dma_wait3A_332 = arith.constant 0 : i32
      %dma_wait3A_333 = arith.constant 0 : i32
      %dma_wait3A_334 = tpu.memref_slice %arg7[%dma_wait3A_331, %dma_wait3A_332, %dma_wait3A_333] : memref<8x128x16xf32, #tpu.memory_space<vmem>> -> memref<1x128x16xf32, #tpu.memory_space<vmem>>
      %dma_wait3A_335 = tpu.memref_squeeze %dma_wait3A_334 : memref<1x128x16xf32, #tpu.memory_space<vmem>> -> memref<128x16xf32, #tpu.memory_space<vmem>>
      %dma_wait3A_336 = arith.constant 0 : i32
      %dma_wait3A_337 = tpu.memref_slice %arg5[%dma_wait3A_330, %dma_wait3A_336] : memref<164x128xi32, #tpu.memory_space<vmem>> -> memref<1x128xi32, #tpu.memory_space<vmem>>
      %dma_wait3A_338 = tpu.memref_squeeze %dma_wait3A_337 : memref<1x128xi32, #tpu.memory_space<vmem>> -> memref<128xi32, #tpu.memory_space<vmem>>
      %dma_wait3A_339 = arith.constant 0 : i32
      %dma_wait3A_340 = arith.constant 0 : i32
      %dma_wait3A_341 = tpu.memref_slice %arg10[%dma_wait3A_339, %dma_wait3A_340] : memref<10000x16xf32, #tpu.memory_space<vmem_shared>> -> memref<10000x16xf32, #tpu.memory_space<vmem_shared>>
      tpu.wait_indirect_dma semaphore(%arg11 : memref<!tpu.dma_semaphore, #tpu.memory_space<semaphore_mem>>) src(%dma_wait3A_341 : memref<10000x16xf32, #tpu.memory_space<vmem_shared>>) dst(%dma_wait3A_335 : memref<128x16xf32, #tpu.memory_space<vmem>>)
      %dma_wait3A_342 = arith.constant 0 : i32
      %dma_wait3A_343 = arith.constant 1 : i32
      %dma_wait3A_344 = arith.constant 0 : i32
      %dma_wait3A_345 = arith.constant 0 : i32
      %dma_wait3A_346 = tpu.memref_slice %arg7[%dma_wait3A_343, %dma_wait3A_344, %dma_wait3A_345] : memref<8x128x16xf32, #tpu.memory_space<vmem>> -> memref<1x128x16xf32, #tpu.memory_space<vmem>>
      %dma_wait3A_347 = tpu.memref_squeeze %dma_wait3A_346 : memref<1x128x16xf32, #tpu.memory_space<vmem>> -> memref<128x16xf32, #tpu.memory_space<vmem>>
      %dma_wait3A_348 = arith.constant 0 : i32
      %dma_wait3A_349 = tpu.memref_slice %arg5[%dma_wait3A_342, %dma_wait3A_348] : memref<164x128xi32, #tpu.memory_space<vmem>> -> memref<1x128xi32, #tpu.memory_space<vmem>>
      %dma_wait3A_350 = tpu.memref_squeeze %dma_wait3A_349 : memref<1x128xi32, #tpu.memory_space<vmem>> -> memref<128xi32, #tpu.memory_space<vmem>>
      %dma_wait3A_351 = arith.constant 0 : i32
      %dma_wait3A_352 = arith.constant 0 : i32
      %dma_wait3A_353 = tpu.memref_slice %arg10[%dma_wait3A_351, %dma_wait3A_352] : memref<10000x16xf32, #tpu.memory_space<vmem_shared>> -> memref<10000x16xf32, #tpu.memory_space<vmem_shared>>
      tpu.wait_indirect_dma semaphore(%arg11 : memref<!tpu.dma_semaphore, #tpu.memory_space<semaphore_mem>>) src(%dma_wait3A_353 : memref<10000x16xf32, #tpu.memory_space<vmem_shared>>) dst(%dma_wait3A_347 : memref<128x16xf32, #tpu.memory_space<vmem>>)
      %dma_wait3A_354 = arith.constant 0 : i32
      %dma_wait3A_355 = arith.constant 2 : i32
      %dma_wait3A_356 = arith.constant 0 : i32
      %dma_wait3A_357 = arith.constant 0 : i32
      %dma_wait3A_358 = tpu.memref_slice %arg7[%dma_wait3A_355, %dma_wait3A_356, %dma_wait3A_357] : memref<8x128x16xf32, #tpu.memory_space<vmem>> -> memref<1x128x16xf32, #tpu.memory_space<vmem>>
      %dma_wait3A_359 = tpu.memref_squeeze %dma_wait3A_358 : memref<1x128x16xf32, #tpu.memory_space<vmem>> -> memref<128x16xf32, #tpu.memory_space<vmem>>
      %dma_wait3A_360 = arith.constant 0 : i32
      %dma_wait3A_361 = tpu.memref_slice %arg5[%dma_wait3A_354, %dma_wait3A_360] : memref<164x128xi32, #tpu.memory_space<vmem>> -> memref<1x128xi32, #tpu.memory_space<vmem>>
      %dma_wait3A_362 = tpu.memref_squeeze %dma_wait3A_361 : memref<1x128xi32, #tpu.memory_space<vmem>> -> memref<128xi32, #tpu.memory_space<vmem>>
      %dma_wait3A_363 = arith.constant 0 : i32
      %dma_wait3A_364 = arith.constant 0 : i32
      %dma_wait3A_365 = tpu.memref_slice %arg10[%dma_wait3A_363, %dma_wait3A_364] : memref<10000x16xf32, #tpu.memory_space<vmem_shared>> -> memref<10000x16xf32, #tpu.memory_space<vmem_shared>>
      tpu.wait_indirect_dma semaphore(%arg11 : memref<!tpu.dma_semaphore, #tpu.memory_space<semaphore_mem>>) src(%dma_wait3A_365 : memref<10000x16xf32, #tpu.memory_space<vmem_shared>>) dst(%dma_wait3A_359 : memref<128x16xf32, #tpu.memory_space<vmem>>)
      %dma_wait3A_366 = arith.constant 0 : i32
      %dma_wait3A_367 = arith.constant 3 : i32
      %dma_wait3A_368 = arith.constant 0 : i32
      %dma_wait3A_369 = arith.constant 0 : i32
      %dma_wait3A_370 = tpu.memref_slice %arg7[%dma_wait3A_367, %dma_wait3A_368, %dma_wait3A_369] : memref<8x128x16xf32, #tpu.memory_space<vmem>> -> memref<1x128x16xf32, #tpu.memory_space<vmem>>
      %dma_wait3A_371 = tpu.memref_squeeze %dma_wait3A_370 : memref<1x128x16xf32, #tpu.memory_space<vmem>> -> memref<128x16xf32, #tpu.memory_space<vmem>>
      %dma_wait3A_372 = arith.constant 0 : i32
      %dma_wait3A_373 = tpu.memref_slice %arg5[%dma_wait3A_366, %dma_wait3A_372] : memref<164x128xi32, #tpu.memory_space<vmem>> -> memref<1x128xi32, #tpu.memory_space<vmem>>
      %dma_wait3A_374 = tpu.memref_squeeze %dma_wait3A_373 : memref<1x128xi32, #tpu.memory_space<vmem>> -> memref<128xi32, #tpu.memory_space<vmem>>
      %dma_wait3A_375 = arith.constant 0 : i32
      %dma_wait3A_376 = arith.constant 0 : i32
      %dma_wait3A_377 = tpu.memref_slice %arg10[%dma_wait3A_375, %dma_wait3A_376] : memref<10000x16xf32, #tpu.memory_space<vmem_shared>> -> memref<10000x16xf32, #tpu.memory_space<vmem_shared>>
      tpu.wait_indirect_dma semaphore(%arg11 : memref<!tpu.dma_semaphore, #tpu.memory_space<semaphore_mem>>) src(%dma_wait3A_377 : memref<10000x16xf32, #tpu.memory_space<vmem_shared>>) dst(%dma_wait3A_371 : memref<128x16xf32, #tpu.memory_space<vmem>>)
      %mul3A_378 = arith.constant 4 : i32
      %mul3A_379 = arith.muli %mul3A_267, %mul3A_378 : i32
      %add3A_380 = arith.constant 0 : i32
      %add3A_381 = arith.addi %mul3A_379, %add3A_380 : i32
      %dma_start3A_382 = arith.constant 0 : i32
      %dma_start3A_383 = arith.constant 0 : i32
      %dma_start3A_384 = arith.constant 0 : i32
      %dma_start3A_385 = tpu.memref_slice %arg7[%dma_start3A_382, %dma_start3A_383, %dma_start3A_384] : memref<8x128x16xf32, #tpu.memory_space<vmem>> -> memref<1x128x16xf32, #tpu.memory_space<vmem>>
      %dma_start3A_386 = tpu.memref_squeeze %dma_start3A_385 : memref<1x128x16xf32, #tpu.memory_space<vmem>> -> memref<128x16xf32, #tpu.memory_space<vmem>>
      %dma_start3A_387 = arith.constant 0 : i32
      %dma_start3A_388 = tpu.memref_slice %arg6[%add3A_381, %dma_start3A_387] : memref<164x128xi32, #tpu.memory_space<vmem>> -> memref<1x128xi32, #tpu.memory_space<vmem>>
      %dma_start3A_389 = tpu.memref_squeeze %dma_start3A_388 : memref<1x128xi32, #tpu.memory_space<vmem>> -> memref<128xi32, #tpu.memory_space<vmem>>
      %dma_start3A_390 = arith.constant 0 : i32
      %dma_start3A_391 = arith.constant 0 : i32
      %dma_start3A_392 = tpu.memref_slice %arg9[%dma_start3A_390, %dma_start3A_391] : memref<10000x16xf32, #tpu.memory_space<vmem_shared>> -> memref<10000x16xf32, #tpu.memory_space<vmem_shared>>
      tpu.enqueue_indirect_dma source(%dma_start3A_386 : memref<128x16xf32, #tpu.memory_space<vmem>>) target(%dma_start3A_392 : memref<10000x16xf32, #tpu.memory_space<vmem_shared>>) offsets(%dma_start3A_389 : memref<128xi32, #tpu.memory_space<vmem>>) semaphore(%arg13 : memref<!tpu.dma_semaphore, #tpu.memory_space<semaphore_mem>>) {add = true}
      %mul3A_393 = arith.constant 4 : i32
      %mul3A_394 = arith.muli %mul3A_267, %mul3A_393 : i32
      %add3A_395 = arith.constant 1 : i32
      %add3A_396 = arith.addi %mul3A_394, %add3A_395 : i32
      %dma_start3A_397 = arith.constant 1 : i32
      %dma_start3A_398 = arith.constant 0 : i32
      %dma_start3A_399 = arith.constant 0 : i32
      %dma_start3A_400 = tpu.memref_slice %arg7[%dma_start3A_397, %dma_start3A_398, %dma_start3A_399] : memref<8x128x16xf32, #tpu.memory_space<vmem>> -> memref<1x128x16xf32, #tpu.memory_space<vmem>>
      %dma_start3A_401 = tpu.memref_squeeze %dma_start3A_400 : memref<1x128x16xf32, #tpu.memory_space<vmem>> -> memref<128x16xf32, #tpu.memory_space<vmem>>
      %dma_start3A_402 = arith.constant 0 : i32
      %dma_start3A_403 = tpu.memref_slice %arg6[%add3A_396, %dma_start3A_402] : memref<164x128xi32, #tpu.memory_space<vmem>> -> memref<1x128xi32, #tpu.memory_space<vmem>>
      %dma_start3A_404 = tpu.memref_squeeze %dma_start3A_403 : memref<1x128xi32, #tpu.memory_space<vmem>> -> memref<128xi32, #tpu.memory_space<vmem>>
      %dma_start3A_405 = arith.constant 0 : i32
      %dma_start3A_406 = arith.constant 0 : i32
      %dma_start3A_407 = tpu.memref_slice %arg9[%dma_start3A_405, %dma_start3A_406] : memref<10000x16xf32, #tpu.memory_space<vmem_shared>> -> memref<10000x16xf32, #tpu.memory_space<vmem_shared>>
      tpu.enqueue_indirect_dma source(%dma_start3A_401 : memref<128x16xf32, #tpu.memory_space<vmem>>) target(%dma_start3A_407 : memref<10000x16xf32, #tpu.memory_space<vmem_shared>>) offsets(%dma_start3A_404 : memref<128xi32, #tpu.memory_space<vmem>>) semaphore(%arg13 : memref<!tpu.dma_semaphore, #tpu.memory_space<semaphore_mem>>) {add = true}
      %mul3A_408 = arith.constant 4 : i32
      %mul3A_409 = arith.muli %mul3A_267, %mul3A_408 : i32
      %add3A_410 = arith.constant 2 : i32
      %add3A_411 = arith.addi %mul3A_409, %add3A_410 : i32
      %dma_start3A_412 = arith.constant 2 : i32
      %dma_start3A_413 = arith.constant 0 : i32
      %dma_start3A_414 = arith.constant 0 : i32
      %dma_start3A_415 = tpu.memref_slice %arg7[%dma_start3A_412, %dma_start3A_413, %dma_start3A_414] : memref<8x128x16xf32, #tpu.memory_space<vmem>> -> memref<1x128x16xf32, #tpu.memory_space<vmem>>
      %dma_start3A_416 = tpu.memref_squeeze %dma_start3A_415 : memref<1x128x16xf32, #tpu.memory_space<vmem>> -> memref<128x16xf32, #tpu.memory_space<vmem>>
      %dma_start3A_417 = arith.constant 0 : i32
      %dma_start3A_418 = tpu.memref_slice %arg6[%add3A_411, %dma_start3A_417] : memref<164x128xi32, #tpu.memory_space<vmem>> -> memref<1x128xi32, #tpu.memory_space<vmem>>
      %dma_start3A_419 = tpu.memref_squeeze %dma_start3A_418 : memref<1x128xi32, #tpu.memory_space<vmem>> -> memref<128xi32, #tpu.memory_space<vmem>>
      %dma_start3A_420 = arith.constant 0 : i32
      %dma_start3A_421 = arith.constant 0 : i32
      %dma_start3A_422 = tpu.memref_slice %arg9[%dma_start3A_420, %dma_start3A_421] : memref<10000x16xf32, #tpu.memory_space<vmem_shared>> -> memref<10000x16xf32, #tpu.memory_space<vmem_shared>>
      tpu.enqueue_indirect_dma source(%dma_start3A_416 : memref<128x16xf32, #tpu.memory_space<vmem>>) target(%dma_start3A_422 : memref<10000x16xf32, #tpu.memory_space<vmem_shared>>) offsets(%dma_start3A_419 : memref<128xi32, #tpu.memory_space<vmem>>) semaphore(%arg13 : memref<!tpu.dma_semaphore, #tpu.memory_space<semaphore_mem>>) {add = true}
      %mul3A_423 = arith.constant 4 : i32
      %mul3A_424 = arith.muli %mul3A_267, %mul3A_423 : i32
      %add3A_425 = arith.constant 3 : i32
      %add3A_426 = arith.addi %mul3A_424, %add3A_425 : i32
      %dma_start3A_427 = arith.constant 3 : i32
      %dma_start3A_428 = arith.constant 0 : i32
      %dma_start3A_429 = arith.constant 0 : i32
      %dma_start3A_430 = tpu.memref_slice %arg7[%dma_start3A_427, %dma_start3A_428, %dma_start3A_429] : memref<8x128x16xf32, #tpu.memory_space<vmem>> -> memref<1x128x16xf32, #tpu.memory_space<vmem>>
      %dma_start3A_431 = tpu.memref_squeeze %dma_start3A_430 : memref<1x128x16xf32, #tpu.memory_space<vmem>> -> memref<128x16xf32, #tpu.memory_space<vmem>>
      %dma_start3A_432 = arith.constant 0 : i32
      %dma_start3A_433 = tpu.memref_slice %arg6[%add3A_426, %dma_start3A_432] : memref<164x128xi32, #tpu.memory_space<vmem>> -> memref<1x128xi32, #tpu.memory_space<vmem>>
      %dma_start3A_434 = tpu.memref_squeeze %dma_start3A_433 : memref<1x128xi32, #tpu.memory_space<vmem>> -> memref<128xi32, #tpu.memory_space<vmem>>
      %dma_start3A_435 = arith.constant 0 : i32
      %dma_start3A_436 = arith.constant 0 : i32
      %dma_start3A_437 = tpu.memref_slice %arg9[%dma_start3A_435, %dma_start3A_436] : memref<10000x16xf32, #tpu.memory_space<vmem_shared>> -> memref<10000x16xf32, #tpu.memory_space<vmem_shared>>
      tpu.enqueue_indirect_dma source(%dma_start3A_431 : memref<128x16xf32, #tpu.memory_space<vmem>>) target(%dma_start3A_437 : memref<10000x16xf32, #tpu.memory_space<vmem_shared>>) offsets(%dma_start3A_434 : memref<128xi32, #tpu.memory_space<vmem>>) semaphore(%arg13 : memref<!tpu.dma_semaphore, #tpu.memory_space<semaphore_mem>>) {add = true}
      %gt3A = arith.constant 0 : i32
      %gt3A_438 = arith.cmpi sgt, %while3A_264, %gt3A : i32
      %convert_element_type3A_439 = arith.extui %gt3A_438 : i1 to i32
      %cond3A_440 = arith.constant 0 : i32
      %cond3A_441 = arith.cmpi ne, %convert_element_type3A_439, %cond3A_440 : i32
      scf.if %cond3A_441 {
        %dma_wait3A_603 = arith.constant 4 : i32
        %dma_wait3A_604 = arith.constant 0 : i32
        %dma_wait3A_605 = arith.constant 0 : i32
        %dma_wait3A_606 = arith.constant 0 : i32
        %dma_wait3A_607 = tpu.memref_slice %arg7[%dma_wait3A_603, %dma_wait3A_605, %dma_wait3A_606] : memref<8x128x16xf32, #tpu.memory_space<vmem>> -> memref<1x128x16xf32, #tpu.memory_space<vmem>>
        %dma_wait3A_608 = tpu.memref_squeeze %dma_wait3A_607 : memref<1x128x16xf32, #tpu.memory_space<vmem>> -> memref<128x16xf32, #tpu.memory_space<vmem>>
        %dma_wait3A_609 = arith.constant 0 : i32
        %dma_wait3A_610 = tpu.memref_slice %arg6[%dma_wait3A_604, %dma_wait3A_609] : memref<164x128xi32, #tpu.memory_space<vmem>> -> memref<1x128xi32, #tpu.memory_space<vmem>>
        %dma_wait3A_611 = tpu.memref_squeeze %dma_wait3A_610 : memref<1x128xi32, #tpu.memory_space<vmem>> -> memref<128xi32, #tpu.memory_space<vmem>>
        %dma_wait3A_612 = arith.constant 0 : i32
        %dma_wait3A_613 = arith.constant 0 : i32
        %dma_wait3A_614 = tpu.memref_slice %arg9[%dma_wait3A_612, %dma_wait3A_613] : memref<10000x16xf32, #tpu.memory_space<vmem_shared>> -> memref<10000x16xf32, #tpu.memory_space<vmem_shared>>
        tpu.wait_indirect_dma semaphore(%arg14 : memref<!tpu.dma_semaphore, #tpu.memory_space<semaphore_mem>>) src(%dma_wait3A_608 : memref<128x16xf32, #tpu.memory_space<vmem>>) dst(%dma_wait3A_614 : memref<10000x16xf32, #tpu.memory_space<vmem_shared>>)
        %dma_wait3A_615 = arith.constant 5 : i32
        %dma_wait3A_616 = arith.constant 0 : i32
        %dma_wait3A_617 = arith.constant 0 : i32
        %dma_wait3A_618 = arith.constant 0 : i32
        %dma_wait3A_619 = tpu.memref_slice %arg7[%dma_wait3A_615, %dma_wait3A_617, %dma_wait3A_618] : memref<8x128x16xf32, #tpu.memory_space<vmem>> -> memref<1x128x16xf32, #tpu.memory_space<vmem>>
        %dma_wait3A_620 = tpu.memref_squeeze %dma_wait3A_619 : memref<1x128x16xf32, #tpu.memory_space<vmem>> -> memref<128x16xf32, #tpu.memory_space<vmem>>
        %dma_wait3A_621 = arith.constant 0 : i32
        %dma_wait3A_622 = tpu.memref_slice %arg6[%dma_wait3A_616, %dma_wait3A_621] : memref<164x128xi32, #tpu.memory_space<vmem>> -> memref<1x128xi32, #tpu.memory_space<vmem>>
        %dma_wait3A_623 = tpu.memref_squeeze %dma_wait3A_622 : memref<1x128xi32, #tpu.memory_space<vmem>> -> memref<128xi32, #tpu.memory_space<vmem>>
        %dma_wait3A_624 = arith.constant 0 : i32
        %dma_wait3A_625 = arith.constant 0 : i32
        %dma_wait3A_626 = tpu.memref_slice %arg9[%dma_wait3A_624, %dma_wait3A_625] : memref<10000x16xf32, #tpu.memory_space<vmem_shared>> -> memref<10000x16xf32, #tpu.memory_space<vmem_shared>>
        tpu.wait_indirect_dma semaphore(%arg14 : memref<!tpu.dma_semaphore, #tpu.memory_space<semaphore_mem>>) src(%dma_wait3A_620 : memref<128x16xf32, #tpu.memory_space<vmem>>) dst(%dma_wait3A_626 : memref<10000x16xf32, #tpu.memory_space<vmem_shared>>)
        %dma_wait3A_627 = arith.constant 6 : i32
        %dma_wait3A_628 = arith.constant 0 : i32
        %dma_wait3A_629 = arith.constant 0 : i32
        %dma_wait3A_630 = arith.constant 0 : i32
        %dma_wait3A_631 = tpu.memref_slice %arg7[%dma_wait3A_627, %dma_wait3A_629, %dma_wait3A_630] : memref<8x128x16xf32, #tpu.memory_space<vmem>> -> memref<1x128x16xf32, #tpu.memory_space<vmem>>
        %dma_wait3A_632 = tpu.memref_squeeze %dma_wait3A_631 : memref<1x128x16xf32, #tpu.memory_space<vmem>> -> memref<128x16xf32, #tpu.memory_space<vmem>>
        %dma_wait3A_633 = arith.constant 0 : i32
        %dma_wait3A_634 = tpu.memref_slice %arg6[%dma_wait3A_628, %dma_wait3A_633] : memref<164x128xi32, #tpu.memory_space<vmem>> -> memref<1x128xi32, #tpu.memory_space<vmem>>
        %dma_wait3A_635 = tpu.memref_squeeze %dma_wait3A_634 : memref<1x128xi32, #tpu.memory_space<vmem>> -> memref<128xi32, #tpu.memory_space<vmem>>
        %dma_wait3A_636 = arith.constant 0 : i32
        %dma_wait3A_637 = arith.constant 0 : i32
        %dma_wait3A_638 = tpu.memref_slice %arg9[%dma_wait3A_636, %dma_wait3A_637] : memref<10000x16xf32, #tpu.memory_space<vmem_shared>> -> memref<10000x16xf32, #tpu.memory_space<vmem_shared>>
        tpu.wait_indirect_dma semaphore(%arg14 : memref<!tpu.dma_semaphore, #tpu.memory_space<semaphore_mem>>) src(%dma_wait3A_632 : memref<128x16xf32, #tpu.memory_space<vmem>>) dst(%dma_wait3A_638 : memref<10000x16xf32, #tpu.memory_space<vmem_shared>>)
        %dma_wait3A_639 = arith.constant 7 : i32
        %dma_wait3A_640 = arith.constant 0 : i32
        %dma_wait3A_641 = arith.constant 0 : i32
        %dma_wait3A_642 = arith.constant 0 : i32
        %dma_wait3A_643 = tpu.memref_slice %arg7[%dma_wait3A_639, %dma_wait3A_641, %dma_wait3A_642] : memref<8x128x16xf32, #tpu.memory_space<vmem>> -> memref<1x128x16xf32, #tpu.memory_space<vmem>>
        %dma_wait3A_644 = tpu.memref_squeeze %dma_wait3A_643 : memref<1x128x16xf32, #tpu.memory_space<vmem>> -> memref<128x16xf32, #tpu.memory_space<vmem>>
        %dma_wait3A_645 = arith.constant 0 : i32
        %dma_wait3A_646 = tpu.memref_slice %arg6[%dma_wait3A_640, %dma_wait3A_645] : memref<164x128xi32, #tpu.memory_space<vmem>> -> memref<1x128xi32, #tpu.memory_space<vmem>>
        %dma_wait3A_647 = tpu.memref_squeeze %dma_wait3A_646 : memref<1x128xi32, #tpu.memory_space<vmem>> -> memref<128xi32, #tpu.memory_space<vmem>>
        %dma_wait3A_648 = arith.constant 0 : i32
        %dma_wait3A_649 = arith.constant 0 : i32
        %dma_wait3A_650 = tpu.memref_slice %arg9[%dma_wait3A_648, %dma_wait3A_649] : memref<10000x16xf32, #tpu.memory_space<vmem_shared>> -> memref<10000x16xf32, #tpu.memory_space<vmem_shared>>
        tpu.wait_indirect_dma semaphore(%arg14 : memref<!tpu.dma_semaphore, #tpu.memory_space<semaphore_mem>>) src(%dma_wait3A_644 : memref<128x16xf32, #tpu.memory_space<vmem>>) dst(%dma_wait3A_650 : memref<10000x16xf32, #tpu.memory_space<vmem_shared>>)
      } else {
      }
      %dma_wait3A_442 = arith.constant 0 : i32
      %dma_wait3A_443 = arith.constant 4 : i32
      %dma_wait3A_444 = arith.constant 0 : i32
      %dma_wait3A_445 = arith.constant 0 : i32
      %dma_wait3A_446 = tpu.memref_slice %arg7[%dma_wait3A_443, %dma_wait3A_444, %dma_wait3A_445] : memref<8x128x16xf32, #tpu.memory_space<vmem>> -> memref<1x128x16xf32, #tpu.memory_space<vmem>>
      %dma_wait3A_447 = tpu.memref_squeeze %dma_wait3A_446 : memref<1x128x16xf32, #tpu.memory_space<vmem>> -> memref<128x16xf32, #tpu.memory_space<vmem>>
      %dma_wait3A_448 = arith.constant 0 : i32
      %dma_wait3A_449 = tpu.memref_slice %arg5[%dma_wait3A_442, %dma_wait3A_448] : memref<164x128xi32, #tpu.memory_space<vmem>> -> memref<1x128xi32, #tpu.memory_space<vmem>>
      %dma_wait3A_450 = tpu.memref_squeeze %dma_wait3A_449 : memref<1x128xi32, #tpu.memory_space<vmem>> -> memref<128xi32, #tpu.memory_space<vmem>>
      %dma_wait3A_451 = arith.constant 0 : i32
      %dma_wait3A_452 = arith.constant 0 : i32
      %dma_wait3A_453 = tpu.memref_slice %arg10[%dma_wait3A_451, %dma_wait3A_452] : memref<10000x16xf32, #tpu.memory_space<vmem_shared>> -> memref<10000x16xf32, #tpu.memory_space<vmem_shared>>
      tpu.wait_indirect_dma semaphore(%arg12 : memref<!tpu.dma_semaphore, #tpu.memory_space<semaphore_mem>>) src(%dma_wait3A_453 : memref<10000x16xf32, #tpu.memory_space<vmem_shared>>) dst(%dma_wait3A_447 : memref<128x16xf32, #tpu.memory_space<vmem>>)
      %dma_wait3A_454 = arith.constant 0 : i32
      %dma_wait3A_455 = arith.constant 5 : i32
      %dma_wait3A_456 = arith.constant 0 : i32
      %dma_wait3A_457 = arith.constant 0 : i32
      %dma_wait3A_458 = tpu.memref_slice %arg7[%dma_wait3A_455, %dma_wait3A_456, %dma_wait3A_457] : memref<8x128x16xf32, #tpu.memory_space<vmem>> -> memref<1x128x16xf32, #tpu.memory_space<vmem>>
      %dma_wait3A_459 = tpu.memref_squeeze %dma_wait3A_458 : memref<1x128x16xf32, #tpu.memory_space<vmem>> -> memref<128x16xf32, #tpu.memory_space<vmem>>
      %dma_wait3A_460 = arith.constant 0 : i32
      %dma_wait3A_461 = tpu.memref_slice %arg5[%dma_wait3A_454, %dma_wait3A_460] : memref<164x128xi32, #tpu.memory_space<vmem>> -> memref<1x128xi32, #tpu.memory_space<vmem>>
      %dma_wait3A_462 = tpu.memref_squeeze %dma_wait3A_461 : memref<1x128xi32, #tpu.memory_space<vmem>> -> memref<128xi32, #tpu.memory_space<vmem>>
      %dma_wait3A_463 = arith.constant 0 : i32
      %dma_wait3A_464 = arith.constant 0 : i32
      %dma_wait3A_465 = tpu.memref_slice %arg10[%dma_wait3A_463, %dma_wait3A_464] : memref<10000x16xf32, #tpu.memory_space<vmem_shared>> -> memref<10000x16xf32, #tpu.memory_space<vmem_shared>>
      tpu.wait_indirect_dma semaphore(%arg12 : memref<!tpu.dma_semaphore, #tpu.memory_space<semaphore_mem>>) src(%dma_wait3A_465 : memref<10000x16xf32, #tpu.memory_space<vmem_shared>>) dst(%dma_wait3A_459 : memref<128x16xf32, #tpu.memory_space<vmem>>)
      %dma_wait3A_466 = arith.constant 0 : i32
      %dma_wait3A_467 = arith.constant 6 : i32
      %dma_wait3A_468 = arith.constant 0 : i32
      %dma_wait3A_469 = arith.constant 0 : i32
      %dma_wait3A_470 = tpu.memref_slice %arg7[%dma_wait3A_467, %dma_wait3A_468, %dma_wait3A_469] : memref<8x128x16xf32, #tpu.memory_space<vmem>> -> memref<1x128x16xf32, #tpu.memory_space<vmem>>
      %dma_wait3A_471 = tpu.memref_squeeze %dma_wait3A_470 : memref<1x128x16xf32, #tpu.memory_space<vmem>> -> memref<128x16xf32, #tpu.memory_space<vmem>>
      %dma_wait3A_472 = arith.constant 0 : i32
      %dma_wait3A_473 = tpu.memref_slice %arg5[%dma_wait3A_466, %dma_wait3A_472] : memref<164x128xi32, #tpu.memory_space<vmem>> -> memref<1x128xi32, #tpu.memory_space<vmem>>
      %dma_wait3A_474 = tpu.memref_squeeze %dma_wait3A_473 : memref<1x128xi32, #tpu.memory_space<vmem>> -> memref<128xi32, #tpu.memory_space<vmem>>
      %dma_wait3A_475 = arith.constant 0 : i32
      %dma_wait3A_476 = arith.constant 0 : i32
      %dma_wait3A_477 = tpu.memref_slice %arg10[%dma_wait3A_475, %dma_wait3A_476] : memref<10000x16xf32, #tpu.memory_space<vmem_shared>> -> memref<10000x16xf32, #tpu.memory_space<vmem_shared>>
      tpu.wait_indirect_dma semaphore(%arg12 : memref<!tpu.dma_semaphore, #tpu.memory_space<semaphore_mem>>) src(%dma_wait3A_477 : memref<10000x16xf32, #tpu.memory_space<vmem_shared>>) dst(%dma_wait3A_471 : memref<128x16xf32, #tpu.memory_space<vmem>>)
      %dma_wait3A_478 = arith.constant 0 : i32
      %dma_wait3A_479 = arith.constant 7 : i32
      %dma_wait3A_480 = arith.constant 0 : i32
      %dma_wait3A_481 = arith.constant 0 : i32
      %dma_wait3A_482 = tpu.memref_slice %arg7[%dma_wait3A_479, %dma_wait3A_480, %dma_wait3A_481] : memref<8x128x16xf32, #tpu.memory_space<vmem>> -> memref<1x128x16xf32, #tpu.memory_space<vmem>>
      %dma_wait3A_483 = tpu.memref_squeeze %dma_wait3A_482 : memref<1x128x16xf32, #tpu.memory_space<vmem>> -> memref<128x16xf32, #tpu.memory_space<vmem>>
      %dma_wait3A_484 = arith.constant 0 : i32
      %dma_wait3A_485 = tpu.memref_slice %arg5[%dma_wait3A_478, %dma_wait3A_484] : memref<164x128xi32, #tpu.memory_space<vmem>> -> memref<1x128xi32, #tpu.memory_space<vmem>>
      %dma_wait3A_486 = tpu.memref_squeeze %dma_wait3A_485 : memref<1x128xi32, #tpu.memory_space<vmem>> -> memref<128xi32, #tpu.memory_space<vmem>>
      %dma_wait3A_487 = arith.constant 0 : i32
      %dma_wait3A_488 = arith.constant 0 : i32
      %dma_wait3A_489 = tpu.memref_slice %arg10[%dma_wait3A_487, %dma_wait3A_488] : memref<10000x16xf32, #tpu.memory_space<vmem_shared>> -> memref<10000x16xf32, #tpu.memory_space<vmem_shared>>
      tpu.wait_indirect_dma semaphore(%arg12 : memref<!tpu.dma_semaphore, #tpu.memory_space<semaphore_mem>>) src(%dma_wait3A_489 : memref<10000x16xf32, #tpu.memory_space<vmem_shared>>) dst(%dma_wait3A_483 : memref<128x16xf32, #tpu.memory_space<vmem>>)
      %mul3A_490 = arith.constant 4 : i32
      %mul3A_491 = arith.muli %add3A_269, %mul3A_490 : i32
      %add3A_492 = arith.constant 0 : i32
      %add3A_493 = arith.addi %mul3A_491, %add3A_492 : i32
      %dma_start3A_494 = arith.constant 4 : i32
      %dma_start3A_495 = arith.constant 0 : i32
      %dma_start3A_496 = arith.constant 0 : i32
      %dma_start3A_497 = tpu.memref_slice %arg7[%dma_start3A_494, %dma_start3A_495, %dma_start3A_496] : memref<8x128x16xf32, #tpu.memory_space<vmem>> -> memref<1x128x16xf32, #tpu.memory_space<vmem>>
      %dma_start3A_498 = tpu.memref_squeeze %dma_start3A_497 : memref<1x128x16xf32, #tpu.memory_space<vmem>> -> memref<128x16xf32, #tpu.memory_space<vmem>>
      %dma_start3A_499 = arith.constant 0 : i32
      %dma_start3A_500 = tpu.memref_slice %arg6[%add3A_493, %dma_start3A_499] : memref<164x128xi32, #tpu.memory_space<vmem>> -> memref<1x128xi32, #tpu.memory_space<vmem>>
      %dma_start3A_501 = tpu.memref_squeeze %dma_start3A_500 : memref<1x128xi32, #tpu.memory_space<vmem>> -> memref<128xi32, #tpu.memory_space<vmem>>
      %dma_start3A_502 = arith.constant 0 : i32
      %dma_start3A_503 = arith.constant 0 : i32
      %dma_start3A_504 = tpu.memref_slice %arg9[%dma_start3A_502, %dma_start3A_503] : memref<10000x16xf32, #tpu.memory_space<vmem_shared>> -> memref<10000x16xf32, #tpu.memory_space<vmem_shared>>
      tpu.enqueue_indirect_dma source(%dma_start3A_498 : memref<128x16xf32, #tpu.memory_space<vmem>>) target(%dma_start3A_504 : memref<10000x16xf32, #tpu.memory_space<vmem_shared>>) offsets(%dma_start3A_501 : memref<128xi32, #tpu.memory_space<vmem>>) semaphore(%arg14 : memref<!tpu.dma_semaphore, #tpu.memory_space<semaphore_mem>>) {add = true}
      %mul3A_505 = arith.constant 4 : i32
      %mul3A_506 = arith.muli %add3A_269, %mul3A_505 : i32
      %add3A_507 = arith.constant 1 : i32
      %add3A_508 = arith.addi %mul3A_506, %add3A_507 : i32
      %dma_start3A_509 = arith.constant 5 : i32
      %dma_start3A_510 = arith.constant 0 : i32
      %dma_start3A_511 = arith.constant 0 : i32
      %dma_start3A_512 = tpu.memref_slice %arg7[%dma_start3A_509, %dma_start3A_510, %dma_start3A_511] : memref<8x128x16xf32, #tpu.memory_space<vmem>> -> memref<1x128x16xf32, #tpu.memory_space<vmem>>
      %dma_start3A_513 = tpu.memref_squeeze %dma_start3A_512 : memref<1x128x16xf32, #tpu.memory_space<vmem>> -> memref<128x16xf32, #tpu.memory_space<vmem>>
      %dma_start3A_514 = arith.constant 0 : i32
      %dma_start3A_515 = tpu.memref_slice %arg6[%add3A_508, %dma_start3A_514] : memref<164x128xi32, #tpu.memory_space<vmem>> -> memref<1x128xi32, #tpu.memory_space<vmem>>
      %dma_start3A_516 = tpu.memref_squeeze %dma_start3A_515 : memref<1x128xi32, #tpu.memory_space<vmem>> -> memref<128xi32, #tpu.memory_space<vmem>>
      %dma_start3A_517 = arith.constant 0 : i32
      %dma_start3A_518 = arith.constant 0 : i32
      %dma_start3A_519 = tpu.memref_slice %arg9[%dma_start3A_517, %dma_start3A_518] : memref<10000x16xf32, #tpu.memory_space<vmem_shared>> -> memref<10000x16xf32, #tpu.memory_space<vmem_shared>>
      tpu.enqueue_indirect_dma source(%dma_start3A_513 : memref<128x16xf32, #tpu.memory_space<vmem>>) target(%dma_start3A_519 : memref<10000x16xf32, #tpu.memory_space<vmem_shared>>) offsets(%dma_start3A_516 : memref<128xi32, #tpu.memory_space<vmem>>) semaphore(%arg14 : memref<!tpu.dma_semaphore, #tpu.memory_space<semaphore_mem>>) {add = true}
      %mul3A_520 = arith.constant 4 : i32
      %mul3A_521 = arith.muli %add3A_269, %mul3A_520 : i32
      %add3A_522 = arith.constant 2 : i32
      %add3A_523 = arith.addi %mul3A_521, %add3A_522 : i32
      %dma_start3A_524 = arith.constant 6 : i32
      %dma_start3A_525 = arith.constant 0 : i32
      %dma_start3A_526 = arith.constant 0 : i32
      %dma_start3A_527 = tpu.memref_slice %arg7[%dma_start3A_524, %dma_start3A_525, %dma_start3A_526] : memref<8x128x16xf32, #tpu.memory_space<vmem>> -> memref<1x128x16xf32, #tpu.memory_space<vmem>>
      %dma_start3A_528 = tpu.memref_squeeze %dma_start3A_527 : memref<1x128x16xf32, #tpu.memory_space<vmem>> -> memref<128x16xf32, #tpu.memory_space<vmem>>
      %dma_start3A_529 = arith.constant 0 : i32
      %dma_start3A_530 = tpu.memref_slice %arg6[%add3A_523, %dma_start3A_529] : memref<164x128xi32, #tpu.memory_space<vmem>> -> memref<1x128xi32, #tpu.memory_space<vmem>>
      %dma_start3A_531 = tpu.memref_squeeze %dma_start3A_530 : memref<1x128xi32, #tpu.memory_space<vmem>> -> memref<128xi32, #tpu.memory_space<vmem>>
      %dma_start3A_532 = arith.constant 0 : i32
      %dma_start3A_533 = arith.constant 0 : i32
      %dma_start3A_534 = tpu.memref_slice %arg9[%dma_start3A_532, %dma_start3A_533] : memref<10000x16xf32, #tpu.memory_space<vmem_shared>> -> memref<10000x16xf32, #tpu.memory_space<vmem_shared>>
      tpu.enqueue_indirect_dma source(%dma_start3A_528 : memref<128x16xf32, #tpu.memory_space<vmem>>) target(%dma_start3A_534 : memref<10000x16xf32, #tpu.memory_space<vmem_shared>>) offsets(%dma_start3A_531 : memref<128xi32, #tpu.memory_space<vmem>>) semaphore(%arg14 : memref<!tpu.dma_semaphore, #tpu.memory_space<semaphore_mem>>) {add = true}
      %mul3A_535 = arith.constant 4 : i32
      %mul3A_536 = arith.muli %add3A_269, %mul3A_535 : i32
      %add3A_537 = arith.constant 3 : i32
      %add3A_538 = arith.addi %mul3A_536, %add3A_537 : i32
      %dma_start3A_539 = arith.constant 7 : i32
      %dma_start3A_540 = arith.constant 0 : i32
      %dma_start3A_541 = arith.constant 0 : i32
      %dma_start3A_542 = tpu.memref_slice %arg7[%dma_start3A_539, %dma_start3A_540, %dma_start3A_541] : memref<8x128x16xf32, #tpu.memory_space<vmem>> -> memref<1x128x16xf32, #tpu.memory_space<vmem>>
      %dma_start3A_543 = tpu.memref_squeeze %dma_start3A_542 : memref<1x128x16xf32, #tpu.memory_space<vmem>> -> memref<128x16xf32, #tpu.memory_space<vmem>>
      %dma_start3A_544 = arith.constant 0 : i32
      %dma_start3A_545 = tpu.memref_slice %arg6[%add3A_538, %dma_start3A_544] : memref<164x128xi32, #tpu.memory_space<vmem>> -> memref<1x128xi32, #tpu.memory_space<vmem>>
      %dma_start3A_546 = tpu.memref_squeeze %dma_start3A_545 : memref<1x128xi32, #tpu.memory_space<vmem>> -> memref<128xi32, #tpu.memory_space<vmem>>
      %dma_start3A_547 = arith.constant 0 : i32
      %dma_start3A_548 = arith.constant 0 : i32
      %dma_start3A_549 = tpu.memref_slice %arg9[%dma_start3A_547, %dma_start3A_548] : memref<10000x16xf32, #tpu.memory_space<vmem_shared>> -> memref<10000x16xf32, #tpu.memory_space<vmem_shared>>
      tpu.enqueue_indirect_dma source(%dma_start3A_543 : memref<128x16xf32, #tpu.memory_space<vmem>>) target(%dma_start3A_549 : memref<10000x16xf32, #tpu.memory_space<vmem_shared>>) offsets(%dma_start3A_546 : memref<128xi32, #tpu.memory_space<vmem>>) semaphore(%arg14 : memref<!tpu.dma_semaphore, #tpu.memory_space<semaphore_mem>>) {add = true}
      %dma_wait3A_550 = arith.constant 0 : i32
      %dma_wait3A_551 = arith.constant 0 : i32
      %dma_wait3A_552 = arith.constant 0 : i32
      %dma_wait3A_553 = arith.constant 0 : i32
      %dma_wait3A_554 = tpu.memref_slice %arg7[%dma_wait3A_550, %dma_wait3A_552, %dma_wait3A_553] : memref<8x128x16xf32, #tpu.memory_space<vmem>> -> memref<1x128x16xf32, #tpu.memory_space<vmem>>
      %dma_wait3A_555 = tpu.memref_squeeze %dma_wait3A_554 : memref<1x128x16xf32, #tpu.memory_space<vmem>> -> memref<128x16xf32, #tpu.memory_space<vmem>>
      %dma_wait3A_556 = arith.constant 0 : i32
      %dma_wait3A_557 = tpu.memref_slice %arg6[%dma_wait3A_551, %dma_wait3A_556] : memref<164x128xi32, #tpu.memory_space<vmem>> -> memref<1x128xi32, #tpu.memory_space<vmem>>
      %dma_wait3A_558 = tpu.memref_squeeze %dma_wait3A_557 : memref<1x128xi32, #tpu.memory_space<vmem>> -> memref<128xi32, #tpu.memory_space<vmem>>
      %dma_wait3A_559 = arith.constant 0 : i32
      %dma_wait3A_560 = arith.constant 0 : i32
      %dma_wait3A_561 = tpu.memref_slice %arg9[%dma_wait3A_559, %dma_wait3A_560] : memref<10000x16xf32, #tpu.memory_space<vmem_shared>> -> memref<10000x16xf32, #tpu.memory_space<vmem_shared>>
      tpu.wait_indirect_dma semaphore(%arg13 : memref<!tpu.dma_semaphore, #tpu.memory_space<semaphore_mem>>) src(%dma_wait3A_555 : memref<128x16xf32, #tpu.memory_space<vmem>>) dst(%dma_wait3A_561 : memref<10000x16xf32, #tpu.memory_space<vmem_shared>>)
      %dma_wait3A_562 = arith.constant 1 : i32
      %dma_wait3A_563 = arith.constant 0 : i32
      %dma_wait3A_564 = arith.constant 0 : i32
      %dma_wait3A_565 = arith.constant 0 : i32
      %dma_wait3A_566 = tpu.memref_slice %arg7[%dma_wait3A_562, %dma_wait3A_564, %dma_wait3A_565] : memref<8x128x16xf32, #tpu.memory_space<vmem>> -> memref<1x128x16xf32, #tpu.memory_space<vmem>>
      %dma_wait3A_567 = tpu.memref_squeeze %dma_wait3A_566 : memref<1x128x16xf32, #tpu.memory_space<vmem>> -> memref<128x16xf32, #tpu.memory_space<vmem>>
      %dma_wait3A_568 = arith.constant 0 : i32
      %dma_wait3A_569 = tpu.memref_slice %arg6[%dma_wait3A_563, %dma_wait3A_568] : memref<164x128xi32, #tpu.memory_space<vmem>> -> memref<1x128xi32, #tpu.memory_space<vmem>>
      %dma_wait3A_570 = tpu.memref_squeeze %dma_wait3A_569 : memref<1x128xi32, #tpu.memory_space<vmem>> -> memref<128xi32, #tpu.memory_space<vmem>>
      %dma_wait3A_571 = arith.constant 0 : i32
      %dma_wait3A_572 = arith.constant 0 : i32
      %dma_wait3A_573 = tpu.memref_slice %arg9[%dma_wait3A_571, %dma_wait3A_572] : memref<10000x16xf32, #tpu.memory_space<vmem_shared>> -> memref<10000x16xf32, #tpu.memory_space<vmem_shared>>
      tpu.wait_indirect_dma semaphore(%arg13 : memref<!tpu.dma_semaphore, #tpu.memory_space<semaphore_mem>>) src(%dma_wait3A_567 : memref<128x16xf32, #tpu.memory_space<vmem>>) dst(%dma_wait3A_573 : memref<10000x16xf32, #tpu.memory_space<vmem_shared>>)
      %dma_wait3A_574 = arith.constant 2 : i32
      %dma_wait3A_575 = arith.constant 0 : i32
      %dma_wait3A_576 = arith.constant 0 : i32
      %dma_wait3A_577 = arith.constant 0 : i32
      %dma_wait3A_578 = tpu.memref_slice %arg7[%dma_wait3A_574, %dma_wait3A_576, %dma_wait3A_577] : memref<8x128x16xf32, #tpu.memory_space<vmem>> -> memref<1x128x16xf32, #tpu.memory_space<vmem>>
      %dma_wait3A_579 = tpu.memref_squeeze %dma_wait3A_578 : memref<1x128x16xf32, #tpu.memory_space<vmem>> -> memref<128x16xf32, #tpu.memory_space<vmem>>
      %dma_wait3A_580 = arith.constant 0 : i32
      %dma_wait3A_581 = tpu.memref_slice %arg6[%dma_wait3A_575, %dma_wait3A_580] : memref<164x128xi32, #tpu.memory_space<vmem>> -> memref<1x128xi32, #tpu.memory_space<vmem>>
      %dma_wait3A_582 = tpu.memref_squeeze %dma_wait3A_581 : memref<1x128xi32, #tpu.memory_space<vmem>> -> memref<128xi32, #tpu.memory_space<vmem>>
      %dma_wait3A_583 = arith.constant 0 : i32
      %dma_wait3A_584 = arith.constant 0 : i32
      %dma_wait3A_585 = tpu.memref_slice %arg9[%dma_wait3A_583, %dma_wait3A_584] : memref<10000x16xf32, #tpu.memory_space<vmem_shared>> -> memref<10000x16xf32, #tpu.memory_space<vmem_shared>>
      tpu.wait_indirect_dma semaphore(%arg13 : memref<!tpu.dma_semaphore, #tpu.memory_space<semaphore_mem>>) src(%dma_wait3A_579 : memref<128x16xf32, #tpu.memory_space<vmem>>) dst(%dma_wait3A_585 : memref<10000x16xf32, #tpu.memory_space<vmem_shared>>)
      %dma_wait3A_586 = arith.constant 3 : i32
      %dma_wait3A_587 = arith.constant 0 : i32
      %dma_wait3A_588 = arith.constant 0 : i32
      %dma_wait3A_589 = arith.constant 0 : i32
      %dma_wait3A_590 = tpu.memref_slice %arg7[%dma_wait3A_586, %dma_wait3A_588, %dma_wait3A_589] : memref<8x128x16xf32, #tpu.memory_space<vmem>> -> memref<1x128x16xf32, #tpu.memory_space<vmem>>
      %dma_wait3A_591 = tpu.memref_squeeze %dma_wait3A_590 : memref<1x128x16xf32, #tpu.memory_space<vmem>> -> memref<128x16xf32, #tpu.memory_space<vmem>>
      %dma_wait3A_592 = arith.constant 0 : i32
      %dma_wait3A_593 = tpu.memref_slice %arg6[%dma_wait3A_587, %dma_wait3A_592] : memref<164x128xi32, #tpu.memory_space<vmem>> -> memref<1x128xi32, #tpu.memory_space<vmem>>
      %dma_wait3A_594 = tpu.memref_squeeze %dma_wait3A_593 : memref<1x128xi32, #tpu.memory_space<vmem>> -> memref<128xi32, #tpu.memory_space<vmem>>
      %dma_wait3A_595 = arith.constant 0 : i32
      %dma_wait3A_596 = arith.constant 0 : i32
      %dma_wait3A_597 = tpu.memref_slice %arg9[%dma_wait3A_595, %dma_wait3A_596] : memref<10000x16xf32, #tpu.memory_space<vmem_shared>> -> memref<10000x16xf32, #tpu.memory_space<vmem_shared>>
      tpu.wait_indirect_dma semaphore(%arg13 : memref<!tpu.dma_semaphore, #tpu.memory_space<semaphore_mem>>) src(%dma_wait3A_591 : memref<128x16xf32, #tpu.memory_space<vmem>>) dst(%dma_wait3A_597 : memref<10000x16xf32, #tpu.memory_space<vmem_shared>>)
      %sub3A = arith.constant 1 : i32
      %sub3A_598 = arith.subi %select_n3A, %sub3A : i32
      %lt3A = arith.cmpi slt, %while3A_264, %sub3A_598 : i32
      %convert_element_type3A_599 = arith.extui %lt3A : i1 to i32
      %cond3A_600 = arith.constant 0 : i32
      %cond3A_601 = arith.cmpi ne, %convert_element_type3A_599, %cond3A_600 : i32
      scf.if %cond3A_601 {
        %add3A_603 = arith.constant 2 : i32
        %add3A_604 = arith.addi %mul3A_267, %add3A_603 : i32
        %mul3A_605 = arith.constant 4 : i32
        %mul3A_606 = arith.muli %add3A_604, %mul3A_605 : i32
        %add3A_607 = arith.constant 0 : i32
        %add3A_608 = arith.addi %mul3A_606, %add3A_607 : i32
        %dma_start3A_609 = arith.constant 0 : i32
        %dma_start3A_610 = arith.constant 0 : i32
        %dma_start3A_611 = arith.constant 0 : i32
        %dma_start3A_612 = tpu.memref_slice %arg7[%dma_start3A_609, %dma_start3A_610, %dma_start3A_611] : memref<8x128x16xf32, #tpu.memory_space<vmem>> -> memref<1x128x16xf32, #tpu.memory_space<vmem>>
        %dma_start3A_613 = tpu.memref_squeeze %dma_start3A_612 : memref<1x128x16xf32, #tpu.memory_space<vmem>> -> memref<128x16xf32, #tpu.memory_space<vmem>>
        %dma_start3A_614 = arith.constant 0 : i32
        %dma_start3A_615 = tpu.memref_slice %arg5[%add3A_608, %dma_start3A_614] : memref<164x128xi32, #tpu.memory_space<vmem>> -> memref<1x128xi32, #tpu.memory_space<vmem>>
        %dma_start3A_616 = tpu.memref_squeeze %dma_start3A_615 : memref<1x128xi32, #tpu.memory_space<vmem>> -> memref<128xi32, #tpu.memory_space<vmem>>
        %dma_start3A_617 = arith.constant 0 : i32
        %dma_start3A_618 = arith.constant 0 : i32
        %dma_start3A_619 = tpu.memref_slice %arg10[%dma_start3A_617, %dma_start3A_618] : memref<10000x16xf32, #tpu.memory_space<vmem_shared>> -> memref<10000x16xf32, #tpu.memory_space<vmem_shared>>
        tpu.enqueue_indirect_dma source(%dma_start3A_619 : memref<10000x16xf32, #tpu.memory_space<vmem_shared>>) target(%dma_start3A_613 : memref<128x16xf32, #tpu.memory_space<vmem>>) offsets(%dma_start3A_616 : memref<128xi32, #tpu.memory_space<vmem>>) semaphore(%arg11 : memref<!tpu.dma_semaphore, #tpu.memory_space<semaphore_mem>>)
        %mul3A_620 = arith.constant 4 : i32
        %mul3A_621 = arith.muli %add3A_604, %mul3A_620 : i32
        %add3A_622 = arith.constant 1 : i32
        %add3A_623 = arith.addi %mul3A_621, %add3A_622 : i32
        %dma_start3A_624 = arith.constant 1 : i32
        %dma_start3A_625 = arith.constant 0 : i32
        %dma_start3A_626 = arith.constant 0 : i32
        %dma_start3A_627 = tpu.memref_slice %arg7[%dma_start3A_624, %dma_start3A_625, %dma_start3A_626] : memref<8x128x16xf32, #tpu.memory_space<vmem>> -> memref<1x128x16xf32, #tpu.memory_space<vmem>>
        %dma_start3A_628 = tpu.memref_squeeze %dma_start3A_627 : memref<1x128x16xf32, #tpu.memory_space<vmem>> -> memref<128x16xf32, #tpu.memory_space<vmem>>
        %dma_start3A_629 = arith.constant 0 : i32
        %dma_start3A_630 = tpu.memref_slice %arg5[%add3A_623, %dma_start3A_629] : memref<164x128xi32, #tpu.memory_space<vmem>> -> memref<1x128xi32, #tpu.memory_space<vmem>>
        %dma_start3A_631 = tpu.memref_squeeze %dma_start3A_630 : memref<1x128xi32, #tpu.memory_space<vmem>> -> memref<128xi32, #tpu.memory_space<vmem>>
        %dma_start3A_632 = arith.constant 0 : i32
        %dma_start3A_633 = arith.constant 0 : i32
        %dma_start3A_634 = tpu.memref_slice %arg10[%dma_start3A_632, %dma_start3A_633] : memref<10000x16xf32, #tpu.memory_space<vmem_shared>> -> memref<10000x16xf32, #tpu.memory_space<vmem_shared>>
        tpu.enqueue_indirect_dma source(%dma_start3A_634 : memref<10000x16xf32, #tpu.memory_space<vmem_shared>>) target(%dma_start3A_628 : memref<128x16xf32, #tpu.memory_space<vmem>>) offsets(%dma_start3A_631 : memref<128xi32, #tpu.memory_space<vmem>>) semaphore(%arg11 : memref<!tpu.dma_semaphore, #tpu.memory_space<semaphore_mem>>)
        %mul3A_635 = arith.constant 4 : i32
        %mul3A_636 = arith.muli %add3A_604, %mul3A_635 : i32
        %add3A_637 = arith.constant 2 : i32
        %add3A_638 = arith.addi %mul3A_636, %add3A_637 : i32
        %dma_start3A_639 = arith.constant 2 : i32
        %dma_start3A_640 = arith.constant 0 : i32
        %dma_start3A_641 = arith.constant 0 : i32
        %dma_start3A_642 = tpu.memref_slice %arg7[%dma_start3A_639, %dma_start3A_640, %dma_start3A_641] : memref<8x128x16xf32, #tpu.memory_space<vmem>> -> memref<1x128x16xf32, #tpu.memory_space<vmem>>
        %dma_start3A_643 = tpu.memref_squeeze %dma_start3A_642 : memref<1x128x16xf32, #tpu.memory_space<vmem>> -> memref<128x16xf32, #tpu.memory_space<vmem>>
        %dma_start3A_644 = arith.constant 0 : i32
        %dma_start3A_645 = tpu.memref_slice %arg5[%add3A_638, %dma_start3A_644] : memref<164x128xi32, #tpu.memory_space<vmem>> -> memref<1x128xi32, #tpu.memory_space<vmem>>
        %dma_start3A_646 = tpu.memref_squeeze %dma_start3A_645 : memref<1x128xi32, #tpu.memory_space<vmem>> -> memref<128xi32, #tpu.memory_space<vmem>>
        %dma_start3A_647 = arith.constant 0 : i32
        %dma_start3A_648 = arith.constant 0 : i32
        %dma_start3A_649 = tpu.memref_slice %arg10[%dma_start3A_647, %dma_start3A_648] : memref<10000x16xf32, #tpu.memory_space<vmem_shared>> -> memref<10000x16xf32, #tpu.memory_space<vmem_shared>>
        tpu.enqueue_indirect_dma source(%dma_start3A_649 : memref<10000x16xf32, #tpu.memory_space<vmem_shared>>) target(%dma_start3A_643 : memref<128x16xf32, #tpu.memory_space<vmem>>) offsets(%dma_start3A_646 : memref<128xi32, #tpu.memory_space<vmem>>) semaphore(%arg11 : memref<!tpu.dma_semaphore, #tpu.memory_space<semaphore_mem>>)
        %mul3A_650 = arith.constant 4 : i32
        %mul3A_651 = arith.muli %add3A_604, %mul3A_650 : i32
        %add3A_652 = arith.constant 3 : i32
        %add3A_653 = arith.addi %mul3A_651, %add3A_652 : i32
        %dma_start3A_654 = arith.constant 3 : i32
        %dma_start3A_655 = arith.constant 0 : i32
        %dma_start3A_656 = arith.constant 0 : i32
        %dma_start3A_657 = tpu.memref_slice %arg7[%dma_start3A_654, %dma_start3A_655, %dma_start3A_656] : memref<8x128x16xf32, #tpu.memory_space<vmem>> -> memref<1x128x16xf32, #tpu.memory_space<vmem>>
        %dma_start3A_658 = tpu.memref_squeeze %dma_start3A_657 : memref<1x128x16xf32, #tpu.memory_space<vmem>> -> memref<128x16xf32, #tpu.memory_space<vmem>>
        %dma_start3A_659 = arith.constant 0 : i32
        %dma_start3A_660 = tpu.memref_slice %arg5[%add3A_653, %dma_start3A_659] : memref<164x128xi32, #tpu.memory_space<vmem>> -> memref<1x128xi32, #tpu.memory_space<vmem>>
        %dma_start3A_661 = tpu.memref_squeeze %dma_start3A_660 : memref<1x128xi32, #tpu.memory_space<vmem>> -> memref<128xi32, #tpu.memory_space<vmem>>
        %dma_start3A_662 = arith.constant 0 : i32
        %dma_start3A_663 = arith.constant 0 : i32
        %dma_start3A_664 = tpu.memref_slice %arg10[%dma_start3A_662, %dma_start3A_663] : memref<10000x16xf32, #tpu.memory_space<vmem_shared>> -> memref<10000x16xf32, #tpu.memory_space<vmem_shared>>
        tpu.enqueue_indirect_dma source(%dma_start3A_664 : memref<10000x16xf32, #tpu.memory_space<vmem_shared>>) target(%dma_start3A_658 : memref<128x16xf32, #tpu.memory_space<vmem>>) offsets(%dma_start3A_661 : memref<128xi32, #tpu.memory_space<vmem>>) semaphore(%arg11 : memref<!tpu.dma_semaphore, #tpu.memory_space<semaphore_mem>>)
      } else {
      }
      %while3A_602 = arith.constant 0 : i32
      scf.yield %while3A_602 : i32
    }
    %dma_wait3A = arith.constant 4 : i32
    %dma_wait3A_96 = arith.constant 0 : i32
    %dma_wait3A_97 = arith.constant 0 : i32
    %dma_wait3A_98 = arith.constant 0 : i32
    %dma_wait3A_99 = tpu.memref_slice %arg7[%dma_wait3A, %dma_wait3A_97, %dma_wait3A_98] : memref<8x128x16xf32, #tpu.memory_space<vmem>> -> memref<1x128x16xf32, #tpu.memory_space<vmem>>
    %dma_wait3A_100 = tpu.memref_squeeze %dma_wait3A_99 : memref<1x128x16xf32, #tpu.memory_space<vmem>> -> memref<128x16xf32, #tpu.memory_space<vmem>>
    %dma_wait3A_101 = arith.constant 0 : i32
    %dma_wait3A_102 = tpu.memref_slice %arg6[%dma_wait3A_96, %dma_wait3A_101] : memref<164x128xi32, #tpu.memory_space<vmem>> -> memref<1x128xi32, #tpu.memory_space<vmem>>
    %dma_wait3A_103 = tpu.memref_squeeze %dma_wait3A_102 : memref<1x128xi32, #tpu.memory_space<vmem>> -> memref<128xi32, #tpu.memory_space<vmem>>
    %dma_wait3A_104 = arith.constant 0 : i32
    %dma_wait3A_105 = arith.constant 0 : i32
    %dma_wait3A_106 = tpu.memref_slice %arg9[%dma_wait3A_104, %dma_wait3A_105] : memref<10000x16xf32, #tpu.memory_space<vmem_shared>> -> memref<10000x16xf32, #tpu.memory_space<vmem_shared>>
    tpu.wait_indirect_dma semaphore(%arg14 : memref<!tpu.dma_semaphore, #tpu.memory_space<semaphore_mem>>) src(%dma_wait3A_100 : memref<128x16xf32, #tpu.memory_space<vmem>>) dst(%dma_wait3A_106 : memref<10000x16xf32, #tpu.memory_space<vmem_shared>>)
    %dma_wait3A_107 = arith.constant 5 : i32
    %dma_wait3A_108 = arith.constant 0 : i32
    %dma_wait3A_109 = arith.constant 0 : i32
    %dma_wait3A_110 = arith.constant 0 : i32
    %dma_wait3A_111 = tpu.memref_slice %arg7[%dma_wait3A_107, %dma_wait3A_109, %dma_wait3A_110] : memref<8x128x16xf32, #tpu.memory_space<vmem>> -> memref<1x128x16xf32, #tpu.memory_space<vmem>>
    %dma_wait3A_112 = tpu.memref_squeeze %dma_wait3A_111 : memref<1x128x16xf32, #tpu.memory_space<vmem>> -> memref<128x16xf32, #tpu.memory_space<vmem>>
    %dma_wait3A_113 = arith.constant 0 : i32
    %dma_wait3A_114 = tpu.memref_slice %arg6[%dma_wait3A_108, %dma_wait3A_113] : memref<164x128xi32, #tpu.memory_space<vmem>> -> memref<1x128xi32, #tpu.memory_space<vmem>>
    %dma_wait3A_115 = tpu.memref_squeeze %dma_wait3A_114 : memref<1x128xi32, #tpu.memory_space<vmem>> -> memref<128xi32, #tpu.memory_space<vmem>>
    %dma_wait3A_116 = arith.constant 0 : i32
    %dma_wait3A_117 = arith.constant 0 : i32
    %dma_wait3A_118 = tpu.memref_slice %arg9[%dma_wait3A_116, %dma_wait3A_117] : memref<10000x16xf32, #tpu.memory_space<vmem_shared>> -> memref<10000x16xf32, #tpu.memory_space<vmem_shared>>
    tpu.wait_indirect_dma semaphore(%arg14 : memref<!tpu.dma_semaphore, #tpu.memory_space<semaphore_mem>>) src(%dma_wait3A_112 : memref<128x16xf32, #tpu.memory_space<vmem>>) dst(%dma_wait3A_118 : memref<10000x16xf32, #tpu.memory_space<vmem_shared>>)
    %dma_wait3A_119 = arith.constant 6 : i32
    %dma_wait3A_120 = arith.constant 0 : i32
    %dma_wait3A_121 = arith.constant 0 : i32
    %dma_wait3A_122 = arith.constant 0 : i32
    %dma_wait3A_123 = tpu.memref_slice %arg7[%dma_wait3A_119, %dma_wait3A_121, %dma_wait3A_122] : memref<8x128x16xf32, #tpu.memory_space<vmem>> -> memref<1x128x16xf32, #tpu.memory_space<vmem>>
    %dma_wait3A_124 = tpu.memref_squeeze %dma_wait3A_123 : memref<1x128x16xf32, #tpu.memory_space<vmem>> -> memref<128x16xf32, #tpu.memory_space<vmem>>
    %dma_wait3A_125 = arith.constant 0 : i32
    %dma_wait3A_126 = tpu.memref_slice %arg6[%dma_wait3A_120, %dma_wait3A_125] : memref<164x128xi32, #tpu.memory_space<vmem>> -> memref<1x128xi32, #tpu.memory_space<vmem>>
    %dma_wait3A_127 = tpu.memref_squeeze %dma_wait3A_126 : memref<1x128xi32, #tpu.memory_space<vmem>> -> memref<128xi32, #tpu.memory_space<vmem>>
    %dma_wait3A_128 = arith.constant 0 : i32
    %dma_wait3A_129 = arith.constant 0 : i32
    %dma_wait3A_130 = tpu.memref_slice %arg9[%dma_wait3A_128, %dma_wait3A_129] : memref<10000x16xf32, #tpu.memory_space<vmem_shared>> -> memref<10000x16xf32, #tpu.memory_space<vmem_shared>>
    tpu.wait_indirect_dma semaphore(%arg14 : memref<!tpu.dma_semaphore, #tpu.memory_space<semaphore_mem>>) src(%dma_wait3A_124 : memref<128x16xf32, #tpu.memory_space<vmem>>) dst(%dma_wait3A_130 : memref<10000x16xf32, #tpu.memory_space<vmem_shared>>)
    %dma_wait3A_131 = arith.constant 7 : i32
    %dma_wait3A_132 = arith.constant 0 : i32
    %dma_wait3A_133 = arith.constant 0 : i32
    %dma_wait3A_134 = arith.constant 0 : i32
    %dma_wait3A_135 = tpu.memref_slice %arg7[%dma_wait3A_131, %dma_wait3A_133, %dma_wait3A_134] : memref<8x128x16xf32, #tpu.memory_space<vmem>> -> memref<1x128x16xf32, #tpu.memory_space<vmem>>
    %dma_wait3A_136 = tpu.memref_squeeze %dma_wait3A_135 : memref<1x128x16xf32, #tpu.memory_space<vmem>> -> memref<128x16xf32, #tpu.memory_space<vmem>>
    %dma_wait3A_137 = arith.constant 0 : i32
    %dma_wait3A_138 = tpu.memref_slice %arg6[%dma_wait3A_132, %dma_wait3A_137] : memref<164x128xi32, #tpu.memory_space<vmem>> -> memref<1x128xi32, #tpu.memory_space<vmem>>
    %dma_wait3A_139 = tpu.memref_squeeze %dma_wait3A_138 : memref<1x128xi32, #tpu.memory_space<vmem>> -> memref<128xi32, #tpu.memory_space<vmem>>
    %dma_wait3A_140 = arith.constant 0 : i32
    %dma_wait3A_141 = arith.constant 0 : i32
    %dma_wait3A_142 = tpu.memref_slice %arg9[%dma_wait3A_140, %dma_wait3A_141] : memref<10000x16xf32, #tpu.memory_space<vmem_shared>> -> memref<10000x16xf32, #tpu.memory_space<vmem_shared>>
    tpu.wait_indirect_dma semaphore(%arg14 : memref<!tpu.dma_semaphore, #tpu.memory_space<semaphore_mem>>) src(%dma_wait3A_136 : memref<128x16xf32, #tpu.memory_space<vmem>>) dst(%dma_wait3A_142 : memref<10000x16xf32, #tpu.memory_space<vmem_shared>>)
    %mul3A_143 = arith.constant 2 : i32
    %mul3A_144 = arith.muli %select_n3A, %mul3A_143 : i32
    %mul3A_145 = arith.constant 4 : i32
    %mul3A_146 = arith.muli %mul3A_144, %mul3A_145 : i32
    %add3A_147 = arith.constant 0 : i32
    %add3A_148 = arith.addi %mul3A_146, %add3A_147 : i32
    %dma_start3A_149 = arith.constant 0 : i32
    %dma_start3A_150 = arith.constant 0 : i32
    %dma_start3A_151 = arith.constant 0 : i32
    %dma_start3A_152 = tpu.memref_slice %arg7[%dma_start3A_149, %dma_start3A_150, %dma_start3A_151] : memref<8x128x16xf32, #tpu.memory_space<vmem>> -> memref<1x128x16xf32, #tpu.memory_space<vmem>>
    %dma_start3A_153 = tpu.memref_squeeze %dma_start3A_152 : memref<1x128x16xf32, #tpu.memory_space<vmem>> -> memref<128x16xf32, #tpu.memory_space<vmem>>
    %dma_start3A_154 = arith.constant 0 : i32
    %dma_start3A_155 = tpu.memref_slice %arg5[%add3A_148, %dma_start3A_154] : memref<164x128xi32, #tpu.memory_space<vmem>> -> memref<1x128xi32, #tpu.memory_space<vmem>>
    %dma_start3A_156 = tpu.memref_squeeze %dma_start3A_155 : memref<1x128xi32, #tpu.memory_space<vmem>> -> memref<128xi32, #tpu.memory_space<vmem>>
    %dma_start3A_157 = arith.constant 0 : i32
    %dma_start3A_158 = arith.constant 0 : i32
    %dma_start3A_159 = tpu.memref_slice %arg10[%dma_start3A_157, %dma_start3A_158] : memref<10000x16xf32, #tpu.memory_space<vmem_shared>> -> memref<10000x16xf32, #tpu.memory_space<vmem_shared>>
    tpu.enqueue_indirect_dma source(%dma_start3A_159 : memref<10000x16xf32, #tpu.memory_space<vmem_shared>>) target(%dma_start3A_153 : memref<128x16xf32, #tpu.memory_space<vmem>>) offsets(%dma_start3A_156 : memref<128xi32, #tpu.memory_space<vmem>>) semaphore(%arg11 : memref<!tpu.dma_semaphore, #tpu.memory_space<semaphore_mem>>)
    %add3A_160 = arith.constant 1 : i32
    %add3A_161 = arith.addi %mul3A_146, %add3A_160 : i32
    %dma_start3A_162 = arith.constant 1 : i32
    %dma_start3A_163 = arith.constant 0 : i32
    %dma_start3A_164 = arith.constant 0 : i32
    %dma_start3A_165 = tpu.memref_slice %arg7[%dma_start3A_162, %dma_start3A_163, %dma_start3A_164] : memref<8x128x16xf32, #tpu.memory_space<vmem>> -> memref<1x128x16xf32, #tpu.memory_space<vmem>>
    %dma_start3A_166 = tpu.memref_squeeze %dma_start3A_165 : memref<1x128x16xf32, #tpu.memory_space<vmem>> -> memref<128x16xf32, #tpu.memory_space<vmem>>
    %dma_start3A_167 = arith.constant 0 : i32
    %dma_start3A_168 = tpu.memref_slice %arg5[%add3A_161, %dma_start3A_167] : memref<164x128xi32, #tpu.memory_space<vmem>> -> memref<1x128xi32, #tpu.memory_space<vmem>>
    %dma_start3A_169 = tpu.memref_squeeze %dma_start3A_168 : memref<1x128xi32, #tpu.memory_space<vmem>> -> memref<128xi32, #tpu.memory_space<vmem>>
    %dma_start3A_170 = arith.constant 0 : i32
    %dma_start3A_171 = arith.constant 0 : i32
    %dma_start3A_172 = tpu.memref_slice %arg10[%dma_start3A_170, %dma_start3A_171] : memref<10000x16xf32, #tpu.memory_space<vmem_shared>> -> memref<10000x16xf32, #tpu.memory_space<vmem_shared>>
    tpu.enqueue_indirect_dma source(%dma_start3A_172 : memref<10000x16xf32, #tpu.memory_space<vmem_shared>>) target(%dma_start3A_166 : memref<128x16xf32, #tpu.memory_space<vmem>>) offsets(%dma_start3A_169 : memref<128xi32, #tpu.memory_space<vmem>>) semaphore(%arg11 : memref<!tpu.dma_semaphore, #tpu.memory_space<semaphore_mem>>)
    %add3A_173 = arith.constant 2 : i32
    %add3A_174 = arith.addi %mul3A_146, %add3A_173 : i32
    %dma_start3A_175 = arith.constant 2 : i32
    %dma_start3A_176 = arith.constant 0 : i32
    %dma_start3A_177 = arith.constant 0 : i32
    %dma_start3A_178 = tpu.memref_slice %arg7[%dma_start3A_175, %dma_start3A_176, %dma_start3A_177] : memref<8x128x16xf32, #tpu.memory_space<vmem>> -> memref<1x128x16xf32, #tpu.memory_space<vmem>>
    %dma_start3A_179 = tpu.memref_squeeze %dma_start3A_178 : memref<1x128x16xf32, #tpu.memory_space<vmem>> -> memref<128x16xf32, #tpu.memory_space<vmem>>
    %dma_start3A_180 = arith.constant 0 : i32
    %dma_start3A_181 = tpu.memref_slice %arg5[%add3A_174, %dma_start3A_180] : memref<164x128xi32, #tpu.memory_space<vmem>> -> memref<1x128xi32, #tpu.memory_space<vmem>>
    %dma_start3A_182 = tpu.memref_squeeze %dma_start3A_181 : memref<1x128xi32, #tpu.memory_space<vmem>> -> memref<128xi32, #tpu.memory_space<vmem>>
    %dma_start3A_183 = arith.constant 0 : i32
    %dma_start3A_184 = arith.constant 0 : i32
    %dma_start3A_185 = tpu.memref_slice %arg10[%dma_start3A_183, %dma_start3A_184] : memref<10000x16xf32, #tpu.memory_space<vmem_shared>> -> memref<10000x16xf32, #tpu.memory_space<vmem_shared>>
    tpu.enqueue_indirect_dma source(%dma_start3A_185 : memref<10000x16xf32, #tpu.memory_space<vmem_shared>>) target(%dma_start3A_179 : memref<128x16xf32, #tpu.memory_space<vmem>>) offsets(%dma_start3A_182 : memref<128xi32, #tpu.memory_space<vmem>>) semaphore(%arg11 : memref<!tpu.dma_semaphore, #tpu.memory_space<semaphore_mem>>)
    %add3A_186 = arith.constant 3 : i32
    %add3A_187 = arith.addi %mul3A_146, %add3A_186 : i32
    %dma_start3A_188 = arith.constant 3 : i32
    %dma_start3A_189 = arith.constant 0 : i32
    %dma_start3A_190 = arith.constant 0 : i32
    %dma_start3A_191 = tpu.memref_slice %arg7[%dma_start3A_188, %dma_start3A_189, %dma_start3A_190] : memref<8x128x16xf32, #tpu.memory_space<vmem>> -> memref<1x128x16xf32, #tpu.memory_space<vmem>>
    %dma_start3A_192 = tpu.memref_squeeze %dma_start3A_191 : memref<1x128x16xf32, #tpu.memory_space<vmem>> -> memref<128x16xf32, #tpu.memory_space<vmem>>
    %dma_start3A_193 = arith.constant 0 : i32
    %dma_start3A_194 = tpu.memref_slice %arg5[%add3A_187, %dma_start3A_193] : memref<164x128xi32, #tpu.memory_space<vmem>> -> memref<1x128xi32, #tpu.memory_space<vmem>>
    %dma_start3A_195 = tpu.memref_squeeze %dma_start3A_194 : memref<1x128xi32, #tpu.memory_space<vmem>> -> memref<128xi32, #tpu.memory_space<vmem>>
    %dma_start3A_196 = arith.constant 0 : i32
    %dma_start3A_197 = arith.constant 0 : i32
    %dma_start3A_198 = tpu.memref_slice %arg10[%dma_start3A_196, %dma_start3A_197] : memref<10000x16xf32, #tpu.memory_space<vmem_shared>> -> memref<10000x16xf32, #tpu.memory_space<vmem_shared>>
    tpu.enqueue_indirect_dma source(%dma_start3A_198 : memref<10000x16xf32, #tpu.memory_space<vmem_shared>>) target(%dma_start3A_192 : memref<128x16xf32, #tpu.memory_space<vmem>>) offsets(%dma_start3A_195 : memref<128xi32, #tpu.memory_space<vmem>>) semaphore(%arg11 : memref<!tpu.dma_semaphore, #tpu.memory_space<semaphore_mem>>)
    %dma_wait3A_199 = arith.constant 0 : i32
    %dma_wait3A_200 = arith.constant 0 : i32
    %dma_wait3A_201 = arith.constant 0 : i32
    %dma_wait3A_202 = arith.constant 0 : i32
    %dma_wait3A_203 = tpu.memref_slice %arg7[%dma_wait3A_200, %dma_wait3A_201, %dma_wait3A_202] : memref<8x128x16xf32, #tpu.memory_space<vmem>> -> memref<1x128x16xf32, #tpu.memory_space<vmem>>
    %dma_wait3A_204 = tpu.memref_squeeze %dma_wait3A_203 : memref<1x128x16xf32, #tpu.memory_space<vmem>> -> memref<128x16xf32, #tpu.memory_space<vmem>>
    %dma_wait3A_205 = arith.constant 0 : i32
    %dma_wait3A_206 = tpu.memref_slice %arg5[%dma_wait3A_199, %dma_wait3A_205] : memref<164x128xi32, #tpu.memory_space<vmem>> -> memref<1x128xi32, #tpu.memory_space<vmem>>
    %dma_wait3A_207 = tpu.memref_squeeze %dma_wait3A_206 : memref<1x128xi32, #tpu.memory_space<vmem>> -> memref<128xi32, #tpu.memory_space<vmem>>
    %dma_wait3A_208 = arith.constant 0 : i32
    %dma_wait3A_209 = arith.constant 0 : i32
    %dma_wait3A_210 = tpu.memref_slice %arg10[%dma_wait3A_208, %dma_wait3A_209] : memref<10000x16xf32, #tpu.memory_space<vmem_shared>> -> memref<10000x16xf32, #tpu.memory_space<vmem_shared>>
    tpu.wait_indirect_dma semaphore(%arg11 : memref<!tpu.dma_semaphore, #tpu.memory_space<semaphore_mem>>) src(%dma_wait3A_210 : memref<10000x16xf32, #tpu.memory_space<vmem_shared>>) dst(%dma_wait3A_204 : memref<128x16xf32, #tpu.memory_space<vmem>>)
    %dma_wait3A_211 = arith.constant 0 : i32
    %dma_wait3A_212 = arith.constant 1 : i32
    %dma_wait3A_213 = arith.constant 0 : i32
    %dma_wait3A_214 = arith.constant 0 : i32
    %dma_wait3A_215 = tpu.memref_slice %arg7[%dma_wait3A_212, %dma_wait3A_213, %dma_wait3A_214] : memref<8x128x16xf32, #tpu.memory_space<vmem>> -> memref<1x128x16xf32, #tpu.memory_space<vmem>>
    %dma_wait3A_216 = tpu.memref_squeeze %dma_wait3A_215 : memref<1x128x16xf32, #tpu.memory_space<vmem>> -> memref<128x16xf32, #tpu.memory_space<vmem>>
    %dma_wait3A_217 = arith.constant 0 : i32
    %dma_wait3A_218 = tpu.memref_slice %arg5[%dma_wait3A_211, %dma_wait3A_217] : memref<164x128xi32, #tpu.memory_space<vmem>> -> memref<1x128xi32, #tpu.memory_space<vmem>>
    %dma_wait3A_219 = tpu.memref_squeeze %dma_wait3A_218 : memref<1x128xi32, #tpu.memory_space<vmem>> -> memref<128xi32, #tpu.memory_space<vmem>>
    %dma_wait3A_220 = arith.constant 0 : i32
    %dma_wait3A_221 = arith.constant 0 : i32
    %dma_wait3A_222 = tpu.memref_slice %arg10[%dma_wait3A_220, %dma_wait3A_221] : memref<10000x16xf32, #tpu.memory_space<vmem_shared>> -> memref<10000x16xf32, #tpu.memory_space<vmem_shared>>
    tpu.wait_indirect_dma semaphore(%arg11 : memref<!tpu.dma_semaphore, #tpu.memory_space<semaphore_mem>>) src(%dma_wait3A_222 : memref<10000x16xf32, #tpu.memory_space<vmem_shared>>) dst(%dma_wait3A_216 : memref<128x16xf32, #tpu.memory_space<vmem>>)
    %dma_wait3A_223 = arith.constant 0 : i32
    %dma_wait3A_224 = arith.constant 2 : i32
    %dma_wait3A_225 = arith.constant 0 : i32
    %dma_wait3A_226 = arith.constant 0 : i32
    %dma_wait3A_227 = tpu.memref_slice %arg7[%dma_wait3A_224, %dma_wait3A_225, %dma_wait3A_226] : memref<8x128x16xf32, #tpu.memory_space<vmem>> -> memref<1x128x16xf32, #tpu.memory_space<vmem>>
    %dma_wait3A_228 = tpu.memref_squeeze %dma_wait3A_227 : memref<1x128x16xf32, #tpu.memory_space<vmem>> -> memref<128x16xf32, #tpu.memory_space<vmem>>
    %dma_wait3A_229 = arith.constant 0 : i32
    %dma_wait3A_230 = tpu.memref_slice %arg5[%dma_wait3A_223, %dma_wait3A_229] : memref<164x128xi32, #tpu.memory_space<vmem>> -> memref<1x128xi32, #tpu.memory_space<vmem>>
    %dma_wait3A_231 = tpu.memref_squeeze %dma_wait3A_230 : memref<1x128xi32, #tpu.memory_space<vmem>> -> memref<128xi32, #tpu.memory_space<vmem>>
    %dma_wait3A_232 = arith.constant 0 : i32
    %dma_wait3A_233 = arith.constant 0 : i32
    %dma_wait3A_234 = tpu.memref_slice %arg10[%dma_wait3A_232, %dma_wait3A_233] : memref<10000x16xf32, #tpu.memory_space<vmem_shared>> -> memref<10000x16xf32, #tpu.memory_space<vmem_shared>>
    tpu.wait_indirect_dma semaphore(%arg11 : memref<!tpu.dma_semaphore, #tpu.memory_space<semaphore_mem>>) src(%dma_wait3A_234 : memref<10000x16xf32, #tpu.memory_space<vmem_shared>>) dst(%dma_wait3A_228 : memref<128x16xf32, #tpu.memory_space<vmem>>)
    %dma_wait3A_235 = arith.constant 0 : i32
    %dma_wait3A_236 = arith.constant 3 : i32
    %dma_wait3A_237 = arith.constant 0 : i32
    %dma_wait3A_238 = arith.constant 0 : i32
    %dma_wait3A_239 = tpu.memref_slice %arg7[%dma_wait3A_236, %dma_wait3A_237, %dma_wait3A_238] : memref<8x128x16xf32, #tpu.memory_space<vmem>> -> memref<1x128x16xf32, #tpu.memory_space<vmem>>
    %dma_wait3A_240 = tpu.memref_squeeze %dma_wait3A_239 : memref<1x128x16xf32, #tpu.memory_space<vmem>> -> memref<128x16xf32, #tpu.memory_space<vmem>>
    %dma_wait3A_241 = arith.constant 0 : i32
    %dma_wait3A_242 = tpu.memref_slice %arg5[%dma_wait3A_235, %dma_wait3A_241] : memref<164x128xi32, #tpu.memory_space<vmem>> -> memref<1x128xi32, #tpu.memory_space<vmem>>
    %dma_wait3A_243 = tpu.memref_squeeze %dma_wait3A_242 : memref<1x128xi32, #tpu.memory_space<vmem>> -> memref<128xi32, #tpu.memory_space<vmem>>
    %dma_wait3A_244 = arith.constant 0 : i32
    %dma_wait3A_245 = arith.constant 0 : i32
    %dma_wait3A_246 = tpu.memref_slice %arg10[%dma_wait3A_244, %dma_wait3A_245] : memref<10000x16xf32, #tpu.memory_space<vmem_shared>> -> memref<10000x16xf32, #tpu.memory_space<vmem_shared>>
    tpu.wait_indirect_dma semaphore(%arg11 : memref<!tpu.dma_semaphore, #tpu.memory_space<semaphore_mem>>) src(%dma_wait3A_246 : memref<10000x16xf32, #tpu.memory_space<vmem_shared>>) dst(%dma_wait3A_240 : memref<128x16xf32, #tpu.memory_space<vmem>>)
    %add3A_247 = arith.constant 0 : i32
    %add3A_248 = arith.addi %mul3A_146, %add3A_247 : i32
    %run_scoped3A_249 = arith.constant 0 : i32
    "tpu.region"() ({
      %run_scoped3A_264 = tpu.sem_alloc : memref<!tpu.dma_semaphore, #tpu.memory_space<semaphore_mem>>
      %dma_start3A_265 = arith.constant 0 : i32
      %dma_start3A_266 = arith.constant 0 : i32
      %dma_start3A_267 = tpu.memref_slice %arg7[%run_scoped3A_249, %dma_start3A_265, %dma_start3A_266] : memref<8x128x16xf32, #tpu.memory_space<vmem>> -> memref<1x128x16xf32, #tpu.memory_space<vmem>>
      %dma_start3A_268 = tpu.memref_squeeze %dma_start3A_267 : memref<1x128x16xf32, #tpu.memory_space<vmem>> -> memref<128x16xf32, #tpu.memory_space<vmem>>
      %dma_start3A_269 = arith.constant 0 : i32
      %dma_start3A_270 = tpu.memref_slice %arg6[%add3A_248, %dma_start3A_269] : memref<164x128xi32, #tpu.memory_space<vmem>> -> memref<1x128xi32, #tpu.memory_space<vmem>>
      %dma_start3A_271 = tpu.memref_squeeze %dma_start3A_270 : memref<1x128xi32, #tpu.memory_space<vmem>> -> memref<128xi32, #tpu.memory_space<vmem>>
      %dma_start3A_272 = arith.constant 0 : i32
      %dma_start3A_273 = arith.constant 0 : i32
      %dma_start3A_274 = tpu.memref_slice %arg9[%dma_start3A_272, %dma_start3A_273] : memref<10000x16xf32, #tpu.memory_space<vmem_shared>> -> memref<10000x16xf32, #tpu.memory_space<vmem_shared>>
      tpu.enqueue_indirect_dma source(%dma_start3A_268 : memref<128x16xf32, #tpu.memory_space<vmem>>) target(%dma_start3A_274 : memref<10000x16xf32, #tpu.memory_space<vmem_shared>>) offsets(%dma_start3A_271 : memref<128xi32, #tpu.memory_space<vmem>>) semaphore(%run_scoped3A_264 : memref<!tpu.dma_semaphore, #tpu.memory_space<semaphore_mem>>) {add = true}
      %dma_wait3A_275 = arith.constant 0 : i32
      %dma_wait3A_276 = arith.constant 0 : i32
      %dma_wait3A_277 = tpu.memref_slice %arg7[%run_scoped3A_249, %dma_wait3A_275, %dma_wait3A_276] : memref<8x128x16xf32, #tpu.memory_space<vmem>> -> memref<1x128x16xf32, #tpu.memory_space<vmem>>
      %dma_wait3A_278 = tpu.memref_squeeze %dma_wait3A_277 : memref<1x128x16xf32, #tpu.memory_space<vmem>> -> memref<128x16xf32, #tpu.memory_space<vmem>>
      %dma_wait3A_279 = arith.constant 0 : i32
      %dma_wait3A_280 = tpu.memref_slice %arg6[%add3A_248, %dma_wait3A_279] : memref<164x128xi32, #tpu.memory_space<vmem>> -> memref<1x128xi32, #tpu.memory_space<vmem>>
      %dma_wait3A_281 = tpu.memref_squeeze %dma_wait3A_280 : memref<1x128xi32, #tpu.memory_space<vmem>> -> memref<128xi32, #tpu.memory_space<vmem>>
      %dma_wait3A_282 = arith.constant 0 : i32
      %dma_wait3A_283 = arith.constant 0 : i32
      %dma_wait3A_284 = tpu.memref_slice %arg9[%dma_wait3A_282, %dma_wait3A_283] : memref<10000x16xf32, #tpu.memory_space<vmem_shared>> -> memref<10000x16xf32, #tpu.memory_space<vmem_shared>>
      tpu.wait_indirect_dma semaphore(%run_scoped3A_264 : memref<!tpu.dma_semaphore, #tpu.memory_space<semaphore_mem>>) src(%dma_wait3A_278 : memref<128x16xf32, #tpu.memory_space<vmem>>) dst(%dma_wait3A_284 : memref<10000x16xf32, #tpu.memory_space<vmem_shared>>)
      tpu.yield
    }) : () -> ()
    %add3A_250 = arith.constant 1 : i32
    %add3A_251 = arith.addi %mul3A_146, %add3A_250 : i32
    %run_scoped3A_252 = arith.constant 1 : i32
    "tpu.region"() ({
      %run_scoped3A_264 = tpu.sem_alloc : memref<!tpu.dma_semaphore, #tpu.memory_space<semaphore_mem>>
      %dma_start3A_265 = arith.constant 0 : i32
      %dma_start3A_266 = arith.constant 0 : i32
      %dma_start3A_267 = tpu.memref_slice %arg7[%run_scoped3A_252, %dma_start3A_265, %dma_start3A_266] : memref<8x128x16xf32, #tpu.memory_space<vmem>> -> memref<1x128x16xf32, #tpu.memory_space<vmem>>
      %dma_start3A_268 = tpu.memref_squeeze %dma_start3A_267 : memref<1x128x16xf32, #tpu.memory_space<vmem>> -> memref<128x16xf32, #tpu.memory_space<vmem>>
      %dma_start3A_269 = arith.constant 0 : i32
      %dma_start3A_270 = tpu.memref_slice %arg6[%add3A_251, %dma_start3A_269] : memref<164x128xi32, #tpu.memory_space<vmem>> -> memref<1x128xi32, #tpu.memory_space<vmem>>
      %dma_start3A_271 = tpu.memref_squeeze %dma_start3A_270 : memref<1x128xi32, #tpu.memory_space<vmem>> -> memref<128xi32, #tpu.memory_space<vmem>>
      %dma_start3A_272 = arith.constant 0 : i32
      %dma_start3A_273 = arith.constant 0 : i32
      %dma_start3A_274 = tpu.memref_slice %arg9[%dma_start3A_272, %dma_start3A_273] : memref<10000x16xf32, #tpu.memory_space<vmem_shared>> -> memref<10000x16xf32, #tpu.memory_space<vmem_shared>>
      tpu.enqueue_indirect_dma source(%dma_start3A_268 : memref<128x16xf32, #tpu.memory_space<vmem>>) target(%dma_start3A_274 : memref<10000x16xf32, #tpu.memory_space<vmem_shared>>) offsets(%dma_start3A_271 : memref<128xi32, #tpu.memory_space<vmem>>) semaphore(%run_scoped3A_264 : memref<!tpu.dma_semaphore, #tpu.memory_space<semaphore_mem>>) {add = true}
      %dma_wait3A_275 = arith.constant 0 : i32
      %dma_wait3A_276 = arith.constant 0 : i32
      %dma_wait3A_277 = tpu.memref_slice %arg7[%run_scoped3A_252, %dma_wait3A_275, %dma_wait3A_276] : memref<8x128x16xf32, #tpu.memory_space<vmem>> -> memref<1x128x16xf32, #tpu.memory_space<vmem>>
      %dma_wait3A_278 = tpu.memref_squeeze %dma_wait3A_277 : memref<1x128x16xf32, #tpu.memory_space<vmem>> -> memref<128x16xf32, #tpu.memory_space<vmem>>
      %dma_wait3A_279 = arith.constant 0 : i32
      %dma_wait3A_280 = tpu.memref_slice %arg6[%add3A_251, %dma_wait3A_279] : memref<164x128xi32, #tpu.memory_space<vmem>> -> memref<1x128xi32, #tpu.memory_space<vmem>>
      %dma_wait3A_281 = tpu.memref_squeeze %dma_wait3A_280 : memref<1x128xi32, #tpu.memory_space<vmem>> -> memref<128xi32, #tpu.memory_space<vmem>>
      %dma_wait3A_282 = arith.constant 0 : i32
      %dma_wait3A_283 = arith.constant 0 : i32
      %dma_wait3A_284 = tpu.memref_slice %arg9[%dma_wait3A_282, %dma_wait3A_283] : memref<10000x16xf32, #tpu.memory_space<vmem_shared>> -> memref<10000x16xf32, #tpu.memory_space<vmem_shared>>
      tpu.wait_indirect_dma semaphore(%run_scoped3A_264 : memref<!tpu.dma_semaphore, #tpu.memory_space<semaphore_mem>>) src(%dma_wait3A_278 : memref<128x16xf32, #tpu.memory_space<vmem>>) dst(%dma_wait3A_284 : memref<10000x16xf32, #tpu.memory_space<vmem_shared>>)
      tpu.yield
    }) : () -> ()
    %add3A_253 = arith.constant 2 : i32
    %add3A_254 = arith.addi %mul3A_146, %add3A_253 : i32
    %run_scoped3A_255 = arith.constant 2 : i32
    "tpu.region"() ({
      %run_scoped3A_264 = tpu.sem_alloc : memref<!tpu.dma_semaphore, #tpu.memory_space<semaphore_mem>>
      %dma_start3A_265 = arith.constant 0 : i32
      %dma_start3A_266 = arith.constant 0 : i32
      %dma_start3A_267 = tpu.memref_slice %arg7[%run_scoped3A_255, %dma_start3A_265, %dma_start3A_266] : memref<8x128x16xf32, #tpu.memory_space<vmem>> -> memref<1x128x16xf32, #tpu.memory_space<vmem>>
      %dma_start3A_268 = tpu.memref_squeeze %dma_start3A_267 : memref<1x128x16xf32, #tpu.memory_space<vmem>> -> memref<128x16xf32, #tpu.memory_space<vmem>>
      %dma_start3A_269 = arith.constant 0 : i32
      %dma_start3A_270 = tpu.memref_slice %arg6[%add3A_254, %dma_start3A_269] : memref<164x128xi32, #tpu.memory_space<vmem>> -> memref<1x128xi32, #tpu.memory_space<vmem>>
      %dma_start3A_271 = tpu.memref_squeeze %dma_start3A_270 : memref<1x128xi32, #tpu.memory_space<vmem>> -> memref<128xi32, #tpu.memory_space<vmem>>
      %dma_start3A_272 = arith.constant 0 : i32
      %dma_start3A_273 = arith.constant 0 : i32
      %dma_start3A_274 = tpu.memref_slice %arg9[%dma_start3A_272, %dma_start3A_273] : memref<10000x16xf32, #tpu.memory_space<vmem_shared>> -> memref<10000x16xf32, #tpu.memory_space<vmem_shared>>
      tpu.enqueue_indirect_dma source(%dma_start3A_268 : memref<128x16xf32, #tpu.memory_space<vmem>>) target(%dma_start3A_274 : memref<10000x16xf32, #tpu.memory_space<vmem_shared>>) offsets(%dma_start3A_271 : memref<128xi32, #tpu.memory_space<vmem>>) semaphore(%run_scoped3A_264 : memref<!tpu.dma_semaphore, #tpu.memory_space<semaphore_mem>>) {add = true}
      %dma_wait3A_275 = arith.constant 0 : i32
      %dma_wait3A_276 = arith.constant 0 : i32
      %dma_wait3A_277 = tpu.memref_slice %arg7[%run_scoped3A_255, %dma_wait3A_275, %dma_wait3A_276] : memref<8x128x16xf32, #tpu.memory_space<vmem>> -> memref<1x128x16xf32, #tpu.memory_space<vmem>>
      %dma_wait3A_278 = tpu.memref_squeeze %dma_wait3A_277 : memref<1x128x16xf32, #tpu.memory_space<vmem>> -> memref<128x16xf32, #tpu.memory_space<vmem>>
      %dma_wait3A_279 = arith.constant 0 : i32
      %dma_wait3A_280 = tpu.memref_slice %arg6[%add3A_254, %dma_wait3A_279] : memref<164x128xi32, #tpu.memory_space<vmem>> -> memref<1x128xi32, #tpu.memory_space<vmem>>
      %dma_wait3A_281 = tpu.memref_squeeze %dma_wait3A_280 : memref<1x128xi32, #tpu.memory_space<vmem>> -> memref<128xi32, #tpu.memory_space<vmem>>
      %dma_wait3A_282 = arith.constant 0 : i32
      %dma_wait3A_283 = arith.constant 0 : i32
      %dma_wait3A_284 = tpu.memref_slice %arg9[%dma_wait3A_282, %dma_wait3A_283] : memref<10000x16xf32, #tpu.memory_space<vmem_shared>> -> memref<10000x16xf32, #tpu.memory_space<vmem_shared>>
      tpu.wait_indirect_dma semaphore(%run_scoped3A_264 : memref<!tpu.dma_semaphore, #tpu.memory_space<semaphore_mem>>) src(%dma_wait3A_278 : memref<128x16xf32, #tpu.memory_space<vmem>>) dst(%dma_wait3A_284 : memref<10000x16xf32, #tpu.memory_space<vmem_shared>>)
      tpu.yield
    }) : () -> ()
    %add3A_256 = arith.constant 3 : i32
    %add3A_257 = arith.addi %mul3A_146, %add3A_256 : i32
    %run_scoped3A_258 = arith.constant 3 : i32
    "tpu.region"() ({
      %run_scoped3A_264 = tpu.sem_alloc : memref<!tpu.dma_semaphore, #tpu.memory_space<semaphore_mem>>
      %dma_start3A_265 = arith.constant 0 : i32
      %dma_start3A_266 = arith.constant 0 : i32
      %dma_start3A_267 = tpu.memref_slice %arg7[%run_scoped3A_258, %dma_start3A_265, %dma_start3A_266] : memref<8x128x16xf32, #tpu.memory_space<vmem>> -> memref<1x128x16xf32, #tpu.memory_space<vmem>>
      %dma_start3A_268 = tpu.memref_squeeze %dma_start3A_267 : memref<1x128x16xf32, #tpu.memory_space<vmem>> -> memref<128x16xf32, #tpu.memory_space<vmem>>
      %dma_start3A_269 = arith.constant 0 : i32
      %dma_start3A_270 = tpu.memref_slice %arg6[%add3A_257, %dma_start3A_269] : memref<164x128xi32, #tpu.memory_space<vmem>> -> memref<1x128xi32, #tpu.memory_space<vmem>>
      %dma_start3A_271 = tpu.memref_squeeze %dma_start3A_270 : memref<1x128xi32, #tpu.memory_space<vmem>> -> memref<128xi32, #tpu.memory_space<vmem>>
      %dma_start3A_272 = arith.constant 0 : i32
      %dma_start3A_273 = arith.constant 0 : i32
      %dma_start3A_274 = tpu.memref_slice %arg9[%dma_start3A_272, %dma_start3A_273] : memref<10000x16xf32, #tpu.memory_space<vmem_shared>> -> memref<10000x16xf32, #tpu.memory_space<vmem_shared>>
      tpu.enqueue_indirect_dma source(%dma_start3A_268 : memref<128x16xf32, #tpu.memory_space<vmem>>) target(%dma_start3A_274 : memref<10000x16xf32, #tpu.memory_space<vmem_shared>>) offsets(%dma_start3A_271 : memref<128xi32, #tpu.memory_space<vmem>>) semaphore(%run_scoped3A_264 : memref<!tpu.dma_semaphore, #tpu.memory_space<semaphore_mem>>) {add = true}
      %dma_wait3A_275 = arith.constant 0 : i32
      %dma_wait3A_276 = arith.constant 0 : i32
      %dma_wait3A_277 = tpu.memref_slice %arg7[%run_scoped3A_258, %dma_wait3A_275, %dma_wait3A_276] : memref<8x128x16xf32, #tpu.memory_space<vmem>> -> memref<1x128x16xf32, #tpu.memory_space<vmem>>
      %dma_wait3A_278 = tpu.memref_squeeze %dma_wait3A_277 : memref<1x128x16xf32, #tpu.memory_space<vmem>> -> memref<128x16xf32, #tpu.memory_space<vmem>>
      %dma_wait3A_279 = arith.constant 0 : i32
      %dma_wait3A_280 = tpu.memref_slice %arg6[%add3A_257, %dma_wait3A_279] : memref<164x128xi32, #tpu.memory_space<vmem>> -> memref<1x128xi32, #tpu.memory_space<vmem>>
      %dma_wait3A_281 = tpu.memref_squeeze %dma_wait3A_280 : memref<1x128xi32, #tpu.memory_space<vmem>> -> memref<128xi32, #tpu.memory_space<vmem>>
      %dma_wait3A_282 = arith.constant 0 : i32
      %dma_wait3A_283 = arith.constant 0 : i32
      %dma_wait3A_284 = tpu.memref_slice %arg9[%dma_wait3A_282, %dma_wait3A_283] : memref<10000x16xf32, #tpu.memory_space<vmem_shared>> -> memref<10000x16xf32, #tpu.memory_space<vmem_shared>>
      tpu.wait_indirect_dma semaphore(%run_scoped3A_264 : memref<!tpu.dma_semaphore, #tpu.memory_space<semaphore_mem>>) src(%dma_wait3A_278 : memref<128x16xf32, #tpu.memory_space<vmem>>) dst(%dma_wait3A_284 : memref<10000x16xf32, #tpu.memory_space<vmem_shared>>)
      tpu.yield
    }) : () -> ()
    %barrier3A_259 = arith.constant 0 : index
    tpu.barrier barrier_id(%barrier3A_259)
    %mul3A_260 = arith.constant 625 : i32
    %mul3A_261 = arith.muli %arg1, %mul3A_260 : i32
    %mul3A_262 = arith.constant 625 : i32
    %mul3A_263 = arith.muli %arg1, %mul3A_262 : i32
    "tpu.region"() ({
      %run_scoped3A_264 = tpu.sem_alloc : memref<!tpu.dma_semaphore, #tpu.memory_space<semaphore_mem>>
      %dma_start3A_265 = arith.constant 0 : i32
      %dma_start3A_266 = tpu.memref_slice %arg4[%arg0, %mul3A_263, %dma_start3A_265] : memref<2x10000x16xf32, #tpu.memory_space<hbm>> -> memref<1x625x16xf32, #tpu.memory_space<hbm>>
      %dma_start3A_267 = tpu.memref_squeeze %dma_start3A_266 : memref<1x625x16xf32, #tpu.memory_space<hbm>> -> memref<625x16xf32, #tpu.memory_space<hbm>>
      %dma_start3A_268 = arith.constant 0 : i32
      %dma_start3A_269 = tpu.memref_slice %arg9[%mul3A_261, %dma_start3A_268] : memref<10000x16xf32, #tpu.memory_space<vmem_shared>> -> memref<625x16xf32, #tpu.memory_space<vmem_shared>>
      tpu.enqueue_dma source(%dma_start3A_269 : memref<625x16xf32, #tpu.memory_space<vmem_shared>>) target(%dma_start3A_267 : memref<625x16xf32, #tpu.memory_space<hbm>>) target_semaphore(%run_scoped3A_264 : memref<!tpu.dma_semaphore, #tpu.memory_space<semaphore_mem>>)
      %dma_wait3A_270 = arith.constant 0 : i32
      %dma_wait3A_271 = tpu.memref_slice %arg4[%arg0, %mul3A_263, %dma_wait3A_270] : memref<2x10000x16xf32, #tpu.memory_space<hbm>> -> memref<1x625x16xf32, #tpu.memory_space<hbm>>
      %dma_wait3A_272 = tpu.memref_squeeze %dma_wait3A_271 : memref<1x625x16xf32, #tpu.memory_space<hbm>> -> memref<625x16xf32, #tpu.memory_space<hbm>>
      %dma_wait3A_273 = arith.constant 0 : i32
      %dma_wait3A_274 = tpu.memref_slice %arg9[%mul3A_261, %dma_wait3A_273] : memref<10000x16xf32, #tpu.memory_space<vmem_shared>> -> memref<625x16xf32, #tpu.memory_space<vmem_shared>>
      tpu.wait_dma2 semaphore(%run_scoped3A_264 : memref<!tpu.dma_semaphore, #tpu.memory_space<semaphore_mem>>) src(%dma_wait3A_274 : memref<625x16xf32, #tpu.memory_space<vmem_shared>>) dst(%dma_wait3A_272 : memref<625x16xf32, #tpu.memory_space<hbm>>)
      tpu.yield
    }) : () -> ()
    return
  }
}

#map = affine_map<(d0, d1) -> (0, 0)>
#map1 = affine_map<(d0, d1) -> (0, 0, 0)>
module attributes {stable_mosaic.version = 14 : i64} {
  func.func @_msg_kernel(%arg0: i32, %arg1: i32, %arg2: memref<10000x32xf32, #tpu.memory_space<hbm>>, %arg3: memref<2x5000x128xi32, #tpu.memory_space<hbm>>, %arg4: memref<2x10000x32xf32, #tpu.memory_space<hbm>>, %arg5: memref<164x128xi32, #tpu.memory_space<vmem>>, %arg6: memref<164x128xi32, #tpu.memory_space<vmem>>, %arg7: memref<8x128x32xf32, #tpu.memory_space<vmem>>, %arg8: memref<125x32xf32, #tpu.memory_space<vmem>>, %arg9: memref<10000x32xf32, #tpu.memory_space<vmem_shared>>, %arg10: memref<10000x32xf32, #tpu.memory_space<vmem_shared>>, %arg11: memref<!tpu.dma_semaphore, #tpu.memory_space<semaphore_mem>>, %arg12: memref<!tpu.dma_semaphore, #tpu.memory_space<semaphore_mem>>, %arg13: memref<!tpu.dma_semaphore, #tpu.memory_space<semaphore_mem>>, %arg14: memref<!tpu.dma_semaphore, #tpu.memory_space<semaphore_mem>>) attributes {dimension_semantics = [#tpu.dimension_semantics<core_parallel>, #tpu.dimension_semantics<subcore_parallel>], iteration_bounds = array<i64: 2, 16>, scalar_prefetch = 0 : i64, scratch_operands = 10 : i64, tpu.core_type = #tpu.core_type<sc_vector_subcore>, window_params = [{transform_indices = #map}, {transform_indices = #map1}, {transform_indices = #map1}]} {
    %mul3A = arith.constant 16 : i32
    %mul3A_0 = arith.muli %arg0, %mul3A : i32
    %add3A = arith.addi %mul3A_0, %arg1 : i32
    %eq3A = arith.constant 31 : i32
    %eq3A_1 = arith.cmpi eq, %add3A, %eq3A : i32
    %mul3A_2 = arith.constant 156 : i32
    %mul3A_3 = arith.muli %add3A, %mul3A_2 : i32
    %run_scoped3A = arith.constant 0 : i32
    "tpu.region"() ({
      %run_scoped3A_264 = tpu.sem_alloc : memref<!tpu.dma_semaphore, #tpu.memory_space<semaphore_mem>>
      %dma_start3A_265 = arith.constant 0 : i32
      %dma_start3A_266 = arith.constant 0 : i32
      %dma_start3A_267 = tpu.memref_slice %arg5[%dma_start3A_265, %dma_start3A_266] : memref<164x128xi32, #tpu.memory_space<vmem>> -> memref<156x128xi32, #tpu.memory_space<vmem>>
      %dma_start3A_268 = arith.constant 0 : i32
      %dma_start3A_269 = tpu.memref_slice %arg3[%run_scoped3A, %mul3A_3, %dma_start3A_268] : memref<2x5000x128xi32, #tpu.memory_space<hbm>> -> memref<1x156x128xi32, #tpu.memory_space<hbm>>
      %dma_start3A_270 = tpu.memref_squeeze %dma_start3A_269 : memref<1x156x128xi32, #tpu.memory_space<hbm>> -> memref<156x128xi32, #tpu.memory_space<hbm>>
      %dma_start3A_271 = arith.constant 0 : i32
      %dma_start3A_272 = arith.constant 0 : i32
      %dma_start3A_273 = tpu.memref_slice %arg5[%dma_start3A_271, %dma_start3A_272] : memref<164x128xi32, #tpu.memory_space<vmem>> -> memref<156x128xi32, #tpu.memory_space<vmem>>
      %dma_start3A_274 = arith.constant 0 : i32
      %dma_start3A_275 = tpu.memref_slice %arg3[%run_scoped3A, %mul3A_3, %dma_start3A_274] : memref<2x5000x128xi32, #tpu.memory_space<hbm>> -> memref<1x156x128xi32, #tpu.memory_space<hbm>>
      %dma_start3A_276 = tpu.memref_squeeze %dma_start3A_275 : memref<1x156x128xi32, #tpu.memory_space<hbm>> -> memref<156x128xi32, #tpu.memory_space<hbm>>
      tpu.enqueue_dma source(%dma_start3A_276 : memref<156x128xi32, #tpu.memory_space<hbm>>) target(%dma_start3A_273 : memref<156x128xi32, #tpu.memory_space<vmem>>) target_semaphore(%run_scoped3A_264 : memref<!tpu.dma_semaphore, #tpu.memory_space<semaphore_mem>>)
      %dma_wait3A_277 = arith.constant 0 : i32
      %dma_wait3A_278 = arith.constant 0 : i32
      %dma_wait3A_279 = tpu.memref_slice %arg5[%dma_wait3A_277, %dma_wait3A_278] : memref<164x128xi32, #tpu.memory_space<vmem>> -> memref<156x128xi32, #tpu.memory_space<vmem>>
      %dma_wait3A_280 = arith.constant 0 : i32
      %dma_wait3A_281 = tpu.memref_slice %arg3[%run_scoped3A, %mul3A_3, %dma_wait3A_280] : memref<2x5000x128xi32, #tpu.memory_space<hbm>> -> memref<1x156x128xi32, #tpu.memory_space<hbm>>
      %dma_wait3A_282 = tpu.memref_squeeze %dma_wait3A_281 : memref<1x156x128xi32, #tpu.memory_space<hbm>> -> memref<156x128xi32, #tpu.memory_space<hbm>>
      %dma_wait3A_283 = arith.constant 0 : i32
      %dma_wait3A_284 = arith.constant 0 : i32
      %dma_wait3A_285 = tpu.memref_slice %arg5[%dma_wait3A_283, %dma_wait3A_284] : memref<164x128xi32, #tpu.memory_space<vmem>> -> memref<156x128xi32, #tpu.memory_space<vmem>>
      %dma_wait3A_286 = arith.constant 0 : i32
      %dma_wait3A_287 = tpu.memref_slice %arg3[%run_scoped3A, %mul3A_3, %dma_wait3A_286] : memref<2x5000x128xi32, #tpu.memory_space<hbm>> -> memref<1x156x128xi32, #tpu.memory_space<hbm>>
      %dma_wait3A_288 = tpu.memref_squeeze %dma_wait3A_287 : memref<1x156x128xi32, #tpu.memory_space<hbm>> -> memref<156x128xi32, #tpu.memory_space<hbm>>
      tpu.wait_dma2 semaphore(%run_scoped3A_264 : memref<!tpu.dma_semaphore, #tpu.memory_space<semaphore_mem>>) src(%dma_wait3A_288 : memref<156x128xi32, #tpu.memory_space<hbm>>) dst(%dma_wait3A_285 : memref<156x128xi32, #tpu.memory_space<vmem>>)
      tpu.yield
    }) : () -> ()
    %run_scoped3A_4 = arith.constant 1 : i32
    "tpu.region"() ({
      %run_scoped3A_264 = tpu.sem_alloc : memref<!tpu.dma_semaphore, #tpu.memory_space<semaphore_mem>>
      %dma_start3A_265 = arith.constant 0 : i32
      %dma_start3A_266 = arith.constant 0 : i32
      %dma_start3A_267 = tpu.memref_slice %arg6[%dma_start3A_265, %dma_start3A_266] : memref<164x128xi32, #tpu.memory_space<vmem>> -> memref<156x128xi32, #tpu.memory_space<vmem>>
      %dma_start3A_268 = arith.constant 0 : i32
      %dma_start3A_269 = tpu.memref_slice %arg3[%run_scoped3A_4, %mul3A_3, %dma_start3A_268] : memref<2x5000x128xi32, #tpu.memory_space<hbm>> -> memref<1x156x128xi32, #tpu.memory_space<hbm>>
      %dma_start3A_270 = tpu.memref_squeeze %dma_start3A_269 : memref<1x156x128xi32, #tpu.memory_space<hbm>> -> memref<156x128xi32, #tpu.memory_space<hbm>>
      %dma_start3A_271 = arith.constant 0 : i32
      %dma_start3A_272 = arith.constant 0 : i32
      %dma_start3A_273 = tpu.memref_slice %arg6[%dma_start3A_271, %dma_start3A_272] : memref<164x128xi32, #tpu.memory_space<vmem>> -> memref<156x128xi32, #tpu.memory_space<vmem>>
      %dma_start3A_274 = arith.constant 0 : i32
      %dma_start3A_275 = tpu.memref_slice %arg3[%run_scoped3A_4, %mul3A_3, %dma_start3A_274] : memref<2x5000x128xi32, #tpu.memory_space<hbm>> -> memref<1x156x128xi32, #tpu.memory_space<hbm>>
      %dma_start3A_276 = tpu.memref_squeeze %dma_start3A_275 : memref<1x156x128xi32, #tpu.memory_space<hbm>> -> memref<156x128xi32, #tpu.memory_space<hbm>>
      tpu.enqueue_dma source(%dma_start3A_276 : memref<156x128xi32, #tpu.memory_space<hbm>>) target(%dma_start3A_273 : memref<156x128xi32, #tpu.memory_space<vmem>>) target_semaphore(%run_scoped3A_264 : memref<!tpu.dma_semaphore, #tpu.memory_space<semaphore_mem>>)
      %dma_wait3A_277 = arith.constant 0 : i32
      %dma_wait3A_278 = arith.constant 0 : i32
      %dma_wait3A_279 = tpu.memref_slice %arg6[%dma_wait3A_277, %dma_wait3A_278] : memref<164x128xi32, #tpu.memory_space<vmem>> -> memref<156x128xi32, #tpu.memory_space<vmem>>
      %dma_wait3A_280 = arith.constant 0 : i32
      %dma_wait3A_281 = tpu.memref_slice %arg3[%run_scoped3A_4, %mul3A_3, %dma_wait3A_280] : memref<2x5000x128xi32, #tpu.memory_space<hbm>> -> memref<1x156x128xi32, #tpu.memory_space<hbm>>
      %dma_wait3A_282 = tpu.memref_squeeze %dma_wait3A_281 : memref<1x156x128xi32, #tpu.memory_space<hbm>> -> memref<156x128xi32, #tpu.memory_space<hbm>>
      %dma_wait3A_283 = arith.constant 0 : i32
      %dma_wait3A_284 = arith.constant 0 : i32
      %dma_wait3A_285 = tpu.memref_slice %arg6[%dma_wait3A_283, %dma_wait3A_284] : memref<164x128xi32, #tpu.memory_space<vmem>> -> memref<156x128xi32, #tpu.memory_space<vmem>>
      %dma_wait3A_286 = arith.constant 0 : i32
      %dma_wait3A_287 = tpu.memref_slice %arg3[%run_scoped3A_4, %mul3A_3, %dma_wait3A_286] : memref<2x5000x128xi32, #tpu.memory_space<hbm>> -> memref<1x156x128xi32, #tpu.memory_space<hbm>>
      %dma_wait3A_288 = tpu.memref_squeeze %dma_wait3A_287 : memref<1x156x128xi32, #tpu.memory_space<hbm>> -> memref<156x128xi32, #tpu.memory_space<hbm>>
      tpu.wait_dma2 semaphore(%run_scoped3A_264 : memref<!tpu.dma_semaphore, #tpu.memory_space<semaphore_mem>>) src(%dma_wait3A_288 : memref<156x128xi32, #tpu.memory_space<hbm>>) dst(%dma_wait3A_285 : memref<156x128xi32, #tpu.memory_space<vmem>>)
      tpu.yield
    }) : () -> ()
    %convert_element_type3A = arith.extui %eq3A_1 : i1 to i32
    %cond3A = arith.constant 0 : i32
    %cond3A_5 = arith.cmpi ne, %convert_element_type3A, %cond3A : i32
    scf.if %cond3A_5 {
      %add3A_264 = arith.constant 156 : i32
      %add3A_265 = arith.addi %mul3A_3, %add3A_264 : i32
      %run_scoped3A_266 = arith.constant 0 : i32
      "tpu.region"() ({
        %run_scoped3A_270 = tpu.sem_alloc : memref<!tpu.dma_semaphore, #tpu.memory_space<semaphore_mem>>
        %dma_start3A_271 = arith.constant 156 : i32
        %dma_start3A_272 = arith.constant 0 : i32
        %dma_start3A_273 = tpu.memref_slice %arg5[%dma_start3A_271, %dma_start3A_272] : memref<164x128xi32, #tpu.memory_space<vmem>> -> memref<8x128xi32, #tpu.memory_space<vmem>>
        %dma_start3A_274 = arith.constant 0 : i32
        %dma_start3A_275 = tpu.memref_slice %arg3[%run_scoped3A_266, %add3A_265, %dma_start3A_274] : memref<2x5000x128xi32, #tpu.memory_space<hbm>> -> memref<1x8x128xi32, #tpu.memory_space<hbm>>
        %dma_start3A_276 = tpu.memref_squeeze %dma_start3A_275 : memref<1x8x128xi32, #tpu.memory_space<hbm>> -> memref<8x128xi32, #tpu.memory_space<hbm>>
        %dma_start3A_277 = arith.constant 156 : i32
        %dma_start3A_278 = arith.constant 0 : i32
        %dma_start3A_279 = tpu.memref_slice %arg5[%dma_start3A_277, %dma_start3A_278] : memref<164x128xi32, #tpu.memory_space<vmem>> -> memref<8x128xi32, #tpu.memory_space<vmem>>
        %dma_start3A_280 = arith.constant 0 : i32
        %dma_start3A_281 = tpu.memref_slice %arg3[%run_scoped3A_266, %add3A_265, %dma_start3A_280] : memref<2x5000x128xi32, #tpu.memory_space<hbm>> -> memref<1x8x128xi32, #tpu.memory_space<hbm>>
        %dma_start3A_282 = tpu.memref_squeeze %dma_start3A_281 : memref<1x8x128xi32, #tpu.memory_space<hbm>> -> memref<8x128xi32, #tpu.memory_space<hbm>>
        tpu.enqueue_dma source(%dma_start3A_282 : memref<8x128xi32, #tpu.memory_space<hbm>>) target(%dma_start3A_279 : memref<8x128xi32, #tpu.memory_space<vmem>>) target_semaphore(%run_scoped3A_270 : memref<!tpu.dma_semaphore, #tpu.memory_space<semaphore_mem>>)
        %dma_wait3A_283 = arith.constant 156 : i32
        %dma_wait3A_284 = arith.constant 0 : i32
        %dma_wait3A_285 = tpu.memref_slice %arg5[%dma_wait3A_283, %dma_wait3A_284] : memref<164x128xi32, #tpu.memory_space<vmem>> -> memref<8x128xi32, #tpu.memory_space<vmem>>
        %dma_wait3A_286 = arith.constant 0 : i32
        %dma_wait3A_287 = tpu.memref_slice %arg3[%run_scoped3A_266, %add3A_265, %dma_wait3A_286] : memref<2x5000x128xi32, #tpu.memory_space<hbm>> -> memref<1x8x128xi32, #tpu.memory_space<hbm>>
        %dma_wait3A_288 = tpu.memref_squeeze %dma_wait3A_287 : memref<1x8x128xi32, #tpu.memory_space<hbm>> -> memref<8x128xi32, #tpu.memory_space<hbm>>
        %dma_wait3A_289 = arith.constant 156 : i32
        %dma_wait3A_290 = arith.constant 0 : i32
        %dma_wait3A_291 = tpu.memref_slice %arg5[%dma_wait3A_289, %dma_wait3A_290] : memref<164x128xi32, #tpu.memory_space<vmem>> -> memref<8x128xi32, #tpu.memory_space<vmem>>
        %dma_wait3A_292 = arith.constant 0 : i32
        %dma_wait3A_293 = tpu.memref_slice %arg3[%run_scoped3A_266, %add3A_265, %dma_wait3A_292] : memref<2x5000x128xi32, #tpu.memory_space<hbm>> -> memref<1x8x128xi32, #tpu.memory_space<hbm>>
        %dma_wait3A_294 = tpu.memref_squeeze %dma_wait3A_293 : memref<1x8x128xi32, #tpu.memory_space<hbm>> -> memref<8x128xi32, #tpu.memory_space<hbm>>
        tpu.wait_dma2 semaphore(%run_scoped3A_270 : memref<!tpu.dma_semaphore, #tpu.memory_space<semaphore_mem>>) src(%dma_wait3A_294 : memref<8x128xi32, #tpu.memory_space<hbm>>) dst(%dma_wait3A_291 : memref<8x128xi32, #tpu.memory_space<vmem>>)
        tpu.yield
      }) : () -> ()
      %add3A_267 = arith.constant 156 : i32
      %add3A_268 = arith.addi %mul3A_3, %add3A_267 : i32
      %run_scoped3A_269 = arith.constant 1 : i32
      "tpu.region"() ({
        %run_scoped3A_270 = tpu.sem_alloc : memref<!tpu.dma_semaphore, #tpu.memory_space<semaphore_mem>>
        %dma_start3A_271 = arith.constant 156 : i32
        %dma_start3A_272 = arith.constant 0 : i32
        %dma_start3A_273 = tpu.memref_slice %arg6[%dma_start3A_271, %dma_start3A_272] : memref<164x128xi32, #tpu.memory_space<vmem>> -> memref<8x128xi32, #tpu.memory_space<vmem>>
        %dma_start3A_274 = arith.constant 0 : i32
        %dma_start3A_275 = tpu.memref_slice %arg3[%run_scoped3A_269, %add3A_268, %dma_start3A_274] : memref<2x5000x128xi32, #tpu.memory_space<hbm>> -> memref<1x8x128xi32, #tpu.memory_space<hbm>>
        %dma_start3A_276 = tpu.memref_squeeze %dma_start3A_275 : memref<1x8x128xi32, #tpu.memory_space<hbm>> -> memref<8x128xi32, #tpu.memory_space<hbm>>
        %dma_start3A_277 = arith.constant 156 : i32
        %dma_start3A_278 = arith.constant 0 : i32
        %dma_start3A_279 = tpu.memref_slice %arg6[%dma_start3A_277, %dma_start3A_278] : memref<164x128xi32, #tpu.memory_space<vmem>> -> memref<8x128xi32, #tpu.memory_space<vmem>>
        %dma_start3A_280 = arith.constant 0 : i32
        %dma_start3A_281 = tpu.memref_slice %arg3[%run_scoped3A_269, %add3A_268, %dma_start3A_280] : memref<2x5000x128xi32, #tpu.memory_space<hbm>> -> memref<1x8x128xi32, #tpu.memory_space<hbm>>
        %dma_start3A_282 = tpu.memref_squeeze %dma_start3A_281 : memref<1x8x128xi32, #tpu.memory_space<hbm>> -> memref<8x128xi32, #tpu.memory_space<hbm>>
        tpu.enqueue_dma source(%dma_start3A_282 : memref<8x128xi32, #tpu.memory_space<hbm>>) target(%dma_start3A_279 : memref<8x128xi32, #tpu.memory_space<vmem>>) target_semaphore(%run_scoped3A_270 : memref<!tpu.dma_semaphore, #tpu.memory_space<semaphore_mem>>)
        %dma_wait3A_283 = arith.constant 156 : i32
        %dma_wait3A_284 = arith.constant 0 : i32
        %dma_wait3A_285 = tpu.memref_slice %arg6[%dma_wait3A_283, %dma_wait3A_284] : memref<164x128xi32, #tpu.memory_space<vmem>> -> memref<8x128xi32, #tpu.memory_space<vmem>>
        %dma_wait3A_286 = arith.constant 0 : i32
        %dma_wait3A_287 = tpu.memref_slice %arg3[%run_scoped3A_269, %add3A_268, %dma_wait3A_286] : memref<2x5000x128xi32, #tpu.memory_space<hbm>> -> memref<1x8x128xi32, #tpu.memory_space<hbm>>
        %dma_wait3A_288 = tpu.memref_squeeze %dma_wait3A_287 : memref<1x8x128xi32, #tpu.memory_space<hbm>> -> memref<8x128xi32, #tpu.memory_space<hbm>>
        %dma_wait3A_289 = arith.constant 156 : i32
        %dma_wait3A_290 = arith.constant 0 : i32
        %dma_wait3A_291 = tpu.memref_slice %arg6[%dma_wait3A_289, %dma_wait3A_290] : memref<164x128xi32, #tpu.memory_space<vmem>> -> memref<8x128xi32, #tpu.memory_space<vmem>>
        %dma_wait3A_292 = arith.constant 0 : i32
        %dma_wait3A_293 = tpu.memref_slice %arg3[%run_scoped3A_269, %add3A_268, %dma_wait3A_292] : memref<2x5000x128xi32, #tpu.memory_space<hbm>> -> memref<1x8x128xi32, #tpu.memory_space<hbm>>
        %dma_wait3A_294 = tpu.memref_squeeze %dma_wait3A_293 : memref<1x8x128xi32, #tpu.memory_space<hbm>> -> memref<8x128xi32, #tpu.memory_space<hbm>>
        tpu.wait_dma2 semaphore(%run_scoped3A_270 : memref<!tpu.dma_semaphore, #tpu.memory_space<semaphore_mem>>) src(%dma_wait3A_294 : memref<8x128xi32, #tpu.memory_space<hbm>>) dst(%dma_wait3A_291 : memref<8x128xi32, #tpu.memory_space<vmem>>)
        tpu.yield
      }) : () -> ()
    } else {
    }
    %broadcast_in_dim3A = arith.constant 0.000000e+00 : f32
    %broadcast_in_dim3A_6 = vector.broadcast %broadcast_in_dim3A : f32 to vector<16xf32>
    %scan3A = arith.constant 0 : i32
    %scan3A_7 = arith.constant 0 : i32
    %scan3A_8 = arith.constant 250 : i32
    %scan3A_9 = arith.addi %scan3A_7, %scan3A_8 : i32
    %scan3A_10 = arith.constant 1 : i32
    %scan3A_11 = scf.for %scan3A_264 = %scan3A_7 to %scan3A_9 step %scan3A_10 iter_args(%scan3A_265 = %scan3A) -> (i32)  : i32 {
      %jit3A_266 = arith.constant 2 : i32
      %div3A = arith.divsi %scan3A_264, %jit3A_266 : i32
      %sign3A = arith.constant 0 : i32
      %sign3A_267 = arith.cmpi sgt, %scan3A_264, %sign3A : i32
      %sign3A_268 = arith.extui %sign3A_267 : i1 to i32
      %sign3A_269 = arith.constant 0 : i32
      %sign3A_270 = arith.cmpi slt, %scan3A_264, %sign3A_269 : i32
      %sign3A_271 = arith.extui %sign3A_270 : i1 to i32
      %sign3A_272 = arith.subi %sign3A_268, %sign3A_271 : i32
      %sign3A_273 = arith.constant 0 : i32
      %sign3A_274 = arith.cmpi sgt, %jit3A_266, %sign3A_273 : i32
      %sign3A_275 = arith.extui %sign3A_274 : i1 to i32
      %sign3A_276 = arith.constant 0 : i32
      %sign3A_277 = arith.cmpi slt, %jit3A_266, %sign3A_276 : i32
      %sign3A_278 = arith.extui %sign3A_277 : i1 to i32
      %sign3A_279 = arith.subi %sign3A_275, %sign3A_278 : i32
      %ne3A = arith.cmpi ne, %sign3A_272, %sign3A_279 : i32
      %rem3A = arith.remsi %scan3A_264, %jit3A_266 : i32
      %ne3A_280 = arith.constant 0 : i32
      %ne3A_281 = arith.cmpi ne, %rem3A, %ne3A_280 : i32
      %and3A = arith.andi %ne3A, %ne3A_281 : i1
      %sub3A = arith.constant 1 : i32
      %sub3A_282 = arith.subi %div3A, %sub3A : i32
      %select_n3A_283 = arith.select %and3A, %sub3A_282, %div3A : i32
      %jit3A_284 = arith.constant 2 : i32
      %eq3A_285 = arith.constant 0 : i32
      %eq3A_286 = arith.cmpi eq, %jit3A_284, %eq3A_285 : i32
      %jit3A_287 = arith.constant 1 : i32
      %select_n3A_288 = arith.select %eq3A_286, %jit3A_287, %jit3A_284 : i32
      %rem3A_289 = arith.remsi %scan3A_264, %select_n3A_288 : i32
      %ne3A_290 = arith.constant 0 : i32
      %ne3A_291 = arith.cmpi ne, %rem3A_289, %ne3A_290 : i32
      %lt3A = arith.constant 0 : i32
      %lt3A_292 = arith.cmpi slt, %rem3A_289, %lt3A : i32
      %lt3A_293 = arith.constant 0 : i32
      %lt3A_294 = arith.cmpi slt, %select_n3A_288, %lt3A_293 : i32
      %ne3A_295 = arith.xori %lt3A_292, %lt3A_294 : i1
      %and3A_296 = arith.andi %ne3A_295, %ne3A_291 : i1
      %add3A_297 = arith.addi %rem3A_289, %select_n3A_288 : i32
      %select_n3A_298 = arith.select %and3A_296, %add3A_297, %rem3A_289 : i32
      %mul3A_299 = arith.constant 16 : i32
      %mul3A_300 = arith.muli %select_n3A_298, %mul3A_299 : i32
      %swap3A = arith.index_cast %select_n3A_283 : i32 to index
      %swap3A_301 = arith.index_cast %mul3A_300 : i32 to index
      %swap3A_302 = tpu.vector_load %arg8[%swap3A, %swap3A_301] {strides = array<i32>} : memref<125x32xf32, #tpu.memory_space<vmem>>, vector<16xf32>,
      tpu.vector_store %arg8[%swap3A, %swap3A_301], %broadcast_in_dim3A_6 {strides = array<i32>} : memref<125x32xf32, #tpu.memory_space<vmem>>, vector<16xf32>,
      %scan3A_303 = arith.constant 0 : i32
      scf.yield %scan3A_303 : i32
    }
    %scan3A_12 = arith.constant 250 : i32
    %mul3A_13 = arith.constant 625 : i32
    %mul3A_14 = arith.muli %arg1, %mul3A_13 : i32
    %add3A_15 = arith.constant 0 : i32
    %add3A_16 = arith.addi %mul3A_14, %add3A_15 : i32
    "tpu.region"() ({
      %run_scoped3A_264 = tpu.sem_alloc : memref<!tpu.dma_semaphore, #tpu.memory_space<semaphore_mem>>
      %dma_start3A_265 = arith.constant 0 : i32
      %dma_start3A_266 = tpu.memref_slice %arg9[%add3A_16, %dma_start3A_265] : memref<10000x32xf32, #tpu.memory_space<vmem_shared>> -> memref<125x32xf32, #tpu.memory_space<vmem_shared>>
      %dma_start3A_267 = arith.constant 0 : i32
      %dma_start3A_268 = tpu.memref_slice %arg9[%add3A_16, %dma_start3A_267] : memref<10000x32xf32, #tpu.memory_space<vmem_shared>> -> memref<125x32xf32, #tpu.memory_space<vmem_shared>>
      tpu.enqueue_dma source(%arg8 : memref<125x32xf32, #tpu.memory_space<vmem>>) target(%dma_start3A_268 : memref<125x32xf32, #tpu.memory_space<vmem_shared>>) target_semaphore(%run_scoped3A_264 : memref<!tpu.dma_semaphore, #tpu.memory_space<semaphore_mem>>)
      %dma_wait3A_269 = arith.constant 0 : i32
      %dma_wait3A_270 = tpu.memref_slice %arg9[%add3A_16, %dma_wait3A_269] : memref<10000x32xf32, #tpu.memory_space<vmem_shared>> -> memref<125x32xf32, #tpu.memory_space<vmem_shared>>
      %dma_wait3A_271 = arith.constant 0 : i32
      %dma_wait3A_272 = tpu.memref_slice %arg9[%add3A_16, %dma_wait3A_271] : memref<10000x32xf32, #tpu.memory_space<vmem_shared>> -> memref<125x32xf32, #tpu.memory_space<vmem_shared>>
      tpu.wait_dma2 semaphore(%run_scoped3A_264 : memref<!tpu.dma_semaphore, #tpu.memory_space<semaphore_mem>>) src(%arg8 : memref<125x32xf32, #tpu.memory_space<vmem>>) dst(%dma_wait3A_272 : memref<125x32xf32, #tpu.memory_space<vmem_shared>>)
      tpu.yield
    }) : () -> ()
    %mul3A_17 = arith.constant 625 : i32
    %mul3A_18 = arith.muli %arg1, %mul3A_17 : i32
    %add3A_19 = arith.constant 125 : i32
    %add3A_20 = arith.addi %mul3A_18, %add3A_19 : i32
    "tpu.region"() ({
      %run_scoped3A_264 = tpu.sem_alloc : memref<!tpu.dma_semaphore, #tpu.memory_space<semaphore_mem>>
      %dma_start3A_265 = arith.constant 0 : i32
      %dma_start3A_266 = tpu.memref_slice %arg9[%add3A_20, %dma_start3A_265] : memref<10000x32xf32, #tpu.memory_space<vmem_shared>> -> memref<125x32xf32, #tpu.memory_space<vmem_shared>>
      %dma_start3A_267 = arith.constant 0 : i32
      %dma_start3A_268 = tpu.memref_slice %arg9[%add3A_20, %dma_start3A_267] : memref<10000x32xf32, #tpu.memory_space<vmem_shared>> -> memref<125x32xf32, #tpu.memory_space<vmem_shared>>
      tpu.enqueue_dma source(%arg8 : memref<125x32xf32, #tpu.memory_space<vmem>>) target(%dma_start3A_268 : memref<125x32xf32, #tpu.memory_space<vmem_shared>>) target_semaphore(%run_scoped3A_264 : memref<!tpu.dma_semaphore, #tpu.memory_space<semaphore_mem>>)
      %dma_wait3A_269 = arith.constant 0 : i32
      %dma_wait3A_270 = tpu.memref_slice %arg9[%add3A_20, %dma_wait3A_269] : memref<10000x32xf32, #tpu.memory_space<vmem_shared>> -> memref<125x32xf32, #tpu.memory_space<vmem_shared>>
      %dma_wait3A_271 = arith.constant 0 : i32
      %dma_wait3A_272 = tpu.memref_slice %arg9[%add3A_20, %dma_wait3A_271] : memref<10000x32xf32, #tpu.memory_space<vmem_shared>> -> memref<125x32xf32, #tpu.memory_space<vmem_shared>>
      tpu.wait_dma2 semaphore(%run_scoped3A_264 : memref<!tpu.dma_semaphore, #tpu.memory_space<semaphore_mem>>) src(%arg8 : memref<125x32xf32, #tpu.memory_space<vmem>>) dst(%dma_wait3A_272 : memref<125x32xf32, #tpu.memory_space<vmem_shared>>)
      tpu.yield
    }) : () -> ()
    %mul3A_21 = arith.constant 625 : i32
    %mul3A_22 = arith.muli %arg1, %mul3A_21 : i32
    %add3A_23 = arith.constant 250 : i32
    %add3A_24 = arith.addi %mul3A_22, %add3A_23 : i32
    "tpu.region"() ({
      %run_scoped3A_264 = tpu.sem_alloc : memref<!tpu.dma_semaphore, #tpu.memory_space<semaphore_mem>>
      %dma_start3A_265 = arith.constant 0 : i32
      %dma_start3A_266 = tpu.memref_slice %arg9[%add3A_24, %dma_start3A_265] : memref<10000x32xf32, #tpu.memory_space<vmem_shared>> -> memref<125x32xf32, #tpu.memory_space<vmem_shared>>
      %dma_start3A_267 = arith.constant 0 : i32
      %dma_start3A_268 = tpu.memref_slice %arg9[%add3A_24, %dma_start3A_267] : memref<10000x32xf32, #tpu.memory_space<vmem_shared>> -> memref<125x32xf32, #tpu.memory_space<vmem_shared>>
      tpu.enqueue_dma source(%arg8 : memref<125x32xf32, #tpu.memory_space<vmem>>) target(%dma_start3A_268 : memref<125x32xf32, #tpu.memory_space<vmem_shared>>) target_semaphore(%run_scoped3A_264 : memref<!tpu.dma_semaphore, #tpu.memory_space<semaphore_mem>>)
      %dma_wait3A_269 = arith.constant 0 : i32
      %dma_wait3A_270 = tpu.memref_slice %arg9[%add3A_24, %dma_wait3A_269] : memref<10000x32xf32, #tpu.memory_space<vmem_shared>> -> memref<125x32xf32, #tpu.memory_space<vmem_shared>>
      %dma_wait3A_271 = arith.constant 0 : i32
      %dma_wait3A_272 = tpu.memref_slice %arg9[%add3A_24, %dma_wait3A_271] : memref<10000x32xf32, #tpu.memory_space<vmem_shared>> -> memref<125x32xf32, #tpu.memory_space<vmem_shared>>
      tpu.wait_dma2 semaphore(%run_scoped3A_264 : memref<!tpu.dma_semaphore, #tpu.memory_space<semaphore_mem>>) src(%arg8 : memref<125x32xf32, #tpu.memory_space<vmem>>) dst(%dma_wait3A_272 : memref<125x32xf32, #tpu.memory_space<vmem_shared>>)
      tpu.yield
    }) : () -> ()
    %mul3A_25 = arith.constant 625 : i32
    %mul3A_26 = arith.muli %arg1, %mul3A_25 : i32
    %add3A_27 = arith.constant 375 : i32
    %add3A_28 = arith.addi %mul3A_26, %add3A_27 : i32
    "tpu.region"() ({
      %run_scoped3A_264 = tpu.sem_alloc : memref<!tpu.dma_semaphore, #tpu.memory_space<semaphore_mem>>
      %dma_start3A_265 = arith.constant 0 : i32
      %dma_start3A_266 = tpu.memref_slice %arg9[%add3A_28, %dma_start3A_265] : memref<10000x32xf32, #tpu.memory_space<vmem_shared>> -> memref<125x32xf32, #tpu.memory_space<vmem_shared>>
      %dma_start3A_267 = arith.constant 0 : i32
      %dma_start3A_268 = tpu.memref_slice %arg9[%add3A_28, %dma_start3A_267] : memref<10000x32xf32, #tpu.memory_space<vmem_shared>> -> memref<125x32xf32, #tpu.memory_space<vmem_shared>>
      tpu.enqueue_dma source(%arg8 : memref<125x32xf32, #tpu.memory_space<vmem>>) target(%dma_start3A_268 : memref<125x32xf32, #tpu.memory_space<vmem_shared>>) target_semaphore(%run_scoped3A_264 : memref<!tpu.dma_semaphore, #tpu.memory_space<semaphore_mem>>)
      %dma_wait3A_269 = arith.constant 0 : i32
      %dma_wait3A_270 = tpu.memref_slice %arg9[%add3A_28, %dma_wait3A_269] : memref<10000x32xf32, #tpu.memory_space<vmem_shared>> -> memref<125x32xf32, #tpu.memory_space<vmem_shared>>
      %dma_wait3A_271 = arith.constant 0 : i32
      %dma_wait3A_272 = tpu.memref_slice %arg9[%add3A_28, %dma_wait3A_271] : memref<10000x32xf32, #tpu.memory_space<vmem_shared>> -> memref<125x32xf32, #tpu.memory_space<vmem_shared>>
      tpu.wait_dma2 semaphore(%run_scoped3A_264 : memref<!tpu.dma_semaphore, #tpu.memory_space<semaphore_mem>>) src(%arg8 : memref<125x32xf32, #tpu.memory_space<vmem>>) dst(%dma_wait3A_272 : memref<125x32xf32, #tpu.memory_space<vmem_shared>>)
      tpu.yield
    }) : () -> ()
    %mul3A_29 = arith.constant 625 : i32
    %mul3A_30 = arith.muli %arg1, %mul3A_29 : i32
    %add3A_31 = arith.constant 500 : i32
    %add3A_32 = arith.addi %mul3A_30, %add3A_31 : i32
    "tpu.region"() ({
      %run_scoped3A_264 = tpu.sem_alloc : memref<!tpu.dma_semaphore, #tpu.memory_space<semaphore_mem>>
      %dma_start3A_265 = arith.constant 0 : i32
      %dma_start3A_266 = tpu.memref_slice %arg9[%add3A_32, %dma_start3A_265] : memref<10000x32xf32, #tpu.memory_space<vmem_shared>> -> memref<125x32xf32, #tpu.memory_space<vmem_shared>>
      %dma_start3A_267 = arith.constant 0 : i32
      %dma_start3A_268 = tpu.memref_slice %arg9[%add3A_32, %dma_start3A_267] : memref<10000x32xf32, #tpu.memory_space<vmem_shared>> -> memref<125x32xf32, #tpu.memory_space<vmem_shared>>
      tpu.enqueue_dma source(%arg8 : memref<125x32xf32, #tpu.memory_space<vmem>>) target(%dma_start3A_268 : memref<125x32xf32, #tpu.memory_space<vmem_shared>>) target_semaphore(%run_scoped3A_264 : memref<!tpu.dma_semaphore, #tpu.memory_space<semaphore_mem>>)
      %dma_wait3A_269 = arith.constant 0 : i32
      %dma_wait3A_270 = tpu.memref_slice %arg9[%add3A_32, %dma_wait3A_269] : memref<10000x32xf32, #tpu.memory_space<vmem_shared>> -> memref<125x32xf32, #tpu.memory_space<vmem_shared>>
      %dma_wait3A_271 = arith.constant 0 : i32
      %dma_wait3A_272 = tpu.memref_slice %arg9[%add3A_32, %dma_wait3A_271] : memref<10000x32xf32, #tpu.memory_space<vmem_shared>> -> memref<125x32xf32, #tpu.memory_space<vmem_shared>>
      tpu.wait_dma2 semaphore(%run_scoped3A_264 : memref<!tpu.dma_semaphore, #tpu.memory_space<semaphore_mem>>) src(%arg8 : memref<125x32xf32, #tpu.memory_space<vmem>>) dst(%dma_wait3A_272 : memref<125x32xf32, #tpu.memory_space<vmem_shared>>)
      tpu.yield
    }) : () -> ()
    %mul3A_33 = arith.constant 625 : i32
    %mul3A_34 = arith.muli %arg1, %mul3A_33 : i32
    %mul3A_35 = arith.constant 625 : i32
    %mul3A_36 = arith.muli %arg1, %mul3A_35 : i32
    "tpu.region"() ({
      %run_scoped3A_264 = tpu.sem_alloc : memref<!tpu.dma_semaphore, #tpu.memory_space<semaphore_mem>>
      %dma_start3A_265 = arith.constant 0 : i32
      %dma_start3A_266 = tpu.memref_slice %arg10[%mul3A_36, %dma_start3A_265] : memref<10000x32xf32, #tpu.memory_space<vmem_shared>> -> memref<625x32xf32, #tpu.memory_space<vmem_shared>>
      %dma_start3A_267 = arith.constant 0 : i32
      %dma_start3A_268 = tpu.memref_slice %arg2[%mul3A_34, %dma_start3A_267] : memref<10000x32xf32, #tpu.memory_space<hbm>> -> memref<625x32xf32, #tpu.memory_space<hbm>>
      tpu.enqueue_dma source(%dma_start3A_268 : memref<625x32xf32, #tpu.memory_space<hbm>>) target(%dma_start3A_266 : memref<625x32xf32, #tpu.memory_space<vmem_shared>>) target_semaphore(%run_scoped3A_264 : memref<!tpu.dma_semaphore, #tpu.memory_space<semaphore_mem>>)
      %dma_wait3A_269 = arith.constant 0 : i32
      %dma_wait3A_270 = tpu.memref_slice %arg10[%mul3A_36, %dma_wait3A_269] : memref<10000x32xf32, #tpu.memory_space<vmem_shared>> -> memref<625x32xf32, #tpu.memory_space<vmem_shared>>
      %dma_wait3A_271 = arith.constant 0 : i32
      %dma_wait3A_272 = tpu.memref_slice %arg2[%mul3A_34, %dma_wait3A_271] : memref<10000x32xf32, #tpu.memory_space<hbm>> -> memref<625x32xf32, #tpu.memory_space<hbm>>
      tpu.wait_dma2 semaphore(%run_scoped3A_264 : memref<!tpu.dma_semaphore, #tpu.memory_space<semaphore_mem>>) src(%dma_wait3A_272 : memref<625x32xf32, #tpu.memory_space<hbm>>) dst(%dma_wait3A_270 : memref<625x32xf32, #tpu.memory_space<vmem_shared>>)
      tpu.yield
    }) : () -> ()
    %barrier3A = arith.constant 0 : index
    tpu.barrier barrier_id(%barrier3A)
    %jit3A = arith.constant 20 : i32
    %jit3A_37 = arith.constant 19 : i32
    %select_n3A = arith.select %eq3A_1, %jit3A, %jit3A_37 : i32
    %dma_start3A = arith.constant 0 : i32
    %dma_start3A_38 = arith.constant 0 : i32
    %dma_start3A_39 = arith.constant 0 : i32
    %dma_start3A_40 = arith.constant 0 : i32
    %dma_start3A_41 = tpu.memref_slice %arg7[%dma_start3A_38, %dma_start3A_39, %dma_start3A_40] : memref<8x128x32xf32, #tpu.memory_space<vmem>> -> memref<1x128x32xf32, #tpu.memory_space<vmem>>
    %dma_start3A_42 = tpu.memref_squeeze %dma_start3A_41 : memref<1x128x32xf32, #tpu.memory_space<vmem>> -> memref<128x32xf32, #tpu.memory_space<vmem>>
    %dma_start3A_43 = arith.constant 0 : i32
    %dma_start3A_44 = tpu.memref_slice %arg5[%dma_start3A, %dma_start3A_43] : memref<164x128xi32, #tpu.memory_space<vmem>> -> memref<1x128xi32, #tpu.memory_space<vmem>>
    %dma_start3A_45 = tpu.memref_squeeze %dma_start3A_44 : memref<1x128xi32, #tpu.memory_space<vmem>> -> memref<128xi32, #tpu.memory_space<vmem>>
    %dma_start3A_46 = arith.constant 0 : i32
    %dma_start3A_47 = arith.constant 0 : i32
    %dma_start3A_48 = tpu.memref_slice %arg10[%dma_start3A_46, %dma_start3A_47] : memref<10000x32xf32, #tpu.memory_space<vmem_shared>> -> memref<10000x32xf32, #tpu.memory_space<vmem_shared>>
    tpu.enqueue_indirect_dma source(%dma_start3A_48 : memref<10000x32xf32, #tpu.memory_space<vmem_shared>>) target(%dma_start3A_42 : memref<128x32xf32, #tpu.memory_space<vmem>>) offsets(%dma_start3A_45 : memref<128xi32, #tpu.memory_space<vmem>>) semaphore(%arg11 : memref<!tpu.dma_semaphore, #tpu.memory_space<semaphore_mem>>)
    %dma_start3A_49 = arith.constant 1 : i32
    %dma_start3A_50 = arith.constant 1 : i32
    %dma_start3A_51 = arith.constant 0 : i32
    %dma_start3A_52 = arith.constant 0 : i32
    %dma_start3A_53 = tpu.memref_slice %arg7[%dma_start3A_50, %dma_start3A_51, %dma_start3A_52] : memref<8x128x32xf32, #tpu.memory_space<vmem>> -> memref<1x128x32xf32, #tpu.memory_space<vmem>>
    %dma_start3A_54 = tpu.memref_squeeze %dma_start3A_53 : memref<1x128x32xf32, #tpu.memory_space<vmem>> -> memref<128x32xf32, #tpu.memory_space<vmem>>
    %dma_start3A_55 = arith.constant 0 : i32
    %dma_start3A_56 = tpu.memref_slice %arg5[%dma_start3A_49, %dma_start3A_55] : memref<164x128xi32, #tpu.memory_space<vmem>> -> memref<1x128xi32, #tpu.memory_space<vmem>>
    %dma_start3A_57 = tpu.memref_squeeze %dma_start3A_56 : memref<1x128xi32, #tpu.memory_space<vmem>> -> memref<128xi32, #tpu.memory_space<vmem>>
    %dma_start3A_58 = arith.constant 0 : i32
    %dma_start3A_59 = arith.constant 0 : i32
    %dma_start3A_60 = tpu.memref_slice %arg10[%dma_start3A_58, %dma_start3A_59] : memref<10000x32xf32, #tpu.memory_space<vmem_shared>> -> memref<10000x32xf32, #tpu.memory_space<vmem_shared>>
    tpu.enqueue_indirect_dma source(%dma_start3A_60 : memref<10000x32xf32, #tpu.memory_space<vmem_shared>>) target(%dma_start3A_54 : memref<128x32xf32, #tpu.memory_space<vmem>>) offsets(%dma_start3A_57 : memref<128xi32, #tpu.memory_space<vmem>>) semaphore(%arg11 : memref<!tpu.dma_semaphore, #tpu.memory_space<semaphore_mem>>)
    %dma_start3A_61 = arith.constant 2 : i32
    %dma_start3A_62 = arith.constant 2 : i32
    %dma_start3A_63 = arith.constant 0 : i32
    %dma_start3A_64 = arith.constant 0 : i32
    %dma_start3A_65 = tpu.memref_slice %arg7[%dma_start3A_62, %dma_start3A_63, %dma_start3A_64] : memref<8x128x32xf32, #tpu.memory_space<vmem>> -> memref<1x128x32xf32, #tpu.memory_space<vmem>>
    %dma_start3A_66 = tpu.memref_squeeze %dma_start3A_65 : memref<1x128x32xf32, #tpu.memory_space<vmem>> -> memref<128x32xf32, #tpu.memory_space<vmem>>
    %dma_start3A_67 = arith.constant 0 : i32
    %dma_start3A_68 = tpu.memref_slice %arg5[%dma_start3A_61, %dma_start3A_67] : memref<164x128xi32, #tpu.memory_space<vmem>> -> memref<1x128xi32, #tpu.memory_space<vmem>>
    %dma_start3A_69 = tpu.memref_squeeze %dma_start3A_68 : memref<1x128xi32, #tpu.memory_space<vmem>> -> memref<128xi32, #tpu.memory_space<vmem>>
    %dma_start3A_70 = arith.constant 0 : i32
    %dma_start3A_71 = arith.constant 0 : i32
    %dma_start3A_72 = tpu.memref_slice %arg10[%dma_start3A_70, %dma_start3A_71] : memref<10000x32xf32, #tpu.memory_space<vmem_shared>> -> memref<10000x32xf32, #tpu.memory_space<vmem_shared>>
    tpu.enqueue_indirect_dma source(%dma_start3A_72 : memref<10000x32xf32, #tpu.memory_space<vmem_shared>>) target(%dma_start3A_66 : memref<128x32xf32, #tpu.memory_space<vmem>>) offsets(%dma_start3A_69 : memref<128xi32, #tpu.memory_space<vmem>>) semaphore(%arg11 : memref<!tpu.dma_semaphore, #tpu.memory_space<semaphore_mem>>)
    %dma_start3A_73 = arith.constant 3 : i32
    %dma_start3A_74 = arith.constant 3 : i32
    %dma_start3A_75 = arith.constant 0 : i32
    %dma_start3A_76 = arith.constant 0 : i32
    %dma_start3A_77 = tpu.memref_slice %arg7[%dma_start3A_74, %dma_start3A_75, %dma_start3A_76] : memref<8x128x32xf32, #tpu.memory_space<vmem>> -> memref<1x128x32xf32, #tpu.memory_space<vmem>>
    %dma_start3A_78 = tpu.memref_squeeze %dma_start3A_77 : memref<1x128x32xf32, #tpu.memory_space<vmem>> -> memref<128x32xf32, #tpu.memory_space<vmem>>
    %dma_start3A_79 = arith.constant 0 : i32
    %dma_start3A_80 = tpu.memref_slice %arg5[%dma_start3A_73, %dma_start3A_79] : memref<164x128xi32, #tpu.memory_space<vmem>> -> memref<1x128xi32, #tpu.memory_space<vmem>>
    %dma_start3A_81 = tpu.memref_squeeze %dma_start3A_80 : memref<1x128xi32, #tpu.memory_space<vmem>> -> memref<128xi32, #tpu.memory_space<vmem>>
    %dma_start3A_82 = arith.constant 0 : i32
    %dma_start3A_83 = arith.constant 0 : i32
    %dma_start3A_84 = tpu.memref_slice %arg10[%dma_start3A_82, %dma_start3A_83] : memref<10000x32xf32, #tpu.memory_space<vmem_shared>> -> memref<10000x32xf32, #tpu.memory_space<vmem_shared>>
    tpu.enqueue_indirect_dma source(%dma_start3A_84 : memref<10000x32xf32, #tpu.memory_space<vmem_shared>>) target(%dma_start3A_78 : memref<128x32xf32, #tpu.memory_space<vmem>>) offsets(%dma_start3A_81 : memref<128xi32, #tpu.memory_space<vmem>>) semaphore(%arg11 : memref<!tpu.dma_semaphore, #tpu.memory_space<semaphore_mem>>)
    %while3A = arith.constant 0 : i32
    %while3A_85 = arith.constant 0 : i32
    %while3A_86 = arith.subi %select_n3A, %while3A : i32
    %while3A_87 = arith.addi %while3A, %while3A_86 : i32
    %while3A_88 = arith.constant 1 : i32
    %while3A_89 = arith.divsi %while3A_86, %while3A_88 : i32
    %while3A_90 = arith.muli %while3A_89, %while3A_88 : i32
    %while3A_91 = arith.addi %while3A, %while3A_90 : i32
    %while3A_92 = arith.constant 1 : i32
    %while3A_93 = scf.for %while3A_264 = %while3A to %while3A_91 step %while3A_92 iter_args(%while3A_265 = %while3A_85) -> (i32)  : i32 {
      %mul3A_266 = arith.constant 2 : i32
      %mul3A_267 = arith.muli %mul3A_266, %while3A_264 : i32
      %add3A_268 = arith.constant 1 : i32
      %add3A_269 = arith.addi %mul3A_267, %add3A_268 : i32
      %mul3A_270 = arith.constant 4 : i32
      %mul3A_271 = arith.muli %add3A_269, %mul3A_270 : i32
      %add3A_272 = arith.constant 0 : i32
      %add3A_273 = arith.addi %mul3A_271, %add3A_272 : i32
      %dma_start3A_274 = arith.constant 4 : i32
      %dma_start3A_275 = arith.constant 0 : i32
      %dma_start3A_276 = arith.constant 0 : i32
      %dma_start3A_277 = tpu.memref_slice %arg7[%dma_start3A_274, %dma_start3A_275, %dma_start3A_276] : memref<8x128x32xf32, #tpu.memory_space<vmem>> -> memref<1x128x32xf32, #tpu.memory_space<vmem>>
      %dma_start3A_278 = tpu.memref_squeeze %dma_start3A_277 : memref<1x128x32xf32, #tpu.memory_space<vmem>> -> memref<128x32xf32, #tpu.memory_space<vmem>>
      %dma_start3A_279 = arith.constant 0 : i32
      %dma_start3A_280 = tpu.memref_slice %arg5[%add3A_273, %dma_start3A_279] : memref<164x128xi32, #tpu.memory_space<vmem>> -> memref<1x128xi32, #tpu.memory_space<vmem>>
      %dma_start3A_281 = tpu.memref_squeeze %dma_start3A_280 : memref<1x128xi32, #tpu.memory_space<vmem>> -> memref<128xi32, #tpu.memory_space<vmem>>
      %dma_start3A_282 = arith.constant 0 : i32
      %dma_start3A_283 = arith.constant 0 : i32
      %dma_start3A_284 = tpu.memref_slice %arg10[%dma_start3A_282, %dma_start3A_283] : memref<10000x32xf32, #tpu.memory_space<vmem_shared>> -> memref<10000x32xf32, #tpu.memory_space<vmem_shared>>
      tpu.enqueue_indirect_dma source(%dma_start3A_284 : memref<10000x32xf32, #tpu.memory_space<vmem_shared>>) target(%dma_start3A_278 : memref<128x32xf32, #tpu.memory_space<vmem>>) offsets(%dma_start3A_281 : memref<128xi32, #tpu.memory_space<vmem>>) semaphore(%arg12 : memref<!tpu.dma_semaphore, #tpu.memory_space<semaphore_mem>>)
      %mul3A_285 = arith.constant 4 : i32
      %mul3A_286 = arith.muli %add3A_269, %mul3A_285 : i32
      %add3A_287 = arith.constant 1 : i32
      %add3A_288 = arith.addi %mul3A_286, %add3A_287 : i32
      %dma_start3A_289 = arith.constant 5 : i32
      %dma_start3A_290 = arith.constant 0 : i32
      %dma_start3A_291 = arith.constant 0 : i32
      %dma_start3A_292 = tpu.memref_slice %arg7[%dma_start3A_289, %dma_start3A_290, %dma_start3A_291] : memref<8x128x32xf32, #tpu.memory_space<vmem>> -> memref<1x128x32xf32, #tpu.memory_space<vmem>>
      %dma_start3A_293 = tpu.memref_squeeze %dma_start3A_292 : memref<1x128x32xf32, #tpu.memory_space<vmem>> -> memref<128x32xf32, #tpu.memory_space<vmem>>
      %dma_start3A_294 = arith.constant 0 : i32
      %dma_start3A_295 = tpu.memref_slice %arg5[%add3A_288, %dma_start3A_294] : memref<164x128xi32, #tpu.memory_space<vmem>> -> memref<1x128xi32, #tpu.memory_space<vmem>>
      %dma_start3A_296 = tpu.memref_squeeze %dma_start3A_295 : memref<1x128xi32, #tpu.memory_space<vmem>> -> memref<128xi32, #tpu.memory_space<vmem>>
      %dma_start3A_297 = arith.constant 0 : i32
      %dma_start3A_298 = arith.constant 0 : i32
      %dma_start3A_299 = tpu.memref_slice %arg10[%dma_start3A_297, %dma_start3A_298] : memref<10000x32xf32, #tpu.memory_space<vmem_shared>> -> memref<10000x32xf32, #tpu.memory_space<vmem_shared>>
      tpu.enqueue_indirect_dma source(%dma_start3A_299 : memref<10000x32xf32, #tpu.memory_space<vmem_shared>>) target(%dma_start3A_293 : memref<128x32xf32, #tpu.memory_space<vmem>>) offsets(%dma_start3A_296 : memref<128xi32, #tpu.memory_space<vmem>>) semaphore(%arg12 : memref<!tpu.dma_semaphore, #tpu.memory_space<semaphore_mem>>)
      %mul3A_300 = arith.constant 4 : i32
      %mul3A_301 = arith.muli %add3A_269, %mul3A_300 : i32
      %add3A_302 = arith.constant 2 : i32
      %add3A_303 = arith.addi %mul3A_301, %add3A_302 : i32
      %dma_start3A_304 = arith.constant 6 : i32
      %dma_start3A_305 = arith.constant 0 : i32
      %dma_start3A_306 = arith.constant 0 : i32
      %dma_start3A_307 = tpu.memref_slice %arg7[%dma_start3A_304, %dma_start3A_305, %dma_start3A_306] : memref<8x128x32xf32, #tpu.memory_space<vmem>> -> memref<1x128x32xf32, #tpu.memory_space<vmem>>
      %dma_start3A_308 = tpu.memref_squeeze %dma_start3A_307 : memref<1x128x32xf32, #tpu.memory_space<vmem>> -> memref<128x32xf32, #tpu.memory_space<vmem>>
      %dma_start3A_309 = arith.constant 0 : i32
      %dma_start3A_310 = tpu.memref_slice %arg5[%add3A_303, %dma_start3A_309] : memref<164x128xi32, #tpu.memory_space<vmem>> -> memref<1x128xi32, #tpu.memory_space<vmem>>
      %dma_start3A_311 = tpu.memref_squeeze %dma_start3A_310 : memref<1x128xi32, #tpu.memory_space<vmem>> -> memref<128xi32, #tpu.memory_space<vmem>>
      %dma_start3A_312 = arith.constant 0 : i32
      %dma_start3A_313 = arith.constant 0 : i32
      %dma_start3A_314 = tpu.memref_slice %arg10[%dma_start3A_312, %dma_start3A_313] : memref<10000x32xf32, #tpu.memory_space<vmem_shared>> -> memref<10000x32xf32, #tpu.memory_space<vmem_shared>>
      tpu.enqueue_indirect_dma source(%dma_start3A_314 : memref<10000x32xf32, #tpu.memory_space<vmem_shared>>) target(%dma_start3A_308 : memref<128x32xf32, #tpu.memory_space<vmem>>) offsets(%dma_start3A_311 : memref<128xi32, #tpu.memory_space<vmem>>) semaphore(%arg12 : memref<!tpu.dma_semaphore, #tpu.memory_space<semaphore_mem>>)
      %mul3A_315 = arith.constant 4 : i32
      %mul3A_316 = arith.muli %add3A_269, %mul3A_315 : i32
      %add3A_317 = arith.constant 3 : i32
      %add3A_318 = arith.addi %mul3A_316, %add3A_317 : i32
      %dma_start3A_319 = arith.constant 7 : i32
      %dma_start3A_320 = arith.constant 0 : i32
      %dma_start3A_321 = arith.constant 0 : i32
      %dma_start3A_322 = tpu.memref_slice %arg7[%dma_start3A_319, %dma_start3A_320, %dma_start3A_321] : memref<8x128x32xf32, #tpu.memory_space<vmem>> -> memref<1x128x32xf32, #tpu.memory_space<vmem>>
      %dma_start3A_323 = tpu.memref_squeeze %dma_start3A_322 : memref<1x128x32xf32, #tpu.memory_space<vmem>> -> memref<128x32xf32, #tpu.memory_space<vmem>>
      %dma_start3A_324 = arith.constant 0 : i32
      %dma_start3A_325 = tpu.memref_slice %arg5[%add3A_318, %dma_start3A_324] : memref<164x128xi32, #tpu.memory_space<vmem>> -> memref<1x128xi32, #tpu.memory_space<vmem>>
      %dma_start3A_326 = tpu.memref_squeeze %dma_start3A_325 : memref<1x128xi32, #tpu.memory_space<vmem>> -> memref<128xi32, #tpu.memory_space<vmem>>
      %dma_start3A_327 = arith.constant 0 : i32
      %dma_start3A_328 = arith.constant 0 : i32
      %dma_start3A_329 = tpu.memref_slice %arg10[%dma_start3A_327, %dma_start3A_328] : memref<10000x32xf32, #tpu.memory_space<vmem_shared>> -> memref<10000x32xf32, #tpu.memory_space<vmem_shared>>
      tpu.enqueue_indirect_dma source(%dma_start3A_329 : memref<10000x32xf32, #tpu.memory_space<vmem_shared>>) target(%dma_start3A_323 : memref<128x32xf32, #tpu.memory_space<vmem>>) offsets(%dma_start3A_326 : memref<128xi32, #tpu.memory_space<vmem>>) semaphore(%arg12 : memref<!tpu.dma_semaphore, #tpu.memory_space<semaphore_mem>>)
      %dma_wait3A_330 = arith.constant 0 : i32
      %dma_wait3A_331 = arith.constant 0 : i32
      %dma_wait3A_332 = arith.constant 0 : i32
      %dma_wait3A_333 = arith.constant 0 : i32
      %dma_wait3A_334 = tpu.memref_slice %arg7[%dma_wait3A_331, %dma_wait3A_332, %dma_wait3A_333] : memref<8x128x32xf32, #tpu.memory_space<vmem>> -> memref<1x128x32xf32, #tpu.memory_space<vmem>>
      %dma_wait3A_335 = tpu.memref_squeeze %dma_wait3A_334 : memref<1x128x32xf32, #tpu.memory_space<vmem>> -> memref<128x32xf32, #tpu.memory_space<vmem>>
      %dma_wait3A_336 = arith.constant 0 : i32
      %dma_wait3A_337 = tpu.memref_slice %arg5[%dma_wait3A_330, %dma_wait3A_336] : memref<164x128xi32, #tpu.memory_space<vmem>> -> memref<1x128xi32, #tpu.memory_space<vmem>>
      %dma_wait3A_338 = tpu.memref_squeeze %dma_wait3A_337 : memref<1x128xi32, #tpu.memory_space<vmem>> -> memref<128xi32, #tpu.memory_space<vmem>>
      %dma_wait3A_339 = arith.constant 0 : i32
      %dma_wait3A_340 = arith.constant 0 : i32
      %dma_wait3A_341 = tpu.memref_slice %arg10[%dma_wait3A_339, %dma_wait3A_340] : memref<10000x32xf32, #tpu.memory_space<vmem_shared>> -> memref<10000x32xf32, #tpu.memory_space<vmem_shared>>
      tpu.wait_indirect_dma semaphore(%arg11 : memref<!tpu.dma_semaphore, #tpu.memory_space<semaphore_mem>>) src(%dma_wait3A_341 : memref<10000x32xf32, #tpu.memory_space<vmem_shared>>) dst(%dma_wait3A_335 : memref<128x32xf32, #tpu.memory_space<vmem>>)
      %dma_wait3A_342 = arith.constant 0 : i32
      %dma_wait3A_343 = arith.constant 1 : i32
      %dma_wait3A_344 = arith.constant 0 : i32
      %dma_wait3A_345 = arith.constant 0 : i32
      %dma_wait3A_346 = tpu.memref_slice %arg7[%dma_wait3A_343, %dma_wait3A_344, %dma_wait3A_345] : memref<8x128x32xf32, #tpu.memory_space<vmem>> -> memref<1x128x32xf32, #tpu.memory_space<vmem>>
      %dma_wait3A_347 = tpu.memref_squeeze %dma_wait3A_346 : memref<1x128x32xf32, #tpu.memory_space<vmem>> -> memref<128x32xf32, #tpu.memory_space<vmem>>
      %dma_wait3A_348 = arith.constant 0 : i32
      %dma_wait3A_349 = tpu.memref_slice %arg5[%dma_wait3A_342, %dma_wait3A_348] : memref<164x128xi32, #tpu.memory_space<vmem>> -> memref<1x128xi32, #tpu.memory_space<vmem>>
      %dma_wait3A_350 = tpu.memref_squeeze %dma_wait3A_349 : memref<1x128xi32, #tpu.memory_space<vmem>> -> memref<128xi32, #tpu.memory_space<vmem>>
      %dma_wait3A_351 = arith.constant 0 : i32
      %dma_wait3A_352 = arith.constant 0 : i32
      %dma_wait3A_353 = tpu.memref_slice %arg10[%dma_wait3A_351, %dma_wait3A_352] : memref<10000x32xf32, #tpu.memory_space<vmem_shared>> -> memref<10000x32xf32, #tpu.memory_space<vmem_shared>>
      tpu.wait_indirect_dma semaphore(%arg11 : memref<!tpu.dma_semaphore, #tpu.memory_space<semaphore_mem>>) src(%dma_wait3A_353 : memref<10000x32xf32, #tpu.memory_space<vmem_shared>>) dst(%dma_wait3A_347 : memref<128x32xf32, #tpu.memory_space<vmem>>)
      %dma_wait3A_354 = arith.constant 0 : i32
      %dma_wait3A_355 = arith.constant 2 : i32
      %dma_wait3A_356 = arith.constant 0 : i32
      %dma_wait3A_357 = arith.constant 0 : i32
      %dma_wait3A_358 = tpu.memref_slice %arg7[%dma_wait3A_355, %dma_wait3A_356, %dma_wait3A_357] : memref<8x128x32xf32, #tpu.memory_space<vmem>> -> memref<1x128x32xf32, #tpu.memory_space<vmem>>
      %dma_wait3A_359 = tpu.memref_squeeze %dma_wait3A_358 : memref<1x128x32xf32, #tpu.memory_space<vmem>> -> memref<128x32xf32, #tpu.memory_space<vmem>>
      %dma_wait3A_360 = arith.constant 0 : i32
      %dma_wait3A_361 = tpu.memref_slice %arg5[%dma_wait3A_354, %dma_wait3A_360] : memref<164x128xi32, #tpu.memory_space<vmem>> -> memref<1x128xi32, #tpu.memory_space<vmem>>
      %dma_wait3A_362 = tpu.memref_squeeze %dma_wait3A_361 : memref<1x128xi32, #tpu.memory_space<vmem>> -> memref<128xi32, #tpu.memory_space<vmem>>
      %dma_wait3A_363 = arith.constant 0 : i32
      %dma_wait3A_364 = arith.constant 0 : i32
      %dma_wait3A_365 = tpu.memref_slice %arg10[%dma_wait3A_363, %dma_wait3A_364] : memref<10000x32xf32, #tpu.memory_space<vmem_shared>> -> memref<10000x32xf32, #tpu.memory_space<vmem_shared>>
      tpu.wait_indirect_dma semaphore(%arg11 : memref<!tpu.dma_semaphore, #tpu.memory_space<semaphore_mem>>) src(%dma_wait3A_365 : memref<10000x32xf32, #tpu.memory_space<vmem_shared>>) dst(%dma_wait3A_359 : memref<128x32xf32, #tpu.memory_space<vmem>>)
      %dma_wait3A_366 = arith.constant 0 : i32
      %dma_wait3A_367 = arith.constant 3 : i32
      %dma_wait3A_368 = arith.constant 0 : i32
      %dma_wait3A_369 = arith.constant 0 : i32
      %dma_wait3A_370 = tpu.memref_slice %arg7[%dma_wait3A_367, %dma_wait3A_368, %dma_wait3A_369] : memref<8x128x32xf32, #tpu.memory_space<vmem>> -> memref<1x128x32xf32, #tpu.memory_space<vmem>>
      %dma_wait3A_371 = tpu.memref_squeeze %dma_wait3A_370 : memref<1x128x32xf32, #tpu.memory_space<vmem>> -> memref<128x32xf32, #tpu.memory_space<vmem>>
      %dma_wait3A_372 = arith.constant 0 : i32
      %dma_wait3A_373 = tpu.memref_slice %arg5[%dma_wait3A_366, %dma_wait3A_372] : memref<164x128xi32, #tpu.memory_space<vmem>> -> memref<1x128xi32, #tpu.memory_space<vmem>>
      %dma_wait3A_374 = tpu.memref_squeeze %dma_wait3A_373 : memref<1x128xi32, #tpu.memory_space<vmem>> -> memref<128xi32, #tpu.memory_space<vmem>>
      %dma_wait3A_375 = arith.constant 0 : i32
      %dma_wait3A_376 = arith.constant 0 : i32
      %dma_wait3A_377 = tpu.memref_slice %arg10[%dma_wait3A_375, %dma_wait3A_376] : memref<10000x32xf32, #tpu.memory_space<vmem_shared>> -> memref<10000x32xf32, #tpu.memory_space<vmem_shared>>
      tpu.wait_indirect_dma semaphore(%arg11 : memref<!tpu.dma_semaphore, #tpu.memory_space<semaphore_mem>>) src(%dma_wait3A_377 : memref<10000x32xf32, #tpu.memory_space<vmem_shared>>) dst(%dma_wait3A_371 : memref<128x32xf32, #tpu.memory_space<vmem>>)
      %mul3A_378 = arith.constant 4 : i32
      %mul3A_379 = arith.muli %mul3A_267, %mul3A_378 : i32
      %add3A_380 = arith.constant 0 : i32
      %add3A_381 = arith.addi %mul3A_379, %add3A_380 : i32
      %dma_start3A_382 = arith.constant 0 : i32
      %dma_start3A_383 = arith.constant 0 : i32
      %dma_start3A_384 = arith.constant 0 : i32
      %dma_start3A_385 = tpu.memref_slice %arg7[%dma_start3A_382, %dma_start3A_383, %dma_start3A_384] : memref<8x128x32xf32, #tpu.memory_space<vmem>> -> memref<1x128x32xf32, #tpu.memory_space<vmem>>
      %dma_start3A_386 = tpu.memref_squeeze %dma_start3A_385 : memref<1x128x32xf32, #tpu.memory_space<vmem>> -> memref<128x32xf32, #tpu.memory_space<vmem>>
      %dma_start3A_387 = arith.constant 0 : i32
      %dma_start3A_388 = tpu.memref_slice %arg6[%add3A_381, %dma_start3A_387] : memref<164x128xi32, #tpu.memory_space<vmem>> -> memref<1x128xi32, #tpu.memory_space<vmem>>
      %dma_start3A_389 = tpu.memref_squeeze %dma_start3A_388 : memref<1x128xi32, #tpu.memory_space<vmem>> -> memref<128xi32, #tpu.memory_space<vmem>>
      %dma_start3A_390 = arith.constant 0 : i32
      %dma_start3A_391 = arith.constant 0 : i32
      %dma_start3A_392 = tpu.memref_slice %arg9[%dma_start3A_390, %dma_start3A_391] : memref<10000x32xf32, #tpu.memory_space<vmem_shared>> -> memref<10000x32xf32, #tpu.memory_space<vmem_shared>>
      tpu.enqueue_indirect_dma source(%dma_start3A_386 : memref<128x32xf32, #tpu.memory_space<vmem>>) target(%dma_start3A_392 : memref<10000x32xf32, #tpu.memory_space<vmem_shared>>) offsets(%dma_start3A_389 : memref<128xi32, #tpu.memory_space<vmem>>) semaphore(%arg13 : memref<!tpu.dma_semaphore, #tpu.memory_space<semaphore_mem>>) {add = true}
      %mul3A_393 = arith.constant 4 : i32
      %mul3A_394 = arith.muli %mul3A_267, %mul3A_393 : i32
      %add3A_395 = arith.constant 1 : i32
      %add3A_396 = arith.addi %mul3A_394, %add3A_395 : i32
      %dma_start3A_397 = arith.constant 1 : i32
      %dma_start3A_398 = arith.constant 0 : i32
      %dma_start3A_399 = arith.constant 0 : i32
      %dma_start3A_400 = tpu.memref_slice %arg7[%dma_start3A_397, %dma_start3A_398, %dma_start3A_399] : memref<8x128x32xf32, #tpu.memory_space<vmem>> -> memref<1x128x32xf32, #tpu.memory_space<vmem>>
      %dma_start3A_401 = tpu.memref_squeeze %dma_start3A_400 : memref<1x128x32xf32, #tpu.memory_space<vmem>> -> memref<128x32xf32, #tpu.memory_space<vmem>>
      %dma_start3A_402 = arith.constant 0 : i32
      %dma_start3A_403 = tpu.memref_slice %arg6[%add3A_396, %dma_start3A_402] : memref<164x128xi32, #tpu.memory_space<vmem>> -> memref<1x128xi32, #tpu.memory_space<vmem>>
      %dma_start3A_404 = tpu.memref_squeeze %dma_start3A_403 : memref<1x128xi32, #tpu.memory_space<vmem>> -> memref<128xi32, #tpu.memory_space<vmem>>
      %dma_start3A_405 = arith.constant 0 : i32
      %dma_start3A_406 = arith.constant 0 : i32
      %dma_start3A_407 = tpu.memref_slice %arg9[%dma_start3A_405, %dma_start3A_406] : memref<10000x32xf32, #tpu.memory_space<vmem_shared>> -> memref<10000x32xf32, #tpu.memory_space<vmem_shared>>
      tpu.enqueue_indirect_dma source(%dma_start3A_401 : memref<128x32xf32, #tpu.memory_space<vmem>>) target(%dma_start3A_407 : memref<10000x32xf32, #tpu.memory_space<vmem_shared>>) offsets(%dma_start3A_404 : memref<128xi32, #tpu.memory_space<vmem>>) semaphore(%arg13 : memref<!tpu.dma_semaphore, #tpu.memory_space<semaphore_mem>>) {add = true}
      %mul3A_408 = arith.constant 4 : i32
      %mul3A_409 = arith.muli %mul3A_267, %mul3A_408 : i32
      %add3A_410 = arith.constant 2 : i32
      %add3A_411 = arith.addi %mul3A_409, %add3A_410 : i32
      %dma_start3A_412 = arith.constant 2 : i32
      %dma_start3A_413 = arith.constant 0 : i32
      %dma_start3A_414 = arith.constant 0 : i32
      %dma_start3A_415 = tpu.memref_slice %arg7[%dma_start3A_412, %dma_start3A_413, %dma_start3A_414] : memref<8x128x32xf32, #tpu.memory_space<vmem>> -> memref<1x128x32xf32, #tpu.memory_space<vmem>>
      %dma_start3A_416 = tpu.memref_squeeze %dma_start3A_415 : memref<1x128x32xf32, #tpu.memory_space<vmem>> -> memref<128x32xf32, #tpu.memory_space<vmem>>
      %dma_start3A_417 = arith.constant 0 : i32
      %dma_start3A_418 = tpu.memref_slice %arg6[%add3A_411, %dma_start3A_417] : memref<164x128xi32, #tpu.memory_space<vmem>> -> memref<1x128xi32, #tpu.memory_space<vmem>>
      %dma_start3A_419 = tpu.memref_squeeze %dma_start3A_418 : memref<1x128xi32, #tpu.memory_space<vmem>> -> memref<128xi32, #tpu.memory_space<vmem>>
      %dma_start3A_420 = arith.constant 0 : i32
      %dma_start3A_421 = arith.constant 0 : i32
      %dma_start3A_422 = tpu.memref_slice %arg9[%dma_start3A_420, %dma_start3A_421] : memref<10000x32xf32, #tpu.memory_space<vmem_shared>> -> memref<10000x32xf32, #tpu.memory_space<vmem_shared>>
      tpu.enqueue_indirect_dma source(%dma_start3A_416 : memref<128x32xf32, #tpu.memory_space<vmem>>) target(%dma_start3A_422 : memref<10000x32xf32, #tpu.memory_space<vmem_shared>>) offsets(%dma_start3A_419 : memref<128xi32, #tpu.memory_space<vmem>>) semaphore(%arg13 : memref<!tpu.dma_semaphore, #tpu.memory_space<semaphore_mem>>) {add = true}
      %mul3A_423 = arith.constant 4 : i32
      %mul3A_424 = arith.muli %mul3A_267, %mul3A_423 : i32
      %add3A_425 = arith.constant 3 : i32
      %add3A_426 = arith.addi %mul3A_424, %add3A_425 : i32
      %dma_start3A_427 = arith.constant 3 : i32
      %dma_start3A_428 = arith.constant 0 : i32
      %dma_start3A_429 = arith.constant 0 : i32
      %dma_start3A_430 = tpu.memref_slice %arg7[%dma_start3A_427, %dma_start3A_428, %dma_start3A_429] : memref<8x128x32xf32, #tpu.memory_space<vmem>> -> memref<1x128x32xf32, #tpu.memory_space<vmem>>
      %dma_start3A_431 = tpu.memref_squeeze %dma_start3A_430 : memref<1x128x32xf32, #tpu.memory_space<vmem>> -> memref<128x32xf32, #tpu.memory_space<vmem>>
      %dma_start3A_432 = arith.constant 0 : i32
      %dma_start3A_433 = tpu.memref_slice %arg6[%add3A_426, %dma_start3A_432] : memref<164x128xi32, #tpu.memory_space<vmem>> -> memref<1x128xi32, #tpu.memory_space<vmem>>
      %dma_start3A_434 = tpu.memref_squeeze %dma_start3A_433 : memref<1x128xi32, #tpu.memory_space<vmem>> -> memref<128xi32, #tpu.memory_space<vmem>>
      %dma_start3A_435 = arith.constant 0 : i32
      %dma_start3A_436 = arith.constant 0 : i32
      %dma_start3A_437 = tpu.memref_slice %arg9[%dma_start3A_435, %dma_start3A_436] : memref<10000x32xf32, #tpu.memory_space<vmem_shared>> -> memref<10000x32xf32, #tpu.memory_space<vmem_shared>>
      tpu.enqueue_indirect_dma source(%dma_start3A_431 : memref<128x32xf32, #tpu.memory_space<vmem>>) target(%dma_start3A_437 : memref<10000x32xf32, #tpu.memory_space<vmem_shared>>) offsets(%dma_start3A_434 : memref<128xi32, #tpu.memory_space<vmem>>) semaphore(%arg13 : memref<!tpu.dma_semaphore, #tpu.memory_space<semaphore_mem>>) {add = true}
      %gt3A = arith.constant 0 : i32
      %gt3A_438 = arith.cmpi sgt, %while3A_264, %gt3A : i32
      %convert_element_type3A_439 = arith.extui %gt3A_438 : i1 to i32
      %cond3A_440 = arith.constant 0 : i32
      %cond3A_441 = arith.cmpi ne, %convert_element_type3A_439, %cond3A_440 : i32
      scf.if %cond3A_441 {
        %dma_wait3A_603 = arith.constant 4 : i32
        %dma_wait3A_604 = arith.constant 0 : i32
        %dma_wait3A_605 = arith.constant 0 : i32
        %dma_wait3A_606 = arith.constant 0 : i32
        %dma_wait3A_607 = tpu.memref_slice %arg7[%dma_wait3A_603, %dma_wait3A_605, %dma_wait3A_606] : memref<8x128x32xf32, #tpu.memory_space<vmem>> -> memref<1x128x32xf32, #tpu.memory_space<vmem>>
        %dma_wait3A_608 = tpu.memref_squeeze %dma_wait3A_607 : memref<1x128x32xf32, #tpu.memory_space<vmem>> -> memref<128x32xf32, #tpu.memory_space<vmem>>
        %dma_wait3A_609 = arith.constant 0 : i32
        %dma_wait3A_610 = tpu.memref_slice %arg6[%dma_wait3A_604, %dma_wait3A_609] : memref<164x128xi32, #tpu.memory_space<vmem>> -> memref<1x128xi32, #tpu.memory_space<vmem>>
        %dma_wait3A_611 = tpu.memref_squeeze %dma_wait3A_610 : memref<1x128xi32, #tpu.memory_space<vmem>> -> memref<128xi32, #tpu.memory_space<vmem>>
        %dma_wait3A_612 = arith.constant 0 : i32
        %dma_wait3A_613 = arith.constant 0 : i32
        %dma_wait3A_614 = tpu.memref_slice %arg9[%dma_wait3A_612, %dma_wait3A_613] : memref<10000x32xf32, #tpu.memory_space<vmem_shared>> -> memref<10000x32xf32, #tpu.memory_space<vmem_shared>>
        tpu.wait_indirect_dma semaphore(%arg14 : memref<!tpu.dma_semaphore, #tpu.memory_space<semaphore_mem>>) src(%dma_wait3A_608 : memref<128x32xf32, #tpu.memory_space<vmem>>) dst(%dma_wait3A_614 : memref<10000x32xf32, #tpu.memory_space<vmem_shared>>)
        %dma_wait3A_615 = arith.constant 5 : i32
        %dma_wait3A_616 = arith.constant 0 : i32
        %dma_wait3A_617 = arith.constant 0 : i32
        %dma_wait3A_618 = arith.constant 0 : i32
        %dma_wait3A_619 = tpu.memref_slice %arg7[%dma_wait3A_615, %dma_wait3A_617, %dma_wait3A_618] : memref<8x128x32xf32, #tpu.memory_space<vmem>> -> memref<1x128x32xf32, #tpu.memory_space<vmem>>
        %dma_wait3A_620 = tpu.memref_squeeze %dma_wait3A_619 : memref<1x128x32xf32, #tpu.memory_space<vmem>> -> memref<128x32xf32, #tpu.memory_space<vmem>>
        %dma_wait3A_621 = arith.constant 0 : i32
        %dma_wait3A_622 = tpu.memref_slice %arg6[%dma_wait3A_616, %dma_wait3A_621] : memref<164x128xi32, #tpu.memory_space<vmem>> -> memref<1x128xi32, #tpu.memory_space<vmem>>
        %dma_wait3A_623 = tpu.memref_squeeze %dma_wait3A_622 : memref<1x128xi32, #tpu.memory_space<vmem>> -> memref<128xi32, #tpu.memory_space<vmem>>
        %dma_wait3A_624 = arith.constant 0 : i32
        %dma_wait3A_625 = arith.constant 0 : i32
        %dma_wait3A_626 = tpu.memref_slice %arg9[%dma_wait3A_624, %dma_wait3A_625] : memref<10000x32xf32, #tpu.memory_space<vmem_shared>> -> memref<10000x32xf32, #tpu.memory_space<vmem_shared>>
        tpu.wait_indirect_dma semaphore(%arg14 : memref<!tpu.dma_semaphore, #tpu.memory_space<semaphore_mem>>) src(%dma_wait3A_620 : memref<128x32xf32, #tpu.memory_space<vmem>>) dst(%dma_wait3A_626 : memref<10000x32xf32, #tpu.memory_space<vmem_shared>>)
        %dma_wait3A_627 = arith.constant 6 : i32
        %dma_wait3A_628 = arith.constant 0 : i32
        %dma_wait3A_629 = arith.constant 0 : i32
        %dma_wait3A_630 = arith.constant 0 : i32
        %dma_wait3A_631 = tpu.memref_slice %arg7[%dma_wait3A_627, %dma_wait3A_629, %dma_wait3A_630] : memref<8x128x32xf32, #tpu.memory_space<vmem>> -> memref<1x128x32xf32, #tpu.memory_space<vmem>>
        %dma_wait3A_632 = tpu.memref_squeeze %dma_wait3A_631 : memref<1x128x32xf32, #tpu.memory_space<vmem>> -> memref<128x32xf32, #tpu.memory_space<vmem>>
        %dma_wait3A_633 = arith.constant 0 : i32
        %dma_wait3A_634 = tpu.memref_slice %arg6[%dma_wait3A_628, %dma_wait3A_633] : memref<164x128xi32, #tpu.memory_space<vmem>> -> memref<1x128xi32, #tpu.memory_space<vmem>>
        %dma_wait3A_635 = tpu.memref_squeeze %dma_wait3A_634 : memref<1x128xi32, #tpu.memory_space<vmem>> -> memref<128xi32, #tpu.memory_space<vmem>>
        %dma_wait3A_636 = arith.constant 0 : i32
        %dma_wait3A_637 = arith.constant 0 : i32
        %dma_wait3A_638 = tpu.memref_slice %arg9[%dma_wait3A_636, %dma_wait3A_637] : memref<10000x32xf32, #tpu.memory_space<vmem_shared>> -> memref<10000x32xf32, #tpu.memory_space<vmem_shared>>
        tpu.wait_indirect_dma semaphore(%arg14 : memref<!tpu.dma_semaphore, #tpu.memory_space<semaphore_mem>>) src(%dma_wait3A_632 : memref<128x32xf32, #tpu.memory_space<vmem>>) dst(%dma_wait3A_638 : memref<10000x32xf32, #tpu.memory_space<vmem_shared>>)
        %dma_wait3A_639 = arith.constant 7 : i32
        %dma_wait3A_640 = arith.constant 0 : i32
        %dma_wait3A_641 = arith.constant 0 : i32
        %dma_wait3A_642 = arith.constant 0 : i32
        %dma_wait3A_643 = tpu.memref_slice %arg7[%dma_wait3A_639, %dma_wait3A_641, %dma_wait3A_642] : memref<8x128x32xf32, #tpu.memory_space<vmem>> -> memref<1x128x32xf32, #tpu.memory_space<vmem>>
        %dma_wait3A_644 = tpu.memref_squeeze %dma_wait3A_643 : memref<1x128x32xf32, #tpu.memory_space<vmem>> -> memref<128x32xf32, #tpu.memory_space<vmem>>
        %dma_wait3A_645 = arith.constant 0 : i32
        %dma_wait3A_646 = tpu.memref_slice %arg6[%dma_wait3A_640, %dma_wait3A_645] : memref<164x128xi32, #tpu.memory_space<vmem>> -> memref<1x128xi32, #tpu.memory_space<vmem>>
        %dma_wait3A_647 = tpu.memref_squeeze %dma_wait3A_646 : memref<1x128xi32, #tpu.memory_space<vmem>> -> memref<128xi32, #tpu.memory_space<vmem>>
        %dma_wait3A_648 = arith.constant 0 : i32
        %dma_wait3A_649 = arith.constant 0 : i32
        %dma_wait3A_650 = tpu.memref_slice %arg9[%dma_wait3A_648, %dma_wait3A_649] : memref<10000x32xf32, #tpu.memory_space<vmem_shared>> -> memref<10000x32xf32, #tpu.memory_space<vmem_shared>>
        tpu.wait_indirect_dma semaphore(%arg14 : memref<!tpu.dma_semaphore, #tpu.memory_space<semaphore_mem>>) src(%dma_wait3A_644 : memref<128x32xf32, #tpu.memory_space<vmem>>) dst(%dma_wait3A_650 : memref<10000x32xf32, #tpu.memory_space<vmem_shared>>)
      } else {
      }
      %dma_wait3A_442 = arith.constant 0 : i32
      %dma_wait3A_443 = arith.constant 4 : i32
      %dma_wait3A_444 = arith.constant 0 : i32
      %dma_wait3A_445 = arith.constant 0 : i32
      %dma_wait3A_446 = tpu.memref_slice %arg7[%dma_wait3A_443, %dma_wait3A_444, %dma_wait3A_445] : memref<8x128x32xf32, #tpu.memory_space<vmem>> -> memref<1x128x32xf32, #tpu.memory_space<vmem>>
      %dma_wait3A_447 = tpu.memref_squeeze %dma_wait3A_446 : memref<1x128x32xf32, #tpu.memory_space<vmem>> -> memref<128x32xf32, #tpu.memory_space<vmem>>
      %dma_wait3A_448 = arith.constant 0 : i32
      %dma_wait3A_449 = tpu.memref_slice %arg5[%dma_wait3A_442, %dma_wait3A_448] : memref<164x128xi32, #tpu.memory_space<vmem>> -> memref<1x128xi32, #tpu.memory_space<vmem>>
      %dma_wait3A_450 = tpu.memref_squeeze %dma_wait3A_449 : memref<1x128xi32, #tpu.memory_space<vmem>> -> memref<128xi32, #tpu.memory_space<vmem>>
      %dma_wait3A_451 = arith.constant 0 : i32
      %dma_wait3A_452 = arith.constant 0 : i32
      %dma_wait3A_453 = tpu.memref_slice %arg10[%dma_wait3A_451, %dma_wait3A_452] : memref<10000x32xf32, #tpu.memory_space<vmem_shared>> -> memref<10000x32xf32, #tpu.memory_space<vmem_shared>>
      tpu.wait_indirect_dma semaphore(%arg12 : memref<!tpu.dma_semaphore, #tpu.memory_space<semaphore_mem>>) src(%dma_wait3A_453 : memref<10000x32xf32, #tpu.memory_space<vmem_shared>>) dst(%dma_wait3A_447 : memref<128x32xf32, #tpu.memory_space<vmem>>)
      %dma_wait3A_454 = arith.constant 0 : i32
      %dma_wait3A_455 = arith.constant 5 : i32
      %dma_wait3A_456 = arith.constant 0 : i32
      %dma_wait3A_457 = arith.constant 0 : i32
      %dma_wait3A_458 = tpu.memref_slice %arg7[%dma_wait3A_455, %dma_wait3A_456, %dma_wait3A_457] : memref<8x128x32xf32, #tpu.memory_space<vmem>> -> memref<1x128x32xf32, #tpu.memory_space<vmem>>
      %dma_wait3A_459 = tpu.memref_squeeze %dma_wait3A_458 : memref<1x128x32xf32, #tpu.memory_space<vmem>> -> memref<128x32xf32, #tpu.memory_space<vmem>>
      %dma_wait3A_460 = arith.constant 0 : i32
      %dma_wait3A_461 = tpu.memref_slice %arg5[%dma_wait3A_454, %dma_wait3A_460] : memref<164x128xi32, #tpu.memory_space<vmem>> -> memref<1x128xi32, #tpu.memory_space<vmem>>
      %dma_wait3A_462 = tpu.memref_squeeze %dma_wait3A_461 : memref<1x128xi32, #tpu.memory_space<vmem>> -> memref<128xi32, #tpu.memory_space<vmem>>
      %dma_wait3A_463 = arith.constant 0 : i32
      %dma_wait3A_464 = arith.constant 0 : i32
      %dma_wait3A_465 = tpu.memref_slice %arg10[%dma_wait3A_463, %dma_wait3A_464] : memref<10000x32xf32, #tpu.memory_space<vmem_shared>> -> memref<10000x32xf32, #tpu.memory_space<vmem_shared>>
      tpu.wait_indirect_dma semaphore(%arg12 : memref<!tpu.dma_semaphore, #tpu.memory_space<semaphore_mem>>) src(%dma_wait3A_465 : memref<10000x32xf32, #tpu.memory_space<vmem_shared>>) dst(%dma_wait3A_459 : memref<128x32xf32, #tpu.memory_space<vmem>>)
      %dma_wait3A_466 = arith.constant 0 : i32
      %dma_wait3A_467 = arith.constant 6 : i32
      %dma_wait3A_468 = arith.constant 0 : i32
      %dma_wait3A_469 = arith.constant 0 : i32
      %dma_wait3A_470 = tpu.memref_slice %arg7[%dma_wait3A_467, %dma_wait3A_468, %dma_wait3A_469] : memref<8x128x32xf32, #tpu.memory_space<vmem>> -> memref<1x128x32xf32, #tpu.memory_space<vmem>>
      %dma_wait3A_471 = tpu.memref_squeeze %dma_wait3A_470 : memref<1x128x32xf32, #tpu.memory_space<vmem>> -> memref<128x32xf32, #tpu.memory_space<vmem>>
      %dma_wait3A_472 = arith.constant 0 : i32
      %dma_wait3A_473 = tpu.memref_slice %arg5[%dma_wait3A_466, %dma_wait3A_472] : memref<164x128xi32, #tpu.memory_space<vmem>> -> memref<1x128xi32, #tpu.memory_space<vmem>>
      %dma_wait3A_474 = tpu.memref_squeeze %dma_wait3A_473 : memref<1x128xi32, #tpu.memory_space<vmem>> -> memref<128xi32, #tpu.memory_space<vmem>>
      %dma_wait3A_475 = arith.constant 0 : i32
      %dma_wait3A_476 = arith.constant 0 : i32
      %dma_wait3A_477 = tpu.memref_slice %arg10[%dma_wait3A_475, %dma_wait3A_476] : memref<10000x32xf32, #tpu.memory_space<vmem_shared>> -> memref<10000x32xf32, #tpu.memory_space<vmem_shared>>
      tpu.wait_indirect_dma semaphore(%arg12 : memref<!tpu.dma_semaphore, #tpu.memory_space<semaphore_mem>>) src(%dma_wait3A_477 : memref<10000x32xf32, #tpu.memory_space<vmem_shared>>) dst(%dma_wait3A_471 : memref<128x32xf32, #tpu.memory_space<vmem>>)
      %dma_wait3A_478 = arith.constant 0 : i32
      %dma_wait3A_479 = arith.constant 7 : i32
      %dma_wait3A_480 = arith.constant 0 : i32
      %dma_wait3A_481 = arith.constant 0 : i32
      %dma_wait3A_482 = tpu.memref_slice %arg7[%dma_wait3A_479, %dma_wait3A_480, %dma_wait3A_481] : memref<8x128x32xf32, #tpu.memory_space<vmem>> -> memref<1x128x32xf32, #tpu.memory_space<vmem>>
      %dma_wait3A_483 = tpu.memref_squeeze %dma_wait3A_482 : memref<1x128x32xf32, #tpu.memory_space<vmem>> -> memref<128x32xf32, #tpu.memory_space<vmem>>
      %dma_wait3A_484 = arith.constant 0 : i32
      %dma_wait3A_485 = tpu.memref_slice %arg5[%dma_wait3A_478, %dma_wait3A_484] : memref<164x128xi32, #tpu.memory_space<vmem>> -> memref<1x128xi32, #tpu.memory_space<vmem>>
      %dma_wait3A_486 = tpu.memref_squeeze %dma_wait3A_485 : memref<1x128xi32, #tpu.memory_space<vmem>> -> memref<128xi32, #tpu.memory_space<vmem>>
      %dma_wait3A_487 = arith.constant 0 : i32
      %dma_wait3A_488 = arith.constant 0 : i32
      %dma_wait3A_489 = tpu.memref_slice %arg10[%dma_wait3A_487, %dma_wait3A_488] : memref<10000x32xf32, #tpu.memory_space<vmem_shared>> -> memref<10000x32xf32, #tpu.memory_space<vmem_shared>>
      tpu.wait_indirect_dma semaphore(%arg12 : memref<!tpu.dma_semaphore, #tpu.memory_space<semaphore_mem>>) src(%dma_wait3A_489 : memref<10000x32xf32, #tpu.memory_space<vmem_shared>>) dst(%dma_wait3A_483 : memref<128x32xf32, #tpu.memory_space<vmem>>)
      %mul3A_490 = arith.constant 4 : i32
      %mul3A_491 = arith.muli %add3A_269, %mul3A_490 : i32
      %add3A_492 = arith.constant 0 : i32
      %add3A_493 = arith.addi %mul3A_491, %add3A_492 : i32
      %dma_start3A_494 = arith.constant 4 : i32
      %dma_start3A_495 = arith.constant 0 : i32
      %dma_start3A_496 = arith.constant 0 : i32
      %dma_start3A_497 = tpu.memref_slice %arg7[%dma_start3A_494, %dma_start3A_495, %dma_start3A_496] : memref<8x128x32xf32, #tpu.memory_space<vmem>> -> memref<1x128x32xf32, #tpu.memory_space<vmem>>
      %dma_start3A_498 = tpu.memref_squeeze %dma_start3A_497 : memref<1x128x32xf32, #tpu.memory_space<vmem>> -> memref<128x32xf32, #tpu.memory_space<vmem>>
      %dma_start3A_499 = arith.constant 0 : i32
      %dma_start3A_500 = tpu.memref_slice %arg6[%add3A_493, %dma_start3A_499] : memref<164x128xi32, #tpu.memory_space<vmem>> -> memref<1x128xi32, #tpu.memory_space<vmem>>
      %dma_start3A_501 = tpu.memref_squeeze %dma_start3A_500 : memref<1x128xi32, #tpu.memory_space<vmem>> -> memref<128xi32, #tpu.memory_space<vmem>>
      %dma_start3A_502 = arith.constant 0 : i32
      %dma_start3A_503 = arith.constant 0 : i32
      %dma_start3A_504 = tpu.memref_slice %arg9[%dma_start3A_502, %dma_start3A_503] : memref<10000x32xf32, #tpu.memory_space<vmem_shared>> -> memref<10000x32xf32, #tpu.memory_space<vmem_shared>>
      tpu.enqueue_indirect_dma source(%dma_start3A_498 : memref<128x32xf32, #tpu.memory_space<vmem>>) target(%dma_start3A_504 : memref<10000x32xf32, #tpu.memory_space<vmem_shared>>) offsets(%dma_start3A_501 : memref<128xi32, #tpu.memory_space<vmem>>) semaphore(%arg14 : memref<!tpu.dma_semaphore, #tpu.memory_space<semaphore_mem>>) {add = true}
      %mul3A_505 = arith.constant 4 : i32
      %mul3A_506 = arith.muli %add3A_269, %mul3A_505 : i32
      %add3A_507 = arith.constant 1 : i32
      %add3A_508 = arith.addi %mul3A_506, %add3A_507 : i32
      %dma_start3A_509 = arith.constant 5 : i32
      %dma_start3A_510 = arith.constant 0 : i32
      %dma_start3A_511 = arith.constant 0 : i32
      %dma_start3A_512 = tpu.memref_slice %arg7[%dma_start3A_509, %dma_start3A_510, %dma_start3A_511] : memref<8x128x32xf32, #tpu.memory_space<vmem>> -> memref<1x128x32xf32, #tpu.memory_space<vmem>>
      %dma_start3A_513 = tpu.memref_squeeze %dma_start3A_512 : memref<1x128x32xf32, #tpu.memory_space<vmem>> -> memref<128x32xf32, #tpu.memory_space<vmem>>
      %dma_start3A_514 = arith.constant 0 : i32
      %dma_start3A_515 = tpu.memref_slice %arg6[%add3A_508, %dma_start3A_514] : memref<164x128xi32, #tpu.memory_space<vmem>> -> memref<1x128xi32, #tpu.memory_space<vmem>>
      %dma_start3A_516 = tpu.memref_squeeze %dma_start3A_515 : memref<1x128xi32, #tpu.memory_space<vmem>> -> memref<128xi32, #tpu.memory_space<vmem>>
      %dma_start3A_517 = arith.constant 0 : i32
      %dma_start3A_518 = arith.constant 0 : i32
      %dma_start3A_519 = tpu.memref_slice %arg9[%dma_start3A_517, %dma_start3A_518] : memref<10000x32xf32, #tpu.memory_space<vmem_shared>> -> memref<10000x32xf32, #tpu.memory_space<vmem_shared>>
      tpu.enqueue_indirect_dma source(%dma_start3A_513 : memref<128x32xf32, #tpu.memory_space<vmem>>) target(%dma_start3A_519 : memref<10000x32xf32, #tpu.memory_space<vmem_shared>>) offsets(%dma_start3A_516 : memref<128xi32, #tpu.memory_space<vmem>>) semaphore(%arg14 : memref<!tpu.dma_semaphore, #tpu.memory_space<semaphore_mem>>) {add = true}
      %mul3A_520 = arith.constant 4 : i32
      %mul3A_521 = arith.muli %add3A_269, %mul3A_520 : i32
      %add3A_522 = arith.constant 2 : i32
      %add3A_523 = arith.addi %mul3A_521, %add3A_522 : i32
      %dma_start3A_524 = arith.constant 6 : i32
      %dma_start3A_525 = arith.constant 0 : i32
      %dma_start3A_526 = arith.constant 0 : i32
      %dma_start3A_527 = tpu.memref_slice %arg7[%dma_start3A_524, %dma_start3A_525, %dma_start3A_526] : memref<8x128x32xf32, #tpu.memory_space<vmem>> -> memref<1x128x32xf32, #tpu.memory_space<vmem>>
      %dma_start3A_528 = tpu.memref_squeeze %dma_start3A_527 : memref<1x128x32xf32, #tpu.memory_space<vmem>> -> memref<128x32xf32, #tpu.memory_space<vmem>>
      %dma_start3A_529 = arith.constant 0 : i32
      %dma_start3A_530 = tpu.memref_slice %arg6[%add3A_523, %dma_start3A_529] : memref<164x128xi32, #tpu.memory_space<vmem>> -> memref<1x128xi32, #tpu.memory_space<vmem>>
      %dma_start3A_531 = tpu.memref_squeeze %dma_start3A_530 : memref<1x128xi32, #tpu.memory_space<vmem>> -> memref<128xi32, #tpu.memory_space<vmem>>
      %dma_start3A_532 = arith.constant 0 : i32
      %dma_start3A_533 = arith.constant 0 : i32
      %dma_start3A_534 = tpu.memref_slice %arg9[%dma_start3A_532, %dma_start3A_533] : memref<10000x32xf32, #tpu.memory_space<vmem_shared>> -> memref<10000x32xf32, #tpu.memory_space<vmem_shared>>
      tpu.enqueue_indirect_dma source(%dma_start3A_528 : memref<128x32xf32, #tpu.memory_space<vmem>>) target(%dma_start3A_534 : memref<10000x32xf32, #tpu.memory_space<vmem_shared>>) offsets(%dma_start3A_531 : memref<128xi32, #tpu.memory_space<vmem>>) semaphore(%arg14 : memref<!tpu.dma_semaphore, #tpu.memory_space<semaphore_mem>>) {add = true}
      %mul3A_535 = arith.constant 4 : i32
      %mul3A_536 = arith.muli %add3A_269, %mul3A_535 : i32
      %add3A_537 = arith.constant 3 : i32
      %add3A_538 = arith.addi %mul3A_536, %add3A_537 : i32
      %dma_start3A_539 = arith.constant 7 : i32
      %dma_start3A_540 = arith.constant 0 : i32
      %dma_start3A_541 = arith.constant 0 : i32
      %dma_start3A_542 = tpu.memref_slice %arg7[%dma_start3A_539, %dma_start3A_540, %dma_start3A_541] : memref<8x128x32xf32, #tpu.memory_space<vmem>> -> memref<1x128x32xf32, #tpu.memory_space<vmem>>
      %dma_start3A_543 = tpu.memref_squeeze %dma_start3A_542 : memref<1x128x32xf32, #tpu.memory_space<vmem>> -> memref<128x32xf32, #tpu.memory_space<vmem>>
      %dma_start3A_544 = arith.constant 0 : i32
      %dma_start3A_545 = tpu.memref_slice %arg6[%add3A_538, %dma_start3A_544] : memref<164x128xi32, #tpu.memory_space<vmem>> -> memref<1x128xi32, #tpu.memory_space<vmem>>
      %dma_start3A_546 = tpu.memref_squeeze %dma_start3A_545 : memref<1x128xi32, #tpu.memory_space<vmem>> -> memref<128xi32, #tpu.memory_space<vmem>>
      %dma_start3A_547 = arith.constant 0 : i32
      %dma_start3A_548 = arith.constant 0 : i32
      %dma_start3A_549 = tpu.memref_slice %arg9[%dma_start3A_547, %dma_start3A_548] : memref<10000x32xf32, #tpu.memory_space<vmem_shared>> -> memref<10000x32xf32, #tpu.memory_space<vmem_shared>>
      tpu.enqueue_indirect_dma source(%dma_start3A_543 : memref<128x32xf32, #tpu.memory_space<vmem>>) target(%dma_start3A_549 : memref<10000x32xf32, #tpu.memory_space<vmem_shared>>) offsets(%dma_start3A_546 : memref<128xi32, #tpu.memory_space<vmem>>) semaphore(%arg14 : memref<!tpu.dma_semaphore, #tpu.memory_space<semaphore_mem>>) {add = true}
      %dma_wait3A_550 = arith.constant 0 : i32
      %dma_wait3A_551 = arith.constant 0 : i32
      %dma_wait3A_552 = arith.constant 0 : i32
      %dma_wait3A_553 = arith.constant 0 : i32
      %dma_wait3A_554 = tpu.memref_slice %arg7[%dma_wait3A_550, %dma_wait3A_552, %dma_wait3A_553] : memref<8x128x32xf32, #tpu.memory_space<vmem>> -> memref<1x128x32xf32, #tpu.memory_space<vmem>>
      %dma_wait3A_555 = tpu.memref_squeeze %dma_wait3A_554 : memref<1x128x32xf32, #tpu.memory_space<vmem>> -> memref<128x32xf32, #tpu.memory_space<vmem>>
      %dma_wait3A_556 = arith.constant 0 : i32
      %dma_wait3A_557 = tpu.memref_slice %arg6[%dma_wait3A_551, %dma_wait3A_556] : memref<164x128xi32, #tpu.memory_space<vmem>> -> memref<1x128xi32, #tpu.memory_space<vmem>>
      %dma_wait3A_558 = tpu.memref_squeeze %dma_wait3A_557 : memref<1x128xi32, #tpu.memory_space<vmem>> -> memref<128xi32, #tpu.memory_space<vmem>>
      %dma_wait3A_559 = arith.constant 0 : i32
      %dma_wait3A_560 = arith.constant 0 : i32
      %dma_wait3A_561 = tpu.memref_slice %arg9[%dma_wait3A_559, %dma_wait3A_560] : memref<10000x32xf32, #tpu.memory_space<vmem_shared>> -> memref<10000x32xf32, #tpu.memory_space<vmem_shared>>
      tpu.wait_indirect_dma semaphore(%arg13 : memref<!tpu.dma_semaphore, #tpu.memory_space<semaphore_mem>>) src(%dma_wait3A_555 : memref<128x32xf32, #tpu.memory_space<vmem>>) dst(%dma_wait3A_561 : memref<10000x32xf32, #tpu.memory_space<vmem_shared>>)
      %dma_wait3A_562 = arith.constant 1 : i32
      %dma_wait3A_563 = arith.constant 0 : i32
      %dma_wait3A_564 = arith.constant 0 : i32
      %dma_wait3A_565 = arith.constant 0 : i32
      %dma_wait3A_566 = tpu.memref_slice %arg7[%dma_wait3A_562, %dma_wait3A_564, %dma_wait3A_565] : memref<8x128x32xf32, #tpu.memory_space<vmem>> -> memref<1x128x32xf32, #tpu.memory_space<vmem>>
      %dma_wait3A_567 = tpu.memref_squeeze %dma_wait3A_566 : memref<1x128x32xf32, #tpu.memory_space<vmem>> -> memref<128x32xf32, #tpu.memory_space<vmem>>
      %dma_wait3A_568 = arith.constant 0 : i32
      %dma_wait3A_569 = tpu.memref_slice %arg6[%dma_wait3A_563, %dma_wait3A_568] : memref<164x128xi32, #tpu.memory_space<vmem>> -> memref<1x128xi32, #tpu.memory_space<vmem>>
      %dma_wait3A_570 = tpu.memref_squeeze %dma_wait3A_569 : memref<1x128xi32, #tpu.memory_space<vmem>> -> memref<128xi32, #tpu.memory_space<vmem>>
      %dma_wait3A_571 = arith.constant 0 : i32
      %dma_wait3A_572 = arith.constant 0 : i32
      %dma_wait3A_573 = tpu.memref_slice %arg9[%dma_wait3A_571, %dma_wait3A_572] : memref<10000x32xf32, #tpu.memory_space<vmem_shared>> -> memref<10000x32xf32, #tpu.memory_space<vmem_shared>>
      tpu.wait_indirect_dma semaphore(%arg13 : memref<!tpu.dma_semaphore, #tpu.memory_space<semaphore_mem>>) src(%dma_wait3A_567 : memref<128x32xf32, #tpu.memory_space<vmem>>) dst(%dma_wait3A_573 : memref<10000x32xf32, #tpu.memory_space<vmem_shared>>)
      %dma_wait3A_574 = arith.constant 2 : i32
      %dma_wait3A_575 = arith.constant 0 : i32
      %dma_wait3A_576 = arith.constant 0 : i32
      %dma_wait3A_577 = arith.constant 0 : i32
      %dma_wait3A_578 = tpu.memref_slice %arg7[%dma_wait3A_574, %dma_wait3A_576, %dma_wait3A_577] : memref<8x128x32xf32, #tpu.memory_space<vmem>> -> memref<1x128x32xf32, #tpu.memory_space<vmem>>
      %dma_wait3A_579 = tpu.memref_squeeze %dma_wait3A_578 : memref<1x128x32xf32, #tpu.memory_space<vmem>> -> memref<128x32xf32, #tpu.memory_space<vmem>>
      %dma_wait3A_580 = arith.constant 0 : i32
      %dma_wait3A_581 = tpu.memref_slice %arg6[%dma_wait3A_575, %dma_wait3A_580] : memref<164x128xi32, #tpu.memory_space<vmem>> -> memref<1x128xi32, #tpu.memory_space<vmem>>
      %dma_wait3A_582 = tpu.memref_squeeze %dma_wait3A_581 : memref<1x128xi32, #tpu.memory_space<vmem>> -> memref<128xi32, #tpu.memory_space<vmem>>
      %dma_wait3A_583 = arith.constant 0 : i32
      %dma_wait3A_584 = arith.constant 0 : i32
      %dma_wait3A_585 = tpu.memref_slice %arg9[%dma_wait3A_583, %dma_wait3A_584] : memref<10000x32xf32, #tpu.memory_space<vmem_shared>> -> memref<10000x32xf32, #tpu.memory_space<vmem_shared>>
      tpu.wait_indirect_dma semaphore(%arg13 : memref<!tpu.dma_semaphore, #tpu.memory_space<semaphore_mem>>) src(%dma_wait3A_579 : memref<128x32xf32, #tpu.memory_space<vmem>>) dst(%dma_wait3A_585 : memref<10000x32xf32, #tpu.memory_space<vmem_shared>>)
      %dma_wait3A_586 = arith.constant 3 : i32
      %dma_wait3A_587 = arith.constant 0 : i32
      %dma_wait3A_588 = arith.constant 0 : i32
      %dma_wait3A_589 = arith.constant 0 : i32
      %dma_wait3A_590 = tpu.memref_slice %arg7[%dma_wait3A_586, %dma_wait3A_588, %dma_wait3A_589] : memref<8x128x32xf32, #tpu.memory_space<vmem>> -> memref<1x128x32xf32, #tpu.memory_space<vmem>>
      %dma_wait3A_591 = tpu.memref_squeeze %dma_wait3A_590 : memref<1x128x32xf32, #tpu.memory_space<vmem>> -> memref<128x32xf32, #tpu.memory_space<vmem>>
      %dma_wait3A_592 = arith.constant 0 : i32
      %dma_wait3A_593 = tpu.memref_slice %arg6[%dma_wait3A_587, %dma_wait3A_592] : memref<164x128xi32, #tpu.memory_space<vmem>> -> memref<1x128xi32, #tpu.memory_space<vmem>>
      %dma_wait3A_594 = tpu.memref_squeeze %dma_wait3A_593 : memref<1x128xi32, #tpu.memory_space<vmem>> -> memref<128xi32, #tpu.memory_space<vmem>>
      %dma_wait3A_595 = arith.constant 0 : i32
      %dma_wait3A_596 = arith.constant 0 : i32
      %dma_wait3A_597 = tpu.memref_slice %arg9[%dma_wait3A_595, %dma_wait3A_596] : memref<10000x32xf32, #tpu.memory_space<vmem_shared>> -> memref<10000x32xf32, #tpu.memory_space<vmem_shared>>
      tpu.wait_indirect_dma semaphore(%arg13 : memref<!tpu.dma_semaphore, #tpu.memory_space<semaphore_mem>>) src(%dma_wait3A_591 : memref<128x32xf32, #tpu.memory_space<vmem>>) dst(%dma_wait3A_597 : memref<10000x32xf32, #tpu.memory_space<vmem_shared>>)
      %sub3A = arith.constant 1 : i32
      %sub3A_598 = arith.subi %select_n3A, %sub3A : i32
      %lt3A = arith.cmpi slt, %while3A_264, %sub3A_598 : i32
      %convert_element_type3A_599 = arith.extui %lt3A : i1 to i32
      %cond3A_600 = arith.constant 0 : i32
      %cond3A_601 = arith.cmpi ne, %convert_element_type3A_599, %cond3A_600 : i32
      scf.if %cond3A_601 {
        %add3A_603 = arith.constant 2 : i32
        %add3A_604 = arith.addi %mul3A_267, %add3A_603 : i32
        %mul3A_605 = arith.constant 4 : i32
        %mul3A_606 = arith.muli %add3A_604, %mul3A_605 : i32
        %add3A_607 = arith.constant 0 : i32
        %add3A_608 = arith.addi %mul3A_606, %add3A_607 : i32
        %dma_start3A_609 = arith.constant 0 : i32
        %dma_start3A_610 = arith.constant 0 : i32
        %dma_start3A_611 = arith.constant 0 : i32
        %dma_start3A_612 = tpu.memref_slice %arg7[%dma_start3A_609, %dma_start3A_610, %dma_start3A_611] : memref<8x128x32xf32, #tpu.memory_space<vmem>> -> memref<1x128x32xf32, #tpu.memory_space<vmem>>
        %dma_start3A_613 = tpu.memref_squeeze %dma_start3A_612 : memref<1x128x32xf32, #tpu.memory_space<vmem>> -> memref<128x32xf32, #tpu.memory_space<vmem>>
        %dma_start3A_614 = arith.constant 0 : i32
        %dma_start3A_615 = tpu.memref_slice %arg5[%add3A_608, %dma_start3A_614] : memref<164x128xi32, #tpu.memory_space<vmem>> -> memref<1x128xi32, #tpu.memory_space<vmem>>
        %dma_start3A_616 = tpu.memref_squeeze %dma_start3A_615 : memref<1x128xi32, #tpu.memory_space<vmem>> -> memref<128xi32, #tpu.memory_space<vmem>>
        %dma_start3A_617 = arith.constant 0 : i32
        %dma_start3A_618 = arith.constant 0 : i32
        %dma_start3A_619 = tpu.memref_slice %arg10[%dma_start3A_617, %dma_start3A_618] : memref<10000x32xf32, #tpu.memory_space<vmem_shared>> -> memref<10000x32xf32, #tpu.memory_space<vmem_shared>>
        tpu.enqueue_indirect_dma source(%dma_start3A_619 : memref<10000x32xf32, #tpu.memory_space<vmem_shared>>) target(%dma_start3A_613 : memref<128x32xf32, #tpu.memory_space<vmem>>) offsets(%dma_start3A_616 : memref<128xi32, #tpu.memory_space<vmem>>) semaphore(%arg11 : memref<!tpu.dma_semaphore, #tpu.memory_space<semaphore_mem>>)
        %mul3A_620 = arith.constant 4 : i32
        %mul3A_621 = arith.muli %add3A_604, %mul3A_620 : i32
        %add3A_622 = arith.constant 1 : i32
        %add3A_623 = arith.addi %mul3A_621, %add3A_622 : i32
        %dma_start3A_624 = arith.constant 1 : i32
        %dma_start3A_625 = arith.constant 0 : i32
        %dma_start3A_626 = arith.constant 0 : i32
        %dma_start3A_627 = tpu.memref_slice %arg7[%dma_start3A_624, %dma_start3A_625, %dma_start3A_626] : memref<8x128x32xf32, #tpu.memory_space<vmem>> -> memref<1x128x32xf32, #tpu.memory_space<vmem>>
        %dma_start3A_628 = tpu.memref_squeeze %dma_start3A_627 : memref<1x128x32xf32, #tpu.memory_space<vmem>> -> memref<128x32xf32, #tpu.memory_space<vmem>>
        %dma_start3A_629 = arith.constant 0 : i32
        %dma_start3A_630 = tpu.memref_slice %arg5[%add3A_623, %dma_start3A_629] : memref<164x128xi32, #tpu.memory_space<vmem>> -> memref<1x128xi32, #tpu.memory_space<vmem>>
        %dma_start3A_631 = tpu.memref_squeeze %dma_start3A_630 : memref<1x128xi32, #tpu.memory_space<vmem>> -> memref<128xi32, #tpu.memory_space<vmem>>
        %dma_start3A_632 = arith.constant 0 : i32
        %dma_start3A_633 = arith.constant 0 : i32
        %dma_start3A_634 = tpu.memref_slice %arg10[%dma_start3A_632, %dma_start3A_633] : memref<10000x32xf32, #tpu.memory_space<vmem_shared>> -> memref<10000x32xf32, #tpu.memory_space<vmem_shared>>
        tpu.enqueue_indirect_dma source(%dma_start3A_634 : memref<10000x32xf32, #tpu.memory_space<vmem_shared>>) target(%dma_start3A_628 : memref<128x32xf32, #tpu.memory_space<vmem>>) offsets(%dma_start3A_631 : memref<128xi32, #tpu.memory_space<vmem>>) semaphore(%arg11 : memref<!tpu.dma_semaphore, #tpu.memory_space<semaphore_mem>>)
        %mul3A_635 = arith.constant 4 : i32
        %mul3A_636 = arith.muli %add3A_604, %mul3A_635 : i32
        %add3A_637 = arith.constant 2 : i32
        %add3A_638 = arith.addi %mul3A_636, %add3A_637 : i32
        %dma_start3A_639 = arith.constant 2 : i32
        %dma_start3A_640 = arith.constant 0 : i32
        %dma_start3A_641 = arith.constant 0 : i32
        %dma_start3A_642 = tpu.memref_slice %arg7[%dma_start3A_639, %dma_start3A_640, %dma_start3A_641] : memref<8x128x32xf32, #tpu.memory_space<vmem>> -> memref<1x128x32xf32, #tpu.memory_space<vmem>>
        %dma_start3A_643 = tpu.memref_squeeze %dma_start3A_642 : memref<1x128x32xf32, #tpu.memory_space<vmem>> -> memref<128x32xf32, #tpu.memory_space<vmem>>
        %dma_start3A_644 = arith.constant 0 : i32
        %dma_start3A_645 = tpu.memref_slice %arg5[%add3A_638, %dma_start3A_644] : memref<164x128xi32, #tpu.memory_space<vmem>> -> memref<1x128xi32, #tpu.memory_space<vmem>>
        %dma_start3A_646 = tpu.memref_squeeze %dma_start3A_645 : memref<1x128xi32, #tpu.memory_space<vmem>> -> memref<128xi32, #tpu.memory_space<vmem>>
        %dma_start3A_647 = arith.constant 0 : i32
        %dma_start3A_648 = arith.constant 0 : i32
        %dma_start3A_649 = tpu.memref_slice %arg10[%dma_start3A_647, %dma_start3A_648] : memref<10000x32xf32, #tpu.memory_space<vmem_shared>> -> memref<10000x32xf32, #tpu.memory_space<vmem_shared>>
        tpu.enqueue_indirect_dma source(%dma_start3A_649 : memref<10000x32xf32, #tpu.memory_space<vmem_shared>>) target(%dma_start3A_643 : memref<128x32xf32, #tpu.memory_space<vmem>>) offsets(%dma_start3A_646 : memref<128xi32, #tpu.memory_space<vmem>>) semaphore(%arg11 : memref<!tpu.dma_semaphore, #tpu.memory_space<semaphore_mem>>)
        %mul3A_650 = arith.constant 4 : i32
        %mul3A_651 = arith.muli %add3A_604, %mul3A_650 : i32
        %add3A_652 = arith.constant 3 : i32
        %add3A_653 = arith.addi %mul3A_651, %add3A_652 : i32
        %dma_start3A_654 = arith.constant 3 : i32
        %dma_start3A_655 = arith.constant 0 : i32
        %dma_start3A_656 = arith.constant 0 : i32
        %dma_start3A_657 = tpu.memref_slice %arg7[%dma_start3A_654, %dma_start3A_655, %dma_start3A_656] : memref<8x128x32xf32, #tpu.memory_space<vmem>> -> memref<1x128x32xf32, #tpu.memory_space<vmem>>
        %dma_start3A_658 = tpu.memref_squeeze %dma_start3A_657 : memref<1x128x32xf32, #tpu.memory_space<vmem>> -> memref<128x32xf32, #tpu.memory_space<vmem>>
        %dma_start3A_659 = arith.constant 0 : i32
        %dma_start3A_660 = tpu.memref_slice %arg5[%add3A_653, %dma_start3A_659] : memref<164x128xi32, #tpu.memory_space<vmem>> -> memref<1x128xi32, #tpu.memory_space<vmem>>
        %dma_start3A_661 = tpu.memref_squeeze %dma_start3A_660 : memref<1x128xi32, #tpu.memory_space<vmem>> -> memref<128xi32, #tpu.memory_space<vmem>>
        %dma_start3A_662 = arith.constant 0 : i32
        %dma_start3A_663 = arith.constant 0 : i32
        %dma_start3A_664 = tpu.memref_slice %arg10[%dma_start3A_662, %dma_start3A_663] : memref<10000x32xf32, #tpu.memory_space<vmem_shared>> -> memref<10000x32xf32, #tpu.memory_space<vmem_shared>>
        tpu.enqueue_indirect_dma source(%dma_start3A_664 : memref<10000x32xf32, #tpu.memory_space<vmem_shared>>) target(%dma_start3A_658 : memref<128x32xf32, #tpu.memory_space<vmem>>) offsets(%dma_start3A_661 : memref<128xi32, #tpu.memory_space<vmem>>) semaphore(%arg11 : memref<!tpu.dma_semaphore, #tpu.memory_space<semaphore_mem>>)
      } else {
      }
      %while3A_602 = arith.constant 0 : i32
      scf.yield %while3A_602 : i32
    }
    %while3A_94 = arith.constant 1 : i32
    %while3A_95 = scf.for %while3A_264 = %while3A_91 to %while3A_87 step %while3A_94 iter_args(%while3A_265 = %while3A_93) -> (i32)  : i32 {
      %mul3A_266 = arith.constant 2 : i32
      %mul3A_267 = arith.muli %mul3A_266, %while3A_264 : i32
      %add3A_268 = arith.constant 1 : i32
      %add3A_269 = arith.addi %mul3A_267, %add3A_268 : i32
      %mul3A_270 = arith.constant 4 : i32
      %mul3A_271 = arith.muli %add3A_269, %mul3A_270 : i32
      %add3A_272 = arith.constant 0 : i32
      %add3A_273 = arith.addi %mul3A_271, %add3A_272 : i32
      %dma_start3A_274 = arith.constant 4 : i32
      %dma_start3A_275 = arith.constant 0 : i32
      %dma_start3A_276 = arith.constant 0 : i32
      %dma_start3A_277 = tpu.memref_slice %arg7[%dma_start3A_274, %dma_start3A_275, %dma_start3A_276] : memref<8x128x32xf32, #tpu.memory_space<vmem>> -> memref<1x128x32xf32, #tpu.memory_space<vmem>>
      %dma_start3A_278 = tpu.memref_squeeze %dma_start3A_277 : memref<1x128x32xf32, #tpu.memory_space<vmem>> -> memref<128x32xf32, #tpu.memory_space<vmem>>
      %dma_start3A_279 = arith.constant 0 : i32
      %dma_start3A_280 = tpu.memref_slice %arg5[%add3A_273, %dma_start3A_279] : memref<164x128xi32, #tpu.memory_space<vmem>> -> memref<1x128xi32, #tpu.memory_space<vmem>>
      %dma_start3A_281 = tpu.memref_squeeze %dma_start3A_280 : memref<1x128xi32, #tpu.memory_space<vmem>> -> memref<128xi32, #tpu.memory_space<vmem>>
      %dma_start3A_282 = arith.constant 0 : i32
      %dma_start3A_283 = arith.constant 0 : i32
      %dma_start3A_284 = tpu.memref_slice %arg10[%dma_start3A_282, %dma_start3A_283] : memref<10000x32xf32, #tpu.memory_space<vmem_shared>> -> memref<10000x32xf32, #tpu.memory_space<vmem_shared>>
      tpu.enqueue_indirect_dma source(%dma_start3A_284 : memref<10000x32xf32, #tpu.memory_space<vmem_shared>>) target(%dma_start3A_278 : memref<128x32xf32, #tpu.memory_space<vmem>>) offsets(%dma_start3A_281 : memref<128xi32, #tpu.memory_space<vmem>>) semaphore(%arg12 : memref<!tpu.dma_semaphore, #tpu.memory_space<semaphore_mem>>)
      %mul3A_285 = arith.constant 4 : i32
      %mul3A_286 = arith.muli %add3A_269, %mul3A_285 : i32
      %add3A_287 = arith.constant 1 : i32
      %add3A_288 = arith.addi %mul3A_286, %add3A_287 : i32
      %dma_start3A_289 = arith.constant 5 : i32
      %dma_start3A_290 = arith.constant 0 : i32
      %dma_start3A_291 = arith.constant 0 : i32
      %dma_start3A_292 = tpu.memref_slice %arg7[%dma_start3A_289, %dma_start3A_290, %dma_start3A_291] : memref<8x128x32xf32, #tpu.memory_space<vmem>> -> memref<1x128x32xf32, #tpu.memory_space<vmem>>
      %dma_start3A_293 = tpu.memref_squeeze %dma_start3A_292 : memref<1x128x32xf32, #tpu.memory_space<vmem>> -> memref<128x32xf32, #tpu.memory_space<vmem>>
      %dma_start3A_294 = arith.constant 0 : i32
      %dma_start3A_295 = tpu.memref_slice %arg5[%add3A_288, %dma_start3A_294] : memref<164x128xi32, #tpu.memory_space<vmem>> -> memref<1x128xi32, #tpu.memory_space<vmem>>
      %dma_start3A_296 = tpu.memref_squeeze %dma_start3A_295 : memref<1x128xi32, #tpu.memory_space<vmem>> -> memref<128xi32, #tpu.memory_space<vmem>>
      %dma_start3A_297 = arith.constant 0 : i32
      %dma_start3A_298 = arith.constant 0 : i32
      %dma_start3A_299 = tpu.memref_slice %arg10[%dma_start3A_297, %dma_start3A_298] : memref<10000x32xf32, #tpu.memory_space<vmem_shared>> -> memref<10000x32xf32, #tpu.memory_space<vmem_shared>>
      tpu.enqueue_indirect_dma source(%dma_start3A_299 : memref<10000x32xf32, #tpu.memory_space<vmem_shared>>) target(%dma_start3A_293 : memref<128x32xf32, #tpu.memory_space<vmem>>) offsets(%dma_start3A_296 : memref<128xi32, #tpu.memory_space<vmem>>) semaphore(%arg12 : memref<!tpu.dma_semaphore, #tpu.memory_space<semaphore_mem>>)
      %mul3A_300 = arith.constant 4 : i32
      %mul3A_301 = arith.muli %add3A_269, %mul3A_300 : i32
      %add3A_302 = arith.constant 2 : i32
      %add3A_303 = arith.addi %mul3A_301, %add3A_302 : i32
      %dma_start3A_304 = arith.constant 6 : i32
      %dma_start3A_305 = arith.constant 0 : i32
      %dma_start3A_306 = arith.constant 0 : i32
      %dma_start3A_307 = tpu.memref_slice %arg7[%dma_start3A_304, %dma_start3A_305, %dma_start3A_306] : memref<8x128x32xf32, #tpu.memory_space<vmem>> -> memref<1x128x32xf32, #tpu.memory_space<vmem>>
      %dma_start3A_308 = tpu.memref_squeeze %dma_start3A_307 : memref<1x128x32xf32, #tpu.memory_space<vmem>> -> memref<128x32xf32, #tpu.memory_space<vmem>>
      %dma_start3A_309 = arith.constant 0 : i32
      %dma_start3A_310 = tpu.memref_slice %arg5[%add3A_303, %dma_start3A_309] : memref<164x128xi32, #tpu.memory_space<vmem>> -> memref<1x128xi32, #tpu.memory_space<vmem>>
      %dma_start3A_311 = tpu.memref_squeeze %dma_start3A_310 : memref<1x128xi32, #tpu.memory_space<vmem>> -> memref<128xi32, #tpu.memory_space<vmem>>
      %dma_start3A_312 = arith.constant 0 : i32
      %dma_start3A_313 = arith.constant 0 : i32
      %dma_start3A_314 = tpu.memref_slice %arg10[%dma_start3A_312, %dma_start3A_313] : memref<10000x32xf32, #tpu.memory_space<vmem_shared>> -> memref<10000x32xf32, #tpu.memory_space<vmem_shared>>
      tpu.enqueue_indirect_dma source(%dma_start3A_314 : memref<10000x32xf32, #tpu.memory_space<vmem_shared>>) target(%dma_start3A_308 : memref<128x32xf32, #tpu.memory_space<vmem>>) offsets(%dma_start3A_311 : memref<128xi32, #tpu.memory_space<vmem>>) semaphore(%arg12 : memref<!tpu.dma_semaphore, #tpu.memory_space<semaphore_mem>>)
      %mul3A_315 = arith.constant 4 : i32
      %mul3A_316 = arith.muli %add3A_269, %mul3A_315 : i32
      %add3A_317 = arith.constant 3 : i32
      %add3A_318 = arith.addi %mul3A_316, %add3A_317 : i32
      %dma_start3A_319 = arith.constant 7 : i32
      %dma_start3A_320 = arith.constant 0 : i32
      %dma_start3A_321 = arith.constant 0 : i32
      %dma_start3A_322 = tpu.memref_slice %arg7[%dma_start3A_319, %dma_start3A_320, %dma_start3A_321] : memref<8x128x32xf32, #tpu.memory_space<vmem>> -> memref<1x128x32xf32, #tpu.memory_space<vmem>>
      %dma_start3A_323 = tpu.memref_squeeze %dma_start3A_322 : memref<1x128x32xf32, #tpu.memory_space<vmem>> -> memref<128x32xf32, #tpu.memory_space<vmem>>
      %dma_start3A_324 = arith.constant 0 : i32
      %dma_start3A_325 = tpu.memref_slice %arg5[%add3A_318, %dma_start3A_324] : memref<164x128xi32, #tpu.memory_space<vmem>> -> memref<1x128xi32, #tpu.memory_space<vmem>>
      %dma_start3A_326 = tpu.memref_squeeze %dma_start3A_325 : memref<1x128xi32, #tpu.memory_space<vmem>> -> memref<128xi32, #tpu.memory_space<vmem>>
      %dma_start3A_327 = arith.constant 0 : i32
      %dma_start3A_328 = arith.constant 0 : i32
      %dma_start3A_329 = tpu.memref_slice %arg10[%dma_start3A_327, %dma_start3A_328] : memref<10000x32xf32, #tpu.memory_space<vmem_shared>> -> memref<10000x32xf32, #tpu.memory_space<vmem_shared>>
      tpu.enqueue_indirect_dma source(%dma_start3A_329 : memref<10000x32xf32, #tpu.memory_space<vmem_shared>>) target(%dma_start3A_323 : memref<128x32xf32, #tpu.memory_space<vmem>>) offsets(%dma_start3A_326 : memref<128xi32, #tpu.memory_space<vmem>>) semaphore(%arg12 : memref<!tpu.dma_semaphore, #tpu.memory_space<semaphore_mem>>)
      %dma_wait3A_330 = arith.constant 0 : i32
      %dma_wait3A_331 = arith.constant 0 : i32
      %dma_wait3A_332 = arith.constant 0 : i32
      %dma_wait3A_333 = arith.constant 0 : i32
      %dma_wait3A_334 = tpu.memref_slice %arg7[%dma_wait3A_331, %dma_wait3A_332, %dma_wait3A_333] : memref<8x128x32xf32, #tpu.memory_space<vmem>> -> memref<1x128x32xf32, #tpu.memory_space<vmem>>
      %dma_wait3A_335 = tpu.memref_squeeze %dma_wait3A_334 : memref<1x128x32xf32, #tpu.memory_space<vmem>> -> memref<128x32xf32, #tpu.memory_space<vmem>>
      %dma_wait3A_336 = arith.constant 0 : i32
      %dma_wait3A_337 = tpu.memref_slice %arg5[%dma_wait3A_330, %dma_wait3A_336] : memref<164x128xi32, #tpu.memory_space<vmem>> -> memref<1x128xi32, #tpu.memory_space<vmem>>
      %dma_wait3A_338 = tpu.memref_squeeze %dma_wait3A_337 : memref<1x128xi32, #tpu.memory_space<vmem>> -> memref<128xi32, #tpu.memory_space<vmem>>
      %dma_wait3A_339 = arith.constant 0 : i32
      %dma_wait3A_340 = arith.constant 0 : i32
      %dma_wait3A_341 = tpu.memref_slice %arg10[%dma_wait3A_339, %dma_wait3A_340] : memref<10000x32xf32, #tpu.memory_space<vmem_shared>> -> memref<10000x32xf32, #tpu.memory_space<vmem_shared>>
      tpu.wait_indirect_dma semaphore(%arg11 : memref<!tpu.dma_semaphore, #tpu.memory_space<semaphore_mem>>) src(%dma_wait3A_341 : memref<10000x32xf32, #tpu.memory_space<vmem_shared>>) dst(%dma_wait3A_335 : memref<128x32xf32, #tpu.memory_space<vmem>>)
      %dma_wait3A_342 = arith.constant 0 : i32
      %dma_wait3A_343 = arith.constant 1 : i32
      %dma_wait3A_344 = arith.constant 0 : i32
      %dma_wait3A_345 = arith.constant 0 : i32
      %dma_wait3A_346 = tpu.memref_slice %arg7[%dma_wait3A_343, %dma_wait3A_344, %dma_wait3A_345] : memref<8x128x32xf32, #tpu.memory_space<vmem>> -> memref<1x128x32xf32, #tpu.memory_space<vmem>>
      %dma_wait3A_347 = tpu.memref_squeeze %dma_wait3A_346 : memref<1x128x32xf32, #tpu.memory_space<vmem>> -> memref<128x32xf32, #tpu.memory_space<vmem>>
      %dma_wait3A_348 = arith.constant 0 : i32
      %dma_wait3A_349 = tpu.memref_slice %arg5[%dma_wait3A_342, %dma_wait3A_348] : memref<164x128xi32, #tpu.memory_space<vmem>> -> memref<1x128xi32, #tpu.memory_space<vmem>>
      %dma_wait3A_350 = tpu.memref_squeeze %dma_wait3A_349 : memref<1x128xi32, #tpu.memory_space<vmem>> -> memref<128xi32, #tpu.memory_space<vmem>>
      %dma_wait3A_351 = arith.constant 0 : i32
      %dma_wait3A_352 = arith.constant 0 : i32
      %dma_wait3A_353 = tpu.memref_slice %arg10[%dma_wait3A_351, %dma_wait3A_352] : memref<10000x32xf32, #tpu.memory_space<vmem_shared>> -> memref<10000x32xf32, #tpu.memory_space<vmem_shared>>
      tpu.wait_indirect_dma semaphore(%arg11 : memref<!tpu.dma_semaphore, #tpu.memory_space<semaphore_mem>>) src(%dma_wait3A_353 : memref<10000x32xf32, #tpu.memory_space<vmem_shared>>) dst(%dma_wait3A_347 : memref<128x32xf32, #tpu.memory_space<vmem>>)
      %dma_wait3A_354 = arith.constant 0 : i32
      %dma_wait3A_355 = arith.constant 2 : i32
      %dma_wait3A_356 = arith.constant 0 : i32
      %dma_wait3A_357 = arith.constant 0 : i32
      %dma_wait3A_358 = tpu.memref_slice %arg7[%dma_wait3A_355, %dma_wait3A_356, %dma_wait3A_357] : memref<8x128x32xf32, #tpu.memory_space<vmem>> -> memref<1x128x32xf32, #tpu.memory_space<vmem>>
      %dma_wait3A_359 = tpu.memref_squeeze %dma_wait3A_358 : memref<1x128x32xf32, #tpu.memory_space<vmem>> -> memref<128x32xf32, #tpu.memory_space<vmem>>
      %dma_wait3A_360 = arith.constant 0 : i32
      %dma_wait3A_361 = tpu.memref_slice %arg5[%dma_wait3A_354, %dma_wait3A_360] : memref<164x128xi32, #tpu.memory_space<vmem>> -> memref<1x128xi32, #tpu.memory_space<vmem>>
      %dma_wait3A_362 = tpu.memref_squeeze %dma_wait3A_361 : memref<1x128xi32, #tpu.memory_space<vmem>> -> memref<128xi32, #tpu.memory_space<vmem>>
      %dma_wait3A_363 = arith.constant 0 : i32
      %dma_wait3A_364 = arith.constant 0 : i32
      %dma_wait3A_365 = tpu.memref_slice %arg10[%dma_wait3A_363, %dma_wait3A_364] : memref<10000x32xf32, #tpu.memory_space<vmem_shared>> -> memref<10000x32xf32, #tpu.memory_space<vmem_shared>>
      tpu.wait_indirect_dma semaphore(%arg11 : memref<!tpu.dma_semaphore, #tpu.memory_space<semaphore_mem>>) src(%dma_wait3A_365 : memref<10000x32xf32, #tpu.memory_space<vmem_shared>>) dst(%dma_wait3A_359 : memref<128x32xf32, #tpu.memory_space<vmem>>)
      %dma_wait3A_366 = arith.constant 0 : i32
      %dma_wait3A_367 = arith.constant 3 : i32
      %dma_wait3A_368 = arith.constant 0 : i32
      %dma_wait3A_369 = arith.constant 0 : i32
      %dma_wait3A_370 = tpu.memref_slice %arg7[%dma_wait3A_367, %dma_wait3A_368, %dma_wait3A_369] : memref<8x128x32xf32, #tpu.memory_space<vmem>> -> memref<1x128x32xf32, #tpu.memory_space<vmem>>
      %dma_wait3A_371 = tpu.memref_squeeze %dma_wait3A_370 : memref<1x128x32xf32, #tpu.memory_space<vmem>> -> memref<128x32xf32, #tpu.memory_space<vmem>>
      %dma_wait3A_372 = arith.constant 0 : i32
      %dma_wait3A_373 = tpu.memref_slice %arg5[%dma_wait3A_366, %dma_wait3A_372] : memref<164x128xi32, #tpu.memory_space<vmem>> -> memref<1x128xi32, #tpu.memory_space<vmem>>
      %dma_wait3A_374 = tpu.memref_squeeze %dma_wait3A_373 : memref<1x128xi32, #tpu.memory_space<vmem>> -> memref<128xi32, #tpu.memory_space<vmem>>
      %dma_wait3A_375 = arith.constant 0 : i32
      %dma_wait3A_376 = arith.constant 0 : i32
      %dma_wait3A_377 = tpu.memref_slice %arg10[%dma_wait3A_375, %dma_wait3A_376] : memref<10000x32xf32, #tpu.memory_space<vmem_shared>> -> memref<10000x32xf32, #tpu.memory_space<vmem_shared>>
      tpu.wait_indirect_dma semaphore(%arg11 : memref<!tpu.dma_semaphore, #tpu.memory_space<semaphore_mem>>) src(%dma_wait3A_377 : memref<10000x32xf32, #tpu.memory_space<vmem_shared>>) dst(%dma_wait3A_371 : memref<128x32xf32, #tpu.memory_space<vmem>>)
      %mul3A_378 = arith.constant 4 : i32
      %mul3A_379 = arith.muli %mul3A_267, %mul3A_378 : i32
      %add3A_380 = arith.constant 0 : i32
      %add3A_381 = arith.addi %mul3A_379, %add3A_380 : i32
      %dma_start3A_382 = arith.constant 0 : i32
      %dma_start3A_383 = arith.constant 0 : i32
      %dma_start3A_384 = arith.constant 0 : i32
      %dma_start3A_385 = tpu.memref_slice %arg7[%dma_start3A_382, %dma_start3A_383, %dma_start3A_384] : memref<8x128x32xf32, #tpu.memory_space<vmem>> -> memref<1x128x32xf32, #tpu.memory_space<vmem>>
      %dma_start3A_386 = tpu.memref_squeeze %dma_start3A_385 : memref<1x128x32xf32, #tpu.memory_space<vmem>> -> memref<128x32xf32, #tpu.memory_space<vmem>>
      %dma_start3A_387 = arith.constant 0 : i32
      %dma_start3A_388 = tpu.memref_slice %arg6[%add3A_381, %dma_start3A_387] : memref<164x128xi32, #tpu.memory_space<vmem>> -> memref<1x128xi32, #tpu.memory_space<vmem>>
      %dma_start3A_389 = tpu.memref_squeeze %dma_start3A_388 : memref<1x128xi32, #tpu.memory_space<vmem>> -> memref<128xi32, #tpu.memory_space<vmem>>
      %dma_start3A_390 = arith.constant 0 : i32
      %dma_start3A_391 = arith.constant 0 : i32
      %dma_start3A_392 = tpu.memref_slice %arg9[%dma_start3A_390, %dma_start3A_391] : memref<10000x32xf32, #tpu.memory_space<vmem_shared>> -> memref<10000x32xf32, #tpu.memory_space<vmem_shared>>
      tpu.enqueue_indirect_dma source(%dma_start3A_386 : memref<128x32xf32, #tpu.memory_space<vmem>>) target(%dma_start3A_392 : memref<10000x32xf32, #tpu.memory_space<vmem_shared>>) offsets(%dma_start3A_389 : memref<128xi32, #tpu.memory_space<vmem>>) semaphore(%arg13 : memref<!tpu.dma_semaphore, #tpu.memory_space<semaphore_mem>>) {add = true}
      %mul3A_393 = arith.constant 4 : i32
      %mul3A_394 = arith.muli %mul3A_267, %mul3A_393 : i32
      %add3A_395 = arith.constant 1 : i32
      %add3A_396 = arith.addi %mul3A_394, %add3A_395 : i32
      %dma_start3A_397 = arith.constant 1 : i32
      %dma_start3A_398 = arith.constant 0 : i32
      %dma_start3A_399 = arith.constant 0 : i32
      %dma_start3A_400 = tpu.memref_slice %arg7[%dma_start3A_397, %dma_start3A_398, %dma_start3A_399] : memref<8x128x32xf32, #tpu.memory_space<vmem>> -> memref<1x128x32xf32, #tpu.memory_space<vmem>>
      %dma_start3A_401 = tpu.memref_squeeze %dma_start3A_400 : memref<1x128x32xf32, #tpu.memory_space<vmem>> -> memref<128x32xf32, #tpu.memory_space<vmem>>
      %dma_start3A_402 = arith.constant 0 : i32
      %dma_start3A_403 = tpu.memref_slice %arg6[%add3A_396, %dma_start3A_402] : memref<164x128xi32, #tpu.memory_space<vmem>> -> memref<1x128xi32, #tpu.memory_space<vmem>>
      %dma_start3A_404 = tpu.memref_squeeze %dma_start3A_403 : memref<1x128xi32, #tpu.memory_space<vmem>> -> memref<128xi32, #tpu.memory_space<vmem>>
      %dma_start3A_405 = arith.constant 0 : i32
      %dma_start3A_406 = arith.constant 0 : i32
      %dma_start3A_407 = tpu.memref_slice %arg9[%dma_start3A_405, %dma_start3A_406] : memref<10000x32xf32, #tpu.memory_space<vmem_shared>> -> memref<10000x32xf32, #tpu.memory_space<vmem_shared>>
      tpu.enqueue_indirect_dma source(%dma_start3A_401 : memref<128x32xf32, #tpu.memory_space<vmem>>) target(%dma_start3A_407 : memref<10000x32xf32, #tpu.memory_space<vmem_shared>>) offsets(%dma_start3A_404 : memref<128xi32, #tpu.memory_space<vmem>>) semaphore(%arg13 : memref<!tpu.dma_semaphore, #tpu.memory_space<semaphore_mem>>) {add = true}
      %mul3A_408 = arith.constant 4 : i32
      %mul3A_409 = arith.muli %mul3A_267, %mul3A_408 : i32
      %add3A_410 = arith.constant 2 : i32
      %add3A_411 = arith.addi %mul3A_409, %add3A_410 : i32
      %dma_start3A_412 = arith.constant 2 : i32
      %dma_start3A_413 = arith.constant 0 : i32
      %dma_start3A_414 = arith.constant 0 : i32
      %dma_start3A_415 = tpu.memref_slice %arg7[%dma_start3A_412, %dma_start3A_413, %dma_start3A_414] : memref<8x128x32xf32, #tpu.memory_space<vmem>> -> memref<1x128x32xf32, #tpu.memory_space<vmem>>
      %dma_start3A_416 = tpu.memref_squeeze %dma_start3A_415 : memref<1x128x32xf32, #tpu.memory_space<vmem>> -> memref<128x32xf32, #tpu.memory_space<vmem>>
      %dma_start3A_417 = arith.constant 0 : i32
      %dma_start3A_418 = tpu.memref_slice %arg6[%add3A_411, %dma_start3A_417] : memref<164x128xi32, #tpu.memory_space<vmem>> -> memref<1x128xi32, #tpu.memory_space<vmem>>
      %dma_start3A_419 = tpu.memref_squeeze %dma_start3A_418 : memref<1x128xi32, #tpu.memory_space<vmem>> -> memref<128xi32, #tpu.memory_space<vmem>>
      %dma_start3A_420 = arith.constant 0 : i32
      %dma_start3A_421 = arith.constant 0 : i32
      %dma_start3A_422 = tpu.memref_slice %arg9[%dma_start3A_420, %dma_start3A_421] : memref<10000x32xf32, #tpu.memory_space<vmem_shared>> -> memref<10000x32xf32, #tpu.memory_space<vmem_shared>>
      tpu.enqueue_indirect_dma source(%dma_start3A_416 : memref<128x32xf32, #tpu.memory_space<vmem>>) target(%dma_start3A_422 : memref<10000x32xf32, #tpu.memory_space<vmem_shared>>) offsets(%dma_start3A_419 : memref<128xi32, #tpu.memory_space<vmem>>) semaphore(%arg13 : memref<!tpu.dma_semaphore, #tpu.memory_space<semaphore_mem>>) {add = true}
      %mul3A_423 = arith.constant 4 : i32
      %mul3A_424 = arith.muli %mul3A_267, %mul3A_423 : i32
      %add3A_425 = arith.constant 3 : i32
      %add3A_426 = arith.addi %mul3A_424, %add3A_425 : i32
      %dma_start3A_427 = arith.constant 3 : i32
      %dma_start3A_428 = arith.constant 0 : i32
      %dma_start3A_429 = arith.constant 0 : i32
      %dma_start3A_430 = tpu.memref_slice %arg7[%dma_start3A_427, %dma_start3A_428, %dma_start3A_429] : memref<8x128x32xf32, #tpu.memory_space<vmem>> -> memref<1x128x32xf32, #tpu.memory_space<vmem>>
      %dma_start3A_431 = tpu.memref_squeeze %dma_start3A_430 : memref<1x128x32xf32, #tpu.memory_space<vmem>> -> memref<128x32xf32, #tpu.memory_space<vmem>>
      %dma_start3A_432 = arith.constant 0 : i32
      %dma_start3A_433 = tpu.memref_slice %arg6[%add3A_426, %dma_start3A_432] : memref<164x128xi32, #tpu.memory_space<vmem>> -> memref<1x128xi32, #tpu.memory_space<vmem>>
      %dma_start3A_434 = tpu.memref_squeeze %dma_start3A_433 : memref<1x128xi32, #tpu.memory_space<vmem>> -> memref<128xi32, #tpu.memory_space<vmem>>
      %dma_start3A_435 = arith.constant 0 : i32
      %dma_start3A_436 = arith.constant 0 : i32
      %dma_start3A_437 = tpu.memref_slice %arg9[%dma_start3A_435, %dma_start3A_436] : memref<10000x32xf32, #tpu.memory_space<vmem_shared>> -> memref<10000x32xf32, #tpu.memory_space<vmem_shared>>
      tpu.enqueue_indirect_dma source(%dma_start3A_431 : memref<128x32xf32, #tpu.memory_space<vmem>>) target(%dma_start3A_437 : memref<10000x32xf32, #tpu.memory_space<vmem_shared>>) offsets(%dma_start3A_434 : memref<128xi32, #tpu.memory_space<vmem>>) semaphore(%arg13 : memref<!tpu.dma_semaphore, #tpu.memory_space<semaphore_mem>>) {add = true}
      %gt3A = arith.constant 0 : i32
      %gt3A_438 = arith.cmpi sgt, %while3A_264, %gt3A : i32
      %convert_element_type3A_439 = arith.extui %gt3A_438 : i1 to i32
      %cond3A_440 = arith.constant 0 : i32
      %cond3A_441 = arith.cmpi ne, %convert_element_type3A_439, %cond3A_440 : i32
      scf.if %cond3A_441 {
        %dma_wait3A_603 = arith.constant 4 : i32
        %dma_wait3A_604 = arith.constant 0 : i32
        %dma_wait3A_605 = arith.constant 0 : i32
        %dma_wait3A_606 = arith.constant 0 : i32
        %dma_wait3A_607 = tpu.memref_slice %arg7[%dma_wait3A_603, %dma_wait3A_605, %dma_wait3A_606] : memref<8x128x32xf32, #tpu.memory_space<vmem>> -> memref<1x128x32xf32, #tpu.memory_space<vmem>>
        %dma_wait3A_608 = tpu.memref_squeeze %dma_wait3A_607 : memref<1x128x32xf32, #tpu.memory_space<vmem>> -> memref<128x32xf32, #tpu.memory_space<vmem>>
        %dma_wait3A_609 = arith.constant 0 : i32
        %dma_wait3A_610 = tpu.memref_slice %arg6[%dma_wait3A_604, %dma_wait3A_609] : memref<164x128xi32, #tpu.memory_space<vmem>> -> memref<1x128xi32, #tpu.memory_space<vmem>>
        %dma_wait3A_611 = tpu.memref_squeeze %dma_wait3A_610 : memref<1x128xi32, #tpu.memory_space<vmem>> -> memref<128xi32, #tpu.memory_space<vmem>>
        %dma_wait3A_612 = arith.constant 0 : i32
        %dma_wait3A_613 = arith.constant 0 : i32
        %dma_wait3A_614 = tpu.memref_slice %arg9[%dma_wait3A_612, %dma_wait3A_613] : memref<10000x32xf32, #tpu.memory_space<vmem_shared>> -> memref<10000x32xf32, #tpu.memory_space<vmem_shared>>
        tpu.wait_indirect_dma semaphore(%arg14 : memref<!tpu.dma_semaphore, #tpu.memory_space<semaphore_mem>>) src(%dma_wait3A_608 : memref<128x32xf32, #tpu.memory_space<vmem>>) dst(%dma_wait3A_614 : memref<10000x32xf32, #tpu.memory_space<vmem_shared>>)
        %dma_wait3A_615 = arith.constant 5 : i32
        %dma_wait3A_616 = arith.constant 0 : i32
        %dma_wait3A_617 = arith.constant 0 : i32
        %dma_wait3A_618 = arith.constant 0 : i32
        %dma_wait3A_619 = tpu.memref_slice %arg7[%dma_wait3A_615, %dma_wait3A_617, %dma_wait3A_618] : memref<8x128x32xf32, #tpu.memory_space<vmem>> -> memref<1x128x32xf32, #tpu.memory_space<vmem>>
        %dma_wait3A_620 = tpu.memref_squeeze %dma_wait3A_619 : memref<1x128x32xf32, #tpu.memory_space<vmem>> -> memref<128x32xf32, #tpu.memory_space<vmem>>
        %dma_wait3A_621 = arith.constant 0 : i32
        %dma_wait3A_622 = tpu.memref_slice %arg6[%dma_wait3A_616, %dma_wait3A_621] : memref<164x128xi32, #tpu.memory_space<vmem>> -> memref<1x128xi32, #tpu.memory_space<vmem>>
        %dma_wait3A_623 = tpu.memref_squeeze %dma_wait3A_622 : memref<1x128xi32, #tpu.memory_space<vmem>> -> memref<128xi32, #tpu.memory_space<vmem>>
        %dma_wait3A_624 = arith.constant 0 : i32
        %dma_wait3A_625 = arith.constant 0 : i32
        %dma_wait3A_626 = tpu.memref_slice %arg9[%dma_wait3A_624, %dma_wait3A_625] : memref<10000x32xf32, #tpu.memory_space<vmem_shared>> -> memref<10000x32xf32, #tpu.memory_space<vmem_shared>>
        tpu.wait_indirect_dma semaphore(%arg14 : memref<!tpu.dma_semaphore, #tpu.memory_space<semaphore_mem>>) src(%dma_wait3A_620 : memref<128x32xf32, #tpu.memory_space<vmem>>) dst(%dma_wait3A_626 : memref<10000x32xf32, #tpu.memory_space<vmem_shared>>)
        %dma_wait3A_627 = arith.constant 6 : i32
        %dma_wait3A_628 = arith.constant 0 : i32
        %dma_wait3A_629 = arith.constant 0 : i32
        %dma_wait3A_630 = arith.constant 0 : i32
        %dma_wait3A_631 = tpu.memref_slice %arg7[%dma_wait3A_627, %dma_wait3A_629, %dma_wait3A_630] : memref<8x128x32xf32, #tpu.memory_space<vmem>> -> memref<1x128x32xf32, #tpu.memory_space<vmem>>
        %dma_wait3A_632 = tpu.memref_squeeze %dma_wait3A_631 : memref<1x128x32xf32, #tpu.memory_space<vmem>> -> memref<128x32xf32, #tpu.memory_space<vmem>>
        %dma_wait3A_633 = arith.constant 0 : i32
        %dma_wait3A_634 = tpu.memref_slice %arg6[%dma_wait3A_628, %dma_wait3A_633] : memref<164x128xi32, #tpu.memory_space<vmem>> -> memref<1x128xi32, #tpu.memory_space<vmem>>
        %dma_wait3A_635 = tpu.memref_squeeze %dma_wait3A_634 : memref<1x128xi32, #tpu.memory_space<vmem>> -> memref<128xi32, #tpu.memory_space<vmem>>
        %dma_wait3A_636 = arith.constant 0 : i32
        %dma_wait3A_637 = arith.constant 0 : i32
        %dma_wait3A_638 = tpu.memref_slice %arg9[%dma_wait3A_636, %dma_wait3A_637] : memref<10000x32xf32, #tpu.memory_space<vmem_shared>> -> memref<10000x32xf32, #tpu.memory_space<vmem_shared>>
        tpu.wait_indirect_dma semaphore(%arg14 : memref<!tpu.dma_semaphore, #tpu.memory_space<semaphore_mem>>) src(%dma_wait3A_632 : memref<128x32xf32, #tpu.memory_space<vmem>>) dst(%dma_wait3A_638 : memref<10000x32xf32, #tpu.memory_space<vmem_shared>>)
        %dma_wait3A_639 = arith.constant 7 : i32
        %dma_wait3A_640 = arith.constant 0 : i32
        %dma_wait3A_641 = arith.constant 0 : i32
        %dma_wait3A_642 = arith.constant 0 : i32
        %dma_wait3A_643 = tpu.memref_slice %arg7[%dma_wait3A_639, %dma_wait3A_641, %dma_wait3A_642] : memref<8x128x32xf32, #tpu.memory_space<vmem>> -> memref<1x128x32xf32, #tpu.memory_space<vmem>>
        %dma_wait3A_644 = tpu.memref_squeeze %dma_wait3A_643 : memref<1x128x32xf32, #tpu.memory_space<vmem>> -> memref<128x32xf32, #tpu.memory_space<vmem>>
        %dma_wait3A_645 = arith.constant 0 : i32
        %dma_wait3A_646 = tpu.memref_slice %arg6[%dma_wait3A_640, %dma_wait3A_645] : memref<164x128xi32, #tpu.memory_space<vmem>> -> memref<1x128xi32, #tpu.memory_space<vmem>>
        %dma_wait3A_647 = tpu.memref_squeeze %dma_wait3A_646 : memref<1x128xi32, #tpu.memory_space<vmem>> -> memref<128xi32, #tpu.memory_space<vmem>>
        %dma_wait3A_648 = arith.constant 0 : i32
        %dma_wait3A_649 = arith.constant 0 : i32
        %dma_wait3A_650 = tpu.memref_slice %arg9[%dma_wait3A_648, %dma_wait3A_649] : memref<10000x32xf32, #tpu.memory_space<vmem_shared>> -> memref<10000x32xf32, #tpu.memory_space<vmem_shared>>
        tpu.wait_indirect_dma semaphore(%arg14 : memref<!tpu.dma_semaphore, #tpu.memory_space<semaphore_mem>>) src(%dma_wait3A_644 : memref<128x32xf32, #tpu.memory_space<vmem>>) dst(%dma_wait3A_650 : memref<10000x32xf32, #tpu.memory_space<vmem_shared>>)
      } else {
      }
      %dma_wait3A_442 = arith.constant 0 : i32
      %dma_wait3A_443 = arith.constant 4 : i32
      %dma_wait3A_444 = arith.constant 0 : i32
      %dma_wait3A_445 = arith.constant 0 : i32
      %dma_wait3A_446 = tpu.memref_slice %arg7[%dma_wait3A_443, %dma_wait3A_444, %dma_wait3A_445] : memref<8x128x32xf32, #tpu.memory_space<vmem>> -> memref<1x128x32xf32, #tpu.memory_space<vmem>>
      %dma_wait3A_447 = tpu.memref_squeeze %dma_wait3A_446 : memref<1x128x32xf32, #tpu.memory_space<vmem>> -> memref<128x32xf32, #tpu.memory_space<vmem>>
      %dma_wait3A_448 = arith.constant 0 : i32
      %dma_wait3A_449 = tpu.memref_slice %arg5[%dma_wait3A_442, %dma_wait3A_448] : memref<164x128xi32, #tpu.memory_space<vmem>> -> memref<1x128xi32, #tpu.memory_space<vmem>>
      %dma_wait3A_450 = tpu.memref_squeeze %dma_wait3A_449 : memref<1x128xi32, #tpu.memory_space<vmem>> -> memref<128xi32, #tpu.memory_space<vmem>>
      %dma_wait3A_451 = arith.constant 0 : i32
      %dma_wait3A_452 = arith.constant 0 : i32
      %dma_wait3A_453 = tpu.memref_slice %arg10[%dma_wait3A_451, %dma_wait3A_452] : memref<10000x32xf32, #tpu.memory_space<vmem_shared>> -> memref<10000x32xf32, #tpu.memory_space<vmem_shared>>
      tpu.wait_indirect_dma semaphore(%arg12 : memref<!tpu.dma_semaphore, #tpu.memory_space<semaphore_mem>>) src(%dma_wait3A_453 : memref<10000x32xf32, #tpu.memory_space<vmem_shared>>) dst(%dma_wait3A_447 : memref<128x32xf32, #tpu.memory_space<vmem>>)
      %dma_wait3A_454 = arith.constant 0 : i32
      %dma_wait3A_455 = arith.constant 5 : i32
      %dma_wait3A_456 = arith.constant 0 : i32
      %dma_wait3A_457 = arith.constant 0 : i32
      %dma_wait3A_458 = tpu.memref_slice %arg7[%dma_wait3A_455, %dma_wait3A_456, %dma_wait3A_457] : memref<8x128x32xf32, #tpu.memory_space<vmem>> -> memref<1x128x32xf32, #tpu.memory_space<vmem>>
      %dma_wait3A_459 = tpu.memref_squeeze %dma_wait3A_458 : memref<1x128x32xf32, #tpu.memory_space<vmem>> -> memref<128x32xf32, #tpu.memory_space<vmem>>
      %dma_wait3A_460 = arith.constant 0 : i32
      %dma_wait3A_461 = tpu.memref_slice %arg5[%dma_wait3A_454, %dma_wait3A_460] : memref<164x128xi32, #tpu.memory_space<vmem>> -> memref<1x128xi32, #tpu.memory_space<vmem>>
      %dma_wait3A_462 = tpu.memref_squeeze %dma_wait3A_461 : memref<1x128xi32, #tpu.memory_space<vmem>> -> memref<128xi32, #tpu.memory_space<vmem>>
      %dma_wait3A_463 = arith.constant 0 : i32
      %dma_wait3A_464 = arith.constant 0 : i32
      %dma_wait3A_465 = tpu.memref_slice %arg10[%dma_wait3A_463, %dma_wait3A_464] : memref<10000x32xf32, #tpu.memory_space<vmem_shared>> -> memref<10000x32xf32, #tpu.memory_space<vmem_shared>>
      tpu.wait_indirect_dma semaphore(%arg12 : memref<!tpu.dma_semaphore, #tpu.memory_space<semaphore_mem>>) src(%dma_wait3A_465 : memref<10000x32xf32, #tpu.memory_space<vmem_shared>>) dst(%dma_wait3A_459 : memref<128x32xf32, #tpu.memory_space<vmem>>)
      %dma_wait3A_466 = arith.constant 0 : i32
      %dma_wait3A_467 = arith.constant 6 : i32
      %dma_wait3A_468 = arith.constant 0 : i32
      %dma_wait3A_469 = arith.constant 0 : i32
      %dma_wait3A_470 = tpu.memref_slice %arg7[%dma_wait3A_467, %dma_wait3A_468, %dma_wait3A_469] : memref<8x128x32xf32, #tpu.memory_space<vmem>> -> memref<1x128x32xf32, #tpu.memory_space<vmem>>
      %dma_wait3A_471 = tpu.memref_squeeze %dma_wait3A_470 : memref<1x128x32xf32, #tpu.memory_space<vmem>> -> memref<128x32xf32, #tpu.memory_space<vmem>>
      %dma_wait3A_472 = arith.constant 0 : i32
      %dma_wait3A_473 = tpu.memref_slice %arg5[%dma_wait3A_466, %dma_wait3A_472] : memref<164x128xi32, #tpu.memory_space<vmem>> -> memref<1x128xi32, #tpu.memory_space<vmem>>
      %dma_wait3A_474 = tpu.memref_squeeze %dma_wait3A_473 : memref<1x128xi32, #tpu.memory_space<vmem>> -> memref<128xi32, #tpu.memory_space<vmem>>
      %dma_wait3A_475 = arith.constant 0 : i32
      %dma_wait3A_476 = arith.constant 0 : i32
      %dma_wait3A_477 = tpu.memref_slice %arg10[%dma_wait3A_475, %dma_wait3A_476] : memref<10000x32xf32, #tpu.memory_space<vmem_shared>> -> memref<10000x32xf32, #tpu.memory_space<vmem_shared>>
      tpu.wait_indirect_dma semaphore(%arg12 : memref<!tpu.dma_semaphore, #tpu.memory_space<semaphore_mem>>) src(%dma_wait3A_477 : memref<10000x32xf32, #tpu.memory_space<vmem_shared>>) dst(%dma_wait3A_471 : memref<128x32xf32, #tpu.memory_space<vmem>>)
      %dma_wait3A_478 = arith.constant 0 : i32
      %dma_wait3A_479 = arith.constant 7 : i32
      %dma_wait3A_480 = arith.constant 0 : i32
      %dma_wait3A_481 = arith.constant 0 : i32
      %dma_wait3A_482 = tpu.memref_slice %arg7[%dma_wait3A_479, %dma_wait3A_480, %dma_wait3A_481] : memref<8x128x32xf32, #tpu.memory_space<vmem>> -> memref<1x128x32xf32, #tpu.memory_space<vmem>>
      %dma_wait3A_483 = tpu.memref_squeeze %dma_wait3A_482 : memref<1x128x32xf32, #tpu.memory_space<vmem>> -> memref<128x32xf32, #tpu.memory_space<vmem>>
      %dma_wait3A_484 = arith.constant 0 : i32
      %dma_wait3A_485 = tpu.memref_slice %arg5[%dma_wait3A_478, %dma_wait3A_484] : memref<164x128xi32, #tpu.memory_space<vmem>> -> memref<1x128xi32, #tpu.memory_space<vmem>>
      %dma_wait3A_486 = tpu.memref_squeeze %dma_wait3A_485 : memref<1x128xi32, #tpu.memory_space<vmem>> -> memref<128xi32, #tpu.memory_space<vmem>>
      %dma_wait3A_487 = arith.constant 0 : i32
      %dma_wait3A_488 = arith.constant 0 : i32
      %dma_wait3A_489 = tpu.memref_slice %arg10[%dma_wait3A_487, %dma_wait3A_488] : memref<10000x32xf32, #tpu.memory_space<vmem_shared>> -> memref<10000x32xf32, #tpu.memory_space<vmem_shared>>
      tpu.wait_indirect_dma semaphore(%arg12 : memref<!tpu.dma_semaphore, #tpu.memory_space<semaphore_mem>>) src(%dma_wait3A_489 : memref<10000x32xf32, #tpu.memory_space<vmem_shared>>) dst(%dma_wait3A_483 : memref<128x32xf32, #tpu.memory_space<vmem>>)
      %mul3A_490 = arith.constant 4 : i32
      %mul3A_491 = arith.muli %add3A_269, %mul3A_490 : i32
      %add3A_492 = arith.constant 0 : i32
      %add3A_493 = arith.addi %mul3A_491, %add3A_492 : i32
      %dma_start3A_494 = arith.constant 4 : i32
      %dma_start3A_495 = arith.constant 0 : i32
      %dma_start3A_496 = arith.constant 0 : i32
      %dma_start3A_497 = tpu.memref_slice %arg7[%dma_start3A_494, %dma_start3A_495, %dma_start3A_496] : memref<8x128x32xf32, #tpu.memory_space<vmem>> -> memref<1x128x32xf32, #tpu.memory_space<vmem>>
      %dma_start3A_498 = tpu.memref_squeeze %dma_start3A_497 : memref<1x128x32xf32, #tpu.memory_space<vmem>> -> memref<128x32xf32, #tpu.memory_space<vmem>>
      %dma_start3A_499 = arith.constant 0 : i32
      %dma_start3A_500 = tpu.memref_slice %arg6[%add3A_493, %dma_start3A_499] : memref<164x128xi32, #tpu.memory_space<vmem>> -> memref<1x128xi32, #tpu.memory_space<vmem>>
      %dma_start3A_501 = tpu.memref_squeeze %dma_start3A_500 : memref<1x128xi32, #tpu.memory_space<vmem>> -> memref<128xi32, #tpu.memory_space<vmem>>
      %dma_start3A_502 = arith.constant 0 : i32
      %dma_start3A_503 = arith.constant 0 : i32
      %dma_start3A_504 = tpu.memref_slice %arg9[%dma_start3A_502, %dma_start3A_503] : memref<10000x32xf32, #tpu.memory_space<vmem_shared>> -> memref<10000x32xf32, #tpu.memory_space<vmem_shared>>
      tpu.enqueue_indirect_dma source(%dma_start3A_498 : memref<128x32xf32, #tpu.memory_space<vmem>>) target(%dma_start3A_504 : memref<10000x32xf32, #tpu.memory_space<vmem_shared>>) offsets(%dma_start3A_501 : memref<128xi32, #tpu.memory_space<vmem>>) semaphore(%arg14 : memref<!tpu.dma_semaphore, #tpu.memory_space<semaphore_mem>>) {add = true}
      %mul3A_505 = arith.constant 4 : i32
      %mul3A_506 = arith.muli %add3A_269, %mul3A_505 : i32
      %add3A_507 = arith.constant 1 : i32
      %add3A_508 = arith.addi %mul3A_506, %add3A_507 : i32
      %dma_start3A_509 = arith.constant 5 : i32
      %dma_start3A_510 = arith.constant 0 : i32
      %dma_start3A_511 = arith.constant 0 : i32
      %dma_start3A_512 = tpu.memref_slice %arg7[%dma_start3A_509, %dma_start3A_510, %dma_start3A_511] : memref<8x128x32xf32, #tpu.memory_space<vmem>> -> memref<1x128x32xf32, #tpu.memory_space<vmem>>
      %dma_start3A_513 = tpu.memref_squeeze %dma_start3A_512 : memref<1x128x32xf32, #tpu.memory_space<vmem>> -> memref<128x32xf32, #tpu.memory_space<vmem>>
      %dma_start3A_514 = arith.constant 0 : i32
      %dma_start3A_515 = tpu.memref_slice %arg6[%add3A_508, %dma_start3A_514] : memref<164x128xi32, #tpu.memory_space<vmem>> -> memref<1x128xi32, #tpu.memory_space<vmem>>
      %dma_start3A_516 = tpu.memref_squeeze %dma_start3A_515 : memref<1x128xi32, #tpu.memory_space<vmem>> -> memref<128xi32, #tpu.memory_space<vmem>>
      %dma_start3A_517 = arith.constant 0 : i32
      %dma_start3A_518 = arith.constant 0 : i32
      %dma_start3A_519 = tpu.memref_slice %arg9[%dma_start3A_517, %dma_start3A_518] : memref<10000x32xf32, #tpu.memory_space<vmem_shared>> -> memref<10000x32xf32, #tpu.memory_space<vmem_shared>>
      tpu.enqueue_indirect_dma source(%dma_start3A_513 : memref<128x32xf32, #tpu.memory_space<vmem>>) target(%dma_start3A_519 : memref<10000x32xf32, #tpu.memory_space<vmem_shared>>) offsets(%dma_start3A_516 : memref<128xi32, #tpu.memory_space<vmem>>) semaphore(%arg14 : memref<!tpu.dma_semaphore, #tpu.memory_space<semaphore_mem>>) {add = true}
      %mul3A_520 = arith.constant 4 : i32
      %mul3A_521 = arith.muli %add3A_269, %mul3A_520 : i32
      %add3A_522 = arith.constant 2 : i32
      %add3A_523 = arith.addi %mul3A_521, %add3A_522 : i32
      %dma_start3A_524 = arith.constant 6 : i32
      %dma_start3A_525 = arith.constant 0 : i32
      %dma_start3A_526 = arith.constant 0 : i32
      %dma_start3A_527 = tpu.memref_slice %arg7[%dma_start3A_524, %dma_start3A_525, %dma_start3A_526] : memref<8x128x32xf32, #tpu.memory_space<vmem>> -> memref<1x128x32xf32, #tpu.memory_space<vmem>>
      %dma_start3A_528 = tpu.memref_squeeze %dma_start3A_527 : memref<1x128x32xf32, #tpu.memory_space<vmem>> -> memref<128x32xf32, #tpu.memory_space<vmem>>
      %dma_start3A_529 = arith.constant 0 : i32
      %dma_start3A_530 = tpu.memref_slice %arg6[%add3A_523, %dma_start3A_529] : memref<164x128xi32, #tpu.memory_space<vmem>> -> memref<1x128xi32, #tpu.memory_space<vmem>>
      %dma_start3A_531 = tpu.memref_squeeze %dma_start3A_530 : memref<1x128xi32, #tpu.memory_space<vmem>> -> memref<128xi32, #tpu.memory_space<vmem>>
      %dma_start3A_532 = arith.constant 0 : i32
      %dma_start3A_533 = arith.constant 0 : i32
      %dma_start3A_534 = tpu.memref_slice %arg9[%dma_start3A_532, %dma_start3A_533] : memref<10000x32xf32, #tpu.memory_space<vmem_shared>> -> memref<10000x32xf32, #tpu.memory_space<vmem_shared>>
      tpu.enqueue_indirect_dma source(%dma_start3A_528 : memref<128x32xf32, #tpu.memory_space<vmem>>) target(%dma_start3A_534 : memref<10000x32xf32, #tpu.memory_space<vmem_shared>>) offsets(%dma_start3A_531 : memref<128xi32, #tpu.memory_space<vmem>>) semaphore(%arg14 : memref<!tpu.dma_semaphore, #tpu.memory_space<semaphore_mem>>) {add = true}
      %mul3A_535 = arith.constant 4 : i32
      %mul3A_536 = arith.muli %add3A_269, %mul3A_535 : i32
      %add3A_537 = arith.constant 3 : i32
      %add3A_538 = arith.addi %mul3A_536, %add3A_537 : i32
      %dma_start3A_539 = arith.constant 7 : i32
      %dma_start3A_540 = arith.constant 0 : i32
      %dma_start3A_541 = arith.constant 0 : i32
      %dma_start3A_542 = tpu.memref_slice %arg7[%dma_start3A_539, %dma_start3A_540, %dma_start3A_541] : memref<8x128x32xf32, #tpu.memory_space<vmem>> -> memref<1x128x32xf32, #tpu.memory_space<vmem>>
      %dma_start3A_543 = tpu.memref_squeeze %dma_start3A_542 : memref<1x128x32xf32, #tpu.memory_space<vmem>> -> memref<128x32xf32, #tpu.memory_space<vmem>>
      %dma_start3A_544 = arith.constant 0 : i32
      %dma_start3A_545 = tpu.memref_slice %arg6[%add3A_538, %dma_start3A_544] : memref<164x128xi32, #tpu.memory_space<vmem>> -> memref<1x128xi32, #tpu.memory_space<vmem>>
      %dma_start3A_546 = tpu.memref_squeeze %dma_start3A_545 : memref<1x128xi32, #tpu.memory_space<vmem>> -> memref<128xi32, #tpu.memory_space<vmem>>
      %dma_start3A_547 = arith.constant 0 : i32
      %dma_start3A_548 = arith.constant 0 : i32
      %dma_start3A_549 = tpu.memref_slice %arg9[%dma_start3A_547, %dma_start3A_548] : memref<10000x32xf32, #tpu.memory_space<vmem_shared>> -> memref<10000x32xf32, #tpu.memory_space<vmem_shared>>
      tpu.enqueue_indirect_dma source(%dma_start3A_543 : memref<128x32xf32, #tpu.memory_space<vmem>>) target(%dma_start3A_549 : memref<10000x32xf32, #tpu.memory_space<vmem_shared>>) offsets(%dma_start3A_546 : memref<128xi32, #tpu.memory_space<vmem>>) semaphore(%arg14 : memref<!tpu.dma_semaphore, #tpu.memory_space<semaphore_mem>>) {add = true}
      %dma_wait3A_550 = arith.constant 0 : i32
      %dma_wait3A_551 = arith.constant 0 : i32
      %dma_wait3A_552 = arith.constant 0 : i32
      %dma_wait3A_553 = arith.constant 0 : i32
      %dma_wait3A_554 = tpu.memref_slice %arg7[%dma_wait3A_550, %dma_wait3A_552, %dma_wait3A_553] : memref<8x128x32xf32, #tpu.memory_space<vmem>> -> memref<1x128x32xf32, #tpu.memory_space<vmem>>
      %dma_wait3A_555 = tpu.memref_squeeze %dma_wait3A_554 : memref<1x128x32xf32, #tpu.memory_space<vmem>> -> memref<128x32xf32, #tpu.memory_space<vmem>>
      %dma_wait3A_556 = arith.constant 0 : i32
      %dma_wait3A_557 = tpu.memref_slice %arg6[%dma_wait3A_551, %dma_wait3A_556] : memref<164x128xi32, #tpu.memory_space<vmem>> -> memref<1x128xi32, #tpu.memory_space<vmem>>
      %dma_wait3A_558 = tpu.memref_squeeze %dma_wait3A_557 : memref<1x128xi32, #tpu.memory_space<vmem>> -> memref<128xi32, #tpu.memory_space<vmem>>
      %dma_wait3A_559 = arith.constant 0 : i32
      %dma_wait3A_560 = arith.constant 0 : i32
      %dma_wait3A_561 = tpu.memref_slice %arg9[%dma_wait3A_559, %dma_wait3A_560] : memref<10000x32xf32, #tpu.memory_space<vmem_shared>> -> memref<10000x32xf32, #tpu.memory_space<vmem_shared>>
      tpu.wait_indirect_dma semaphore(%arg13 : memref<!tpu.dma_semaphore, #tpu.memory_space<semaphore_mem>>) src(%dma_wait3A_555 : memref<128x32xf32, #tpu.memory_space<vmem>>) dst(%dma_wait3A_561 : memref<10000x32xf32, #tpu.memory_space<vmem_shared>>)
      %dma_wait3A_562 = arith.constant 1 : i32
      %dma_wait3A_563 = arith.constant 0 : i32
      %dma_wait3A_564 = arith.constant 0 : i32
      %dma_wait3A_565 = arith.constant 0 : i32
      %dma_wait3A_566 = tpu.memref_slice %arg7[%dma_wait3A_562, %dma_wait3A_564, %dma_wait3A_565] : memref<8x128x32xf32, #tpu.memory_space<vmem>> -> memref<1x128x32xf32, #tpu.memory_space<vmem>>
      %dma_wait3A_567 = tpu.memref_squeeze %dma_wait3A_566 : memref<1x128x32xf32, #tpu.memory_space<vmem>> -> memref<128x32xf32, #tpu.memory_space<vmem>>
      %dma_wait3A_568 = arith.constant 0 : i32
      %dma_wait3A_569 = tpu.memref_slice %arg6[%dma_wait3A_563, %dma_wait3A_568] : memref<164x128xi32, #tpu.memory_space<vmem>> -> memref<1x128xi32, #tpu.memory_space<vmem>>
      %dma_wait3A_570 = tpu.memref_squeeze %dma_wait3A_569 : memref<1x128xi32, #tpu.memory_space<vmem>> -> memref<128xi32, #tpu.memory_space<vmem>>
      %dma_wait3A_571 = arith.constant 0 : i32
      %dma_wait3A_572 = arith.constant 0 : i32
      %dma_wait3A_573 = tpu.memref_slice %arg9[%dma_wait3A_571, %dma_wait3A_572] : memref<10000x32xf32, #tpu.memory_space<vmem_shared>> -> memref<10000x32xf32, #tpu.memory_space<vmem_shared>>
      tpu.wait_indirect_dma semaphore(%arg13 : memref<!tpu.dma_semaphore, #tpu.memory_space<semaphore_mem>>) src(%dma_wait3A_567 : memref<128x32xf32, #tpu.memory_space<vmem>>) dst(%dma_wait3A_573 : memref<10000x32xf32, #tpu.memory_space<vmem_shared>>)
      %dma_wait3A_574 = arith.constant 2 : i32
      %dma_wait3A_575 = arith.constant 0 : i32
      %dma_wait3A_576 = arith.constant 0 : i32
      %dma_wait3A_577 = arith.constant 0 : i32
      %dma_wait3A_578 = tpu.memref_slice %arg7[%dma_wait3A_574, %dma_wait3A_576, %dma_wait3A_577] : memref<8x128x32xf32, #tpu.memory_space<vmem>> -> memref<1x128x32xf32, #tpu.memory_space<vmem>>
      %dma_wait3A_579 = tpu.memref_squeeze %dma_wait3A_578 : memref<1x128x32xf32, #tpu.memory_space<vmem>> -> memref<128x32xf32, #tpu.memory_space<vmem>>
      %dma_wait3A_580 = arith.constant 0 : i32
      %dma_wait3A_581 = tpu.memref_slice %arg6[%dma_wait3A_575, %dma_wait3A_580] : memref<164x128xi32, #tpu.memory_space<vmem>> -> memref<1x128xi32, #tpu.memory_space<vmem>>
      %dma_wait3A_582 = tpu.memref_squeeze %dma_wait3A_581 : memref<1x128xi32, #tpu.memory_space<vmem>> -> memref<128xi32, #tpu.memory_space<vmem>>
      %dma_wait3A_583 = arith.constant 0 : i32
      %dma_wait3A_584 = arith.constant 0 : i32
      %dma_wait3A_585 = tpu.memref_slice %arg9[%dma_wait3A_583, %dma_wait3A_584] : memref<10000x32xf32, #tpu.memory_space<vmem_shared>> -> memref<10000x32xf32, #tpu.memory_space<vmem_shared>>
      tpu.wait_indirect_dma semaphore(%arg13 : memref<!tpu.dma_semaphore, #tpu.memory_space<semaphore_mem>>) src(%dma_wait3A_579 : memref<128x32xf32, #tpu.memory_space<vmem>>) dst(%dma_wait3A_585 : memref<10000x32xf32, #tpu.memory_space<vmem_shared>>)
      %dma_wait3A_586 = arith.constant 3 : i32
      %dma_wait3A_587 = arith.constant 0 : i32
      %dma_wait3A_588 = arith.constant 0 : i32
      %dma_wait3A_589 = arith.constant 0 : i32
      %dma_wait3A_590 = tpu.memref_slice %arg7[%dma_wait3A_586, %dma_wait3A_588, %dma_wait3A_589] : memref<8x128x32xf32, #tpu.memory_space<vmem>> -> memref<1x128x32xf32, #tpu.memory_space<vmem>>
      %dma_wait3A_591 = tpu.memref_squeeze %dma_wait3A_590 : memref<1x128x32xf32, #tpu.memory_space<vmem>> -> memref<128x32xf32, #tpu.memory_space<vmem>>
      %dma_wait3A_592 = arith.constant 0 : i32
      %dma_wait3A_593 = tpu.memref_slice %arg6[%dma_wait3A_587, %dma_wait3A_592] : memref<164x128xi32, #tpu.memory_space<vmem>> -> memref<1x128xi32, #tpu.memory_space<vmem>>
      %dma_wait3A_594 = tpu.memref_squeeze %dma_wait3A_593 : memref<1x128xi32, #tpu.memory_space<vmem>> -> memref<128xi32, #tpu.memory_space<vmem>>
      %dma_wait3A_595 = arith.constant 0 : i32
      %dma_wait3A_596 = arith.constant 0 : i32
      %dma_wait3A_597 = tpu.memref_slice %arg9[%dma_wait3A_595, %dma_wait3A_596] : memref<10000x32xf32, #tpu.memory_space<vmem_shared>> -> memref<10000x32xf32, #tpu.memory_space<vmem_shared>>
      tpu.wait_indirect_dma semaphore(%arg13 : memref<!tpu.dma_semaphore, #tpu.memory_space<semaphore_mem>>) src(%dma_wait3A_591 : memref<128x32xf32, #tpu.memory_space<vmem>>) dst(%dma_wait3A_597 : memref<10000x32xf32, #tpu.memory_space<vmem_shared>>)
      %sub3A = arith.constant 1 : i32
      %sub3A_598 = arith.subi %select_n3A, %sub3A : i32
      %lt3A = arith.cmpi slt, %while3A_264, %sub3A_598 : i32
      %convert_element_type3A_599 = arith.extui %lt3A : i1 to i32
      %cond3A_600 = arith.constant 0 : i32
      %cond3A_601 = arith.cmpi ne, %convert_element_type3A_599, %cond3A_600 : i32
      scf.if %cond3A_601 {
        %add3A_603 = arith.constant 2 : i32
        %add3A_604 = arith.addi %mul3A_267, %add3A_603 : i32
        %mul3A_605 = arith.constant 4 : i32
        %mul3A_606 = arith.muli %add3A_604, %mul3A_605 : i32
        %add3A_607 = arith.constant 0 : i32
        %add3A_608 = arith.addi %mul3A_606, %add3A_607 : i32
        %dma_start3A_609 = arith.constant 0 : i32
        %dma_start3A_610 = arith.constant 0 : i32
        %dma_start3A_611 = arith.constant 0 : i32
        %dma_start3A_612 = tpu.memref_slice %arg7[%dma_start3A_609, %dma_start3A_610, %dma_start3A_611] : memref<8x128x32xf32, #tpu.memory_space<vmem>> -> memref<1x128x32xf32, #tpu.memory_space<vmem>>
        %dma_start3A_613 = tpu.memref_squeeze %dma_start3A_612 : memref<1x128x32xf32, #tpu.memory_space<vmem>> -> memref<128x32xf32, #tpu.memory_space<vmem>>
        %dma_start3A_614 = arith.constant 0 : i32
        %dma_start3A_615 = tpu.memref_slice %arg5[%add3A_608, %dma_start3A_614] : memref<164x128xi32, #tpu.memory_space<vmem>> -> memref<1x128xi32, #tpu.memory_space<vmem>>
        %dma_start3A_616 = tpu.memref_squeeze %dma_start3A_615 : memref<1x128xi32, #tpu.memory_space<vmem>> -> memref<128xi32, #tpu.memory_space<vmem>>
        %dma_start3A_617 = arith.constant 0 : i32
        %dma_start3A_618 = arith.constant 0 : i32
        %dma_start3A_619 = tpu.memref_slice %arg10[%dma_start3A_617, %dma_start3A_618] : memref<10000x32xf32, #tpu.memory_space<vmem_shared>> -> memref<10000x32xf32, #tpu.memory_space<vmem_shared>>
        tpu.enqueue_indirect_dma source(%dma_start3A_619 : memref<10000x32xf32, #tpu.memory_space<vmem_shared>>) target(%dma_start3A_613 : memref<128x32xf32, #tpu.memory_space<vmem>>) offsets(%dma_start3A_616 : memref<128xi32, #tpu.memory_space<vmem>>) semaphore(%arg11 : memref<!tpu.dma_semaphore, #tpu.memory_space<semaphore_mem>>)
        %mul3A_620 = arith.constant 4 : i32
        %mul3A_621 = arith.muli %add3A_604, %mul3A_620 : i32
        %add3A_622 = arith.constant 1 : i32
        %add3A_623 = arith.addi %mul3A_621, %add3A_622 : i32
        %dma_start3A_624 = arith.constant 1 : i32
        %dma_start3A_625 = arith.constant 0 : i32
        %dma_start3A_626 = arith.constant 0 : i32
        %dma_start3A_627 = tpu.memref_slice %arg7[%dma_start3A_624, %dma_start3A_625, %dma_start3A_626] : memref<8x128x32xf32, #tpu.memory_space<vmem>> -> memref<1x128x32xf32, #tpu.memory_space<vmem>>
        %dma_start3A_628 = tpu.memref_squeeze %dma_start3A_627 : memref<1x128x32xf32, #tpu.memory_space<vmem>> -> memref<128x32xf32, #tpu.memory_space<vmem>>
        %dma_start3A_629 = arith.constant 0 : i32
        %dma_start3A_630 = tpu.memref_slice %arg5[%add3A_623, %dma_start3A_629] : memref<164x128xi32, #tpu.memory_space<vmem>> -> memref<1x128xi32, #tpu.memory_space<vmem>>
        %dma_start3A_631 = tpu.memref_squeeze %dma_start3A_630 : memref<1x128xi32, #tpu.memory_space<vmem>> -> memref<128xi32, #tpu.memory_space<vmem>>
        %dma_start3A_632 = arith.constant 0 : i32
        %dma_start3A_633 = arith.constant 0 : i32
        %dma_start3A_634 = tpu.memref_slice %arg10[%dma_start3A_632, %dma_start3A_633] : memref<10000x32xf32, #tpu.memory_space<vmem_shared>> -> memref<10000x32xf32, #tpu.memory_space<vmem_shared>>
        tpu.enqueue_indirect_dma source(%dma_start3A_634 : memref<10000x32xf32, #tpu.memory_space<vmem_shared>>) target(%dma_start3A_628 : memref<128x32xf32, #tpu.memory_space<vmem>>) offsets(%dma_start3A_631 : memref<128xi32, #tpu.memory_space<vmem>>) semaphore(%arg11 : memref<!tpu.dma_semaphore, #tpu.memory_space<semaphore_mem>>)
        %mul3A_635 = arith.constant 4 : i32
        %mul3A_636 = arith.muli %add3A_604, %mul3A_635 : i32
        %add3A_637 = arith.constant 2 : i32
        %add3A_638 = arith.addi %mul3A_636, %add3A_637 : i32
        %dma_start3A_639 = arith.constant 2 : i32
        %dma_start3A_640 = arith.constant 0 : i32
        %dma_start3A_641 = arith.constant 0 : i32
        %dma_start3A_642 = tpu.memref_slice %arg7[%dma_start3A_639, %dma_start3A_640, %dma_start3A_641] : memref<8x128x32xf32, #tpu.memory_space<vmem>> -> memref<1x128x32xf32, #tpu.memory_space<vmem>>
        %dma_start3A_643 = tpu.memref_squeeze %dma_start3A_642 : memref<1x128x32xf32, #tpu.memory_space<vmem>> -> memref<128x32xf32, #tpu.memory_space<vmem>>
        %dma_start3A_644 = arith.constant 0 : i32
        %dma_start3A_645 = tpu.memref_slice %arg5[%add3A_638, %dma_start3A_644] : memref<164x128xi32, #tpu.memory_space<vmem>> -> memref<1x128xi32, #tpu.memory_space<vmem>>
        %dma_start3A_646 = tpu.memref_squeeze %dma_start3A_645 : memref<1x128xi32, #tpu.memory_space<vmem>> -> memref<128xi32, #tpu.memory_space<vmem>>
        %dma_start3A_647 = arith.constant 0 : i32
        %dma_start3A_648 = arith.constant 0 : i32
        %dma_start3A_649 = tpu.memref_slice %arg10[%dma_start3A_647, %dma_start3A_648] : memref<10000x32xf32, #tpu.memory_space<vmem_shared>> -> memref<10000x32xf32, #tpu.memory_space<vmem_shared>>
        tpu.enqueue_indirect_dma source(%dma_start3A_649 : memref<10000x32xf32, #tpu.memory_space<vmem_shared>>) target(%dma_start3A_643 : memref<128x32xf32, #tpu.memory_space<vmem>>) offsets(%dma_start3A_646 : memref<128xi32, #tpu.memory_space<vmem>>) semaphore(%arg11 : memref<!tpu.dma_semaphore, #tpu.memory_space<semaphore_mem>>)
        %mul3A_650 = arith.constant 4 : i32
        %mul3A_651 = arith.muli %add3A_604, %mul3A_650 : i32
        %add3A_652 = arith.constant 3 : i32
        %add3A_653 = arith.addi %mul3A_651, %add3A_652 : i32
        %dma_start3A_654 = arith.constant 3 : i32
        %dma_start3A_655 = arith.constant 0 : i32
        %dma_start3A_656 = arith.constant 0 : i32
        %dma_start3A_657 = tpu.memref_slice %arg7[%dma_start3A_654, %dma_start3A_655, %dma_start3A_656] : memref<8x128x32xf32, #tpu.memory_space<vmem>> -> memref<1x128x32xf32, #tpu.memory_space<vmem>>
        %dma_start3A_658 = tpu.memref_squeeze %dma_start3A_657 : memref<1x128x32xf32, #tpu.memory_space<vmem>> -> memref<128x32xf32, #tpu.memory_space<vmem>>
        %dma_start3A_659 = arith.constant 0 : i32
        %dma_start3A_660 = tpu.memref_slice %arg5[%add3A_653, %dma_start3A_659] : memref<164x128xi32, #tpu.memory_space<vmem>> -> memref<1x128xi32, #tpu.memory_space<vmem>>
        %dma_start3A_661 = tpu.memref_squeeze %dma_start3A_660 : memref<1x128xi32, #tpu.memory_space<vmem>> -> memref<128xi32, #tpu.memory_space<vmem>>
        %dma_start3A_662 = arith.constant 0 : i32
        %dma_start3A_663 = arith.constant 0 : i32
        %dma_start3A_664 = tpu.memref_slice %arg10[%dma_start3A_662, %dma_start3A_663] : memref<10000x32xf32, #tpu.memory_space<vmem_shared>> -> memref<10000x32xf32, #tpu.memory_space<vmem_shared>>
        tpu.enqueue_indirect_dma source(%dma_start3A_664 : memref<10000x32xf32, #tpu.memory_space<vmem_shared>>) target(%dma_start3A_658 : memref<128x32xf32, #tpu.memory_space<vmem>>) offsets(%dma_start3A_661 : memref<128xi32, #tpu.memory_space<vmem>>) semaphore(%arg11 : memref<!tpu.dma_semaphore, #tpu.memory_space<semaphore_mem>>)
      } else {
      }
      %while3A_602 = arith.constant 0 : i32
      scf.yield %while3A_602 : i32
    }
    %dma_wait3A = arith.constant 4 : i32
    %dma_wait3A_96 = arith.constant 0 : i32
    %dma_wait3A_97 = arith.constant 0 : i32
    %dma_wait3A_98 = arith.constant 0 : i32
    %dma_wait3A_99 = tpu.memref_slice %arg7[%dma_wait3A, %dma_wait3A_97, %dma_wait3A_98] : memref<8x128x32xf32, #tpu.memory_space<vmem>> -> memref<1x128x32xf32, #tpu.memory_space<vmem>>
    %dma_wait3A_100 = tpu.memref_squeeze %dma_wait3A_99 : memref<1x128x32xf32, #tpu.memory_space<vmem>> -> memref<128x32xf32, #tpu.memory_space<vmem>>
    %dma_wait3A_101 = arith.constant 0 : i32
    %dma_wait3A_102 = tpu.memref_slice %arg6[%dma_wait3A_96, %dma_wait3A_101] : memref<164x128xi32, #tpu.memory_space<vmem>> -> memref<1x128xi32, #tpu.memory_space<vmem>>
    %dma_wait3A_103 = tpu.memref_squeeze %dma_wait3A_102 : memref<1x128xi32, #tpu.memory_space<vmem>> -> memref<128xi32, #tpu.memory_space<vmem>>
    %dma_wait3A_104 = arith.constant 0 : i32
    %dma_wait3A_105 = arith.constant 0 : i32
    %dma_wait3A_106 = tpu.memref_slice %arg9[%dma_wait3A_104, %dma_wait3A_105] : memref<10000x32xf32, #tpu.memory_space<vmem_shared>> -> memref<10000x32xf32, #tpu.memory_space<vmem_shared>>
    tpu.wait_indirect_dma semaphore(%arg14 : memref<!tpu.dma_semaphore, #tpu.memory_space<semaphore_mem>>) src(%dma_wait3A_100 : memref<128x32xf32, #tpu.memory_space<vmem>>) dst(%dma_wait3A_106 : memref<10000x32xf32, #tpu.memory_space<vmem_shared>>)
    %dma_wait3A_107 = arith.constant 5 : i32
    %dma_wait3A_108 = arith.constant 0 : i32
    %dma_wait3A_109 = arith.constant 0 : i32
    %dma_wait3A_110 = arith.constant 0 : i32
    %dma_wait3A_111 = tpu.memref_slice %arg7[%dma_wait3A_107, %dma_wait3A_109, %dma_wait3A_110] : memref<8x128x32xf32, #tpu.memory_space<vmem>> -> memref<1x128x32xf32, #tpu.memory_space<vmem>>
    %dma_wait3A_112 = tpu.memref_squeeze %dma_wait3A_111 : memref<1x128x32xf32, #tpu.memory_space<vmem>> -> memref<128x32xf32, #tpu.memory_space<vmem>>
    %dma_wait3A_113 = arith.constant 0 : i32
    %dma_wait3A_114 = tpu.memref_slice %arg6[%dma_wait3A_108, %dma_wait3A_113] : memref<164x128xi32, #tpu.memory_space<vmem>> -> memref<1x128xi32, #tpu.memory_space<vmem>>
    %dma_wait3A_115 = tpu.memref_squeeze %dma_wait3A_114 : memref<1x128xi32, #tpu.memory_space<vmem>> -> memref<128xi32, #tpu.memory_space<vmem>>
    %dma_wait3A_116 = arith.constant 0 : i32
    %dma_wait3A_117 = arith.constant 0 : i32
    %dma_wait3A_118 = tpu.memref_slice %arg9[%dma_wait3A_116, %dma_wait3A_117] : memref<10000x32xf32, #tpu.memory_space<vmem_shared>> -> memref<10000x32xf32, #tpu.memory_space<vmem_shared>>
    tpu.wait_indirect_dma semaphore(%arg14 : memref<!tpu.dma_semaphore, #tpu.memory_space<semaphore_mem>>) src(%dma_wait3A_112 : memref<128x32xf32, #tpu.memory_space<vmem>>) dst(%dma_wait3A_118 : memref<10000x32xf32, #tpu.memory_space<vmem_shared>>)
    %dma_wait3A_119 = arith.constant 6 : i32
    %dma_wait3A_120 = arith.constant 0 : i32
    %dma_wait3A_121 = arith.constant 0 : i32
    %dma_wait3A_122 = arith.constant 0 : i32
    %dma_wait3A_123 = tpu.memref_slice %arg7[%dma_wait3A_119, %dma_wait3A_121, %dma_wait3A_122] : memref<8x128x32xf32, #tpu.memory_space<vmem>> -> memref<1x128x32xf32, #tpu.memory_space<vmem>>
    %dma_wait3A_124 = tpu.memref_squeeze %dma_wait3A_123 : memref<1x128x32xf32, #tpu.memory_space<vmem>> -> memref<128x32xf32, #tpu.memory_space<vmem>>
    %dma_wait3A_125 = arith.constant 0 : i32
    %dma_wait3A_126 = tpu.memref_slice %arg6[%dma_wait3A_120, %dma_wait3A_125] : memref<164x128xi32, #tpu.memory_space<vmem>> -> memref<1x128xi32, #tpu.memory_space<vmem>>
    %dma_wait3A_127 = tpu.memref_squeeze %dma_wait3A_126 : memref<1x128xi32, #tpu.memory_space<vmem>> -> memref<128xi32, #tpu.memory_space<vmem>>
    %dma_wait3A_128 = arith.constant 0 : i32
    %dma_wait3A_129 = arith.constant 0 : i32
    %dma_wait3A_130 = tpu.memref_slice %arg9[%dma_wait3A_128, %dma_wait3A_129] : memref<10000x32xf32, #tpu.memory_space<vmem_shared>> -> memref<10000x32xf32, #tpu.memory_space<vmem_shared>>
    tpu.wait_indirect_dma semaphore(%arg14 : memref<!tpu.dma_semaphore, #tpu.memory_space<semaphore_mem>>) src(%dma_wait3A_124 : memref<128x32xf32, #tpu.memory_space<vmem>>) dst(%dma_wait3A_130 : memref<10000x32xf32, #tpu.memory_space<vmem_shared>>)
    %dma_wait3A_131 = arith.constant 7 : i32
    %dma_wait3A_132 = arith.constant 0 : i32
    %dma_wait3A_133 = arith.constant 0 : i32
    %dma_wait3A_134 = arith.constant 0 : i32
    %dma_wait3A_135 = tpu.memref_slice %arg7[%dma_wait3A_131, %dma_wait3A_133, %dma_wait3A_134] : memref<8x128x32xf32, #tpu.memory_space<vmem>> -> memref<1x128x32xf32, #tpu.memory_space<vmem>>
    %dma_wait3A_136 = tpu.memref_squeeze %dma_wait3A_135 : memref<1x128x32xf32, #tpu.memory_space<vmem>> -> memref<128x32xf32, #tpu.memory_space<vmem>>
    %dma_wait3A_137 = arith.constant 0 : i32
    %dma_wait3A_138 = tpu.memref_slice %arg6[%dma_wait3A_132, %dma_wait3A_137] : memref<164x128xi32, #tpu.memory_space<vmem>> -> memref<1x128xi32, #tpu.memory_space<vmem>>
    %dma_wait3A_139 = tpu.memref_squeeze %dma_wait3A_138 : memref<1x128xi32, #tpu.memory_space<vmem>> -> memref<128xi32, #tpu.memory_space<vmem>>
    %dma_wait3A_140 = arith.constant 0 : i32
    %dma_wait3A_141 = arith.constant 0 : i32
    %dma_wait3A_142 = tpu.memref_slice %arg9[%dma_wait3A_140, %dma_wait3A_141] : memref<10000x32xf32, #tpu.memory_space<vmem_shared>> -> memref<10000x32xf32, #tpu.memory_space<vmem_shared>>
    tpu.wait_indirect_dma semaphore(%arg14 : memref<!tpu.dma_semaphore, #tpu.memory_space<semaphore_mem>>) src(%dma_wait3A_136 : memref<128x32xf32, #tpu.memory_space<vmem>>) dst(%dma_wait3A_142 : memref<10000x32xf32, #tpu.memory_space<vmem_shared>>)
    %mul3A_143 = arith.constant 2 : i32
    %mul3A_144 = arith.muli %select_n3A, %mul3A_143 : i32
    %mul3A_145 = arith.constant 4 : i32
    %mul3A_146 = arith.muli %mul3A_144, %mul3A_145 : i32
    %add3A_147 = arith.constant 0 : i32
    %add3A_148 = arith.addi %mul3A_146, %add3A_147 : i32
    %dma_start3A_149 = arith.constant 0 : i32
    %dma_start3A_150 = arith.constant 0 : i32
    %dma_start3A_151 = arith.constant 0 : i32
    %dma_start3A_152 = tpu.memref_slice %arg7[%dma_start3A_149, %dma_start3A_150, %dma_start3A_151] : memref<8x128x32xf32, #tpu.memory_space<vmem>> -> memref<1x128x32xf32, #tpu.memory_space<vmem>>
    %dma_start3A_153 = tpu.memref_squeeze %dma_start3A_152 : memref<1x128x32xf32, #tpu.memory_space<vmem>> -> memref<128x32xf32, #tpu.memory_space<vmem>>
    %dma_start3A_154 = arith.constant 0 : i32
    %dma_start3A_155 = tpu.memref_slice %arg5[%add3A_148, %dma_start3A_154] : memref<164x128xi32, #tpu.memory_space<vmem>> -> memref<1x128xi32, #tpu.memory_space<vmem>>
    %dma_start3A_156 = tpu.memref_squeeze %dma_start3A_155 : memref<1x128xi32, #tpu.memory_space<vmem>> -> memref<128xi32, #tpu.memory_space<vmem>>
    %dma_start3A_157 = arith.constant 0 : i32
    %dma_start3A_158 = arith.constant 0 : i32
    %dma_start3A_159 = tpu.memref_slice %arg10[%dma_start3A_157, %dma_start3A_158] : memref<10000x32xf32, #tpu.memory_space<vmem_shared>> -> memref<10000x32xf32, #tpu.memory_space<vmem_shared>>
    tpu.enqueue_indirect_dma source(%dma_start3A_159 : memref<10000x32xf32, #tpu.memory_space<vmem_shared>>) target(%dma_start3A_153 : memref<128x32xf32, #tpu.memory_space<vmem>>) offsets(%dma_start3A_156 : memref<128xi32, #tpu.memory_space<vmem>>) semaphore(%arg11 : memref<!tpu.dma_semaphore, #tpu.memory_space<semaphore_mem>>)
    %add3A_160 = arith.constant 1 : i32
    %add3A_161 = arith.addi %mul3A_146, %add3A_160 : i32
    %dma_start3A_162 = arith.constant 1 : i32
    %dma_start3A_163 = arith.constant 0 : i32
    %dma_start3A_164 = arith.constant 0 : i32
    %dma_start3A_165 = tpu.memref_slice %arg7[%dma_start3A_162, %dma_start3A_163, %dma_start3A_164] : memref<8x128x32xf32, #tpu.memory_space<vmem>> -> memref<1x128x32xf32, #tpu.memory_space<vmem>>
    %dma_start3A_166 = tpu.memref_squeeze %dma_start3A_165 : memref<1x128x32xf32, #tpu.memory_space<vmem>> -> memref<128x32xf32, #tpu.memory_space<vmem>>
    %dma_start3A_167 = arith.constant 0 : i32
    %dma_start3A_168 = tpu.memref_slice %arg5[%add3A_161, %dma_start3A_167] : memref<164x128xi32, #tpu.memory_space<vmem>> -> memref<1x128xi32, #tpu.memory_space<vmem>>
    %dma_start3A_169 = tpu.memref_squeeze %dma_start3A_168 : memref<1x128xi32, #tpu.memory_space<vmem>> -> memref<128xi32, #tpu.memory_space<vmem>>
    %dma_start3A_170 = arith.constant 0 : i32
    %dma_start3A_171 = arith.constant 0 : i32
    %dma_start3A_172 = tpu.memref_slice %arg10[%dma_start3A_170, %dma_start3A_171] : memref<10000x32xf32, #tpu.memory_space<vmem_shared>> -> memref<10000x32xf32, #tpu.memory_space<vmem_shared>>
    tpu.enqueue_indirect_dma source(%dma_start3A_172 : memref<10000x32xf32, #tpu.memory_space<vmem_shared>>) target(%dma_start3A_166 : memref<128x32xf32, #tpu.memory_space<vmem>>) offsets(%dma_start3A_169 : memref<128xi32, #tpu.memory_space<vmem>>) semaphore(%arg11 : memref<!tpu.dma_semaphore, #tpu.memory_space<semaphore_mem>>)
    %add3A_173 = arith.constant 2 : i32
    %add3A_174 = arith.addi %mul3A_146, %add3A_173 : i32
    %dma_start3A_175 = arith.constant 2 : i32
    %dma_start3A_176 = arith.constant 0 : i32
    %dma_start3A_177 = arith.constant 0 : i32
    %dma_start3A_178 = tpu.memref_slice %arg7[%dma_start3A_175, %dma_start3A_176, %dma_start3A_177] : memref<8x128x32xf32, #tpu.memory_space<vmem>> -> memref<1x128x32xf32, #tpu.memory_space<vmem>>
    %dma_start3A_179 = tpu.memref_squeeze %dma_start3A_178 : memref<1x128x32xf32, #tpu.memory_space<vmem>> -> memref<128x32xf32, #tpu.memory_space<vmem>>
    %dma_start3A_180 = arith.constant 0 : i32
    %dma_start3A_181 = tpu.memref_slice %arg5[%add3A_174, %dma_start3A_180] : memref<164x128xi32, #tpu.memory_space<vmem>> -> memref<1x128xi32, #tpu.memory_space<vmem>>
    %dma_start3A_182 = tpu.memref_squeeze %dma_start3A_181 : memref<1x128xi32, #tpu.memory_space<vmem>> -> memref<128xi32, #tpu.memory_space<vmem>>
    %dma_start3A_183 = arith.constant 0 : i32
    %dma_start3A_184 = arith.constant 0 : i32
    %dma_start3A_185 = tpu.memref_slice %arg10[%dma_start3A_183, %dma_start3A_184] : memref<10000x32xf32, #tpu.memory_space<vmem_shared>> -> memref<10000x32xf32, #tpu.memory_space<vmem_shared>>
    tpu.enqueue_indirect_dma source(%dma_start3A_185 : memref<10000x32xf32, #tpu.memory_space<vmem_shared>>) target(%dma_start3A_179 : memref<128x32xf32, #tpu.memory_space<vmem>>) offsets(%dma_start3A_182 : memref<128xi32, #tpu.memory_space<vmem>>) semaphore(%arg11 : memref<!tpu.dma_semaphore, #tpu.memory_space<semaphore_mem>>)
    %add3A_186 = arith.constant 3 : i32
    %add3A_187 = arith.addi %mul3A_146, %add3A_186 : i32
    %dma_start3A_188 = arith.constant 3 : i32
    %dma_start3A_189 = arith.constant 0 : i32
    %dma_start3A_190 = arith.constant 0 : i32
    %dma_start3A_191 = tpu.memref_slice %arg7[%dma_start3A_188, %dma_start3A_189, %dma_start3A_190] : memref<8x128x32xf32, #tpu.memory_space<vmem>> -> memref<1x128x32xf32, #tpu.memory_space<vmem>>
    %dma_start3A_192 = tpu.memref_squeeze %dma_start3A_191 : memref<1x128x32xf32, #tpu.memory_space<vmem>> -> memref<128x32xf32, #tpu.memory_space<vmem>>
    %dma_start3A_193 = arith.constant 0 : i32
    %dma_start3A_194 = tpu.memref_slice %arg5[%add3A_187, %dma_start3A_193] : memref<164x128xi32, #tpu.memory_space<vmem>> -> memref<1x128xi32, #tpu.memory_space<vmem>>
    %dma_start3A_195 = tpu.memref_squeeze %dma_start3A_194 : memref<1x128xi32, #tpu.memory_space<vmem>> -> memref<128xi32, #tpu.memory_space<vmem>>
    %dma_start3A_196 = arith.constant 0 : i32
    %dma_start3A_197 = arith.constant 0 : i32
    %dma_start3A_198 = tpu.memref_slice %arg10[%dma_start3A_196, %dma_start3A_197] : memref<10000x32xf32, #tpu.memory_space<vmem_shared>> -> memref<10000x32xf32, #tpu.memory_space<vmem_shared>>
    tpu.enqueue_indirect_dma source(%dma_start3A_198 : memref<10000x32xf32, #tpu.memory_space<vmem_shared>>) target(%dma_start3A_192 : memref<128x32xf32, #tpu.memory_space<vmem>>) offsets(%dma_start3A_195 : memref<128xi32, #tpu.memory_space<vmem>>) semaphore(%arg11 : memref<!tpu.dma_semaphore, #tpu.memory_space<semaphore_mem>>)
    %dma_wait3A_199 = arith.constant 0 : i32
    %dma_wait3A_200 = arith.constant 0 : i32
    %dma_wait3A_201 = arith.constant 0 : i32
    %dma_wait3A_202 = arith.constant 0 : i32
    %dma_wait3A_203 = tpu.memref_slice %arg7[%dma_wait3A_200, %dma_wait3A_201, %dma_wait3A_202] : memref<8x128x32xf32, #tpu.memory_space<vmem>> -> memref<1x128x32xf32, #tpu.memory_space<vmem>>
    %dma_wait3A_204 = tpu.memref_squeeze %dma_wait3A_203 : memref<1x128x32xf32, #tpu.memory_space<vmem>> -> memref<128x32xf32, #tpu.memory_space<vmem>>
    %dma_wait3A_205 = arith.constant 0 : i32
    %dma_wait3A_206 = tpu.memref_slice %arg5[%dma_wait3A_199, %dma_wait3A_205] : memref<164x128xi32, #tpu.memory_space<vmem>> -> memref<1x128xi32, #tpu.memory_space<vmem>>
    %dma_wait3A_207 = tpu.memref_squeeze %dma_wait3A_206 : memref<1x128xi32, #tpu.memory_space<vmem>> -> memref<128xi32, #tpu.memory_space<vmem>>
    %dma_wait3A_208 = arith.constant 0 : i32
    %dma_wait3A_209 = arith.constant 0 : i32
    %dma_wait3A_210 = tpu.memref_slice %arg10[%dma_wait3A_208, %dma_wait3A_209] : memref<10000x32xf32, #tpu.memory_space<vmem_shared>> -> memref<10000x32xf32, #tpu.memory_space<vmem_shared>>
    tpu.wait_indirect_dma semaphore(%arg11 : memref<!tpu.dma_semaphore, #tpu.memory_space<semaphore_mem>>) src(%dma_wait3A_210 : memref<10000x32xf32, #tpu.memory_space<vmem_shared>>) dst(%dma_wait3A_204 : memref<128x32xf32, #tpu.memory_space<vmem>>)
    %dma_wait3A_211 = arith.constant 0 : i32
    %dma_wait3A_212 = arith.constant 1 : i32
    %dma_wait3A_213 = arith.constant 0 : i32
    %dma_wait3A_214 = arith.constant 0 : i32
    %dma_wait3A_215 = tpu.memref_slice %arg7[%dma_wait3A_212, %dma_wait3A_213, %dma_wait3A_214] : memref<8x128x32xf32, #tpu.memory_space<vmem>> -> memref<1x128x32xf32, #tpu.memory_space<vmem>>
    %dma_wait3A_216 = tpu.memref_squeeze %dma_wait3A_215 : memref<1x128x32xf32, #tpu.memory_space<vmem>> -> memref<128x32xf32, #tpu.memory_space<vmem>>
    %dma_wait3A_217 = arith.constant 0 : i32
    %dma_wait3A_218 = tpu.memref_slice %arg5[%dma_wait3A_211, %dma_wait3A_217] : memref<164x128xi32, #tpu.memory_space<vmem>> -> memref<1x128xi32, #tpu.memory_space<vmem>>
    %dma_wait3A_219 = tpu.memref_squeeze %dma_wait3A_218 : memref<1x128xi32, #tpu.memory_space<vmem>> -> memref<128xi32, #tpu.memory_space<vmem>>
    %dma_wait3A_220 = arith.constant 0 : i32
    %dma_wait3A_221 = arith.constant 0 : i32
    %dma_wait3A_222 = tpu.memref_slice %arg10[%dma_wait3A_220, %dma_wait3A_221] : memref<10000x32xf32, #tpu.memory_space<vmem_shared>> -> memref<10000x32xf32, #tpu.memory_space<vmem_shared>>
    tpu.wait_indirect_dma semaphore(%arg11 : memref<!tpu.dma_semaphore, #tpu.memory_space<semaphore_mem>>) src(%dma_wait3A_222 : memref<10000x32xf32, #tpu.memory_space<vmem_shared>>) dst(%dma_wait3A_216 : memref<128x32xf32, #tpu.memory_space<vmem>>)
    %dma_wait3A_223 = arith.constant 0 : i32
    %dma_wait3A_224 = arith.constant 2 : i32
    %dma_wait3A_225 = arith.constant 0 : i32
    %dma_wait3A_226 = arith.constant 0 : i32
    %dma_wait3A_227 = tpu.memref_slice %arg7[%dma_wait3A_224, %dma_wait3A_225, %dma_wait3A_226] : memref<8x128x32xf32, #tpu.memory_space<vmem>> -> memref<1x128x32xf32, #tpu.memory_space<vmem>>
    %dma_wait3A_228 = tpu.memref_squeeze %dma_wait3A_227 : memref<1x128x32xf32, #tpu.memory_space<vmem>> -> memref<128x32xf32, #tpu.memory_space<vmem>>
    %dma_wait3A_229 = arith.constant 0 : i32
    %dma_wait3A_230 = tpu.memref_slice %arg5[%dma_wait3A_223, %dma_wait3A_229] : memref<164x128xi32, #tpu.memory_space<vmem>> -> memref<1x128xi32, #tpu.memory_space<vmem>>
    %dma_wait3A_231 = tpu.memref_squeeze %dma_wait3A_230 : memref<1x128xi32, #tpu.memory_space<vmem>> -> memref<128xi32, #tpu.memory_space<vmem>>
    %dma_wait3A_232 = arith.constant 0 : i32
    %dma_wait3A_233 = arith.constant 0 : i32
    %dma_wait3A_234 = tpu.memref_slice %arg10[%dma_wait3A_232, %dma_wait3A_233] : memref<10000x32xf32, #tpu.memory_space<vmem_shared>> -> memref<10000x32xf32, #tpu.memory_space<vmem_shared>>
    tpu.wait_indirect_dma semaphore(%arg11 : memref<!tpu.dma_semaphore, #tpu.memory_space<semaphore_mem>>) src(%dma_wait3A_234 : memref<10000x32xf32, #tpu.memory_space<vmem_shared>>) dst(%dma_wait3A_228 : memref<128x32xf32, #tpu.memory_space<vmem>>)
    %dma_wait3A_235 = arith.constant 0 : i32
    %dma_wait3A_236 = arith.constant 3 : i32
    %dma_wait3A_237 = arith.constant 0 : i32
    %dma_wait3A_238 = arith.constant 0 : i32
    %dma_wait3A_239 = tpu.memref_slice %arg7[%dma_wait3A_236, %dma_wait3A_237, %dma_wait3A_238] : memref<8x128x32xf32, #tpu.memory_space<vmem>> -> memref<1x128x32xf32, #tpu.memory_space<vmem>>
    %dma_wait3A_240 = tpu.memref_squeeze %dma_wait3A_239 : memref<1x128x32xf32, #tpu.memory_space<vmem>> -> memref<128x32xf32, #tpu.memory_space<vmem>>
    %dma_wait3A_241 = arith.constant 0 : i32
    %dma_wait3A_242 = tpu.memref_slice %arg5[%dma_wait3A_235, %dma_wait3A_241] : memref<164x128xi32, #tpu.memory_space<vmem>> -> memref<1x128xi32, #tpu.memory_space<vmem>>
    %dma_wait3A_243 = tpu.memref_squeeze %dma_wait3A_242 : memref<1x128xi32, #tpu.memory_space<vmem>> -> memref<128xi32, #tpu.memory_space<vmem>>
    %dma_wait3A_244 = arith.constant 0 : i32
    %dma_wait3A_245 = arith.constant 0 : i32
    %dma_wait3A_246 = tpu.memref_slice %arg10[%dma_wait3A_244, %dma_wait3A_245] : memref<10000x32xf32, #tpu.memory_space<vmem_shared>> -> memref<10000x32xf32, #tpu.memory_space<vmem_shared>>
    tpu.wait_indirect_dma semaphore(%arg11 : memref<!tpu.dma_semaphore, #tpu.memory_space<semaphore_mem>>) src(%dma_wait3A_246 : memref<10000x32xf32, #tpu.memory_space<vmem_shared>>) dst(%dma_wait3A_240 : memref<128x32xf32, #tpu.memory_space<vmem>>)
    %add3A_247 = arith.constant 0 : i32
    %add3A_248 = arith.addi %mul3A_146, %add3A_247 : i32
    %run_scoped3A_249 = arith.constant 0 : i32
    "tpu.region"() ({
      %run_scoped3A_264 = tpu.sem_alloc : memref<!tpu.dma_semaphore, #tpu.memory_space<semaphore_mem>>
      %dma_start3A_265 = arith.constant 0 : i32
      %dma_start3A_266 = arith.constant 0 : i32
      %dma_start3A_267 = tpu.memref_slice %arg7[%run_scoped3A_249, %dma_start3A_265, %dma_start3A_266] : memref<8x128x32xf32, #tpu.memory_space<vmem>> -> memref<1x128x32xf32, #tpu.memory_space<vmem>>
      %dma_start3A_268 = tpu.memref_squeeze %dma_start3A_267 : memref<1x128x32xf32, #tpu.memory_space<vmem>> -> memref<128x32xf32, #tpu.memory_space<vmem>>
      %dma_start3A_269 = arith.constant 0 : i32
      %dma_start3A_270 = tpu.memref_slice %arg6[%add3A_248, %dma_start3A_269] : memref<164x128xi32, #tpu.memory_space<vmem>> -> memref<1x128xi32, #tpu.memory_space<vmem>>
      %dma_start3A_271 = tpu.memref_squeeze %dma_start3A_270 : memref<1x128xi32, #tpu.memory_space<vmem>> -> memref<128xi32, #tpu.memory_space<vmem>>
      %dma_start3A_272 = arith.constant 0 : i32
      %dma_start3A_273 = arith.constant 0 : i32
      %dma_start3A_274 = tpu.memref_slice %arg9[%dma_start3A_272, %dma_start3A_273] : memref<10000x32xf32, #tpu.memory_space<vmem_shared>> -> memref<10000x32xf32, #tpu.memory_space<vmem_shared>>
      tpu.enqueue_indirect_dma source(%dma_start3A_268 : memref<128x32xf32, #tpu.memory_space<vmem>>) target(%dma_start3A_274 : memref<10000x32xf32, #tpu.memory_space<vmem_shared>>) offsets(%dma_start3A_271 : memref<128xi32, #tpu.memory_space<vmem>>) semaphore(%run_scoped3A_264 : memref<!tpu.dma_semaphore, #tpu.memory_space<semaphore_mem>>) {add = true}
      %dma_wait3A_275 = arith.constant 0 : i32
      %dma_wait3A_276 = arith.constant 0 : i32
      %dma_wait3A_277 = tpu.memref_slice %arg7[%run_scoped3A_249, %dma_wait3A_275, %dma_wait3A_276] : memref<8x128x32xf32, #tpu.memory_space<vmem>> -> memref<1x128x32xf32, #tpu.memory_space<vmem>>
      %dma_wait3A_278 = tpu.memref_squeeze %dma_wait3A_277 : memref<1x128x32xf32, #tpu.memory_space<vmem>> -> memref<128x32xf32, #tpu.memory_space<vmem>>
      %dma_wait3A_279 = arith.constant 0 : i32
      %dma_wait3A_280 = tpu.memref_slice %arg6[%add3A_248, %dma_wait3A_279] : memref<164x128xi32, #tpu.memory_space<vmem>> -> memref<1x128xi32, #tpu.memory_space<vmem>>
      %dma_wait3A_281 = tpu.memref_squeeze %dma_wait3A_280 : memref<1x128xi32, #tpu.memory_space<vmem>> -> memref<128xi32, #tpu.memory_space<vmem>>
      %dma_wait3A_282 = arith.constant 0 : i32
      %dma_wait3A_283 = arith.constant 0 : i32
      %dma_wait3A_284 = tpu.memref_slice %arg9[%dma_wait3A_282, %dma_wait3A_283] : memref<10000x32xf32, #tpu.memory_space<vmem_shared>> -> memref<10000x32xf32, #tpu.memory_space<vmem_shared>>
      tpu.wait_indirect_dma semaphore(%run_scoped3A_264 : memref<!tpu.dma_semaphore, #tpu.memory_space<semaphore_mem>>) src(%dma_wait3A_278 : memref<128x32xf32, #tpu.memory_space<vmem>>) dst(%dma_wait3A_284 : memref<10000x32xf32, #tpu.memory_space<vmem_shared>>)
      tpu.yield
    }) : () -> ()
    %add3A_250 = arith.constant 1 : i32
    %add3A_251 = arith.addi %mul3A_146, %add3A_250 : i32
    %run_scoped3A_252 = arith.constant 1 : i32
    "tpu.region"() ({
      %run_scoped3A_264 = tpu.sem_alloc : memref<!tpu.dma_semaphore, #tpu.memory_space<semaphore_mem>>
      %dma_start3A_265 = arith.constant 0 : i32
      %dma_start3A_266 = arith.constant 0 : i32
      %dma_start3A_267 = tpu.memref_slice %arg7[%run_scoped3A_252, %dma_start3A_265, %dma_start3A_266] : memref<8x128x32xf32, #tpu.memory_space<vmem>> -> memref<1x128x32xf32, #tpu.memory_space<vmem>>
      %dma_start3A_268 = tpu.memref_squeeze %dma_start3A_267 : memref<1x128x32xf32, #tpu.memory_space<vmem>> -> memref<128x32xf32, #tpu.memory_space<vmem>>
      %dma_start3A_269 = arith.constant 0 : i32
      %dma_start3A_270 = tpu.memref_slice %arg6[%add3A_251, %dma_start3A_269] : memref<164x128xi32, #tpu.memory_space<vmem>> -> memref<1x128xi32, #tpu.memory_space<vmem>>
      %dma_start3A_271 = tpu.memref_squeeze %dma_start3A_270 : memref<1x128xi32, #tpu.memory_space<vmem>> -> memref<128xi32, #tpu.memory_space<vmem>>
      %dma_start3A_272 = arith.constant 0 : i32
      %dma_start3A_273 = arith.constant 0 : i32
      %dma_start3A_274 = tpu.memref_slice %arg9[%dma_start3A_272, %dma_start3A_273] : memref<10000x32xf32, #tpu.memory_space<vmem_shared>> -> memref<10000x32xf32, #tpu.memory_space<vmem_shared>>
      tpu.enqueue_indirect_dma source(%dma_start3A_268 : memref<128x32xf32, #tpu.memory_space<vmem>>) target(%dma_start3A_274 : memref<10000x32xf32, #tpu.memory_space<vmem_shared>>) offsets(%dma_start3A_271 : memref<128xi32, #tpu.memory_space<vmem>>) semaphore(%run_scoped3A_264 : memref<!tpu.dma_semaphore, #tpu.memory_space<semaphore_mem>>) {add = true}
      %dma_wait3A_275 = arith.constant 0 : i32
      %dma_wait3A_276 = arith.constant 0 : i32
      %dma_wait3A_277 = tpu.memref_slice %arg7[%run_scoped3A_252, %dma_wait3A_275, %dma_wait3A_276] : memref<8x128x32xf32, #tpu.memory_space<vmem>> -> memref<1x128x32xf32, #tpu.memory_space<vmem>>
      %dma_wait3A_278 = tpu.memref_squeeze %dma_wait3A_277 : memref<1x128x32xf32, #tpu.memory_space<vmem>> -> memref<128x32xf32, #tpu.memory_space<vmem>>
      %dma_wait3A_279 = arith.constant 0 : i32
      %dma_wait3A_280 = tpu.memref_slice %arg6[%add3A_251, %dma_wait3A_279] : memref<164x128xi32, #tpu.memory_space<vmem>> -> memref<1x128xi32, #tpu.memory_space<vmem>>
      %dma_wait3A_281 = tpu.memref_squeeze %dma_wait3A_280 : memref<1x128xi32, #tpu.memory_space<vmem>> -> memref<128xi32, #tpu.memory_space<vmem>>
      %dma_wait3A_282 = arith.constant 0 : i32
      %dma_wait3A_283 = arith.constant 0 : i32
      %dma_wait3A_284 = tpu.memref_slice %arg9[%dma_wait3A_282, %dma_wait3A_283] : memref<10000x32xf32, #tpu.memory_space<vmem_shared>> -> memref<10000x32xf32, #tpu.memory_space<vmem_shared>>
      tpu.wait_indirect_dma semaphore(%run_scoped3A_264 : memref<!tpu.dma_semaphore, #tpu.memory_space<semaphore_mem>>) src(%dma_wait3A_278 : memref<128x32xf32, #tpu.memory_space<vmem>>) dst(%dma_wait3A_284 : memref<10000x32xf32, #tpu.memory_space<vmem_shared>>)
      tpu.yield
    }) : () -> ()
    %add3A_253 = arith.constant 2 : i32
    %add3A_254 = arith.addi %mul3A_146, %add3A_253 : i32
    %run_scoped3A_255 = arith.constant 2 : i32
    "tpu.region"() ({
      %run_scoped3A_264 = tpu.sem_alloc : memref<!tpu.dma_semaphore, #tpu.memory_space<semaphore_mem>>
      %dma_start3A_265 = arith.constant 0 : i32
      %dma_start3A_266 = arith.constant 0 : i32
      %dma_start3A_267 = tpu.memref_slice %arg7[%run_scoped3A_255, %dma_start3A_265, %dma_start3A_266] : memref<8x128x32xf32, #tpu.memory_space<vmem>> -> memref<1x128x32xf32, #tpu.memory_space<vmem>>
      %dma_start3A_268 = tpu.memref_squeeze %dma_start3A_267 : memref<1x128x32xf32, #tpu.memory_space<vmem>> -> memref<128x32xf32, #tpu.memory_space<vmem>>
      %dma_start3A_269 = arith.constant 0 : i32
      %dma_start3A_270 = tpu.memref_slice %arg6[%add3A_254, %dma_start3A_269] : memref<164x128xi32, #tpu.memory_space<vmem>> -> memref<1x128xi32, #tpu.memory_space<vmem>>
      %dma_start3A_271 = tpu.memref_squeeze %dma_start3A_270 : memref<1x128xi32, #tpu.memory_space<vmem>> -> memref<128xi32, #tpu.memory_space<vmem>>
      %dma_start3A_272 = arith.constant 0 : i32
      %dma_start3A_273 = arith.constant 0 : i32
      %dma_start3A_274 = tpu.memref_slice %arg9[%dma_start3A_272, %dma_start3A_273] : memref<10000x32xf32, #tpu.memory_space<vmem_shared>> -> memref<10000x32xf32, #tpu.memory_space<vmem_shared>>
      tpu.enqueue_indirect_dma source(%dma_start3A_268 : memref<128x32xf32, #tpu.memory_space<vmem>>) target(%dma_start3A_274 : memref<10000x32xf32, #tpu.memory_space<vmem_shared>>) offsets(%dma_start3A_271 : memref<128xi32, #tpu.memory_space<vmem>>) semaphore(%run_scoped3A_264 : memref<!tpu.dma_semaphore, #tpu.memory_space<semaphore_mem>>) {add = true}
      %dma_wait3A_275 = arith.constant 0 : i32
      %dma_wait3A_276 = arith.constant 0 : i32
      %dma_wait3A_277 = tpu.memref_slice %arg7[%run_scoped3A_255, %dma_wait3A_275, %dma_wait3A_276] : memref<8x128x32xf32, #tpu.memory_space<vmem>> -> memref<1x128x32xf32, #tpu.memory_space<vmem>>
      %dma_wait3A_278 = tpu.memref_squeeze %dma_wait3A_277 : memref<1x128x32xf32, #tpu.memory_space<vmem>> -> memref<128x32xf32, #tpu.memory_space<vmem>>
      %dma_wait3A_279 = arith.constant 0 : i32
      %dma_wait3A_280 = tpu.memref_slice %arg6[%add3A_254, %dma_wait3A_279] : memref<164x128xi32, #tpu.memory_space<vmem>> -> memref<1x128xi32, #tpu.memory_space<vmem>>
      %dma_wait3A_281 = tpu.memref_squeeze %dma_wait3A_280 : memref<1x128xi32, #tpu.memory_space<vmem>> -> memref<128xi32, #tpu.memory_space<vmem>>
      %dma_wait3A_282 = arith.constant 0 : i32
      %dma_wait3A_283 = arith.constant 0 : i32
      %dma_wait3A_284 = tpu.memref_slice %arg9[%dma_wait3A_282, %dma_wait3A_283] : memref<10000x32xf32, #tpu.memory_space<vmem_shared>> -> memref<10000x32xf32, #tpu.memory_space<vmem_shared>>
      tpu.wait_indirect_dma semaphore(%run_scoped3A_264 : memref<!tpu.dma_semaphore, #tpu.memory_space<semaphore_mem>>) src(%dma_wait3A_278 : memref<128x32xf32, #tpu.memory_space<vmem>>) dst(%dma_wait3A_284 : memref<10000x32xf32, #tpu.memory_space<vmem_shared>>)
      tpu.yield
    }) : () -> ()
    %add3A_256 = arith.constant 3 : i32
    %add3A_257 = arith.addi %mul3A_146, %add3A_256 : i32
    %run_scoped3A_258 = arith.constant 3 : i32
    "tpu.region"() ({
      %run_scoped3A_264 = tpu.sem_alloc : memref<!tpu.dma_semaphore, #tpu.memory_space<semaphore_mem>>
      %dma_start3A_265 = arith.constant 0 : i32
      %dma_start3A_266 = arith.constant 0 : i32
      %dma_start3A_267 = tpu.memref_slice %arg7[%run_scoped3A_258, %dma_start3A_265, %dma_start3A_266] : memref<8x128x32xf32, #tpu.memory_space<vmem>> -> memref<1x128x32xf32, #tpu.memory_space<vmem>>
      %dma_start3A_268 = tpu.memref_squeeze %dma_start3A_267 : memref<1x128x32xf32, #tpu.memory_space<vmem>> -> memref<128x32xf32, #tpu.memory_space<vmem>>
      %dma_start3A_269 = arith.constant 0 : i32
      %dma_start3A_270 = tpu.memref_slice %arg6[%add3A_257, %dma_start3A_269] : memref<164x128xi32, #tpu.memory_space<vmem>> -> memref<1x128xi32, #tpu.memory_space<vmem>>
      %dma_start3A_271 = tpu.memref_squeeze %dma_start3A_270 : memref<1x128xi32, #tpu.memory_space<vmem>> -> memref<128xi32, #tpu.memory_space<vmem>>
      %dma_start3A_272 = arith.constant 0 : i32
      %dma_start3A_273 = arith.constant 0 : i32
      %dma_start3A_274 = tpu.memref_slice %arg9[%dma_start3A_272, %dma_start3A_273] : memref<10000x32xf32, #tpu.memory_space<vmem_shared>> -> memref<10000x32xf32, #tpu.memory_space<vmem_shared>>
      tpu.enqueue_indirect_dma source(%dma_start3A_268 : memref<128x32xf32, #tpu.memory_space<vmem>>) target(%dma_start3A_274 : memref<10000x32xf32, #tpu.memory_space<vmem_shared>>) offsets(%dma_start3A_271 : memref<128xi32, #tpu.memory_space<vmem>>) semaphore(%run_scoped3A_264 : memref<!tpu.dma_semaphore, #tpu.memory_space<semaphore_mem>>) {add = true}
      %dma_wait3A_275 = arith.constant 0 : i32
      %dma_wait3A_276 = arith.constant 0 : i32
      %dma_wait3A_277 = tpu.memref_slice %arg7[%run_scoped3A_258, %dma_wait3A_275, %dma_wait3A_276] : memref<8x128x32xf32, #tpu.memory_space<vmem>> -> memref<1x128x32xf32, #tpu.memory_space<vmem>>
      %dma_wait3A_278 = tpu.memref_squeeze %dma_wait3A_277 : memref<1x128x32xf32, #tpu.memory_space<vmem>> -> memref<128x32xf32, #tpu.memory_space<vmem>>
      %dma_wait3A_279 = arith.constant 0 : i32
      %dma_wait3A_280 = tpu.memref_slice %arg6[%add3A_257, %dma_wait3A_279] : memref<164x128xi32, #tpu.memory_space<vmem>> -> memref<1x128xi32, #tpu.memory_space<vmem>>
      %dma_wait3A_281 = tpu.memref_squeeze %dma_wait3A_280 : memref<1x128xi32, #tpu.memory_space<vmem>> -> memref<128xi32, #tpu.memory_space<vmem>>
      %dma_wait3A_282 = arith.constant 0 : i32
      %dma_wait3A_283 = arith.constant 0 : i32
      %dma_wait3A_284 = tpu.memref_slice %arg9[%dma_wait3A_282, %dma_wait3A_283] : memref<10000x32xf32, #tpu.memory_space<vmem_shared>> -> memref<10000x32xf32, #tpu.memory_space<vmem_shared>>
      tpu.wait_indirect_dma semaphore(%run_scoped3A_264 : memref<!tpu.dma_semaphore, #tpu.memory_space<semaphore_mem>>) src(%dma_wait3A_278 : memref<128x32xf32, #tpu.memory_space<vmem>>) dst(%dma_wait3A_284 : memref<10000x32xf32, #tpu.memory_space<vmem_shared>>)
      tpu.yield
    }) : () -> ()
    %barrier3A_259 = arith.constant 0 : index
    tpu.barrier barrier_id(%barrier3A_259)
    %mul3A_260 = arith.constant 625 : i32
    %mul3A_261 = arith.muli %arg1, %mul3A_260 : i32
    %mul3A_262 = arith.constant 625 : i32
    %mul3A_263 = arith.muli %arg1, %mul3A_262 : i32
    "tpu.region"() ({
      %run_scoped3A_264 = tpu.sem_alloc : memref<!tpu.dma_semaphore, #tpu.memory_space<semaphore_mem>>
      %dma_start3A_265 = arith.constant 0 : i32
      %dma_start3A_266 = tpu.memref_slice %arg4[%arg0, %mul3A_263, %dma_start3A_265] : memref<2x10000x32xf32, #tpu.memory_space<hbm>> -> memref<1x625x32xf32, #tpu.memory_space<hbm>>
      %dma_start3A_267 = tpu.memref_squeeze %dma_start3A_266 : memref<1x625x32xf32, #tpu.memory_space<hbm>> -> memref<625x32xf32, #tpu.memory_space<hbm>>
      %dma_start3A_268 = arith.constant 0 : i32
      %dma_start3A_269 = tpu.memref_slice %arg9[%mul3A_261, %dma_start3A_268] : memref<10000x32xf32, #tpu.memory_space<vmem_shared>> -> memref<625x32xf32, #tpu.memory_space<vmem_shared>>
      tpu.enqueue_dma source(%dma_start3A_269 : memref<625x32xf32, #tpu.memory_space<vmem_shared>>) target(%dma_start3A_267 : memref<625x32xf32, #tpu.memory_space<hbm>>) target_semaphore(%run_scoped3A_264 : memref<!tpu.dma_semaphore, #tpu.memory_space<semaphore_mem>>)
      %dma_wait3A_270 = arith.constant 0 : i32
      %dma_wait3A_271 = tpu.memref_slice %arg4[%arg0, %mul3A_263, %dma_wait3A_270] : memref<2x10000x32xf32, #tpu.memory_space<hbm>> -> memref<1x625x32xf32, #tpu.memory_space<hbm>>
      %dma_wait3A_272 = tpu.memref_squeeze %dma_wait3A_271 : memref<1x625x32xf32, #tpu.memory_space<hbm>> -> memref<625x32xf32, #tpu.memory_space<hbm>>
      %dma_wait3A_273 = arith.constant 0 : i32
      %dma_wait3A_274 = tpu.memref_slice %arg9[%mul3A_261, %dma_wait3A_273] : memref<10000x32xf32, #tpu.memory_space<vmem_shared>> -> memref<625x32xf32, #tpu.memory_space<vmem_shared>>
      tpu.wait_dma2 semaphore(%run_scoped3A_264 : memref<!tpu.dma_semaphore, #tpu.memory_space<semaphore_mem>>) src(%dma_wait3A_274 : memref<625x32xf32, #tpu.memory_space<vmem_shared>>) dst(%dma_wait3A_272 : memref<625x32xf32, #tpu.memory_space<hbm>>)
      tpu.yield
    }) : () -> ()
    return
  }
}

module attributes {stable_mosaic.version = 14 : i64} {
  func.func @_lin1_body(%arg0: memref<32x10000xf32, #tpu.memory_space<vmem>>, %arg1: memref<10000x128xf32, #tpu.memory_space<vmem>>, %arg2: memref<128x32xf32, #tpu.memory_space<vmem>>, %arg3: memref<10000x32xf32, #tpu.memory_space<vmem>>, %arg4: memref<10000x16xf32, #tpu.memory_space<vmem>>) attributes {dimension_semantics = [], scalar_prefetch = 0 : i64, scratch_operands = 0 : i64, tpu.core_type = #tpu.core_type<tc>} {
    %get3A = arith.constant 0 : index
    %get3A_0 = arith.constant 0 : index
    %get3A_1 = vector.load %arg0[%get3A, %get3A_0] : memref<32x10000xf32, #tpu.memory_space<vmem>>, vector<32x10000xf32>
    %reduce_sum3A = arith.constant dense<0.000000e+00> : vector<10000xf32>
    %reduce_sum3A_2 = vector.multi_reduction <add>, %get3A_1, %reduce_sum3A [0] : vector<32x10000xf32> to vector<10000xf32>
    %add3A = arith.constant 1.000000e+00 : f32
    %add3A_3 = vector.broadcast %add3A : f32 to vector<10000xf32>
    %add3A_4 = arith.addf %reduce_sum3A_2, %add3A_3 : vector<10000xf32>
    %rsqrt3A = math.rsqrt %add3A_4 : vector<10000xf32>
    %get3A_5 = arith.constant 0 : index
    %get3A_6 = arith.constant 0 : index
    %get3A_7 = vector.load %arg1[%get3A_5, %get3A_6] : memref<10000x128xf32, #tpu.memory_space<vmem>>, vector<10000x128xf32>
    %get3A_8 = arith.constant 0 : index
    %get3A_9 = arith.constant 0 : index
    %get3A_10 = vector.load %arg2[%get3A_8, %get3A_9] : memref<128x32xf32, #tpu.memory_space<vmem>>, vector<128x32xf32>
    %dot_general3A = arith.constant dense<0.000000e+00> : vector<10000x32xf32>
    %dot_general3A_11 = tpu.matmul %get3A_7, %get3A_10, %dot_general3A {dimension_numbers = #tpu.dot_dimension_numbers<[1], [0], [0], [1], [0, 0, 1, 1], [], []>, transpose_lhs_hint = false} : vector<10000x128xf32>, vector<128x32xf32>, vector<10000x32xf32> -> vector<10000x32xf32>
    %broadcast_in_dim3A = vector.shape_cast %rsqrt3A : vector<10000xf32> to vector<10000x1xf32>
    %mul3A = vector.broadcast %broadcast_in_dim3A : vector<10000x1xf32> to vector<10000x32xf32>
    %mul3A_12 = arith.mulf %dot_general3A_11, %mul3A : vector<10000x32xf32>
    %swap3A = arith.constant 0 : index
    %swap3A_13 = arith.constant 0 : index
    %swap3A_14 = vector.load %arg3[%swap3A, %swap3A_13] : memref<10000x32xf32, #tpu.memory_space<vmem>>, vector<10000x32xf32>
    tpu.vector_store %arg3[%swap3A, %swap3A_13], %mul3A_12 {strides = array<i32>} : memref<10000x32xf32, #tpu.memory_space<vmem>>, vector<10000x32xf32>,
    %broadcast_in_dim3A_15 = vector.shape_cast %rsqrt3A : vector<10000xf32> to vector<10000x1xf32>
    %broadcast_in_dim3A_16 = vector.shape_cast %broadcast_in_dim3A_15 : vector<10000x1xf32> to vector<10000x1xf32>
    %broadcast_in_dim3A_17 = vector.broadcast %broadcast_in_dim3A_16 : vector<10000x1xf32> to vector<10000x16xf32>
    %swap3A_18 = arith.constant 0 : index
    %swap3A_19 = arith.constant 0 : index
    %swap3A_20 = vector.load %arg4[%swap3A_18, %swap3A_19] : memref<10000x16xf32, #tpu.memory_space<vmem>>, vector<10000x16xf32>
    tpu.vector_store %arg4[%swap3A_18, %swap3A_19], %broadcast_in_dim3A_17 {strides = array<i32>} : memref<10000x16xf32, #tpu.memory_space<vmem>>, vector<10000x16xf32>,
    return
  }
}

module attributes {stable_mosaic.version = 14 : i64} {
  func.func @_lin2_body(%arg0: memref<2x10000x32xf32, #tpu.memory_space<vmem>>, %arg1: memref<10000x32xf32, #tpu.memory_space<vmem>>, %arg2: memref<10000x16xf32, #tpu.memory_space<vmem>>, %arg3: memref<1x32xf32, #tpu.memory_space<vmem>>, %arg4: memref<32x16xf32, #tpu.memory_space<vmem>>, %arg5: memref<10000x16xf32, #tpu.memory_space<vmem>>) attributes {dimension_semantics = [], scalar_prefetch = 0 : i64, scratch_operands = 0 : i64, tpu.core_type = #tpu.core_type<tc>} {
    %get3A = arith.constant 0 : index
    %get3A_0 = arith.constant 0 : index
    %get3A_1 = vector.load %arg2[%get3A, %get3A_0] : memref<10000x16xf32, #tpu.memory_space<vmem>>, vector<10000x1xf32>
    %get3A_2 = arith.constant 0 : index
    %get3A_3 = arith.constant 0 : index
    %get3A_4 = arith.constant 0 : index
    %get3A_5 = vector.load %arg0[%get3A_2, %get3A_3, %get3A_4] : memref<2x10000x32xf32, #tpu.memory_space<vmem>>, vector<1x10000x32xf32>
    %get3A_6 = vector.shape_cast %get3A_5 : vector<1x10000x32xf32> to vector<10000x32xf32>
    %get3A_7 = arith.constant 1 : index
    %get3A_8 = arith.constant 0 : index
    %get3A_9 = arith.constant 0 : index
    %get3A_10 = vector.load %arg0[%get3A_7, %get3A_8, %get3A_9] : memref<2x10000x32xf32, #tpu.memory_space<vmem>>, vector<1x10000x32xf32>
    %get3A_11 = vector.shape_cast %get3A_10 : vector<1x10000x32xf32> to vector<10000x32xf32>
    %add3A = arith.addf %get3A_6, %get3A_11 : vector<10000x32xf32>
    %get3A_12 = arith.constant 0 : index
    %get3A_13 = arith.constant 0 : index
    %get3A_14 = vector.load %arg1[%get3A_12, %get3A_13] : memref<10000x32xf32, #tpu.memory_space<vmem>>, vector<10000x32xf32>
    %add3A_15 = arith.addf %add3A, %get3A_14 : vector<10000x32xf32>
    %mul3A = vector.broadcast %get3A_1 : vector<10000x1xf32> to vector<10000x32xf32>
    %mul3A_16 = arith.mulf %add3A_15, %mul3A : vector<10000x32xf32>
    %get3A_17 = arith.constant 0 : index
    %get3A_18 = arith.constant 0 : index
    %get3A_19 = vector.load %arg3[%get3A_17, %get3A_18] : memref<1x32xf32, #tpu.memory_space<vmem>>, vector<1x32xf32>
    %add3A_20 = vector.broadcast %get3A_19 : vector<1x32xf32> to vector<10000x32xf32>
    %add3A_21 = arith.addf %mul3A_16, %add3A_20 : vector<10000x32xf32>
    %max3A = arith.constant 0.000000e+00 : f32
    %max3A_22 = vector.broadcast %max3A : f32 to vector<10000x32xf32>
    %max3A_23 = arith.maximumf %add3A_21, %max3A_22 : vector<10000x32xf32>
    %get3A_24 = arith.constant 0 : index
    %get3A_25 = arith.constant 0 : index
    %get3A_26 = vector.load %arg4[%get3A_24, %get3A_25] : memref<32x16xf32, #tpu.memory_space<vmem>>, vector<32x16xf32>
    %dot_general3A = arith.constant dense<0.000000e+00> : vector<10000x16xf32>
    %dot_general3A_27 = tpu.matmul %max3A_23, %get3A_26, %dot_general3A {dimension_numbers = #tpu.dot_dimension_numbers<[1], [0], [0], [1], [0, 0, 1, 1], [], []>, transpose_lhs_hint = false} : vector<10000x32xf32>, vector<32x16xf32>, vector<10000x16xf32> -> vector<10000x16xf32>
    %mul3A_28 = vector.broadcast %get3A_1 : vector<10000x1xf32> to vector<10000x16xf32>
    %mul3A_29 = arith.mulf %dot_general3A_27, %mul3A_28 : vector<10000x16xf32>
    %swap3A = arith.constant 0 : index
    %swap3A_30 = arith.constant 0 : index
    %swap3A_31 = vector.load %arg5[%swap3A, %swap3A_30] : memref<10000x16xf32, #tpu.memory_space<vmem>>, vector<10000x16xf32>
    tpu.vector_store %arg5[%swap3A, %swap3A_30], %mul3A_29 {strides = array<i32>} : memref<10000x16xf32, #tpu.memory_space<vmem>>, vector<10000x16xf32>,
    return
  }
}

module attributes {stable_mosaic.version = 14 : i64} {
  func.func @_out_body(%arg0: memref<2x1250x128xf32, #tpu.memory_space<vmem>>, %arg1: memref<1250x128xf32, #tpu.memory_space<vmem>>, %arg2: memref<1250x128xf32, #tpu.memory_space<vmem>>, %arg3: memref<1x128xf32, #tpu.memory_space<vmem>>, %arg4: memref<128x128xf32, #tpu.memory_space<vmem>>, %arg5: memref<1250x128xf32, #tpu.memory_space<vmem>>) attributes {dimension_semantics = [], scalar_prefetch = 0 : i64, scratch_operands = 0 : i64, tpu.core_type = #tpu.core_type<tc>} {
    %get3A = arith.constant 0 : index
    %get3A_0 = arith.constant 0 : index
    %get3A_1 = arith.constant 0 : index
    %get3A_2 = vector.load %arg0[%get3A, %get3A_0, %get3A_1] : memref<2x1250x128xf32, #tpu.memory_space<vmem>>, vector<1x1250x128xf32>
    %get3A_3 = vector.shape_cast %get3A_2 : vector<1x1250x128xf32> to vector<1250x128xf32>
    %get3A_4 = arith.constant 1 : index
    %get3A_5 = arith.constant 0 : index
    %get3A_6 = arith.constant 0 : index
    %get3A_7 = vector.load %arg0[%get3A_4, %get3A_5, %get3A_6] : memref<2x1250x128xf32, #tpu.memory_space<vmem>>, vector<1x1250x128xf32>
    %get3A_8 = vector.shape_cast %get3A_7 : vector<1x1250x128xf32> to vector<1250x128xf32>
    %add3A = arith.addf %get3A_3, %get3A_8 : vector<1250x128xf32>
    %get3A_9 = arith.constant 0 : index
    %get3A_10 = arith.constant 0 : index
    %get3A_11 = vector.load %arg1[%get3A_9, %get3A_10] : memref<1250x128xf32, #tpu.memory_space<vmem>>, vector<1250x128xf32>
    %add3A_12 = arith.addf %add3A, %get3A_11 : vector<1250x128xf32>
    %get3A_13 = arith.constant 0 : index
    %get3A_14 = arith.constant 0 : index
    %get3A_15 = vector.load %arg2[%get3A_13, %get3A_14] : memref<1250x128xf32, #tpu.memory_space<vmem>>, vector<1250x128xf32>
    %mul3A = arith.mulf %add3A_12, %get3A_15 : vector<1250x128xf32>
    %get3A_16 = arith.constant 0 : index
    %get3A_17 = arith.constant 0 : index
    %get3A_18 = vector.load %arg3[%get3A_16, %get3A_17] : memref<1x128xf32, #tpu.memory_space<vmem>>, vector<1x128xf32>
    %add3A_19 = vector.broadcast %get3A_18 : vector<1x128xf32> to vector<1250x128xf32>
    %add3A_20 = arith.addf %mul3A, %add3A_19 : vector<1250x128xf32>
    %iota3A = tpu.iota {dimensions = array<i32: 1>} : vector<1250x128xi32>
    %jit3A = arith.constant 16 : i32
    %eq3A = arith.constant 0 : i32
    %eq3A_21 = arith.cmpi eq, %jit3A, %eq3A : i32
    %jit3A_22 = arith.constant 1 : i32
    %select_n3A = arith.select %eq3A_21, %jit3A_22, %jit3A : i32
    %rem3A = vector.broadcast %select_n3A : i32 to vector<1250x128xi32>
    %rem3A_23 = arith.remsi %iota3A, %rem3A : vector<1250x128xi32>
    %ne3A = arith.constant 0 : i32
    %ne3A_24 = vector.broadcast %ne3A : i32 to vector<1250x128xi32>
    %ne3A_25 = arith.cmpi ne, %rem3A_23, %ne3A_24 : vector<1250x128xi32>
    %lt3A = arith.constant 0 : i32
    %lt3A_26 = vector.broadcast %lt3A : i32 to vector<1250x128xi32>
    %lt3A_27 = arith.cmpi slt, %rem3A_23, %lt3A_26 : vector<1250x128xi32>
    %lt3A_28 = arith.constant 0 : i32
    %lt3A_29 = arith.cmpi slt, %select_n3A, %lt3A_28 : i32
    %ne3A_30 = vector.broadcast %lt3A_29 : i1 to vector<1250x128xi1>
    %ne3A_31 = vector.broadcast %ne3A_30 : vector<1250x128xi1> to vector<1250x128xi1>
    %ne3A_32 = arith.xori %lt3A_27, %ne3A_31 : vector<1250x128xi1>
    %and3A = arith.andi %ne3A_32, %ne3A_25 : vector<1250x128xi1>
    %add3A_33 = vector.broadcast %select_n3A : i32 to vector<1250x128xi32>
    %add3A_34 = arith.addi %rem3A_23, %add3A_33 : vector<1250x128xi32>
    %select_n3A_35 = arith.select %and3A, %add3A_34, %rem3A_23 : vector<1250x128xi1>, vector<1250x128xi32>
    %lt3A_36 = arith.constant 7 : i32
    %lt3A_37 = vector.broadcast %lt3A_36 : i32 to vector<1250x128xi32>
    %lt3A_38 = arith.cmpi slt, %select_n3A_35, %lt3A_37 : vector<1250x128xi32>
    %jit3A_39 = arith.constant -1.000000e+30 : f32
    %broadcast_in_dim3A = vector.broadcast %jit3A_39 : f32 to vector<1250x128xf32>
    %select_n3A_40 = arith.select %lt3A_38, %add3A_20, %broadcast_in_dim3A : vector<1250x128xi1>, vector<1250x128xf32>
    %reduce_max3A = arith.constant dense<0xFF800000> : vector<1250xf32>
    %reduce_max3A_41 = vector.multi_reduction <maximumf>, %select_n3A_40, %reduce_max3A [1] : vector<1250x128xf32> to vector<1250xf32>
    %broadcast_in_dim3A_42 = vector.shape_cast %reduce_max3A_41 : vector<1250xf32> to vector<1250x1xf32>
    %sub3A = vector.broadcast %broadcast_in_dim3A_42 : vector<1250x1xf32> to vector<1250x128xf32>
    %sub3A_43 = arith.subf %add3A_20, %sub3A : vector<1250x128xf32>
    %exp3A = math.exp %sub3A_43 : vector<1250x128xf32>
    %jit3A_44 = arith.constant 0.000000e+00 : f32
    %broadcast_in_dim3A_45 = vector.broadcast %jit3A_44 : f32 to vector<1250x128xf32>
    %select_n3A_46 = arith.select %lt3A_38, %exp3A, %broadcast_in_dim3A_45 : vector<1250x128xi1>, vector<1250x128xf32>
    %get3A_47 = arith.constant 0 : index
    %get3A_48 = arith.constant 0 : index
    %get3A_49 = vector.load %arg4[%get3A_47, %get3A_48] : memref<128x128xf32, #tpu.memory_space<vmem>>, vector<128x128xf32>
    %dot_general3A = arith.constant dense<0.000000e+00> : vector<1250x128xf32>
    %dot_general3A_50 = tpu.matmul %select_n3A_46, %get3A_49, %dot_general3A {dimension_numbers = #tpu.dot_dimension_numbers<[1], [0], [0], [1], [0, 0, 1, 1], [], []>, transpose_lhs_hint = false} : vector<1250x128xf32>, vector<128x128xf32>, vector<1250x128xf32> -> vector<1250x128xf32>
    %sub3A_51 = vector.broadcast %broadcast_in_dim3A_42 : vector<1250x1xf32> to vector<1250x128xf32>
    %sub3A_52 = arith.subf %add3A_20, %sub3A_51 : vector<1250x128xf32>
    %log3A = math.log %dot_general3A_50 : vector<1250x128xf32>
    %sub3A_53 = arith.subf %sub3A_52, %log3A : vector<1250x128xf32>
    %swap3A = arith.constant 0 : index
    %swap3A_54 = arith.constant 0 : index
    %swap3A_55 = vector.load %arg5[%swap3A, %swap3A_54] : memref<1250x128xf32, #tpu.memory_space<vmem>>, vector<1250x128xf32>
    tpu.vector_store %arg5[%swap3A, %swap3A_54], %sub3A_53 {strides = array<i32>} : memref<1250x128xf32, #tpu.memory_space<vmem>>, vector<1250x128xf32>,
    return
  }
}

</mosaic_0001>

<sc_bundles>
// kernel: kernel.11.cloned.1.call-start
scs
__scs_entry_jumppad:
0x0: {  	(pc) =	sbr.rel $0x88, $3  }
0x1: {  	(tag) =	ssettag $0x0;
	lr =	simm.s32 $0x1  }
0x2: {  	[smem:$0x3F9B] =	sst lr;
	_ =	strace $0xD0000000  }
0x3: {  	_ = 	snop  }
0x4: {  	_ = 	snop  }
0x5: {  	_ = 	snop  }
0x6: {  	_ = 	snop  }
0x7: {  	_ = 	snop  }
__scs_overlays_trampoline_lowered:
0x8: {  	[smem:$0x3FAA] =	sst s0  }
0x9: {  	[smem:$0x3FAB] =	sst s1  }
0xa: {  	[smem:$0x3FAC] =	sst s2  }
0xb: {  	[smem:$0x3FAD] =	sst s3  }
0xc: {  	[smem:$0x3FAE] =	sst s4  }
0xd: {  	[smem:$0x3FAF] =	sst s5  }
0xe: {  	[smem:$0x3FB0] =	sst s6  }
0xf: {  	[smem:$0x3FB1] =	sst s7  }
0x10: {  	[smem:$0x3FB2] =	sst s8  }
0x11: {  	[smem:$0x3FB3] =	sst s9;
	s0 =	simm.s32 @!p0 $0x0  }
0x12: {  	s1 =	sld [smem:$0x3F99];
	s0 =	simm.s32 @p0 $0x1  }
0x13: {  	[smem:$0x3FB4] =	sst s0;
	s0 =	simm.s32 @!p1 $0x0  }
0x14: {  	s2 =	sld [smem:$0x3F98];
	s0 =	simm.s32 @p1 $0x1  }
0x15: {  	[smem:$0x3FB5] =	sst s0;
	s0 =	simm.s32 @!p2 $0x0  }
0x16: {  	s3 =	sld [smem:$0x3FDB];
	s0 =	simm.s32 @p2 $0x1  }
0x17: {  	s4 =	simm.s32 $0x1BF5;
	[smem:$0x3FB7] =	sst s0  }
0x18: {  	s0 =	sld [smem:$0x3F9A];
	_ =	swait.ge [sflag:s4], $0x0  }
0x19: {  	s7 =	sld [smem:$0x3F9B]  }
0x1a: {  	s8 =	sadd.s32 $0xFFFFE003, lr  }
0x1b: {  	s9 =	sadd.s32 $0xFFFFFEF7, lr;
	s5 =	simm.s32 $0xFFFFFFFF;
	p2 =	slt.u32 s8, $0xFFFFF086  }
0x1c: {  	p1 =	slt.u32 s9, $0xF7A;
	s5 =	simm.s32 @!p2 $0x0  }
0x1d: {  	s5 =	simm.s32 @p1 $0x1;
	p0 =	seq.s32 s7, s2  }
0x1e: {  	s7 =	smul.u32 @!p0 $0xF7A, s2;
	p2 =	seq.s32 @!p0 s5, $0x0  }
0x1f: {  	s9 =	smul.u32 $0xF7A, s1;
	s8 =	simm.s32 @!p0 $0x1BF5;
	p2 =	por !p2, p0  }
0x20: {  	[sflag:s8] =	ssyncset.s32 @!p0 $0xFFFFF086;
	s6 =	sadd.s32 @!p0 s3, s7;
	s7 =	simm.s32 @!p0 $0x108  }
0x21: {  	s3 =	sadd.s32 s3, s9;
	s6 =	sadd.s32 @!p0 $0x88, s6;
	s7 =	simm.s32 @p2 $0x1082  }
0x22: {  	[simem:s7], [sflag:s8] =	dma.local @!p0 [hbm:s6], $0xF7A  }
0x23: {  	s9 =	sor.u32 $0xD0000000, s2;
	s6 =	simm.s32 $0x108;
	_ =	swait.ge @!p0 [sflag:s8], $0x0  }
0x24: {  	s3 =	sadd.s32 $0x88, s3;
	s6 =	simm.s32 @!p1 $0x1082;
	[sflag:s4] =	ssyncset.s32 $0xFFFFF086  }
0x25: {  	[simem:s6], [sflag:s4] =	dma.local [hbm:s3], $0xF7A  }
0x26: {  	[smem:$0x3F9B] =	sst s1;
	(tag) =	ssettag s2;
	_ =	strace s9  }
0x27: {  	s1 =	sld [smem:$0x3FAB]  }
0x28: {  	s2 =	sld [smem:$0x3FAC]  }
0x29: {  	s4 =	sld [smem:$0x3FAE]  }
0x2a: {  	p0 =	seq.s32 s5, $0x0;
	s5 =	sld [smem:$0x3FAF]  }
0x2b: {  	s6 =	sld [smem:$0x3FB0]  }
0x2c: {  	s7 =	sld [smem:$0x3FB1]  }
0x2d: {  	s3 =	simm.s32 $0x108;
	s8 =	sld [smem:$0x3FB2]  }
0x2e: {  	s3 =	simm.s32 @!p0 $0x1082;
	s9 =	sld [smem:$0x3FB3]  }
0x2f: {  	lr =	sadd.s32 s0, s3;
	s0 =	sld [smem:$0x3FAA]  }
0x30: {  	s3 =	sld [smem:$0x3FAD]  }
0x31: {  	[smem:$0x3FB6] =	sst s10  }
0x32: {  	s10 =	sld [smem:$0x3FB4];
	_ =	sdelay $0x3  }
0x33: {  	p0 =	seq.s32 s10, $0x1;
	s10 =	sld [smem:$0x3FB6];
	_ =	sdelay $0x3  }
0x34: {  	[smem:$0x3FB6] =	sst s10  }
0x35: {  	s10 =	sld [smem:$0x3FB5];
	_ =	sdelay $0x3  }
0x36: {  	p1 =	seq.s32 s10, $0x1;
	s10 =	sld [smem:$0x3FB6];
	_ =	sdelay $0x3  }
0x37: {  	[smem:$0x3FB6] =	sst s10  }
0x38: {  	s10 =	sld [smem:$0x3FB7]  }
0x39: {  	_ = 	snop;
	(pc) =	sbr.ind lr, $3  }
0x3a: {  	_ = 	snop  }
0x3b: {  	_ = 	snop  }
0x3c: {  	p2 =	seq.s32 s10, $0x1;
	s10 =	sld [smem:$0x3FB6]  }
0x3d: {  	_ =	shalt  }
0x3e: {  	_ =	shalt  }
0x3f: {  	_ =	shalt  }
0x40: {  	_ =	shalt  }
0x41: {  	_ =	shalt  }
0x42: {  	_ =	shalt  }
0x43: {  	_ =	shalt  }
0x44: {  	_ =	shalt  }
0x45: {  	_ =	shalt  }
0x46: {  	_ =	shalt  }
0x47: {  	_ =	shalt  }
0x48: {  	_ =	shalt  }
0x49: {  	_ =	shalt  }
0x4a: {  	_ =	shalt  }
0x4b: {  	_ =	shalt  }
0x4c: {  	_ =	shalt  }
0x4d: {  	_ =	shalt  }
0x4e: {  	_ =	shalt  }
0x4f: {  	_ =	shalt  }
0x50: {  	_ =	shalt  }
0x51: {  	_ =	shalt  }
0x52: {  	_ =	shalt  }
0x53: {  	_ =	shalt  }
0x54: {  	_ =	shalt  }
0x55: {  	_ =	shalt  }
0x56: {  	_ =	shalt  }
0x57: {  	_ =	shalt  }
0x58: {  	_ =	shalt  }
0x59: {  	_ =	shalt  }
0x5a: {  	_ =	shalt  }
0x5b: {  	_ =	shalt  }
0x5c: {  	_ =	shalt  }
0x5d: {  	_ =	shalt  }
0x5e: {  	_ =	shalt  }
0x5f: {  	_ =	shalt  }
0x60: {  	_ =	shalt  }
0x61: {  	_ =	shalt  }
0x62: {  	_ =	shalt  }
0x63: {  	_ =	shalt  }
0x64: {  	_ =	shalt  }
0x65: {  	_ =	shalt  }
0x66: {  	_ =	shalt  }
0x67: {  	_ =	shalt  }
0x68: {  	_ =	shalt  }
0x69: {  	_ =	shalt  }
0x6a: {  	_ =	shalt  }
0x6b: {  	_ =	shalt  }
0x6c: {  	_ =	shalt  }
0x6d: {  	_ =	shalt  }
0x6e: {  	_ =	shalt  }
0x6f: {  	_ =	shalt  }
0x70: {  	_ =	shalt  }
0x71: {  	_ =	shalt  }
0x72: {  	_ =	shalt  }
0x73: {  	_ =	shalt  }
0x74: {  	_ =	shalt  }
0x75: {  	_ =	shalt  }
0x76: {  	_ =	shalt  }
0x77: {  	_ =	shalt  }
0x78: {  	_ =	shalt  }
0x79: {  	_ =	shalt  }
0x7a: {  	_ =	shalt  }
0x7b: {  	_ =	shalt  }
0x7c: {  	_ =	shalt  }
0x7d: {  	_ =	shalt  }
0x7e: {  	_ =	shalt  }
0x7f: {  	_ =	shalt  }
0x80: {  	_ =	shalt  }
0x81: {  	_ =	shalt  }
0x82: {  	_ =	shalt  }
0x83: {  	_ =	shalt  }
0x84: {  	_ =	shalt  }
0x85: {  	_ =	shalt  }
0x86: {  	_ =	shalt  }
0x87: {  	_ =	shalt  }
.Lfunc_end0:
.L_simem_size_0:
called_computation.1_lowered:
.L_overlay_start_0:
0x88: {  	s2 =	sld [smem:$0x3FD9]  }
0x89: {  	s3 =	sld [smem:$0x3FFE];
	_ =	sdelay $0x1  }
0x8a: {  	s1 =	srdreg.scid  }
0x8b: {  	s0 =	sand.u32 $0x1, s1  }
0x8c: {  	s16 =	sshll.u32 s0, $0xA;
	s2 =	sadd.s32 s3, s2  }
0x8d: {  	s2 =	sadd.s32 s2, s16  }
0x8e: {  	[smem:$0x3FC2] =	sst s2  }
0x8f: {  	_ = 	snop  }
0x90: {  	(tm) =	ssettm $0x1  }
0x91: {  	s17 =	sld [smem:$0x3FFB];
	_ =	sdelay $0x3  }
0x92: {  	_ =	strace s17  }
0x93: {  	s2 =	sld [smem:$0x3FFC];
	_ =	sdelay $0x3  }
0x94: {  	_ =	strace s2  }
0x95: {  	s2 =	sld [smem:$0x3FFD];
	_ =	sdelay $0x3  }
0x96: {  	_ =	strace s2  }
0x97: {  	_ =	strace $0x8FFFFFFF  }
0x98: {  	s18 =	sld [smem:$0x3FDB];
	_ =	sdelay $0x1  }
0x99: {  	s19 =	simm.s32 $_scs_section_size  }
0x9a: {  	s4 =	simm.s32 $_size__tile_overlayer_lowered;
	s5 =	simm.s32 $_tile_overlayer_lowered  }
0x9b: {  	s22 =	simm.s32 $0x1BFF;
	s21 =	sshll.u32 s5, $0x1;
	s2 =	sadd.s32 s19, s18  }
0x9c: {  	s6 =	simm.s32 $0x0;
	s20 =	sshll.u32 s4, $0x1;
	s4 =	sadd.s32 s21, s2  }
0x9d: {  	[timem:s6], [sflag:s22] =	dma.local [hbm:s4], s20  }
0x9e: {  	_ =	swait.ge [sflag:s22], s20  }
0x9f: {  	s3 =	ssub.s32 $0x0, s20;
	[sflag:s22] =	ssyncset.done $0x0  }
0xa0: {  	[sflag:s22] =	ssyncadd.s32 s3;
	_ =	sdelay $0x1  }
0xa1: {  	s23 =	simm.s32 $0x1B8B  }
0xa2: {  	_ =	swait.ge [sflag:s23], $0x1  }
0xa3: {  	[sflag:s23] =	ssyncset.done $0x0  }
0xa4: {  	s25 =	simm.s32 $0x1B8E;
	s24 =	sld [smem:$0x3FFE];
	[sflag:s23] =	ssyncadd.s32 $0xFFFFFFFF  }
0xa5: {  	s26 =	simm.s32 $execute0_lowered;
	[smem:$0x3FD2] =	sst s25  }
0xa6: {  	s4 =	sshll.u32 s26, $0x1;
	_ =	strace $0x80000049;
	[dreg:$0x1] =	wrdreg $0xFFFFFFFF  }
0xa7: {  	s28 =	simm.s32 $_size_execute0_lowered;
	s2 =	sadd.s32 s2, s4;
	[dreg:$0x0] =	wrdreg $0x0  }
0xa8: {  	s4 =	sshll.u32 s28, $0x1;
	[dreg:$0x2] =	wrdreg s2  }
0xa9: {  	[dreg:$0x3] =	wrdreg s4  }
0xaa: {  	[dreg:$0x4] =	wrdreg $0xC0  }
0xab: {  	_ =	task [dreg:s6], $0x5FFFF  }
0xac: {  	[dreg:$0x1] =	wrdreg $0xFFFFFFFF  }
0xad: {  	[dreg:$0x0] =	wrdreg $0x60  }
0xae: {  	[dreg:$0x2] =	wrdreg s24  }
0xaf: {  	[dreg:$0x3] =	wrdreg $0x133A00  }
0xb0: {  	[dreg:$0x4] =	wrdreg $0x181C00  }
0xb1: {  	[dreg:$0x5] =	wrdreg $0x9  }
0xb2: {  	_ =	task.clear_ibuf [dreg:s6], $0x6FFFF;
	_ =	strace $0x90000049  }
0xb3: {  	s29 =	simm.s32 $0x9;
	_ =	strace $0x8000004B  }
0xb4: {  	_ =	swait.ge [sflag:s29], $0x1  }
0xb5: {  	[sflag:s29] =	ssyncadd.s32 $0xFFFFFFFF  }
0xb6: {  	_ =	strace $0x9000004B  }
0xb7: {  	_ =	sfence  }
0xb8: {  	s30 =	sld [smem:$0x0];
	_ =	sdelay $0x2  }
0xb9: {  	s31 =	sshll.u32 s1, $0xD;
	s1 =	sshrl.u32 s1, $0x2  }
0xba: {  	s3 =	sand.u32 $0x4000, s31;
	s1 =	sadd.s32 s1, s30  }
0xbb: {  	s0 =	sor.u32 s3, s0;
	s1 =	sshll.u32 s1, $0x11  }
0xbc: {  	s0 =	sor.u32 s1, s0  }
0xbd: {  	s0 =	sadd.s32 $0x8F2B, s0  }
0xbe: {  	[sflag:s0] =	ssyncadd.remote.s32 $0x1  }
0xbf: {  	_ =	sfence.sel $0xFFFF  }
0xc0: {  	[dreg:$0x0] =	wrdreg $0xFFFFFFFF;
	(pc) =	sbr.abs _section_cstart, $3  }
0xc1: {  	[dreg:$0x1] =	wrdreg $0xFFFFFFFF  }
0xc2: {  	_ =	task.clear_ibuf [dreg:s6], $0x2FFFF;
	_ =	strace $0x9FFFFFFF  }
0xc3: {  	(tm) =	ssettm $0x7FFFFFFF  }
tec
execute0_lowered:
.L_overlay_start_1:
0x0: {  	(tag) =	ssettag $0x1  }
0x1: {  	s1 =	rddreg [dreg:$0x0]  }
0x2: {  	s0 =	srdreg.scid;
	s2 =	rddreg [dreg:$0x1]  }
0x3: {  	s11 =	stileid.u32;
	s3 =	rddreg [dreg:$0x2]  }
0x4: {  	s29 =	simm.s32 $0x12400;
	s30 =	simm.s32 $0x80;
	s31 =	simm.s32 $0xA400  }
0x5: {  	s28 =	simm.s32 $0xC400;
	s0 =	sand.u32 $0x1, s0;
	s5 =	smul.u32 $0x4E20, s11  }
0x6: {  	s4 =	sshll.u32 s0, $0x4;
	s9 =	smul.u32 $0x4E200, s0;
	s0 =	ssub.s32 $0x2, s0  }
0x7: {  	s6 =	sor.u32 s11, s4;
	s4 =	simm.s32 $0x0;
	s11 =	smul.u32 $0x13880, s11  }
0x8: {  	s8 =	sshrl.u32 s5, $0x3;
	s10 =	sshrl.u32 s0, $0x1;
	s7 =	smul.u32 $0x4E00, s6  }
0x9: {  	[smem:$0x7FF] =	sst s4;
	s8 =	sadd.s32 s8, s1;
	s9 =	sadd.s32 s5, s9  }
0xa: {  	s0 =	ssub.s32 s0, s10;
	s10 =	sadd.s32 $0x15200, s1;
	_ =	strace $0x8000004A  }
0xb: {  	s9 =	sshrl.u32 s9, $0x3;
	s26 =	sshrl.u32 s11, $0x2;
	[dreg:$0x8] =	wrdreg s10  }
0xc: {  	s16 =	sadd.s32 $0x28C00, s8;
	s0 =	smax.u32 s0, $0x1;
	s7 =	sshrl.u32 s7, $0x3  }
0xd: {  	s12 =	sadd.s32 s9, s1;
	s11 =	sadd.s32 s26, s2;
	[dreg:$0xe] =	wrdreg s16  }
0xe: {  	[dreg:$0x17] =	wrdreg s0;
	s7 =	sadd.s32 s7, s1;
	s1 =	sadd.s32 $0x28A80, s1  }
0xf: {  	p0 =	seq.s32 s6, $0x1F;
	s13 =	sadd.s32 $0xFA0, s11;
	[dreg:$0x9] =	wrdreg s1  }
0x10: {  	s9 =	sadd.s32 s5, s2;
	s14 =	sadd.s32 $0x1F40, s11;
	[dreg:$0xa] =	wrdreg s13  }
0x11: {  	s5 =	sadd.s32 s5, s3;
	s15 =	sadd.s32 $0x2EE0, s11;
	[dreg:$0xb] =	wrdreg s14  }
0x12: {  	s8 =	simm.s32 $0x11400;
	s26 =	sshrl.u32 s5, $0x3;
	[dreg:$0xc] =	wrdreg s15  }
0x13: {  	s10 =	simm.s32 $0x1;
	s25 =	sadd.s32 $0x1A00, s7;
	[dreg:$0x18] =	wrdreg s26  }
0x14: {  	s0 =	simm.s32 $0xD400;
	s7 =	sadd.s32 $0x15280, s7;
	[dreg:$0x6] =	wrdreg s25  }
0x15: {  	s1 =	simm.s32 $0x14;
	[dreg:$0x7] =	wrdreg s7;
	s7 =	sadd.s32 $0x3E80, s11  }
0x16: {  	s1 =	simm.s32 @!p0 $0x13;
	s25 =	sadd.s32 $0x32A00, s12;
	[dreg:$0xd] =	wrdreg s7  }
0x17: {  	s5 =	simm.s32 $0xE400;
	s17 =	sadd.s32 $0xFFFFFFFF, s1;
	[dreg:$0x16] =	wrdreg s25  }
0x18: {  	s15 =	sshll.u32 s1, $0xA;
	s1 =	sshll.u32 s1, $0xC;
	[dreg:$0x4] =	wrdreg s17  }
0x19: {  	s26 =	simm.s32 $0x5;
	s18 =	sor.u32 $0x80, s15;
	[dreg:$0x5] =	wrdreg s1  }
0x1a: {  	s13 =	simm.s32 $0x4;
	s19 =	sor.u32 $0x100, s15;
	[dreg:$0xf] =	wrdreg s18  }
0x1b: {  	s14 =	simm.s32 $0x0;
	s20 =	sor.u32 $0x180, s15;
	[dreg:$0x10] =	wrdreg s19  }
0x1c: {  	p0 =	sne.s32 s6, $0x1F;
	s21 =	sadd.s32 $0x5200, s15;
	[dreg:$0x11] =	wrdreg s20  }
0x1d: {  	s6 =	simm.s32 $0xF400;
	s22 =	sadd.s32 $0x5280, s15;
	[dreg:$0x12] =	wrdreg s21  }
0x1e: {  	s11 =	simm.s32 $0x2;
	s23 =	sadd.s32 $0x5300, s15;
	[dreg:$0x13] =	wrdreg s22  }
0x1f: {  	s12 =	simm.s32 $0x3;
	s24 =	sadd.s32 $0x5380, s15;
	[dreg:$0x14] =	wrdreg s23  }
0x20: {  	v0 =	vimm.f32 $0.0e+00;
	s7 =	simm.s32 $0x10400;
	s1 =	simm.s32 $0xB400;
	[dreg:$0x15] =	wrdreg s24  }
.LBB2_1:
0x21: {  	s16 =	rddreg [dreg:$0x6]  }
0x22: {  	[tilespmem:s4], [sflag:$0x5] =	stream.linear.gather [hbm4b:s16+s4], $0x4E00, $0x38;
	[tilespmem:$0x1CFE0] =	vst v63  }
0x23: {  	_ =	swait.ge [sflag:s26], $0x4E00  }
0x24: {  	[sflag:s26] =	ssyncset.done $0x0  }
0x25: {  	s17 =	simm.s32 $0x5200;
	s22 =	rddreg [dreg:$0x7];
	[sflag:s26] =	ssyncadd.s32 $0xFFFFB200  }
0x26: {  	[tilespmem:s17], [sflag:$0x5] =	stream.linear.gather [hbm4b:s22+s4], $0x4E00, $0x38;
	[tilespmem:$0x1CFE0] =	vst v63  }
0x27: {  	_ =	swait.ge [sflag:s26], $0x4E00  }
0x28: {  	s16 =	simm.s32 @!p0 $0x0;
	[sflag:s26] =	ssyncset.done $0x0  }
0x29: {  	s17 =	simm.s32 @!p0 $0x4E00;
	s18 =	rddreg [dreg:$0x8];
	[sflag:s26] =	ssyncadd.s32 $0xFFFFB200  }
0x2a: {  	[tilespmem:s17], [sflag:$0x5] =	stream.linear.gather @!p0 [hbm4b:s18+s16], $0x400, $0x38;
	[tilespmem:$0x1CFE0] =	vst v63  }
0x2b: {  	s17 =	simm.s32 @!p0 $0x5  }
0x2c: {  	_ =	swait.ge @!p0 [sflag:s17], $0x400  }
0x2d: {  	[sflag:s17] =	ssyncset.done @!p0 $0x0  }
0x2e: {  	s18 =	simm.s32 @!p0 $0xA000;
	s19 =	rddreg [dreg:$0x9];
	[sflag:s17] =	ssyncadd.s32 @!p0 $0xFFFFFC00  }
0x2f: {  	[tilespmem:s18], [sflag:$0x5] =	stream.linear.gather @!p0 [hbm4b:s19+s16], $0x400, $0x38;
	[tilespmem:$0x1CFE0] =	vst v63  }
0x30: {  	s23 =	sand.u32 $0x3F80, s4;
	s24 =	sand.u32 $0x10, s4;
	_ =	swait.ge @!p0 [sflag:s17], $0x400  }
0x31: {  	s25 =	sshrl.u32 s23, $0x2;
	s16 =	simm.s32 $0x40;
	[sflag:s17] =	ssyncset.done @!p0 $0x0  }
0x32: {  	s18 =	sor.u32 s24, s25;
	[sflag:s17] =	ssyncadd.s32 @!p0 $0xFFFFFC00;
	s17 =	simm.s32 $0x0  }
.LBB2_2:
0x33: {  	p1 =	sne.s32 s16, $0x3E40  }
0x34: {  	[tilespmem:s18+$0x12400] =	vst v0;
	s17 =	sadd.s32 $0x10, s17;
	s18 =	smov.u32 s16;
	s16 =	sadd.s32 $0x40, s16  }
.Ltmp0:
0x35: {  	(pc) =	sbr.rel @p1 .LBB2_2-.Ltmp0, $4  }
0x36: {  	_ = 	snop  }
0x37: {  	s18 =	sand.u32 $0x3F80, s18  }
0x38: {  	s19 =	sand.u32 $0x10, s17;
	s18 =	sshrl.u32 s18, $0x2  }
0x39: {  	s18 =	sor.u32 s19, s18  }
0x3a: {  	[tilespmem:s18+$0x12400] =	vst v0  }
0x3b: {  	[spmem:s9] =	stream.linear.scatter [tilespmem:s29], [sflag:$0x5], $0xFA0, $0x38;
	[tilespmem:$0x1CFE0] =	vst v63  }
0x3c: {  	_ =	swait.ge [sflag:s26], $0xFA0  }
0x3d: {  	[sflag:s26] =	ssyncset.done $0x0  }
0x3e: {  	s16 =	rddreg [dreg:$0xa];
	[sflag:s26] =	ssyncadd.s32 $0xFFFFF060  }
0x3f: {  	[spmem:s16] =	stream.linear.scatter [tilespmem:s29], [sflag:$0x5], $0xFA0, $0x38;
	[tilespmem:$0x1CFE0] =	vst v63  }
0x40: {  	_ =	swait.ge [sflag:s26], $0xFA0  }
0x41: {  	[sflag:s26] =	ssyncset.done $0x0  }
0x42: {  	s19 =	rddreg [dreg:$0xb];
	[sflag:s26] =	ssyncadd.s32 $0xFFFFF060  }
0x43: {  	[spmem:s19] =	stream.linear.scatter [tilespmem:s29], [sflag:$0x5], $0xFA0, $0x38;
	[tilespmem:$0x1CFE0] =	vst v63  }
0x44: {  	_ =	swait.ge [sflag:s26], $0xFA0  }
0x45: {  	[sflag:s26] =	ssyncset.done $0x0  }
0x46: {  	s20 =	rddreg [dreg:$0xc];
	[sflag:s26] =	ssyncadd.s32 $0xFFFFF060  }
0x47: {  	[spmem:s20] =	stream.linear.scatter [tilespmem:s29], [sflag:$0x5], $0xFA0, $0x38;
	[tilespmem:$0x1CFE0] =	vst v63  }
0x48: {  	_ =	swait.ge [sflag:s26], $0xFA0  }
0x49: {  	[sflag:s26] =	ssyncset.done $0x0  }
0x4a: {  	s21 =	rddreg [dreg:$0xd];
	[sflag:s26] =	ssyncadd.s32 $0xFFFFF060  }
0x4b: {  	[spmem:s21] =	stream.linear.scatter [tilespmem:s29], [sflag:$0x5], $0xFA0, $0x38;
	[tilespmem:$0x1CFE0] =	vst v63  }
0x4c: {  	s22 =	stileid.u32;
	_ =	swait.ge [sflag:s26], $0xFA0  }
0x4d: {  	s16 =	sshll.u32 s22, $0x6;
	[sflag:s26] =	ssyncset.done $0x0;
	s17 =	rddreg [dreg:$0xe]  }
0x4e: {  	s16 =	sor.u32 $0x1C05, s16;
	s23 =	rddreg [dreg:$0x18];
	[sflag:s26] =	ssyncadd.s32 $0xFFFFF060  }
0x4f: {  	[spmem:s23], [sflag:s16] =	dma.local [hbm:s17], $0x9C4  }
0x50: {  	_ =	swait.ge [sflag:s26], $0x9C4  }
0x51: {  	[sflag:s26] =	ssyncset.done $0x0  }
0x52: {  	[sflag:s26] =	ssyncadd.s32 $0xFFFFF63C  }
0x53: {  	s17 =	simm.s32 $0x0;
	[bflag:$0x0] =	sbarrier.arrive $0xFFFF  }
0x54: {  	[tilespmem:s31], [sflag:$0x1] =	stream.indirect.gather [spmem:s3], $0x20, s17, s30, $0xb8;
	[tilespmem:$0x1CFE0] =	vst v63  }
0x55: {  	_ = 	snop  }
0x56: {  	[tilespmem:s1], [sflag:$0x1] =	stream.indirect.gather [spmem:s3], $0x20, s30, s30, $0xb8;
	[tilespmem:$0x1CFE0] =	vst v63  }
0x57: {  	s24 =	simm.s32 $0x100  }
0x58: {  	[tilespmem:s28], [sflag:$0x1] =	stream.indirect.gather [spmem:s3], $0x20, s24, s30, $0xb8;
	[tilespmem:$0x1CFE0] =	vst v63  }
0x59: {  	s25 =	simm.s32 $0x180  }
0x5a: {  	[tilespmem:s0], [sflag:$0x1] =	stream.indirect.gather [spmem:s3], $0x20, s25, s30, $0xb8;
	[tilespmem:$0x1CFE0] =	vst v63  }
0x5b: {  	s19 =	simm.s32 $0x200  }
0x5c: {  	[tilespmem:s5], [sflag:$0x2] =	stream.indirect.gather [spmem:s3], $0x20, s19, s30, $0xb8;
	[tilespmem:$0x1CFE0] =	vst v63  }
0x5d: {  	s20 =	simm.s32 $0x280  }
0x5e: {  	[tilespmem:s6], [sflag:$0x2] =	stream.indirect.gather [spmem:s3], $0x20, s20, s30, $0xb8;
	[tilespmem:$0x1CFE0] =	vst v63  }
0x5f: {  	s21 =	simm.s32 $0x300  }
0x60: {  	[tilespmem:s7], [sflag:$0x2] =	stream.indirect.gather [spmem:s3], $0x20, s21, s30, $0xb8;
	[tilespmem:$0x1CFE0] =	vst v63  }
0x61: {  	s22 =	simm.s32 $0x380  }
0x62: {  	[tilespmem:s8], [sflag:$0x2] =	stream.indirect.gather [spmem:s3], $0x20, s22, s30, $0xb8;
	[tilespmem:$0x1CFE0] =	vst v63  }
0x63: {  	_ =	swait.ge [sflag:s10], $0x1000  }
0x64: {  	[sflag:s10] =	ssyncset.done $0x0  }
0x65: {  	[sflag:s10] =	ssyncadd.s32 $0xFFFFF000  }
0x66: {  	_ =	swait.ge [sflag:s10], $0x1000  }
0x67: {  	[sflag:s10] =	ssyncset.done $0x0  }
0x68: {  	[sflag:s10] =	ssyncadd.s32 $0xFFFFF000  }
0x69: {  	_ =	swait.ge [sflag:s10], $0x1000  }
0x6a: {  	[sflag:s10] =	ssyncset.done $0x0  }
0x6b: {  	[sflag:s10] =	ssyncadd.s32 $0xFFFFF000  }
0x6c: {  	_ =	swait.ge [sflag:s10], $0x1000  }
0x6d: {  	[sflag:s10] =	ssyncset.done $0x0  }
0x6e: {  	s23 =	simm.s32 $0x5200;
	[sflag:s10] =	ssyncadd.s32 $0xFFFFF000  }
0x6f: {  	[spmem:s2] =	stream.indirect.scatter.add.f32 [tilespmem:s31], [sflag:$0x3], $0x20, s23, s30, $0xb8;
	[tilespmem:$0x1CFE0] =	vst v63  }
0x70: {  	s24 =	simm.s32 $0x5280  }
0x71: {  	[spmem:s2] =	stream.indirect.scatter.add.f32 [tilespmem:s1], [sflag:$0x3], $0x20, s24, s30, $0xb8;
	[tilespmem:$0x1CFE0] =	vst v63  }
0x72: {  	p1 =	por $0x1, $0x1;
	s25 =	simm.s32 $0x5300  }
0x73: {  	[spmem:s2] =	stream.indirect.scatter.add.f32 [tilespmem:s28], [sflag:$0x3], $0x20, s25, s30, $0xb8;
	[tilespmem:$0x1CFE0] =	vst v63  }
0x74: {  	s18 =	simm.s32 @!p1 $0x4;
	s19 =	simm.s32 $0x5380  }
0x75: {  	[spmem:s2] =	stream.indirect.scatter.add.f32 [tilespmem:s0], [sflag:$0x3], $0x20, s19, s30, $0xb8;
	[tilespmem:$0x1CFE0] =	vst v63  }
0x76: {  	_ =	swait.ge @!p1 [sflag:s18], $0x1000  }
0x77: {  	[sflag:s18] =	ssyncset.done @!p1 $0x0  }
0x78: {  	[sflag:s18] =	ssyncadd.s32 @!p1 $0xFFFFF000  }
0x79: {  	_ =	swait.ge @!p1 [sflag:s18], $0x1000  }
0x7a: {  	[sflag:s18] =	ssyncset.done @!p1 $0x0  }
0x7b: {  	[sflag:s18] =	ssyncadd.s32 @!p1 $0xFFFFF000  }
0x7c: {  	_ =	swait.ge @!p1 [sflag:s18], $0x1000  }
0x7d: {  	[sflag:s18] =	ssyncset.done @!p1 $0x0  }
0x7e: {  	[sflag:s18] =	ssyncadd.s32 @!p1 $0xFFFFF000  }
0x7f: {  	_ =	swait.ge @!p1 [sflag:s18], $0x1000  }
0x80: {  	[sflag:s18] =	ssyncset.done @!p1 $0x0  }
0x81: {  	[sflag:s18] =	ssyncadd.s32 @!p1 $0xFFFFF000  }
0x82: {  	_ =	swait.ge [sflag:s11], $0x1000  }
0x83: {  	[sflag:s11] =	ssyncset.done $0x0  }
0x84: {  	[sflag:s11] =	ssyncadd.s32 $0xFFFFF000  }
0x85: {  	_ =	swait.ge [sflag:s11], $0x1000  }
0x86: {  	[sflag:s11] =	ssyncset.done $0x0  }
0x87: {  	[sflag:s11] =	ssyncadd.s32 $0xFFFFF000  }
0x88: {  	_ =	swait.ge [sflag:s11], $0x1000  }
0x89: {  	[sflag:s11] =	ssyncset.done $0x0  }
0x8a: {  	[sflag:s11] =	ssyncadd.s32 $0xFFFFF000  }
0x8b: {  	_ =	swait.ge [sflag:s11], $0x1000  }
0x8c: {  	[sflag:s11] =	ssyncset.done $0x0  }
0x8d: {  	s20 =	simm.s32 $0x5400;
	[sflag:s11] =	ssyncadd.s32 $0xFFFFF000  }
0x8e: {  	[spmem:s2] =	stream.indirect.scatter.add.f32 [tilespmem:s5], [sflag:$0x4], $0x20, s20, s30, $0xb8;
	[tilespmem:$0x1CFE0] =	vst v63  }
0x8f: {  	s21 =	simm.s32 $0x5480  }
0x90: {  	[spmem:s2] =	stream.indirect.scatter.add.f32 [tilespmem:s6], [sflag:$0x4], $0x20, s21, s30, $0xb8;
	[tilespmem:$0x1CFE0] =	vst v63  }
0x91: {  	s22 =	simm.s32 $0x5500  }
0x92: {  	[spmem:s2] =	stream.indirect.scatter.add.f32 [tilespmem:s7], [sflag:$0x4], $0x20, s22, s30, $0xb8;
	[tilespmem:$0x1CFE0] =	vst v63  }
0x93: {  	s23 =	simm.s32 $0x5580  }
0x94: {  	[spmem:s2] =	stream.indirect.scatter.add.f32 [tilespmem:s8], [sflag:$0x4], $0x20, s23, s30, $0xb8;
	[tilespmem:$0x1CFE0] =	vst v63  }
0x95: {  	_ =	swait.ge [sflag:s12], $0x1000  }
0x96: {  	[sflag:s12] =	ssyncset.done $0x0  }
0x97: {  	[sflag:s12] =	ssyncadd.s32 $0xFFFFF000  }
0x98: {  	_ =	swait.ge [sflag:s12], $0x1000  }
0x99: {  	[sflag:s12] =	ssyncset.done $0x0  }
0x9a: {  	[sflag:s12] =	ssyncadd.s32 $0xFFFFF000  }
0x9b: {  	_ =	swait.ge [sflag:s12], $0x1000  }
0x9c: {  	[sflag:s12] =	ssyncset.done $0x0  }
0x9d: {  	[sflag:s12] =	ssyncadd.s32 $0xFFFFF000  }
0x9e: {  	_ =	swait.ge [sflag:s12], $0x1000  }
0x9f: {  	s24 =	rddreg [dreg:$0x4]  }
0xa0: {  	[sflag:s12] =	ssyncset.done $0x0;
	s25 =	rddreg [dreg:$0x5]  }
0xa1: {  	p1 =	sle.u32 s24, $0x0;
	[sflag:s12] =	ssyncadd.s32 $0xFFFFF000;
	p2 =	sne.s32 s25, $0x1000  }
0xa2: {  	s21 =	simm.s32 @!p1 $0x80;
	s18 =	simm.s32 @!p1 $0xA400;
	s19 =	simm.s32 @!p1 $0x400  }
0xa3: {  	[tilespmem:s18], [sflag:$0x1] =	stream.indirect.gather @!p1 [spmem:s3], $0x20, s19, s21, $0xb8;
	[tilespmem:$0x1CFE0] =	vst v63  }
.Ltmp1:
0xa4: {  	s20 =	simm.s32 @!p1 $0xB400;
	(pc) =	sbr.rel @!p2 .LBB2_5-.Ltmp1, $4  }
0xa5: {  	s22 =	simm.s32 @!p1 $0x580;
	s23 =	simm.s32 @!p1 $0xD400;
	s19 =	simm.s32 @!p1 $0x480  }
0xa6: {  	[tilespmem:s20], [sflag:$0x1] =	stream.indirect.gather @!p1 [spmem:s3], $0x20, s19, s21, $0xb8;
	[tilespmem:$0x1CFE0] =	vst v63  }
0xa7: {  	s18 =	simm.s32 $0x1000;
	s19 =	simm.s32 @!p1 $0x500;
	s20 =	simm.s32 @!p1 $0xC400  }
0xa8: {  	[tilespmem:s20], [sflag:$0x1] =	stream.indirect.gather @!p1 [spmem:s3], $0x20, s19, s21, $0xb8;
	[tilespmem:$0x1CFE0] =	vst v63  }
.LBB2_4:
0xa9: {  	s20 =	sshra.s32 s18, $0x2  }
0xaa: {  	[tilespmem:s23], [sflag:$0x1] =	stream.indirect.gather @!p1 [spmem:s3], $0x20, s22, s21, $0xb8;
	[tilespmem:$0x1CFE0] =	vst v63  }
0xab: {  	s22 =	sadd.s32 $0x200, s20  }
0xac: {  	[tilespmem:s5], [sflag:$0x2] =	stream.indirect.gather [spmem:s3], $0x20, s22, s30, $0xb8;
	[tilespmem:$0x1CFE0] =	vst v63  }
0xad: {  	s23 =	sadd.s32 $0x280, s20  }
0xae: {  	[tilespmem:s6], [sflag:$0x2] =	stream.indirect.gather [spmem:s3], $0x20, s23, s30, $0xb8;
	[tilespmem:$0x1CFE0] =	vst v63  }
0xaf: {  	s24 =	sadd.s32 $0x300, s20  }
0xb0: {  	[tilespmem:s7], [sflag:$0x2] =	stream.indirect.gather [spmem:s3], $0x20, s24, s30, $0xb8;
	[tilespmem:$0x1CFE0] =	vst v63  }
0xb1: {  	s25 =	sadd.s32 $0x380, s20  }
0xb2: {  	[tilespmem:s8], [sflag:$0x2] =	stream.indirect.gather [spmem:s3], $0x20, s25, s30, $0xb8;
	[tilespmem:$0x1CFE0] =	vst v63  }
0xb3: {  	_ =	swait.ge [sflag:s10], $0x1000  }
0xb4: {  	[sflag:s10] =	ssyncset.done $0x0  }
0xb5: {  	[sflag:s10] =	ssyncadd.s32 $0xFFFFF000  }
0xb6: {  	_ =	swait.ge [sflag:s10], $0x1000  }
0xb7: {  	[sflag:s10] =	ssyncset.done $0x0  }
0xb8: {  	[sflag:s10] =	ssyncadd.s32 $0xFFFFF000  }
0xb9: {  	_ =	swait.ge [sflag:s10], $0x1000  }
0xba: {  	[sflag:s10] =	ssyncset.done $0x0  }
0xbb: {  	[sflag:s10] =	ssyncadd.s32 $0xFFFFF000  }
0xbc: {  	_ =	swait.ge [sflag:s10], $0x1000  }
0xbd: {  	[sflag:s10] =	ssyncset.done $0x0  }
0xbe: {  	s22 =	sadd.s32 $0x5200, s20;
	[sflag:s10] =	ssyncadd.s32 $0xFFFFF000  }
0xbf: {  	[spmem:s2] =	stream.indirect.scatter.add.f32 [tilespmem:s31], [sflag:$0x3], $0x20, s22, s30, $0xb8;
	[tilespmem:$0x1CFE0] =	vst v63  }
0xc0: {  	s19 =	smov.u32 s18;
	s23 =	sadd.s32 $0x5280, s20  }
0xc1: {  	[spmem:s2] =	stream.indirect.scatter.add.f32 [tilespmem:s1], [sflag:$0x3], $0x20, s23, s30, $0xb8;
	[tilespmem:$0x1CFE0] =	vst v63  }
0xc2: {  	p1 =	seq.s32 s19, $0x0;
	s24 =	sadd.s32 $0x5300, s20  }
0xc3: {  	[spmem:s2] =	stream.indirect.scatter.add.f32 [tilespmem:s28], [sflag:$0x3], $0x20, s24, s30, $0xb8;
	[tilespmem:$0x1CFE0] =	vst v63  }
0xc4: {  	s21 =	simm.s32 @!p1 $0x4;
	s25 =	sadd.s32 $0x5380, s20  }
0xc5: {  	[spmem:s2] =	stream.indirect.scatter.add.f32 [tilespmem:s0], [sflag:$0x3], $0x20, s25, s30, $0xb8;
	[tilespmem:$0x1CFE0] =	vst v63  }
0xc6: {  	_ =	swait.ge @!p1 [sflag:s21], $0x1000  }
0xc7: {  	[sflag:s21] =	ssyncset.done @!p1 $0x0  }
0xc8: {  	[sflag:s21] =	ssyncadd.s32 @!p1 $0xFFFFF000  }
0xc9: {  	_ =	swait.ge @!p1 [sflag:s21], $0x1000  }
0xca: {  	[sflag:s21] =	ssyncset.done @!p1 $0x0  }
0xcb: {  	[sflag:s21] =	ssyncadd.s32 @!p1 $0xFFFFF000  }
0xcc: {  	_ =	swait.ge @!p1 [sflag:s21], $0x1000  }
0xcd: {  	[sflag:s21] =	ssyncset.done @!p1 $0x0  }
0xce: {  	[sflag:s21] =	ssyncadd.s32 @!p1 $0xFFFFF000  }
0xcf: {  	_ =	swait.ge @!p1 [sflag:s21], $0x1000  }
0xd0: {  	[sflag:s21] =	ssyncset.done @!p1 $0x0  }
0xd1: {  	[sflag:s21] =	ssyncadd.s32 @!p1 $0xFFFFF000  }
0xd2: {  	_ =	swait.ge [sflag:s11], $0x1000  }
0xd3: {  	[sflag:s11] =	ssyncset.done $0x0  }
0xd4: {  	[sflag:s11] =	ssyncadd.s32 $0xFFFFF000  }
0xd5: {  	_ =	swait.ge [sflag:s11], $0x1000  }
0xd6: {  	[sflag:s11] =	ssyncset.done $0x0  }
0xd7: {  	[sflag:s11] =	ssyncadd.s32 $0xFFFFF000  }
0xd8: {  	_ =	swait.ge [sflag:s11], $0x1000  }
0xd9: {  	[sflag:s11] =	ssyncset.done $0x0  }
0xda: {  	[sflag:s11] =	ssyncadd.s32 $0xFFFFF000  }
0xdb: {  	_ =	swait.ge [sflag:s11], $0x1000  }
0xdc: {  	[sflag:s11] =	ssyncset.done $0x0  }
0xdd: {  	s22 =	sadd.s32 $0x5400, s20;
	[sflag:s11] =	ssyncadd.s32 $0xFFFFF000  }
0xde: {  	[spmem:s2] =	stream.indirect.scatter.add.f32 [tilespmem:s5], [sflag:$0x4], $0x20, s22, s30, $0xb8;
	[tilespmem:$0x1CFE0] =	vst v63  }
0xdf: {  	s23 =	sadd.s32 $0x5480, s20  }
0xe0: {  	[spmem:s2] =	stream.indirect.scatter.add.f32 [tilespmem:s6], [sflag:$0x4], $0x20, s23, s30, $0xb8;
	[tilespmem:$0x1CFE0] =	vst v63  }
0xe1: {  	s24 =	sadd.s32 $0x5500, s20  }
0xe2: {  	[spmem:s2] =	stream.indirect.scatter.add.f32 [tilespmem:s7], [sflag:$0x4], $0x20, s24, s30, $0xb8;
	[tilespmem:$0x1CFE0] =	vst v63  }
0xe3: {  	s20 =	sadd.s32 $0x5580, s20  }
0xe4: {  	[spmem:s2] =	stream.indirect.scatter.add.f32 [tilespmem:s8], [sflag:$0x4], $0x20, s20, s30, $0xb8;
	[tilespmem:$0x1CFE0] =	vst v63  }
0xe5: {  	_ =	swait.ge [sflag:s12], $0x1000  }
0xe6: {  	[sflag:s12] =	ssyncset.done $0x0  }
0xe7: {  	[sflag:s12] =	ssyncadd.s32 $0xFFFFF000  }
0xe8: {  	_ =	swait.ge [sflag:s12], $0x1000  }
0xe9: {  	[sflag:s12] =	ssyncset.done $0x0  }
0xea: {  	[sflag:s12] =	ssyncadd.s32 $0xFFFFF000  }
0xeb: {  	_ =	swait.ge [sflag:s12], $0x1000  }
0xec: {  	[sflag:s12] =	ssyncset.done $0x0  }
0xed: {  	[sflag:s12] =	ssyncadd.s32 $0xFFFFF000  }
0xee: {  	_ =	swait.ge [sflag:s12], $0x1000  }
0xef: {  	s17 =	sadd.s32 $0x1, s17;
	s18 =	sadd.s32 $0x1000, s18;
	s25 =	rddreg [dreg:$0x4]  }
0xf0: {  	s24 =	rddreg [dreg:$0x5];
	[sflag:s12] =	ssyncset.done $0x0;
	p1 =	sge.u32 s17, s25  }
0xf1: {  	[sflag:s12] =	ssyncadd.s32 $0xFFFFF000;
	p2 =	sne.s32 s24, s18;
	s19 =	sshra.s32 @!p1 s19, $0x2  }
0xf2: {  	s21 =	simm.s32 @!p1 $0x80;
	s20 =	simm.s32 @!p1 $0xA400;
	s22 =	sadd.s32 @!p1 $0x400, s19  }
0xf3: {  	[tilespmem:s20], [sflag:$0x1] =	stream.indirect.gather @!p1 [spmem:s3], $0x20, s22, s21, $0xb8;
	[tilespmem:$0x1CFE0] =	vst v63  }
.Ltmp2:
0xf4: {  	_ = 	snop;
	(pc) =	sbr.rel @p2 .LBB2_4-.Ltmp2, $4  }
0xf5: {  	s23 =	sadd.s32 @!p1 $0x480, s19;
	s25 =	sadd.s32 @!p1 $0x500, s19;
	s20 =	simm.s32 @!p1 $0xB400  }
0xf6: {  	[tilespmem:s20], [sflag:$0x1] =	stream.indirect.gather @!p1 [spmem:s3], $0x20, s23, s21, $0xb8;
	[tilespmem:$0x1CFE0] =	vst v63  }
0xf7: {  	s22 =	sadd.s32 @!p1 $0x580, s19;
	s19 =	simm.s32 @!p1 $0xC400;
	s23 =	simm.s32 @!p1 $0xD400  }
0xf8: {  	[tilespmem:s19], [sflag:$0x1] =	stream.indirect.gather @!p1 [spmem:s3], $0x20, s25, s21, $0xb8;
	[tilespmem:$0x1CFE0] =	vst v63  }
.LBB2_5:
0xf9: {  	[tilespmem:s23], [sflag:$0x1] =	stream.indirect.gather @!p1 [spmem:s3], $0x20, s22, s21, $0xb8;
	[tilespmem:$0x1CFE0] =	vst v63  }
0xfa: {  	_ =	swait.ge [sflag:s13], $0x1000  }
0xfb: {  	[sflag:s13] =	ssyncset.done $0x0  }
0xfc: {  	[sflag:s13] =	ssyncadd.s32 $0xFFFFF000  }
0xfd: {  	_ =	swait.ge [sflag:s13], $0x1000  }
0xfe: {  	[sflag:s13] =	ssyncset.done $0x0  }
0xff: {  	[sflag:s13] =	ssyncadd.s32 $0xFFFFF000  }
0x100: {  	_ =	swait.ge [sflag:s13], $0x1000  }
0x101: {  	[sflag:s13] =	ssyncset.done $0x0  }
0x102: {  	[sflag:s13] =	ssyncadd.s32 $0xFFFFF000  }
0x103: {  	_ =	swait.ge [sflag:s13], $0x1000  }
0x104: {  	[sflag:s13] =	ssyncset.done $0x0  }
0x105: {  	[sflag:s13] =	ssyncadd.s32 $0xFFFFF000  }
0x106: {  	[tilespmem:s31], [sflag:$0x1] =	stream.indirect.gather [spmem:s3], $0x20, s15, s30, $0xb8;
	[tilespmem:$0x1CFE0] =	vst v63  }
0x107: {  	s17 =	rddreg [dreg:$0xf]  }
0x108: {  	[tilespmem:s1], [sflag:$0x1] =	stream.indirect.gather [spmem:s3], $0x20, s17, s30, $0xb8;
	[tilespmem:$0x1CFE0] =	vst v63  }
0x109: {  	s18 =	rddreg [dreg:$0x10]  }
0x10a: {  	[tilespmem:s28], [sflag:$0x1] =	stream.indirect.gather [spmem:s3], $0x20, s18, s30, $0xb8;
	[tilespmem:$0x1CFE0] =	vst v63  }
0x10b: {  	s19 =	rddreg [dreg:$0x11]  }
0x10c: {  	[tilespmem:s0], [sflag:$0x1] =	stream.indirect.gather [spmem:s3], $0x20, s19, s30, $0xb8;
	[tilespmem:$0x1CFE0] =	vst v63  }
0x10d: {  	_ =	swait.ge [sflag:s10], $0x1000  }
0x10e: {  	[sflag:s10] =	ssyncset.done $0x0  }
0x10f: {  	[sflag:s10] =	ssyncadd.s32 $0xFFFFF000  }
0x110: {  	_ =	swait.ge [sflag:s10], $0x1000  }
0x111: {  	[sflag:s10] =	ssyncset.done $0x0  }
0x112: {  	[sflag:s10] =	ssyncadd.s32 $0xFFFFF000  }
0x113: {  	_ =	swait.ge [sflag:s10], $0x1000  }
0x114: {  	[sflag:s10] =	ssyncset.done $0x0  }
0x115: {  	[sflag:s10] =	ssyncadd.s32 $0xFFFFF000  }
0x116: {  	_ =	swait.ge [sflag:s10], $0x1000  }
0x117: {  	[sflag:s10] =	ssyncset.done $0x0  }
0x118: {  	s20 =	rddreg [dreg:$0x12];
	[sflag:s10] =	ssyncadd.s32 $0xFFFFF000  }
0x119: {  	[spmem:s2] =	stream.indirect.scatter.add.f32 [tilespmem:s31], [sflag:$0x5], $0x20, s20, s30, $0xb8;
	[tilespmem:$0x1CFE0] =	vst v63  }
0x11a: {  	_ =	swait.ge [sflag:s26], $0x1000  }
0x11b: {  	[sflag:s26] =	ssyncset.done $0x0  }
0x11c: {  	s21 =	rddreg [dreg:$0x13];
	[sflag:s26] =	ssyncadd.s32 $0xFFFFF000  }
0x11d: {  	[spmem:s2] =	stream.indirect.scatter.add.f32 [tilespmem:s1], [sflag:$0x5], $0x20, s21, s30, $0xb8;
	[tilespmem:$0x1CFE0] =	vst v63  }
0x11e: {  	_ =	swait.ge [sflag:s26], $0x1000  }
0x11f: {  	[sflag:s26] =	ssyncset.done $0x0  }
0x120: {  	s22 =	rddreg [dreg:$0x14];
	[sflag:s26] =	ssyncadd.s32 $0xFFFFF000  }
0x121: {  	[spmem:s2] =	stream.indirect.scatter.add.f32 [tilespmem:s28], [sflag:$0x5], $0x20, s22, s30, $0xb8;
	[tilespmem:$0x1CFE0] =	vst v63  }
0x122: {  	_ =	swait.ge [sflag:s26], $0x1000  }
0x123: {  	[sflag:s26] =	ssyncset.done $0x0  }
0x124: {  	s23 =	rddreg [dreg:$0x15];
	[sflag:s26] =	ssyncadd.s32 $0xFFFFF000  }
0x125: {  	[spmem:s2] =	stream.indirect.scatter.add.f32 [tilespmem:s0], [sflag:$0x5], $0x20, s23, s30, $0xb8;
	[tilespmem:$0x1CFE0] =	vst v63  }
0x126: {  	_ =	swait.ge [sflag:s26], $0x1000  }
0x127: {  	[sflag:s26] =	ssyncset.done $0x0  }
0x128: {  	[sflag:s26] =	ssyncadd.s32 $0xFFFFF000  }
0x129: {  	[bflag:$0x0] =	sbarrier.arrive $0xFFFF  }
0x12a: {  	s24 =	sshrl.u32 s9, $0x3;
	s18 =	rddreg [dreg:$0x16]  }
0x12b: {  	[hbm:s18], [sflag:s16] =	dma.local [spmem:s24], $0x9C4  }
0x12c: {  	_ =	swait.ge [sflag:s26], $0x9C4  }
0x12d: {  	s14 =	sadd.s32 $0x1, s14;
	s25 =	rddreg [dreg:$0x17]  }
0x12e: {  	p1 =	sne.s32 s14, s25  }
.Ltmp3:
0x12f: {  	_ = 	snop;
	(pc) =	sbr.rel @p1 .LBB2_1-.Ltmp3, $3  }
0x130: {  	_ =	sdelay $0x1  }
0x131: {  	[sflag:s26] =	ssyncset.done $0x0  }
0x132: {  	[sflag:s26] =	ssyncadd.s32 $0xFFFFF63C  }
0x133: {  	_ =	sfence.sel $0x180000  }
0x134: {  	[bflag:$0x0] =	sbarrier.arrive $0xFFFF  }
0x135: {  	_ =	strace $0x9000004A  }
0x136: {  	s0 =	stileid.u32;
	[bflag:$0x2] =	sbarrier.arrive $0xFFFF  }
0x137: {  	p0 =	sne.s32 s0, $0x0;
	s0 =	rddreg [dreg:$0x3]  }
0x138: {  	s0 =	sadd.s32 @!p0 $0x100000, s0  }
0x139: {  	[sflag:s0] =	ssyncadd.tile.s32 @!p0 $0x1;
	_ =	shalt  }
.Lfunc_end2:
_tile_overlayer_lowered:
.L_overlay_start_2:
0x13a: {  	(tag) =	ssettag $0x2  }
0x13b: {  	s0 =	rddreg [dreg:$0x0];
	s2 =	stileid.u32  }
0x13c: {  	s1 =	rddreg [dreg:$0x1];
	p0 =	sne.s32 s2, $0x0  }
0x13d: {  	s3 =	rddreg [dreg:$0x2];
	[bflag:$0x3] =	sbarrier.arrive $0xFFFF;
	s2 =	simm.s32 @!p0 $0x1C05  }
0x13e: {  	[timem:s3], [sflag:s2] =	dma.local @!p0 [hbm:s0], s1  }
0x13f: {  	s0 =	simm.s32 @!p0 $0x5  }
0x140: {  	_ =	swait.ge @!p0 [sflag:s0], s1  }
0x141: {  	s1 =	ssub.s32 @!p0 $0x0, s1;
	[sflag:s0] =	ssyncset.done @!p0 $0x0  }
0x142: {  	[sflag:s0] =	ssyncadd.s32 @!p0 s1  }
0x143: {  	[bflag:$0x3] =	sbarrier.arrive $0xFFFF  }
0x144: {  	_ =	shalt  }

// kernel: kernel.14.cloned.1.call-start
scs
__scs_entry_jumppad:
0x0: {  	(pc) =	sbr.rel $0x88, $3  }
0x1: {  	(tag) =	ssettag $0x0;
	lr =	simm.s32 $0x1  }
0x2: {  	[smem:$0x3F9B] =	sst lr;
	_ =	strace $0xD0000000  }
0x3: {  	_ = 	snop  }
0x4: {  	_ = 	snop  }
0x5: {  	_ = 	snop  }
0x6: {  	_ = 	snop  }
0x7: {  	_ = 	snop  }
__scs_overlays_trampoline_lowered:
0x8: {  	[smem:$0x3FAA] =	sst s0  }
0x9: {  	[smem:$0x3FAB] =	sst s1  }
0xa: {  	[smem:$0x3FAC] =	sst s2  }
0xb: {  	[smem:$0x3FAD] =	sst s3  }
0xc: {  	[smem:$0x3FAE] =	sst s4  }
0xd: {  	[smem:$0x3FAF] =	sst s5  }
0xe: {  	[smem:$0x3FB0] =	sst s6  }
0xf: {  	[smem:$0x3FB1] =	sst s7  }
0x10: {  	[smem:$0x3FB2] =	sst s8  }
0x11: {  	[smem:$0x3FB3] =	sst s9;
	s0 =	simm.s32 @!p0 $0x0  }
0x12: {  	s1 =	sld [smem:$0x3F99];
	s0 =	simm.s32 @p0 $0x1  }
0x13: {  	[smem:$0x3FB4] =	sst s0;
	s0 =	simm.s32 @!p1 $0x0  }
0x14: {  	s2 =	sld [smem:$0x3F98];
	s0 =	simm.s32 @p1 $0x1  }
0x15: {  	[smem:$0x3FB5] =	sst s0;
	s0 =	simm.s32 @!p2 $0x0  }
0x16: {  	s3 =	sld [smem:$0x3FDB];
	s0 =	simm.s32 @p2 $0x1  }
0x17: {  	s4 =	simm.s32 $0x1BF5;
	[smem:$0x3FB7] =	sst s0  }
0x18: {  	s0 =	sld [smem:$0x3F9A];
	_ =	swait.ge [sflag:s4], $0x0  }
0x19: {  	s7 =	sld [smem:$0x3F9B]  }
0x1a: {  	s8 =	sadd.s32 $0xFFFFE003, lr  }
0x1b: {  	s9 =	sadd.s32 $0xFFFFFEF7, lr;
	s5 =	simm.s32 $0xFFFFFFFF;
	p2 =	slt.u32 s8, $0xFFFFF086  }
0x1c: {  	p1 =	slt.u32 s9, $0xF7A;
	s5 =	simm.s32 @!p2 $0x0  }
0x1d: {  	s5 =	simm.s32 @p1 $0x1;
	p0 =	seq.s32 s7, s2  }
0x1e: {  	s7 =	smul.u32 @!p0 $0xF7A, s2;
	p2 =	seq.s32 @!p0 s5, $0x0  }
0x1f: {  	s9 =	smul.u32 $0xF7A, s1;
	s8 =	simm.s32 @!p0 $0x1BF5;
	p2 =	por !p2, p0  }
0x20: {  	[sflag:s8] =	ssyncset.s32 @!p0 $0xFFFFF086;
	s6 =	sadd.s32 @!p0 s3, s7;
	s7 =	simm.s32 @!p0 $0x108  }
0x21: {  	s3 =	sadd.s32 s3, s9;
	s6 =	sadd.s32 @!p0 $0x88, s6;
	s7 =	simm.s32 @p2 $0x1082  }
0x22: {  	[simem:s7], [sflag:s8] =	dma.local @!p0 [hbm:s6], $0xF7A  }
0x23: {  	s9 =	sor.u32 $0xD0000000, s2;
	s6 =	simm.s32 $0x108;
	_ =	swait.ge @!p0 [sflag:s8], $0x0  }
0x24: {  	s3 =	sadd.s32 $0x88, s3;
	s6 =	simm.s32 @!p1 $0x1082;
	[sflag:s4] =	ssyncset.s32 $0xFFFFF086  }
0x25: {  	[simem:s6], [sflag:s4] =	dma.local [hbm:s3], $0xF7A  }
0x26: {  	[smem:$0x3F9B] =	sst s1;
	(tag) =	ssettag s2;
	_ =	strace s9  }
0x27: {  	s1 =	sld [smem:$0x3FAB]  }
0x28: {  	s2 =	sld [smem:$0x3FAC]  }
0x29: {  	s4 =	sld [smem:$0x3FAE]  }
0x2a: {  	p0 =	seq.s32 s5, $0x0;
	s5 =	sld [smem:$0x3FAF]  }
0x2b: {  	s6 =	sld [smem:$0x3FB0]  }
0x2c: {  	s7 =	sld [smem:$0x3FB1]  }
0x2d: {  	s3 =	simm.s32 $0x108;
	s8 =	sld [smem:$0x3FB2]  }
0x2e: {  	s3 =	simm.s32 @!p0 $0x1082;
	s9 =	sld [smem:$0x3FB3]  }
0x2f: {  	lr =	sadd.s32 s0, s3;
	s0 =	sld [smem:$0x3FAA]  }
0x30: {  	s3 =	sld [smem:$0x3FAD]  }
0x31: {  	[smem:$0x3FB6] =	sst s10  }
0x32: {  	s10 =	sld [smem:$0x3FB4];
	_ =	sdelay $0x3  }
0x33: {  	p0 =	seq.s32 s10, $0x1;
	s10 =	sld [smem:$0x3FB6];
	_ =	sdelay $0x3  }
0x34: {  	[smem:$0x3FB6] =	sst s10  }
0x35: {  	s10 =	sld [smem:$0x3FB5];
	_ =	sdelay $0x3  }
0x36: {  	p1 =	seq.s32 s10, $0x1;
	s10 =	sld [smem:$0x3FB6];
	_ =	sdelay $0x3  }
0x37: {  	[smem:$0x3FB6] =	sst s10  }
0x38: {  	s10 =	sld [smem:$0x3FB7]  }
0x39: {  	_ = 	snop;
	(pc) =	sbr.ind lr, $3  }
0x3a: {  	_ = 	snop  }
0x3b: {  	_ = 	snop  }
0x3c: {  	p2 =	seq.s32 s10, $0x1;
	s10 =	sld [smem:$0x3FB6]  }
0x3d: {  	_ =	shalt  }
0x3e: {  	_ =	shalt  }
0x3f: {  	_ =	shalt  }
0x40: {  	_ =	shalt  }
0x41: {  	_ =	shalt  }
0x42: {  	_ =	shalt  }
0x43: {  	_ =	shalt  }
0x44: {  	_ =	shalt  }
0x45: {  	_ =	shalt  }
0x46: {  	_ =	shalt  }
0x47: {  	_ =	shalt  }
0x48: {  	_ =	shalt  }
0x49: {  	_ =	shalt  }
0x4a: {  	_ =	shalt  }
0x4b: {  	_ =	shalt  }
0x4c: {  	_ =	shalt  }
0x4d: {  	_ =	shalt  }
0x4e: {  	_ =	shalt  }
0x4f: {  	_ =	shalt  }
0x50: {  	_ =	shalt  }
0x51: {  	_ =	shalt  }
0x52: {  	_ =	shalt  }
0x53: {  	_ =	shalt  }
0x54: {  	_ =	shalt  }
0x55: {  	_ =	shalt  }
0x56: {  	_ =	shalt  }
0x57: {  	_ =	shalt  }
0x58: {  	_ =	shalt  }
0x59: {  	_ =	shalt  }
0x5a: {  	_ =	shalt  }
0x5b: {  	_ =	shalt  }
0x5c: {  	_ =	shalt  }
0x5d: {  	_ =	shalt  }
0x5e: {  	_ =	shalt  }
0x5f: {  	_ =	shalt  }
0x60: {  	_ =	shalt  }
0x61: {  	_ =	shalt  }
0x62: {  	_ =	shalt  }
0x63: {  	_ =	shalt  }
0x64: {  	_ =	shalt  }
0x65: {  	_ =	shalt  }
0x66: {  	_ =	shalt  }
0x67: {  	_ =	shalt  }
0x68: {  	_ =	shalt  }
0x69: {  	_ =	shalt  }
0x6a: {  	_ =	shalt  }
0x6b: {  	_ =	shalt  }
0x6c: {  	_ =	shalt  }
0x6d: {  	_ =	shalt  }
0x6e: {  	_ =	shalt  }
0x6f: {  	_ =	shalt  }
0x70: {  	_ =	shalt  }
0x71: {  	_ =	shalt  }
0x72: {  	_ =	shalt  }
0x73: {  	_ =	shalt  }
0x74: {  	_ =	shalt  }
0x75: {  	_ =	shalt  }
0x76: {  	_ =	shalt  }
0x77: {  	_ =	shalt  }
0x78: {  	_ =	shalt  }
0x79: {  	_ =	shalt  }
0x7a: {  	_ =	shalt  }
0x7b: {  	_ =	shalt  }
0x7c: {  	_ =	shalt  }
0x7d: {  	_ =	shalt  }
0x7e: {  	_ =	shalt  }
0x7f: {  	_ =	shalt  }
0x80: {  	_ =	shalt  }
0x81: {  	_ =	shalt  }
0x82: {  	_ =	shalt  }
0x83: {  	_ =	shalt  }
0x84: {  	_ =	shalt  }
0x85: {  	_ =	shalt  }
0x86: {  	_ =	shalt  }
0x87: {  	_ =	shalt  }
.Lfunc_end0:
.L_simem_size_0:
called_computation.2_lowered:
.L_overlay_start_0:
0x88: {  	s2 =	sld [smem:$0x3FD9]  }
0x89: {  	s3 =	sld [smem:$0x3FFE];
	_ =	sdelay $0x1  }
0x8a: {  	s1 =	srdreg.scid  }
0x8b: {  	s0 =	sand.u32 $0x1, s1  }
0x8c: {  	s16 =	sshll.u32 s0, $0xA;
	s2 =	sadd.s32 s3, s2  }
0x8d: {  	s2 =	sadd.s32 s2, s16  }
0x8e: {  	[smem:$0x3FC2] =	sst s2  }
0x8f: {  	_ = 	snop  }
0x90: {  	(tm) =	ssettm $0x1  }
0x91: {  	s17 =	sld [smem:$0x3FFB];
	_ =	sdelay $0x3  }
0x92: {  	_ =	strace s17  }
0x93: {  	s2 =	sld [smem:$0x3FFC];
	_ =	sdelay $0x3  }
0x94: {  	_ =	strace s2  }
0x95: {  	s2 =	sld [smem:$0x3FFD];
	_ =	sdelay $0x3  }
0x96: {  	_ =	strace s2  }
0x97: {  	_ =	strace $0x8FFFFFFF  }
0x98: {  	s18 =	sld [smem:$0x3FDB];
	_ =	sdelay $0x1  }
0x99: {  	s19 =	simm.s32 $_scs_section_size  }
0x9a: {  	s4 =	simm.s32 $_size__tile_overlayer_lowered;
	s5 =	simm.s32 $_tile_overlayer_lowered  }
0x9b: {  	s22 =	simm.s32 $0x1BFF;
	s21 =	sshll.u32 s5, $0x1;
	s2 =	sadd.s32 s19, s18  }
0x9c: {  	s6 =	simm.s32 $0x0;
	s20 =	sshll.u32 s4, $0x1;
	s4 =	sadd.s32 s21, s2  }
0x9d: {  	[timem:s6], [sflag:s22] =	dma.local [hbm:s4], s20  }
0x9e: {  	_ =	swait.ge [sflag:s22], s20  }
0x9f: {  	s3 =	ssub.s32 $0x0, s20;
	[sflag:s22] =	ssyncset.done $0x0  }
0xa0: {  	[sflag:s22] =	ssyncadd.s32 s3;
	_ =	sdelay $0x1  }
0xa1: {  	s23 =	simm.s32 $0x1B8B  }
0xa2: {  	_ =	swait.ge [sflag:s23], $0x1  }
0xa3: {  	[sflag:s23] =	ssyncset.done $0x0  }
0xa4: {  	s25 =	simm.s32 $0x1B8E;
	s24 =	sld [smem:$0x3FFE];
	[sflag:s23] =	ssyncadd.s32 $0xFFFFFFFF  }
0xa5: {  	s26 =	simm.s32 $execute0_lowered;
	[smem:$0x3FD2] =	sst s25  }
0xa6: {  	s4 =	sshll.u32 s26, $0x1;
	_ =	strace $0x8000004C;
	[dreg:$0x1] =	wrdreg $0xFFFFFFFF  }
0xa7: {  	s28 =	simm.s32 $_size_execute0_lowered;
	s2 =	sadd.s32 s2, s4;
	[dreg:$0x0] =	wrdreg $0x0  }
0xa8: {  	s4 =	sshll.u32 s28, $0x1;
	[dreg:$0x2] =	wrdreg s2  }
0xa9: {  	[dreg:$0x3] =	wrdreg s4  }
0xaa: {  	[dreg:$0x4] =	wrdreg $0xC0  }
0xab: {  	_ =	task [dreg:s6], $0x5FFFF  }
0xac: {  	[dreg:$0x1] =	wrdreg $0xFFFFFFFF  }
0xad: {  	[dreg:$0x0] =	wrdreg $0x60  }
0xae: {  	[dreg:$0x2] =	wrdreg s24  }
0xaf: {  	[dreg:$0x3] =	wrdreg $0xEBD00  }
0xb0: {  	[dreg:$0x4] =	wrdreg $0x112E00  }
0xb1: {  	[dreg:$0x5] =	wrdreg $0x9  }
0xb2: {  	_ =	task.clear_ibuf [dreg:s6], $0x6FFFF;
	_ =	strace $0x9000004C  }
0xb3: {  	s29 =	simm.s32 $0x9;
	_ =	strace $0x8000004E  }
0xb4: {  	_ =	swait.ge [sflag:s29], $0x1  }
0xb5: {  	[sflag:s29] =	ssyncadd.s32 $0xFFFFFFFF  }
0xb6: {  	_ =	strace $0x9000004E  }
0xb7: {  	_ =	sfence  }
0xb8: {  	s30 =	sld [smem:$0x0];
	_ =	sdelay $0x2  }
0xb9: {  	s31 =	sshll.u32 s1, $0xD;
	s1 =	sshrl.u32 s1, $0x2  }
0xba: {  	s3 =	sand.u32 $0x4000, s31;
	s1 =	sadd.s32 s1, s30  }
0xbb: {  	s0 =	sor.u32 s3, s0;
	s1 =	sshll.u32 s1, $0x11  }
0xbc: {  	s0 =	sor.u32 s1, s0  }
0xbd: {  	s0 =	sadd.s32 $0x8F2B, s0  }
0xbe: {  	[sflag:s0] =	ssyncadd.remote.s32 $0x1  }
0xbf: {  	_ =	sfence.sel $0xFFFF  }
0xc0: {  	[dreg:$0x0] =	wrdreg $0xFFFFFFFF;
	(pc) =	sbr.abs _section_cstart, $3  }
0xc1: {  	[dreg:$0x1] =	wrdreg $0xFFFFFFFF  }
0xc2: {  	_ =	task.clear_ibuf [dreg:s6], $0x2FFFF;
	_ =	strace $0x9FFFFFFF  }
0xc3: {  	(tm) =	ssettm $0x7FFFFFFF  }
tec
execute0_lowered:
.L_overlay_start_1:
0x0: {  	(tag) =	ssettag $0x1  }
0x1: {  	s0 =	srdreg.scid;
	s1 =	rddreg [dreg:$0x0]  }
0x2: {  	s2 =	rddreg [dreg:$0x1];
	s10 =	stileid.u32  }
0x3: {  	s3 =	rddreg [dreg:$0x2];
	s7 =	simm.s32 $0x0;
	s29 =	simm.s32 $0xE400  }
0x4: {  	s30 =	simm.s32 $0x80;
	s31 =	simm.s32 $0xA400;
	s28 =	simm.s32 $0xB400  }
0x5: {  	s0 =	sand.u32 $0x1, s0;
	s5 =	smul.u32 $0x2710, s10;
	[smem:$0x7FF] =	sst s7  }
0x6: {  	s12 =	sadd.s32 $0x15200, s1;
	s4 =	sshll.u32 s0, $0x4;
	s8 =	smul.u32 $0x27100, s0  }
0x7: {  	_ =	strace $0x8000004D;
	s0 =	ssub.s32 $0x2, s0;
	[dreg:$0x8] =	wrdreg s12  }
0x8: {  	s12 =	simm.s32 $0x4;
	s4 =	sor.u32 s10, s4;
	s10 =	smul.u32 $0x9C40, s10  }
0x9: {  	s25 =	sshrl.u32 s5, $0x3;
	s9 =	sshrl.u32 s0, $0x1;
	s6 =	smul.u32 $0x4E00, s4  }
0xa: {  	s7 =	sadd.s32 s25, s1;
	s8 =	sadd.s32 s5, s8;
	s0 =	ssub.s32 s0, s9  }
0xb: {  	p0 =	seq.s32 s4, $0x1F;
	s8 =	sshrl.u32 s8, $0x3;
	s11 =	sshrl.u32 s10, $0x2  }
0xc: {  	s17 =	sadd.s32 $0x28C00, s7;
	s0 =	smax.u32 s0, $0x1;
	s6 =	sshrl.u32 s6, $0x3  }
0xd: {  	s8 =	sadd.s32 s8, s1;
	s13 =	sadd.s32 s11, s2;
	[dreg:$0xe] =	wrdreg s17  }
0xe: {  	[dreg:$0x17] =	wrdreg s0;
	s6 =	sadd.s32 s6, s1;
	s1 =	sadd.s32 $0x28A80, s1  }
0xf: {  	s9 =	sadd.s32 s5, s2;
	s14 =	sadd.s32 $0x7D0, s13;
	[dreg:$0x9] =	wrdreg s1  }
0x10: {  	s5 =	sadd.s32 s5, s3;
	s15 =	sadd.s32 $0xFA0, s13;
	[dreg:$0xa] =	wrdreg s14  }
0x11: {  	s7 =	simm.s32 $0xDC00;
	s16 =	sadd.s32 $0x1770, s13;
	[dreg:$0xb] =	wrdreg s15  }
0x12: {  	s10 =	simm.s32 $0x2;
	s26 =	sadd.s32 $0x1A00, s6;
	[dreg:$0xc] =	wrdreg s16  }
0x13: {  	s0 =	simm.s32 $0xBC00;
	s6 =	sadd.s32 $0x15280, s6;
	[dreg:$0x6] =	wrdreg s26  }
0x14: {  	s1 =	simm.s32 $0x14;
	[dreg:$0x7] =	wrdreg s6;
	s6 =	sadd.s32 $0x1F40, s13  }
0x15: {  	s1 =	simm.s32 @!p0 $0x13;
	s26 =	sadd.s32 $0x2DC00, s8;
	[dreg:$0xd] =	wrdreg s6  }
0x16: {  	s11 =	simm.s32 $0x3;
	s18 =	sadd.s32 $0xFFFFFFFF, s1;
	[dreg:$0x16] =	wrdreg s26  }
0x17: {  	s15 =	sshll.u32 s1, $0xA;
	s1 =	sshll.u32 s1, $0xC;
	[dreg:$0x4] =	wrdreg s18  }
0x18: {  	p0 =	sne.s32 s4, $0x1F;
	s19 =	sor.u32 $0x80, s15;
	[dreg:$0x5] =	wrdreg s1  }
0x19: {  	s4 =	simm.s32 $0xC400;
	s20 =	sor.u32 $0x100, s15;
	[dreg:$0xf] =	wrdreg s19  }
0x1a: {  	s8 =	simm.s32 $0x1;
	s21 =	sor.u32 $0x180, s15;
	[dreg:$0x10] =	wrdreg s20  }
0x1b: {  	s13 =	simm.s32 $0x0;
	s22 =	sadd.s32 $0x5200, s15;
	[dreg:$0x11] =	wrdreg s21  }
0x1c: {  	s26 =	simm.s32 $0x5;
	s23 =	sadd.s32 $0x5280, s15;
	[dreg:$0x12] =	wrdreg s22  }
0x1d: {  	s6 =	simm.s32 $0xD400;
	s24 =	sadd.s32 $0x5300, s15;
	[dreg:$0x13] =	wrdreg s23  }
0x1e: {  	s25 =	sadd.s32 $0x5380, s15;
	s1 =	simm.s32 $0xAC00;
	[dreg:$0x14] =	wrdreg s24  }
0x1f: {  	v0 =	vimm.f32 $0.0e+00;
	[dreg:$0x15] =	wrdreg s25;
	s25 =	sshrl.u32 s5, $0x3;
	s5 =	simm.s32 $0xCC00  }
.LBB2_1:
0x20: {  	s14 =	simm.s32 $0x0;
	s16 =	rddreg [dreg:$0x6]  }
0x21: {  	[tilespmem:s14], [sflag:$0x5] =	stream.linear.gather [hbm4b:s16+s14], $0x4E00, $0x38;
	[tilespmem:$0x139F0] =	vst v63  }
0x22: {  	_ =	swait.ge [sflag:s26], $0x4E00  }
0x23: {  	[sflag:s26] =	ssyncset.done $0x0  }
0x24: {  	s17 =	simm.s32 $0x5200;
	s24 =	rddreg [dreg:$0x7];
	[sflag:s26] =	ssyncadd.s32 $0xFFFFB200  }
0x25: {  	[tilespmem:s17], [sflag:$0x5] =	stream.linear.gather [hbm4b:s24+s14], $0x4E00, $0x38;
	[tilespmem:$0x139F0] =	vst v63  }
0x26: {  	_ =	swait.ge [sflag:s26], $0x4E00  }
0x27: {  	s16 =	simm.s32 @!p0 $0x4E00;
	[sflag:s26] =	ssyncset.done $0x0  }
0x28: {  	s14 =	simm.s32 @!p0 $0x0;
	s17 =	rddreg [dreg:$0x8];
	[sflag:s26] =	ssyncadd.s32 $0xFFFFB200  }
0x29: {  	[tilespmem:s16], [sflag:$0x5] =	stream.linear.gather @!p0 [hbm4b:s17+s14], $0x400, $0x38;
	[tilespmem:$0x139F0] =	vst v63  }
0x2a: {  	s16 =	simm.s32 @!p0 $0x5  }
0x2b: {  	_ =	swait.ge @!p0 [sflag:s16], $0x400  }
0x2c: {  	[sflag:s16] =	ssyncset.done @!p0 $0x0  }
0x2d: {  	s17 =	simm.s32 @!p0 $0xA000;
	s18 =	rddreg [dreg:$0x9];
	[sflag:s16] =	ssyncadd.s32 @!p0 $0xFFFFFC00  }
0x2e: {  	[tilespmem:s17], [sflag:$0x5] =	stream.linear.gather @!p0 [hbm4b:s18+s14], $0x400, $0x38;
	[tilespmem:$0x139F0] =	vst v63  }
0x2f: {  	_ =	swait.ge @!p0 [sflag:s16], $0x400  }
0x30: {  	[sflag:s16] =	ssyncset.done @!p0 $0x0  }
0x31: {  	s14 =	simm.s32 $0x40;
	[sflag:s16] =	ssyncadd.s32 @!p0 $0xFFFFFC00;
	s16 =	simm.s32 $0x0  }
.LBB2_2:
0x32: {  	p1 =	sne.s32 s14, $0x1F00;
	[tilespmem:s16+$0xE400] =	vst v0;
	s16 =	smov.u32 s14;
	s14 =	sadd.s32 $0x40, s14  }
.Ltmp0:
0x33: {  	(pc) =	sbr.rel @p1 .LBB2_2-.Ltmp0, $2  }
0x34: {  	_ =	sdelay $0x2  }
0x35: {  	s16 =	sshra.s32 s16, $0x2  }
0x36: {  	[tilespmem:s16+$0xE400] =	vst v0  }
0x37: {  	[spmem:s9] =	stream.linear.scatter [tilespmem:s29], [sflag:$0x5], $0x7D0, $0x38;
	[tilespmem:$0x139F0] =	vst v63  }
0x38: {  	_ =	swait.ge [sflag:s26], $0x7D0  }
0x39: {  	[sflag:s26] =	ssyncset.done $0x0  }
0x3a: {  	s14 =	rddreg [dreg:$0xa];
	[sflag:s26] =	ssyncadd.s32 $0xFFFFF830  }
0x3b: {  	[spmem:s14] =	stream.linear.scatter [tilespmem:s29], [sflag:$0x5], $0x7D0, $0x38;
	[tilespmem:$0x139F0] =	vst v63  }
0x3c: {  	_ =	swait.ge [sflag:s26], $0x7D0  }
0x3d: {  	[sflag:s26] =	ssyncset.done $0x0  }
0x3e: {  	s19 =	rddreg [dreg:$0xb];
	[sflag:s26] =	ssyncadd.s32 $0xFFFFF830  }
0x3f: {  	[spmem:s19] =	stream.linear.scatter [tilespmem:s29], [sflag:$0x5], $0x7D0, $0x38;
	[tilespmem:$0x139F0] =	vst v63  }
0x40: {  	_ =	swait.ge [sflag:s26], $0x7D0  }
0x41: {  	[sflag:s26] =	ssyncset.done $0x0  }
0x42: {  	s20 =	rddreg [dreg:$0xc];
	[sflag:s26] =	ssyncadd.s32 $0xFFFFF830  }
0x43: {  	[spmem:s20] =	stream.linear.scatter [tilespmem:s29], [sflag:$0x5], $0x7D0, $0x38;
	[tilespmem:$0x139F0] =	vst v63  }
0x44: {  	_ =	swait.ge [sflag:s26], $0x7D0  }
0x45: {  	[sflag:s26] =	ssyncset.done $0x0  }
0x46: {  	s21 =	rddreg [dreg:$0xd];
	[sflag:s26] =	ssyncadd.s32 $0xFFFFF830  }
0x47: {  	[spmem:s21] =	stream.linear.scatter [tilespmem:s29], [sflag:$0x5], $0x7D0, $0x38;
	[tilespmem:$0x139F0] =	vst v63  }
0x48: {  	s22 =	stileid.u32;
	_ =	swait.ge [sflag:s26], $0x7D0  }
0x49: {  	s14 =	sshll.u32 s22, $0x6;
	[sflag:s26] =	ssyncset.done $0x0  }
0x4a: {  	s14 =	sor.u32 $0x1C05, s14;
	s23 =	rddreg [dreg:$0xe];
	[sflag:s26] =	ssyncadd.s32 $0xFFFFF830  }
0x4b: {  	[spmem:s25], [sflag:s14] =	dma.local [hbm:s23], $0x4E2  }
0x4c: {  	_ =	swait.ge [sflag:s26], $0x4E2  }
0x4d: {  	[sflag:s26] =	ssyncset.done $0x0  }
0x4e: {  	[sflag:s26] =	ssyncadd.s32 $0xFFFFFB1E  }
0x4f: {  	s16 =	simm.s32 $0x0;
	[bflag:$0x0] =	sbarrier.arrive $0xFFFF  }
0x50: {  	[tilespmem:s31], [sflag:$0x1] =	stream.indirect.gather [spmem:s3], $0x10, s16, s30, $0xb8;
	[tilespmem:$0x139F0] =	vst v63  }
0x51: {  	_ = 	snop  }
0x52: {  	[tilespmem:s1], [sflag:$0x1] =	stream.indirect.gather [spmem:s3], $0x10, s30, s30, $0xb8;
	[tilespmem:$0x139F0] =	vst v63  }
0x53: {  	s17 =	simm.s32 $0x100  }
0x54: {  	[tilespmem:s28], [sflag:$0x1] =	stream.indirect.gather [spmem:s3], $0x10, s17, s30, $0xb8;
	[tilespmem:$0x139F0] =	vst v63  }
0x55: {  	s24 =	simm.s32 $0x180  }
0x56: {  	[tilespmem:s0], [sflag:$0x1] =	stream.indirect.gather [spmem:s3], $0x10, s24, s30, $0xb8;
	[tilespmem:$0x139F0] =	vst v63  }
0x57: {  	s18 =	simm.s32 $0x200  }
0x58: {  	[tilespmem:s4], [sflag:$0x2] =	stream.indirect.gather [spmem:s3], $0x10, s18, s30, $0xb8;
	[tilespmem:$0x139F0] =	vst v63  }
0x59: {  	s19 =	simm.s32 $0x280  }
0x5a: {  	[tilespmem:s5], [sflag:$0x2] =	stream.indirect.gather [spmem:s3], $0x10, s19, s30, $0xb8;
	[tilespmem:$0x139F0] =	vst v63  }
0x5b: {  	s20 =	simm.s32 $0x300  }
0x5c: {  	[tilespmem:s6], [sflag:$0x2] =	stream.indirect.gather [spmem:s3], $0x10, s20, s30, $0xb8;
	[tilespmem:$0x139F0] =	vst v63  }
0x5d: {  	s21 =	simm.s32 $0x380  }
0x5e: {  	[tilespmem:s7], [sflag:$0x2] =	stream.indirect.gather [spmem:s3], $0x10, s21, s30, $0xb8;
	[tilespmem:$0x139F0] =	vst v63  }
0x5f: {  	_ =	swait.ge [sflag:s8], $0x800  }
0x60: {  	[sflag:s8] =	ssyncset.done $0x0  }
0x61: {  	[sflag:s8] =	ssyncadd.s32 $0xFFFFF800  }
0x62: {  	_ =	swait.ge [sflag:s8], $0x800  }
0x63: {  	[sflag:s8] =	ssyncset.done $0x0  }
0x64: {  	[sflag:s8] =	ssyncadd.s32 $0xFFFFF800  }
0x65: {  	_ =	swait.ge [sflag:s8], $0x800  }
0x66: {  	[sflag:s8] =	ssyncset.done $0x0  }
0x67: {  	[sflag:s8] =	ssyncadd.s32 $0xFFFFF800  }
0x68: {  	_ =	swait.ge [sflag:s8], $0x800  }
0x69: {  	[sflag:s8] =	ssyncset.done $0x0  }
0x6a: {  	s22 =	simm.s32 $0x5200;
	[sflag:s8] =	ssyncadd.s32 $0xFFFFF800  }
0x6b: {  	[spmem:s2] =	stream.indirect.scatter.add.f32 [tilespmem:s31], [sflag:$0x3], $0x10, s22, s30, $0xb8;
	[tilespmem:$0x139F0] =	vst v63  }
0x6c: {  	s23 =	simm.s32 $0x5280  }
0x6d: {  	[spmem:s2] =	stream.indirect.scatter.add.f32 [tilespmem:s1], [sflag:$0x3], $0x10, s23, s30, $0xb8;
	[tilespmem:$0x139F0] =	vst v63  }
0x6e: {  	p1 =	por $0x1, $0x1;
	s24 =	simm.s32 $0x5300  }
0x6f: {  	[spmem:s2] =	stream.indirect.scatter.add.f32 [tilespmem:s28], [sflag:$0x3], $0x10, s24, s30, $0xb8;
	[tilespmem:$0x139F0] =	vst v63  }
0x70: {  	s17 =	simm.s32 @!p1 $0x4;
	s18 =	simm.s32 $0x5380  }
0x71: {  	[spmem:s2] =	stream.indirect.scatter.add.f32 [tilespmem:s0], [sflag:$0x3], $0x10, s18, s30, $0xb8;
	[tilespmem:$0x139F0] =	vst v63  }
0x72: {  	_ =	swait.ge @!p1 [sflag:s17], $0x800  }
0x73: {  	[sflag:s17] =	ssyncset.done @!p1 $0x0  }
0x74: {  	[sflag:s17] =	ssyncadd.s32 @!p1 $0xFFFFF800  }
0x75: {  	_ =	swait.ge @!p1 [sflag:s17], $0x800  }
0x76: {  	[sflag:s17] =	ssyncset.done @!p1 $0x0  }
0x77: {  	[sflag:s17] =	ssyncadd.s32 @!p1 $0xFFFFF800  }
0x78: {  	_ =	swait.ge @!p1 [sflag:s17], $0x800  }
0x79: {  	[sflag:s17] =	ssyncset.done @!p1 $0x0  }
0x7a: {  	[sflag:s17] =	ssyncadd.s32 @!p1 $0xFFFFF800  }
0x7b: {  	_ =	swait.ge @!p1 [sflag:s17], $0x800  }
0x7c: {  	[sflag:s17] =	ssyncset.done @!p1 $0x0  }
0x7d: {  	[sflag:s17] =	ssyncadd.s32 @!p1 $0xFFFFF800  }
0x7e: {  	_ =	swait.ge [sflag:s10], $0x800  }
0x7f: {  	[sflag:s10] =	ssyncset.done $0x0  }
0x80: {  	[sflag:s10] =	ssyncadd.s32 $0xFFFFF800  }
0x81: {  	_ =	swait.ge [sflag:s10], $0x800  }
0x82: {  	[sflag:s10] =	ssyncset.done $0x0  }
0x83: {  	[sflag:s10] =	ssyncadd.s32 $0xFFFFF800  }
0x84: {  	_ =	swait.ge [sflag:s10], $0x800  }
0x85: {  	[sflag:s10] =	ssyncset.done $0x0  }
0x86: {  	[sflag:s10] =	ssyncadd.s32 $0xFFFFF800  }
0x87: {  	_ =	swait.ge [sflag:s10], $0x800  }
0x88: {  	[sflag:s10] =	ssyncset.done $0x0  }
0x89: {  	s19 =	simm.s32 $0x5400;
	[sflag:s10] =	ssyncadd.s32 $0xFFFFF800  }
0x8a: {  	[spmem:s2] =	stream.indirect.scatter.add.f32 [tilespmem:s4], [sflag:$0x4], $0x10, s19, s30, $0xb8;
	[tilespmem:$0x139F0] =	vst v63  }
0x8b: {  	s20 =	simm.s32 $0x5480  }
0x8c: {  	[spmem:s2] =	stream.indirect.scatter.add.f32 [tilespmem:s5], [sflag:$0x4], $0x10, s20, s30, $0xb8;
	[tilespmem:$0x139F0] =	vst v63  }
0x8d: {  	s21 =	simm.s32 $0x5500  }
0x8e: {  	[spmem:s2] =	stream.indirect.scatter.add.f32 [tilespmem:s6], [sflag:$0x4], $0x10, s21, s30, $0xb8;
	[tilespmem:$0x139F0] =	vst v63  }
0x8f: {  	s22 =	simm.s32 $0x5580  }
0x90: {  	[spmem:s2] =	stream.indirect.scatter.add.f32 [tilespmem:s7], [sflag:$0x4], $0x10, s22, s30, $0xb8;
	[tilespmem:$0x139F0] =	vst v63  }
0x91: {  	_ =	swait.ge [sflag:s11], $0x800  }
0x92: {  	[sflag:s11] =	ssyncset.done $0x0  }
0x93: {  	[sflag:s11] =	ssyncadd.s32 $0xFFFFF800  }
0x94: {  	_ =	swait.ge [sflag:s11], $0x800  }
0x95: {  	[sflag:s11] =	ssyncset.done $0x0  }
0x96: {  	[sflag:s11] =	ssyncadd.s32 $0xFFFFF800  }
0x97: {  	_ =	swait.ge [sflag:s11], $0x800  }
0x98: {  	[sflag:s11] =	ssyncset.done $0x0  }
0x99: {  	[sflag:s11] =	ssyncadd.s32 $0xFFFFF800  }
0x9a: {  	_ =	swait.ge [sflag:s11], $0x800  }
0x9b: {  	s23 =	rddreg [dreg:$0x4]  }
0x9c: {  	[sflag:s11] =	ssyncset.done $0x0;
	s24 =	rddreg [dreg:$0x5]  }
0x9d: {  	p1 =	sle.u32 s23, $0x0;
	[sflag:s11] =	ssyncadd.s32 $0xFFFFF800;
	p2 =	sne.s32 s24, $0x1000  }
0x9e: {  	s20 =	simm.s32 @!p1 $0x80;
	s17 =	simm.s32 @!p1 $0xA400;
	s18 =	simm.s32 @!p1 $0x400  }
0x9f: {  	[tilespmem:s17], [sflag:$0x1] =	stream.indirect.gather @!p1 [spmem:s3], $0x10, s18, s20, $0xb8;
	[tilespmem:$0x139F0] =	vst v63  }
.Ltmp1:
0xa0: {  	s19 =	simm.s32 @!p1 $0xAC00;
	(pc) =	sbr.rel @!p2 .LBB2_5-.Ltmp1, $4  }
0xa1: {  	s21 =	simm.s32 @!p1 $0x580;
	s22 =	simm.s32 @!p1 $0xBC00;
	s18 =	simm.s32 @!p1 $0x480  }
0xa2: {  	[tilespmem:s19], [sflag:$0x1] =	stream.indirect.gather @!p1 [spmem:s3], $0x10, s18, s20, $0xb8;
	[tilespmem:$0x139F0] =	vst v63  }
0xa3: {  	s17 =	simm.s32 $0x1000;
	s18 =	simm.s32 @!p1 $0x500;
	s19 =	simm.s32 @!p1 $0xB400  }
0xa4: {  	[tilespmem:s19], [sflag:$0x1] =	stream.indirect.gather @!p1 [spmem:s3], $0x10, s18, s20, $0xb8;
	[tilespmem:$0x139F0] =	vst v63  }
.LBB2_4:
0xa5: {  	s19 =	sshra.s32 s17, $0x2  }
0xa6: {  	[tilespmem:s22], [sflag:$0x1] =	stream.indirect.gather @!p1 [spmem:s3], $0x10, s21, s20, $0xb8;
	[tilespmem:$0x139F0] =	vst v63  }
0xa7: {  	s21 =	sadd.s32 $0x200, s19  }
0xa8: {  	[tilespmem:s4], [sflag:$0x2] =	stream.indirect.gather [spmem:s3], $0x10, s21, s30, $0xb8;
	[tilespmem:$0x139F0] =	vst v63  }
0xa9: {  	s22 =	sadd.s32 $0x280, s19  }
0xaa: {  	[tilespmem:s5], [sflag:$0x2] =	stream.indirect.gather [spmem:s3], $0x10, s22, s30, $0xb8;
	[tilespmem:$0x139F0] =	vst v63  }
0xab: {  	s23 =	sadd.s32 $0x300, s19  }
0xac: {  	[tilespmem:s6], [sflag:$0x2] =	stream.indirect.gather [spmem:s3], $0x10, s23, s30, $0xb8;
	[tilespmem:$0x139F0] =	vst v63  }
0xad: {  	s24 =	sadd.s32 $0x380, s19  }
0xae: {  	[tilespmem:s7], [sflag:$0x2] =	stream.indirect.gather [spmem:s3], $0x10, s24, s30, $0xb8;
	[tilespmem:$0x139F0] =	vst v63  }
0xaf: {  	_ =	swait.ge [sflag:s8], $0x800  }
0xb0: {  	[sflag:s8] =	ssyncset.done $0x0  }
0xb1: {  	[sflag:s8] =	ssyncadd.s32 $0xFFFFF800  }
0xb2: {  	_ =	swait.ge [sflag:s8], $0x800  }
0xb3: {  	[sflag:s8] =	ssyncset.done $0x0  }
0xb4: {  	[sflag:s8] =	ssyncadd.s32 $0xFFFFF800  }
0xb5: {  	_ =	swait.ge [sflag:s8], $0x800  }
0xb6: {  	[sflag:s8] =	ssyncset.done $0x0  }
0xb7: {  	[sflag:s8] =	ssyncadd.s32 $0xFFFFF800  }
0xb8: {  	_ =	swait.ge [sflag:s8], $0x800  }
0xb9: {  	[sflag:s8] =	ssyncset.done $0x0  }
0xba: {  	s21 =	sadd.s32 $0x5200, s19;
	[sflag:s8] =	ssyncadd.s32 $0xFFFFF800  }
0xbb: {  	[spmem:s2] =	stream.indirect.scatter.add.f32 [tilespmem:s31], [sflag:$0x3], $0x10, s21, s30, $0xb8;
	[tilespmem:$0x139F0] =	vst v63  }
0xbc: {  	s18 =	smov.u32 s17;
	s22 =	sadd.s32 $0x5280, s19  }
0xbd: {  	[spmem:s2] =	stream.indirect.scatter.add.f32 [tilespmem:s1], [sflag:$0x3], $0x10, s22, s30, $0xb8;
	[tilespmem:$0x139F0] =	vst v63  }
0xbe: {  	p1 =	seq.s32 s18, $0x0;
	s23 =	sadd.s32 $0x5300, s19  }
0xbf: {  	[spmem:s2] =	stream.indirect.scatter.add.f32 [tilespmem:s28], [sflag:$0x3], $0x10, s23, s30, $0xb8;
	[tilespmem:$0x139F0] =	vst v63  }
0xc0: {  	s20 =	simm.s32 @!p1 $0x4;
	s24 =	sadd.s32 $0x5380, s19  }
0xc1: {  	[spmem:s2] =	stream.indirect.scatter.add.f32 [tilespmem:s0], [sflag:$0x3], $0x10, s24, s30, $0xb8;
	[tilespmem:$0x139F0] =	vst v63  }
0xc2: {  	_ =	swait.ge @!p1 [sflag:s20], $0x800  }
0xc3: {  	[sflag:s20] =	ssyncset.done @!p1 $0x0  }
0xc4: {  	[sflag:s20] =	ssyncadd.s32 @!p1 $0xFFFFF800  }
0xc5: {  	_ =	swait.ge @!p1 [sflag:s20], $0x800  }
0xc6: {  	[sflag:s20] =	ssyncset.done @!p1 $0x0  }
0xc7: {  	[sflag:s20] =	ssyncadd.s32 @!p1 $0xFFFFF800  }
0xc8: {  	_ =	swait.ge @!p1 [sflag:s20], $0x800  }
0xc9: {  	[sflag:s20] =	ssyncset.done @!p1 $0x0  }
0xca: {  	[sflag:s20] =	ssyncadd.s32 @!p1 $0xFFFFF800  }
0xcb: {  	_ =	swait.ge @!p1 [sflag:s20], $0x800  }
0xcc: {  	[sflag:s20] =	ssyncset.done @!p1 $0x0  }
0xcd: {  	[sflag:s20] =	ssyncadd.s32 @!p1 $0xFFFFF800  }
0xce: {  	_ =	swait.ge [sflag:s10], $0x800  }
0xcf: {  	[sflag:s10] =	ssyncset.done $0x0  }
0xd0: {  	[sflag:s10] =	ssyncadd.s32 $0xFFFFF800  }
0xd1: {  	_ =	swait.ge [sflag:s10], $0x800  }
0xd2: {  	[sflag:s10] =	ssyncset.done $0x0  }
0xd3: {  	[sflag:s10] =	ssyncadd.s32 $0xFFFFF800  }
0xd4: {  	_ =	swait.ge [sflag:s10], $0x800  }
0xd5: {  	[sflag:s10] =	ssyncset.done $0x0  }
0xd6: {  	[sflag:s10] =	ssyncadd.s32 $0xFFFFF800  }
0xd7: {  	_ =	swait.ge [sflag:s10], $0x800  }
0xd8: {  	[sflag:s10] =	ssyncset.done $0x0  }
0xd9: {  	s21 =	sadd.s32 $0x5400, s19;
	[sflag:s10] =	ssyncadd.s32 $0xFFFFF800  }
0xda: {  	[spmem:s2] =	stream.indirect.scatter.add.f32 [tilespmem:s4], [sflag:$0x4], $0x10, s21, s30, $0xb8;
	[tilespmem:$0x139F0] =	vst v63  }
0xdb: {  	s22 =	sadd.s32 $0x5480, s19  }
0xdc: {  	[spmem:s2] =	stream.indirect.scatter.add.f32 [tilespmem:s5], [sflag:$0x4], $0x10, s22, s30, $0xb8;
	[tilespmem:$0x139F0] =	vst v63  }
0xdd: {  	s23 =	sadd.s32 $0x5500, s19  }
0xde: {  	[spmem:s2] =	stream.indirect.scatter.add.f32 [tilespmem:s6], [sflag:$0x4], $0x10, s23, s30, $0xb8;
	[tilespmem:$0x139F0] =	vst v63  }
0xdf: {  	s19 =	sadd.s32 $0x5580, s19  }
0xe0: {  	[spmem:s2] =	stream.indirect.scatter.add.f32 [tilespmem:s7], [sflag:$0x4], $0x10, s19, s30, $0xb8;
	[tilespmem:$0x139F0] =	vst v63  }
0xe1: {  	_ =	swait.ge [sflag:s11], $0x800  }
0xe2: {  	[sflag:s11] =	ssyncset.done $0x0  }
0xe3: {  	[sflag:s11] =	ssyncadd.s32 $0xFFFFF800  }
0xe4: {  	_ =	swait.ge [sflag:s11], $0x800  }
0xe5: {  	[sflag:s11] =	ssyncset.done $0x0  }
0xe6: {  	[sflag:s11] =	ssyncadd.s32 $0xFFFFF800  }
0xe7: {  	_ =	swait.ge [sflag:s11], $0x800  }
0xe8: {  	[sflag:s11] =	ssyncset.done $0x0  }
0xe9: {  	[sflag:s11] =	ssyncadd.s32 $0xFFFFF800  }
0xea: {  	_ =	swait.ge [sflag:s11], $0x800  }
0xeb: {  	s16 =	sadd.s32 $0x1, s16;
	s17 =	sadd.s32 $0x1000, s17;
	s24 =	rddreg [dreg:$0x4]  }
0xec: {  	s23 =	rddreg [dreg:$0x5];
	[sflag:s11] =	ssyncset.done $0x0;
	p1 =	sge.u32 s16, s24  }
0xed: {  	[sflag:s11] =	ssyncadd.s32 $0xFFFFF800;
	p2 =	sne.s32 s23, s17;
	s18 =	sshra.s32 @!p1 s18, $0x2  }
0xee: {  	s20 =	simm.s32 @!p1 $0x80;
	s19 =	simm.s32 @!p1 $0xA400;
	s21 =	sadd.s32 @!p1 $0x400, s18  }
0xef: {  	[tilespmem:s19], [sflag:$0x1] =	stream.indirect.gather @!p1 [spmem:s3], $0x10, s21, s20, $0xb8;
	[tilespmem:$0x139F0] =	vst v63  }
.Ltmp2:
0xf0: {  	_ = 	snop;
	(pc) =	sbr.rel @p2 .LBB2_4-.Ltmp2, $4  }
0xf1: {  	s22 =	sadd.s32 @!p1 $0x480, s18;
	s24 =	sadd.s32 @!p1 $0x500, s18;
	s19 =	simm.s32 @!p1 $0xAC00  }
0xf2: {  	[tilespmem:s19], [sflag:$0x1] =	stream.indirect.gather @!p1 [spmem:s3], $0x10, s22, s20, $0xb8;
	[tilespmem:$0x139F0] =	vst v63  }
0xf3: {  	s21 =	sadd.s32 @!p1 $0x580, s18;
	s18 =	simm.s32 @!p1 $0xB400;
	s22 =	simm.s32 @!p1 $0xBC00  }
0xf4: {  	[tilespmem:s18], [sflag:$0x1] =	stream.indirect.gather @!p1 [spmem:s3], $0x10, s24, s20, $0xb8;
	[tilespmem:$0x139F0] =	vst v63  }
.LBB2_5:
0xf5: {  	[tilespmem:s22], [sflag:$0x1] =	stream.indirect.gather @!p1 [spmem:s3], $0x10, s21, s20, $0xb8;
	[tilespmem:$0x139F0] =	vst v63  }
0xf6: {  	_ =	swait.ge [sflag:s12], $0x800  }
0xf7: {  	[sflag:s12] =	ssyncset.done $0x0  }
0xf8: {  	[sflag:s12] =	ssyncadd.s32 $0xFFFFF800  }
0xf9: {  	_ =	swait.ge [sflag:s12], $0x800  }
0xfa: {  	[sflag:s12] =	ssyncset.done $0x0  }
0xfb: {  	[sflag:s12] =	ssyncadd.s32 $0xFFFFF800  }
0xfc: {  	_ =	swait.ge [sflag:s12], $0x800  }
0xfd: {  	[sflag:s12] =	ssyncset.done $0x0  }
0xfe: {  	[sflag:s12] =	ssyncadd.s32 $0xFFFFF800  }
0xff: {  	_ =	swait.ge [sflag:s12], $0x800  }
0x100: {  	[sflag:s12] =	ssyncset.done $0x0  }
0x101: {  	[sflag:s12] =	ssyncadd.s32 $0xFFFFF800  }
0x102: {  	[tilespmem:s31], [sflag:$0x1] =	stream.indirect.gather [spmem:s3], $0x10, s15, s30, $0xb8;
	[tilespmem:$0x139F0] =	vst v63  }
0x103: {  	s16 =	rddreg [dreg:$0xf]  }
0x104: {  	[tilespmem:s1], [sflag:$0x1] =	stream.indirect.gather [spmem:s3], $0x10, s16, s30, $0xb8;
	[tilespmem:$0x139F0] =	vst v63  }
0x105: {  	s17 =	rddreg [dreg:$0x10]  }
0x106: {  	[tilespmem:s28], [sflag:$0x1] =	stream.indirect.gather [spmem:s3], $0x10, s17, s30, $0xb8;
	[tilespmem:$0x139F0] =	vst v63  }
0x107: {  	s18 =	rddreg [dreg:$0x11]  }
0x108: {  	[tilespmem:s0], [sflag:$0x1] =	stream.indirect.gather [spmem:s3], $0x10, s18, s30, $0xb8;
	[tilespmem:$0x139F0] =	vst v63  }
0x109: {  	_ =	swait.ge [sflag:s8], $0x800  }
0x10a: {  	[sflag:s8] =	ssyncset.done $0x0  }
0x10b: {  	[sflag:s8] =	ssyncadd.s32 $0xFFFFF800  }
0x10c: {  	_ =	swait.ge [sflag:s8], $0x800  }
0x10d: {  	[sflag:s8] =	ssyncset.done $0x0  }
0x10e: {  	[sflag:s8] =	ssyncadd.s32 $0xFFFFF800  }
0x10f: {  	_ =	swait.ge [sflag:s8], $0x800  }
0x110: {  	[sflag:s8] =	ssyncset.done $0x0  }
0x111: {  	[sflag:s8] =	ssyncadd.s32 $0xFFFFF800  }
0x112: {  	_ =	swait.ge [sflag:s8], $0x800  }
0x113: {  	[sflag:s8] =	ssyncset.done $0x0  }
0x114: {  	s19 =	rddreg [dreg:$0x12];
	[sflag:s8] =	ssyncadd.s32 $0xFFFFF800  }
0x115: {  	[spmem:s2] =	stream.indirect.scatter.add.f32 [tilespmem:s31], [sflag:$0x5], $0x10, s19, s30, $0xb8;
	[tilespmem:$0x139F0] =	vst v63  }
0x116: {  	_ =	swait.ge [sflag:s26], $0x800  }
0x117: {  	[sflag:s26] =	ssyncset.done $0x0  }
0x118: {  	s20 =	rddreg [dreg:$0x13];
	[sflag:s26] =	ssyncadd.s32 $0xFFFFF800  }
0x119: {  	[spmem:s2] =	stream.indirect.scatter.add.f32 [tilespmem:s1], [sflag:$0x5], $0x10, s20, s30, $0xb8;
	[tilespmem:$0x139F0] =	vst v63  }
0x11a: {  	_ =	swait.ge [sflag:s26], $0x800  }
0x11b: {  	[sflag:s26] =	ssyncset.done $0x0  }
0x11c: {  	s21 =	rddreg [dreg:$0x14];
	[sflag:s26] =	ssyncadd.s32 $0xFFFFF800  }
0x11d: {  	[spmem:s2] =	stream.indirect.scatter.add.f32 [tilespmem:s28], [sflag:$0x5], $0x10, s21, s30, $0xb8;
	[tilespmem:$0x139F0] =	vst v63  }
0x11e: {  	_ =	swait.ge [sflag:s26], $0x800  }
0x11f: {  	[sflag:s26] =	ssyncset.done $0x0  }
0x120: {  	s22 =	rddreg [dreg:$0x15];
	[sflag:s26] =	ssyncadd.s32 $0xFFFFF800  }
0x121: {  	[spmem:s2] =	stream.indirect.scatter.add.f32 [tilespmem:s0], [sflag:$0x5], $0x10, s22, s30, $0xb8;
	[tilespmem:$0x139F0] =	vst v63  }
0x122: {  	_ =	swait.ge [sflag:s26], $0x800  }
0x123: {  	[sflag:s26] =	ssyncset.done $0x0  }
0x124: {  	[sflag:s26] =	ssyncadd.s32 $0xFFFFF800  }
0x125: {  	[bflag:$0x0] =	sbarrier.arrive $0xFFFF  }
0x126: {  	s23 =	sshrl.u32 s9, $0x3;
	s17 =	rddreg [dreg:$0x16]  }
0x127: {  	[hbm:s17], [sflag:s14] =	dma.local [spmem:s23], $0x4E2  }
0x128: {  	_ =	swait.ge [sflag:s26], $0x4E2  }
0x129: {  	s13 =	sadd.s32 $0x1, s13;
	s24 =	rddreg [dreg:$0x17]  }
0x12a: {  	p1 =	sne.s32 s13, s24  }
.Ltmp3:
0x12b: {  	_ = 	snop;
	(pc) =	sbr.rel @p1 .LBB2_1-.Ltmp3, $3  }
0x12c: {  	_ =	sdelay $0x1  }
0x12d: {  	[sflag:s26] =	ssyncset.done $0x0  }
0x12e: {  	[sflag:s26] =	ssyncadd.s32 $0xFFFFFB1E  }
0x12f: {  	_ =	sfence.sel $0x180000  }
0x130: {  	[bflag:$0x0] =	sbarrier.arrive $0xFFFF  }
0x131: {  	_ =	strace $0x9000004D  }
0x132: {  	s0 =	stileid.u32;
	[bflag:$0x2] =	sbarrier.arrive $0xFFFF  }
0x133: {  	p0 =	sne.s32 s0, $0x0;
	s0 =	rddreg [dreg:$0x3]  }
0x134: {  	s0 =	sadd.s32 @!p0 $0x100000, s0  }
0x135: {  	[sflag:s0] =	ssyncadd.tile.s32 @!p0 $0x1;
	_ =	shalt  }
.Lfunc_end2:
_tile_overlayer_lowered:
.L_overlay_start_2:
0x136: {  	(tag) =	ssettag $0x2  }
0x137: {  	s0 =	rddreg [dreg:$0x0];
	s2 =	stileid.u32  }
0x138: {  	s1 =	rddreg [dreg:$0x1];
	p0 =	sne.s32 s2, $0x0  }
0x139: {  	s3 =	rddreg [dreg:$0x2];
	[bflag:$0x3] =	sbarrier.arrive $0xFFFF;
	s2 =	simm.s32 @!p0 $0x1C05  }
0x13a: {  	[timem:s3], [sflag:s2] =	dma.local @!p0 [hbm:s0], s1  }
0x13b: {  	s0 =	simm.s32 @!p0 $0x5  }
0x13c: {  	_ =	swait.ge @!p0 [sflag:s0], s1  }
0x13d: {  	s1 =	ssub.s32 @!p0 $0x0, s1;
	[sflag:s0] =	ssyncset.done @!p0 $0x0  }
0x13e: {  	[sflag:s0] =	ssyncadd.s32 @!p0 s1  }
0x13f: {  	[bflag:$0x3] =	sbarrier.arrive $0xFFFF  }
0x140: {  	_ =	shalt  }

// kernel: kernel.8.cloned.1.call-start
scs
__scs_entry_jumppad:
0x0: {  	(pc) =	sbr.rel $0x88, $3  }
0x1: {  	(tag) =	ssettag $0x0;
	lr =	simm.s32 $0x1  }
0x2: {  	[smem:$0x3F9B] =	sst lr;
	_ =	strace $0xD0000000  }
0x3: {  	_ = 	snop  }
0x4: {  	_ = 	snop  }
0x5: {  	_ = 	snop  }
0x6: {  	_ = 	snop  }
0x7: {  	_ = 	snop  }
__scs_overlays_trampoline_lowered:
0x8: {  	[smem:$0x3FAA] =	sst s0  }
0x9: {  	[smem:$0x3FAB] =	sst s1  }
0xa: {  	[smem:$0x3FAC] =	sst s2  }
0xb: {  	[smem:$0x3FAD] =	sst s3  }
0xc: {  	[smem:$0x3FAE] =	sst s4  }
0xd: {  	[smem:$0x3FAF] =	sst s5  }
0xe: {  	[smem:$0x3FB0] =	sst s6  }
0xf: {  	[smem:$0x3FB1] =	sst s7  }
0x10: {  	[smem:$0x3FB2] =	sst s8  }
0x11: {  	[smem:$0x3FB3] =	sst s9;
	s0 =	simm.s32 @!p0 $0x0  }
0x12: {  	s1 =	sld [smem:$0x3F99];
	s0 =	simm.s32 @p0 $0x1  }
0x13: {  	[smem:$0x3FB4] =	sst s0;
	s0 =	simm.s32 @!p1 $0x0  }
0x14: {  	s2 =	sld [smem:$0x3F98];
	s0 =	simm.s32 @p1 $0x1  }
0x15: {  	[smem:$0x3FB5] =	sst s0;
	s0 =	simm.s32 @!p2 $0x0  }
0x16: {  	s3 =	sld [smem:$0x3FDB];
	s0 =	simm.s32 @p2 $0x1  }
0x17: {  	s4 =	simm.s32 $0x1BF5;
	[smem:$0x3FB7] =	sst s0  }
0x18: {  	s0 =	sld [smem:$0x3F9A];
	_ =	swait.ge [sflag:s4], $0x0  }
0x19: {  	s7 =	sld [smem:$0x3F9B]  }
0x1a: {  	s8 =	sadd.s32 $0xFFFFE003, lr  }
0x1b: {  	s9 =	sadd.s32 $0xFFFFFEF7, lr;
	s5 =	simm.s32 $0xFFFFFFFF;
	p2 =	slt.u32 s8, $0xFFFFF086  }
0x1c: {  	p1 =	slt.u32 s9, $0xF7A;
	s5 =	simm.s32 @!p2 $0x0  }
0x1d: {  	s5 =	simm.s32 @p1 $0x1;
	p0 =	seq.s32 s7, s2  }
0x1e: {  	s7 =	smul.u32 @!p0 $0xF7A, s2;
	p2 =	seq.s32 @!p0 s5, $0x0  }
0x1f: {  	s9 =	smul.u32 $0xF7A, s1;
	s8 =	simm.s32 @!p0 $0x1BF5;
	p2 =	por !p2, p0  }
0x20: {  	[sflag:s8] =	ssyncset.s32 @!p0 $0xFFFFF086;
	s6 =	sadd.s32 @!p0 s3, s7;
	s7 =	simm.s32 @!p0 $0x108  }
0x21: {  	s3 =	sadd.s32 s3, s9;
	s6 =	sadd.s32 @!p0 $0x88, s6;
	s7 =	simm.s32 @p2 $0x1082  }
0x22: {  	[simem:s7], [sflag:s8] =	dma.local @!p0 [hbm:s6], $0xF7A  }
0x23: {  	s9 =	sor.u32 $0xD0000000, s2;
	s6 =	simm.s32 $0x108;
	_ =	swait.ge @!p0 [sflag:s8], $0x0  }
0x24: {  	s3 =	sadd.s32 $0x88, s3;
	s6 =	simm.s32 @!p1 $0x1082;
	[sflag:s4] =	ssyncset.s32 $0xFFFFF086  }
0x25: {  	[simem:s6], [sflag:s4] =	dma.local [hbm:s3], $0xF7A  }
0x26: {  	[smem:$0x3F9B] =	sst s1;
	(tag) =	ssettag s2;
	_ =	strace s9  }
0x27: {  	s1 =	sld [smem:$0x3FAB]  }
0x28: {  	s2 =	sld [smem:$0x3FAC]  }
0x29: {  	s4 =	sld [smem:$0x3FAE]  }
0x2a: {  	p0 =	seq.s32 s5, $0x0;
	s5 =	sld [smem:$0x3FAF]  }
0x2b: {  	s6 =	sld [smem:$0x3FB0]  }
0x2c: {  	s7 =	sld [smem:$0x3FB1]  }
0x2d: {  	s3 =	simm.s32 $0x108;
	s8 =	sld [smem:$0x3FB2]  }
0x2e: {  	s3 =	simm.s32 @!p0 $0x1082;
	s9 =	sld [smem:$0x3FB3]  }
0x2f: {  	lr =	sadd.s32 s0, s3;
	s0 =	sld [smem:$0x3FAA]  }
0x30: {  	s3 =	sld [smem:$0x3FAD]  }
0x31: {  	[smem:$0x3FB6] =	sst s10  }
0x32: {  	s10 =	sld [smem:$0x3FB4];
	_ =	sdelay $0x3  }
0x33: {  	p0 =	seq.s32 s10, $0x1;
	s10 =	sld [smem:$0x3FB6];
	_ =	sdelay $0x3  }
0x34: {  	[smem:$0x3FB6] =	sst s10  }
0x35: {  	s10 =	sld [smem:$0x3FB5];
	_ =	sdelay $0x3  }
0x36: {  	p1 =	seq.s32 s10, $0x1;
	s10 =	sld [smem:$0x3FB6];
	_ =	sdelay $0x3  }
0x37: {  	[smem:$0x3FB6] =	sst s10  }
0x38: {  	s10 =	sld [smem:$0x3FB7]  }
0x39: {  	_ = 	snop;
	(pc) =	sbr.ind lr, $3  }
0x3a: {  	_ = 	snop  }
0x3b: {  	_ = 	snop  }
0x3c: {  	p2 =	seq.s32 s10, $0x1;
	s10 =	sld [smem:$0x3FB6]  }
0x3d: {  	_ =	shalt  }
0x3e: {  	_ =	shalt  }
0x3f: {  	_ =	shalt  }
0x40: {  	_ =	shalt  }
0x41: {  	_ =	shalt  }
0x42: {  	_ =	shalt  }
0x43: {  	_ =	shalt  }
0x44: {  	_ =	shalt  }
0x45: {  	_ =	shalt  }
0x46: {  	_ =	shalt  }
0x47: {  	_ =	shalt  }
0x48: {  	_ =	shalt  }
0x49: {  	_ =	shalt  }
0x4a: {  	_ =	shalt  }
0x4b: {  	_ =	shalt  }
0x4c: {  	_ =	shalt  }
0x4d: {  	_ =	shalt  }
0x4e: {  	_ =	shalt  }
0x4f: {  	_ =	shalt  }
0x50: {  	_ =	shalt  }
0x51: {  	_ =	shalt  }
0x52: {  	_ =	shalt  }
0x53: {  	_ =	shalt  }
0x54: {  	_ =	shalt  }
0x55: {  	_ =	shalt  }
0x56: {  	_ =	shalt  }
0x57: {  	_ =	shalt  }
0x58: {  	_ =	shalt  }
0x59: {  	_ =	shalt  }
0x5a: {  	_ =	shalt  }
0x5b: {  	_ =	shalt  }
0x5c: {  	_ =	shalt  }
0x5d: {  	_ =	shalt  }
0x5e: {  	_ =	shalt  }
0x5f: {  	_ =	shalt  }
0x60: {  	_ =	shalt  }
0x61: {  	_ =	shalt  }
0x62: {  	_ =	shalt  }
0x63: {  	_ =	shalt  }
0x64: {  	_ =	shalt  }
0x65: {  	_ =	shalt  }
0x66: {  	_ =	shalt  }
0x67: {  	_ =	shalt  }
0x68: {  	_ =	shalt  }
0x69: {  	_ =	shalt  }
0x6a: {  	_ =	shalt  }
0x6b: {  	_ =	shalt  }
0x6c: {  	_ =	shalt  }
0x6d: {  	_ =	shalt  }
0x6e: {  	_ =	shalt  }
0x6f: {  	_ =	shalt  }
0x70: {  	_ =	shalt  }
0x71: {  	_ =	shalt  }
0x72: {  	_ =	shalt  }
0x73: {  	_ =	shalt  }
0x74: {  	_ =	shalt  }
0x75: {  	_ =	shalt  }
0x76: {  	_ =	shalt  }
0x77: {  	_ =	shalt  }
0x78: {  	_ =	shalt  }
0x79: {  	_ =	shalt  }
0x7a: {  	_ =	shalt  }
0x7b: {  	_ =	shalt  }
0x7c: {  	_ =	shalt  }
0x7d: {  	_ =	shalt  }
0x7e: {  	_ =	shalt  }
0x7f: {  	_ =	shalt  }
0x80: {  	_ =	shalt  }
0x81: {  	_ =	shalt  }
0x82: {  	_ =	shalt  }
0x83: {  	_ =	shalt  }
0x84: {  	_ =	shalt  }
0x85: {  	_ =	shalt  }
0x86: {  	_ =	shalt  }
0x87: {  	_ =	shalt  }
.Lfunc_end0:
.L_simem_size_0:
called_computation_lowered:
.L_overlay_start_0:
0x88: {  	s2 =	sld [smem:$0x3FD9]  }
0x89: {  	s3 =	sld [smem:$0x3FFE];
	_ =	sdelay $0x1  }
0x8a: {  	s1 =	srdreg.scid  }
0x8b: {  	s0 =	sand.u32 $0x1, s1  }
0x8c: {  	s16 =	sshll.u32 s0, $0xA;
	s2 =	sadd.s32 s3, s2  }
0x8d: {  	s2 =	sadd.s32 s2, s16  }
0x8e: {  	[smem:$0x3FC2] =	sst s2  }
0x8f: {  	_ = 	snop  }
0x90: {  	(tm) =	ssettm $0x1  }
0x91: {  	s17 =	sld [smem:$0x3FFB];
	_ =	sdelay $0x3  }
0x92: {  	_ =	strace s17  }
0x93: {  	s2 =	sld [smem:$0x3FFC];
	_ =	sdelay $0x3  }
0x94: {  	_ =	strace s2  }
0x95: {  	s2 =	sld [smem:$0x3FFD];
	_ =	sdelay $0x3  }
0x96: {  	_ =	strace s2  }
0x97: {  	_ =	strace $0x8FFFFFFF  }
0x98: {  	s18 =	sld [smem:$0x3FDB];
	_ =	sdelay $0x1  }
0x99: {  	s19 =	simm.s32 $_scs_section_size  }
0x9a: {  	s4 =	simm.s32 $_size__tile_overlayer_lowered;
	s5 =	simm.s32 $_tile_overlayer_lowered  }
0x9b: {  	s22 =	simm.s32 $0x1BFF;
	s21 =	sshll.u32 s5, $0x1;
	s2 =	sadd.s32 s19, s18  }
0x9c: {  	s6 =	simm.s32 $0x0;
	s20 =	sshll.u32 s4, $0x1;
	s4 =	sadd.s32 s21, s2  }
0x9d: {  	[timem:s6], [sflag:s22] =	dma.local [hbm:s4], s20  }
0x9e: {  	_ =	swait.ge [sflag:s22], s20  }
0x9f: {  	s3 =	ssub.s32 $0x0, s20;
	[sflag:s22] =	ssyncset.done $0x0  }
0xa0: {  	[sflag:s22] =	ssyncadd.s32 s3;
	_ =	sdelay $0x1  }
0xa1: {  	s23 =	simm.s32 $0x1B8B  }
0xa2: {  	_ =	swait.ge [sflag:s23], $0x1  }
0xa3: {  	[sflag:s23] =	ssyncset.done $0x0  }
0xa4: {  	s25 =	simm.s32 $0x1B8E;
	s24 =	sld [smem:$0x3FFE];
	[sflag:s23] =	ssyncadd.s32 $0xFFFFFFFF  }
0xa5: {  	s26 =	simm.s32 $execute0_lowered;
	[smem:$0x3FD2] =	sst s25  }
0xa6: {  	s4 =	sshll.u32 s26, $0x1;
	_ =	strace $0x80000046;
	[dreg:$0x1] =	wrdreg $0xFFFFFFFF  }
0xa7: {  	s28 =	simm.s32 $_size_execute0_lowered;
	s2 =	sadd.s32 s2, s4;
	[dreg:$0x0] =	wrdreg $0x0  }
0xa8: {  	s4 =	sshll.u32 s28, $0x1;
	[dreg:$0x2] =	wrdreg s2  }
0xa9: {  	[dreg:$0x3] =	wrdreg s4  }
0xaa: {  	[dreg:$0x4] =	wrdreg $0xC0  }
0xab: {  	_ =	task [dreg:s6], $0x5FFFF  }
0xac: {  	[dreg:$0x1] =	wrdreg $0xFFFFFFFF  }
0xad: {  	[dreg:$0x0] =	wrdreg $0x60  }
0xae: {  	[dreg:$0x2] =	wrdreg s24  }
0xaf: {  	[dreg:$0x3] =	wrdreg $0x9  }
0xb0: {  	_ =	task.clear_ibuf [dreg:s6], $0x4FFFF;
	_ =	strace $0x90000046  }
0xb1: {  	s29 =	simm.s32 $0x9;
	_ =	strace $0x80000048  }
0xb2: {  	_ =	swait.ge [sflag:s29], $0x1  }
0xb3: {  	[sflag:s29] =	ssyncadd.s32 $0xFFFFFFFF  }
0xb4: {  	_ =	strace $0x90000048  }
0xb5: {  	_ =	sfence  }
0xb6: {  	s30 =	sld [smem:$0x0];
	_ =	sdelay $0x2  }
0xb7: {  	s31 =	sshll.u32 s1, $0xD;
	s1 =	sshrl.u32 s1, $0x2  }
0xb8: {  	s3 =	sand.u32 $0x4000, s31;
	s1 =	sadd.s32 s1, s30  }
0xb9: {  	s0 =	sor.u32 s3, s0;
	s1 =	sshll.u32 s1, $0x11  }
0xba: {  	s0 =	sor.u32 s1, s0  }
0xbb: {  	s0 =	sadd.s32 $0x8F2B, s0  }
0xbc: {  	[sflag:s0] =	ssyncadd.remote.s32 $0x1  }
0xbd: {  	_ =	sfence.sel $0xFFFF  }
0xbe: {  	[dreg:$0x0] =	wrdreg $0xFFFFFFFF;
	(pc) =	sbr.abs _section_cstart, $3  }
0xbf: {  	[dreg:$0x1] =	wrdreg $0xFFFFFFFF  }
0xc0: {  	_ =	task.clear_ibuf [dreg:s6], $0x2FFFF;
	_ =	strace $0x9FFFFFFF  }
0xc1: {  	(tm) =	ssettm $0x7FFFFFFF  }
tec
execute0_lowered:
.L_overlay_start_1:
0x0: {  	(tag) =	ssettag $0x1  }
0x1: {  	s0 =	srdreg.scid;
	s5 =	rddreg [dreg:$0x0]  }
0x2: {  	s2 =	simm.s32 $0x0;
	s10 =	simm.s32 $0x0;
	s3 =	sand.u32 $0x1, s0  }
0x3: {  	s0 =	stileid.u32;
	[smem:$0x7FF] =	sst s2;
	s1 =	sshll.u32 s3, $0x4  }
0x4: {  	s3 =	ssub.s32 $0x2, s3;
	s8 =	sor.u32 s0, s1;
	s1 =	rddreg [dreg:$0x1]  }
0x5: {  	_ =	strace $0x80000047;
	s7 =	sshrl.u32 s3, $0x1;
	s6 =	smul.u32 $0x4E00, s8  }
0x6: {  	s7 =	ssub.s32 s3, s7;
	p0 =	seq.s32 s8, $0x1F;
	s3 =	simm.s32 $0xA4  }
0x7: {  	s4 =	smul.u32 $0x4E2, s8;
	s3 =	simm.s32 @!p0 $0x9C;
	s7 =	smax.u32 s7, $0x1  }
0x8: {  	p0 =	sne.s32 s8, $0x1F;
	s8 =	simm.s32 $0x1;
	s30 =	sshrl.u32 s6, $0x3  }
0x9: {  	s9 =	sadd.s32 s4, s5;
	s31 =	sadd.s32 s5, s30;
	s5 =	sadd.s32 $0x28A80, s5  }
0xa: {  	v0 =	vimm.f32 $0.0e+00;
	v1 =	vimm.f32 $1.000000000e+00;
	s6 =	sadd.s32 $0x28C00, s9;
	s9 =	simm.s32 $0x5200;
	s4 =	sadd.s32 $0x15280, s31  }
.LBB2_1:
0xb: {  	[tilespmem:s2], [sflag:$0x1] =	stream.linear.gather [hbm4b:s4+s2], $0x4E00, $0x38;
	[tilespmem:$0x7910] =	vst v63  }
0xc: {  	_ =	swait.ge [sflag:s8], $0x4E00  }
0xd: {  	[sflag:s8] =	ssyncset.done $0x0  }
0xe: {  	s11 =	simm.s32 @!p0 $0x0;
	s12 =	simm.s32 @!p0 $0x4E00;
	[sflag:s8] =	ssyncadd.s32 $0xFFFFB200  }
0xf: {  	[tilespmem:s12], [sflag:$0x1] =	stream.linear.gather @!p0 [hbm4b:s5+s11], $0x400, $0x38;
	[tilespmem:$0x7910] =	vst v63  }
0x10: {  	s11 =	simm.s32 @!p0 $0x1  }
0x11: {  	_ =	swait.ge @!p0 [sflag:s11], $0x400  }
0x12: {  	[sflag:s11] =	ssyncset.done @!p0 $0x0  }
0x13: {  	[sflag:s11] =	ssyncadd.s32 @!p0 $0xFFFFFC00;
	s11 =	simm.s32 $0x0  }
.LBB2_2:
0x14: {  	p1 =	sne.s32 s11, $0x9C00  }
.Ltmp0:
0x15: {  	_ = 	snop;
	(pc) =	sbr.rel @p1 .LBB2_2-.Ltmp0, $3  }
0x16: {  	_ =	sdelay $0x1  }
0x17: {  	s12 =	sshra.s32 s11, $0x2  }
0x18: {  	s11 =	sadd.s32 $0x40, s11;
	[tilespmem:s12+$0x5200] =	vst v0  }
0x19: {  	s11 =	simm.s32 $0x40;
	s12 =	smov.u32 s3  }
.LBB2_4:
0x1a: {  	v2 =	vld [tilespmem:s11+$0xFFFFFFC0];
	_ =	sdelay $0x7  }
0x1b: {  	[tilespmem:v2+s9+$0x0] =	vst.idx.add.f32.msk $0xffff, v1  }
0x1c: {  	v2 =	vld [tilespmem:s11+$0xFFFFFFD0];
	_ =	sdelay $0x7  }
0x1d: {  	[tilespmem:v2+s9+$0x0] =	vst.idx.add.f32.msk $0xffff, v1  }
0x1e: {  	v2 =	vld [tilespmem:s11+$0xFFFFFFE0];
	_ =	sdelay $0x7  }
0x1f: {  	[tilespmem:v2+s9+$0x0] =	vst.idx.add.f32.msk $0xffff, v1  }
0x20: {  	v2 =	vld [tilespmem:s11+$0xFFFFFFF0];
	_ =	sdelay $0x7  }
0x21: {  	[tilespmem:v2+s9+$0x0] =	vst.idx.add.f32.msk $0xffff, v1  }
0x22: {  	v2 =	vld [tilespmem:s11+$0x0];
	_ =	sdelay $0x7  }
0x23: {  	[tilespmem:v2+s9+$0x0] =	vst.idx.add.f32.msk $0xffff, v1  }
0x24: {  	v2 =	vld [tilespmem:s11+$0x10];
	_ =	sdelay $0x7  }
0x25: {  	[tilespmem:v2+s9+$0x0] =	vst.idx.add.f32.msk $0xffff, v1  }
0x26: {  	v2 =	vld [tilespmem:s11+$0x20];
	_ =	sdelay $0x7  }
0x27: {  	[tilespmem:v2+s9+$0x0] =	vst.idx.add.f32.msk $0xffff, v1  }
0x28: {  	v2 =	vld [tilespmem:s11+$0x30];
	_ =	sdelay $0x2  }
0x29: {  	p1 =	sne.s32 s12, $0x1  }
.Ltmp1:
0x2a: {  	_ = 	snop;
	(pc) =	sbr.rel @p1 .LBB2_4-.Ltmp1, $2  }
0x2b: {  	_ =	sdelay $0x2  }
0x2c: {  	s12 =	sadd.s32 $0xFFFFFFFF, s12;
	s11 =	sadd.s32 $0x80, s11;
	[tilespmem:v2+s9+$0x0] =	vst.idx.add.f32.msk $0xffff, v1  }
0x2d: {  	s10 =	sadd.s32 $0x1, s10  }
0x2e: {  	p1 =	sne.s32 s10, s7  }
.Ltmp2:
0x2f: {  	_ = 	snop;
	(pc) =	sbr.rel @p1 .LBB2_1-.Ltmp2, $4  }
0x30: {  	[hbm4b:s6+s2] =	stream.linear.scatter [tilespmem:s9], [sflag:$0x1], $0x2710, $0x38;
	[tilespmem:$0x7910] =	vst v63  }
0x31: {  	_ =	swait.ge [sflag:s8], $0x2710  }
0x32: {  	[sflag:s8] =	ssyncset.done $0x0  }
0x33: {  	[sflag:s8] =	ssyncadd.s32 $0xFFFFD8F0  }
0x34: {  	_ =	sfence.sel $0x180000  }
0x35: {  	[bflag:$0x0] =	sbarrier.arrive $0xFFFF  }
0x36: {  	p0 =	sne.s32 s0, $0x0;
	_ =	strace $0x90000047  }
0x37: {  	s0 =	sadd.s32 @!p0 $0x100000, s1;
	[bflag:$0x2] =	sbarrier.arrive $0xFFFF  }
0x38: {  	[sflag:s0] =	ssyncadd.tile.s32 @!p0 $0x1;
	_ =	shalt  }
.Lfunc_end2:
_tile_overlayer_lowered:
.L_overlay_start_2:
0x39: {  	(tag) =	ssettag $0x2  }
0x3a: {  	s0 =	rddreg [dreg:$0x0];
	s2 =	stileid.u32  }
0x3b: {  	s1 =	rddreg [dreg:$0x1];
	p0 =	sne.s32 s2, $0x0  }
0x3c: {  	s3 =	rddreg [dreg:$0x2];
	[bflag:$0x3] =	sbarrier.arrive $0xFFFF;
	s2 =	simm.s32 @!p0 $0x1C01  }
0x3d: {  	[timem:s3], [sflag:s2] =	dma.local @!p0 [hbm:s0], s1  }
0x3e: {  	s0 =	simm.s32 @!p0 $0x1  }
0x3f: {  	_ =	swait.ge @!p0 [sflag:s0], s1  }
0x40: {  	s1 =	ssub.s32 @!p0 $0x0, s1;
	[sflag:s0] =	ssyncset.done @!p0 $0x0  }
0x41: {  	[sflag:s0] =	ssyncadd.s32 @!p0 s1  }
0x42: {  	[bflag:$0x3] =	sbarrier.arrive $0xFFFF  }
0x43: {  	_ =	shalt  }

</sc_bundles>
